<compile_context>
chip_gen: v7x
topology: tpu7x:2x2x1
jax: 0.10.2.dev20260603
libtpu: 0.0.44.dev20260713+nightly
codegen_flags: <defaults>
</compile_context>

<pallas_src>
import dataclasses

import jax
import jax.numpy as jnp
from jax.experimental import pallas as pl
from jax.experimental.pallas import tpu as pltpu
from jax.experimental.pallas import tpu_sc as plsc

_N = 2048
_TILE = 256
_NTILES = _N // _TILE
_W = 128
_NSTRIPS = _N // _W
_ALPHA = 1000.0
_BIGKEY = 3.0e38
_EPS = 1e-6
_NTASK = 16
_MASK = 2047


def _tc_body(x1_ref, x2t_ref, k1_ref, k2_ref):
    lanec = [jax.lax.broadcasted_iota(jnp.int32, (_TILE, _W), 1) + k * _W
             for k in range(_NSTRIPS)]
    rowg = [jax.lax.broadcasted_iota(jnp.int32, (_TILE, _W), 0) + t * _TILE
            for t in range(_NTILES)]
    ckrun = [jnp.full((_TILE // 16, _W), _BIGKEY, dtype=jnp.float32)
             for _ in range(_NSTRIPS)]

    for t in range(_NTILES):
        r0 = t * _TILE
        ax = x1_ref[pl.ds(r0, _TILE), 0:1]
        ay = x1_ref[pl.ds(r0, _TILE), 1:2]
        az = x1_ref[pl.ds(r0, _TILE), 2:3]
        rkey = jnp.full((_TILE, _W), _BIGKEY, dtype=jnp.float32)
        for k in range(_NSTRIPS):
            c0 = k * _W
            bx = x2t_ref[0:1, pl.ds(c0, _W)]
            by = x2t_ref[1:2, pl.ds(c0, _W)]
            bz = x2t_ref[2:3, pl.ds(c0, _W)]
            dx = ax - bx
            dy = ay - by
            dz = az - bz
            d = dx * dx + dy * dy + dz * dz
            dq = jax.lax.bitcast_convert_type(d, jnp.int32) & ~_MASK
            kr = jax.lax.bitcast_convert_type(dq | lanec[k], jnp.float32)
            rkey = jnp.minimum(rkey, kr)
            kc = jax.lax.bitcast_convert_type(dq | rowg[t], jnp.float32)
            ckrun[k] = jnp.minimum(
                ckrun[k], jnp.min(kc.reshape(16, _TILE // 16, _W), axis=0))
        k1_ref[pl.ds(r0, _TILE), :] = jnp.min(rkey, axis=1, keepdims=True)

    k2_ref[:, :] = jnp.concatenate(
        [jnp.min(c, axis=0, keepdims=True) for c in ckrun], axis=1)


def _sc_density(k1, k2):
    mesh = plsc.VectorSubcoreMesh(core_axis_name="c", subcore_axis_name="s")
    cp = pltpu.CompilerParams()
    if "needs_layout_passes" in pltpu.CompilerParams.__dataclass_fields__:
        cp = dataclasses.replace(cp, needs_layout_passes=False)

    @pl.kernel(
        out_type=jax.ShapeDtypeStruct((_NTASK, 16), jnp.float32),
        mesh=mesh,
        compiler_params=cp,
        scratch_types=[
            pltpu.VMEM((_N,), jnp.float32),
            pltpu.VMEM((_N,), jnp.float32),
            pltpu.VMEM((_N,), jnp.int32),
            pltpu.VMEM((_N,), jnp.float32),
            pltpu.VMEM((_N,), jnp.float32),
            pltpu.VMEM((_N,), jnp.float32),
            pltpu.VMEM((16,), jnp.float32),
            pltpu.VMEM_SHARED((8 * _N,), jnp.float32),
            pltpu.VMEM_SHARED((8 * _N,), jnp.float32),
        ],
    )
    def k(k1_hbm, k2_hbm, o_hbm, key_v, e_v, off_v, ones_v,
          c_v, s_v, acc_v, csh, ssh):
        cid = jax.lax.axis_index("c")
        sid = jax.lax.axis_index("s")

        @pl.when(sid < 8)
        def _():
            task = cid * 8 + sid
            base = sid * _N

            @pl.when(task < 8)
            def _():
                pltpu.sync_copy(k1_hbm.at[task], key_v)

            @pl.when(task >= 8)
            def _():
                pltpu.sync_copy(k2_hbm.at[task - 8], key_v)

            zeros16 = jnp.zeros((16,), jnp.float32)
            ones16 = jnp.ones((16,), jnp.float32)

            @pl.loop(0, _N, step=16)
            def _(i):
                ones_v[pl.ds(i, 16)] = zeros16

            pltpu.sync_copy(ones_v, csh.at[pl.ds(base, _N)])
            pltpu.sync_copy(ones_v, ssh.at[pl.ds(base, _N)])

            @pl.loop(0, _N, step=16)
            def _(i):
                ones_v[pl.ds(i, 16)] = ones16
                kb = plsc.bitcast(key_v[pl.ds(i, 16)], jnp.int32)
                off_v[pl.ds(i, 16)] = (kb & _MASK) + base
                dq = plsc.bitcast(kb & ~_MASK, jnp.float32)
                e_v[pl.ds(i, 16)] = jnp.exp(-dq * _ALPHA)

            pltpu.sync_copy(ones_v, csh.at[off_v], add=True)
            pltpu.sync_copy(e_v, ssh.at[off_v], add=True)
            pltpu.sync_copy(csh.at[pl.ds(base, _N)], c_v)
            pltpu.sync_copy(ssh.at[pl.ds(base, _N)], s_v)
            acc_v[...] = zeros16

            @pl.loop(0, _N, step=16)
            def _(i):
                acc_v[...] = acc_v[...] + (
                    s_v[pl.ds(i, 16)] / (c_v[pl.ds(i, 16)] + _EPS))

            pltpu.sync_copy(acc_v, o_hbm.at[task])

    return k(k1, k2)


def kernel(xyz1, xyz2):
    B = xyz1.shape[0]
    x2t = jnp.transpose(xyz2, (0, 2, 1))
    k1, k2 = pl.pallas_call(
        _tc_body,
        grid=(B,),
        in_specs=[
            pl.BlockSpec((None, _N, 3), lambda b: (b, 0, 0)),
            pl.BlockSpec((None, 3, _N), lambda b: (b, 0, 0)),
        ],
        out_specs=[
            pl.BlockSpec((None, _N, 1), lambda b: (b, 0, 0)),
            pl.BlockSpec((None, 1, _N), lambda b: (b, 0, 0)),
        ],
        out_shape=[
            jax.ShapeDtypeStruct((B, _N, 1), jnp.float32),
            jax.ShapeDtypeStruct((B, 1, _N), jnp.float32),
        ],
    )(xyz1, x2t)
    parts = _sc_density(k1.reshape(B, _N), k2.reshape(B, _N))
    return 1.0 - jnp.sum(parts) / (2.0 * _N * B)

# --- scband reference (transcript-rebuilt; emitter-appended) ---
"""Pipeline reference for scband-density-aware-chamfer-distance-40913858462222 (READ-ONLY COPY).

The authoritative reference and input builder live on the scoring server;
editing this copy changes nothing except your own understanding.
"""

import jax, jax.numpy as jnp
import numpy as np


def setup_inputs(seed: int = 0) -> dict:
    key = jax.random.key(seed)
    k1, k2 = jax.random.split(key)
    xyz1 = jax.random.uniform(k1, (8, 2048, 3), dtype=jnp.float32)
    xyz2 = jax.random.uniform(k2, (8, 2048, 3), dtype=jnp.float32)
    return {"xyz1": xyz1, "xyz2": xyz2}


def _chamfer(xyz1, xyz2):
    # pairwise squared euclidean distances [B, N1, N2]
    d = jnp.sum((xyz1[:, :, None, :] - xyz2[:, None, :, :]) ** 2, axis=-1)
    dist1 = jnp.min(d, axis=2)
    idx1 = jnp.argmin(d, axis=2).astype(jnp.int32)
    dist2 = jnp.min(d, axis=1)
    idx2 = jnp.argmin(d, axis=1).astype(jnp.int32)
    return dist1, dist2, idx1, idx2


def reference(xyz1, xyz2):
    alpha = 1000.0
    n_lambda = 1.0
    B = xyz1.shape[0]
    n_x = xyz1.shape[1]
    n_gt = xyz2.shape[1]
    frac_12 = n_x / n_gt
    frac_21 = n_gt / n_x
    dist1, dist2, idx1, idx2 = _chamfer(xyz1, xyz2)
    exp_dist1 = jnp.exp(-dist1 * alpha)
    exp_dist2 = jnp.exp(-dist2 * alpha)
    b = jnp.arange(B)[:, None]
    # count1: how many xyz1 points chose each xyz2 point, shape [B, n_gt]
    count1 = jnp.zeros((B, n_gt), dtype=jnp.int32).at[b, idx1].add(1)
    weight1 = jnp.take_along_axis(count1, idx1, axis=1).astype(jnp.float32) ** n_lambda
    weight1 = jax.lax.stop_gradient(weight1)
    weight1 = (weight1 + 1e-06) ** (-1) * frac_21
    loss1 = jnp.mean(1.0 - exp_dist1 * weight1, axis=1)
    # count2: how many xyz2 points chose each xyz1 point, shape [B, n_x]
    count2 = jnp.zeros((B, n_x), dtype=jnp.int32).at[b, idx2].add(1)
    weight2 = jnp.take_along_axis(count2, idx2, axis=1).astype(jnp.float32) ** n_lambda
    weight2 = jax.lax.stop_gradient(weight2)
    weight2 = (weight2 + 1e-06) ** (-1) * frac_12
    loss2 = jnp.mean(1.0 - exp_dist2 * weight2, axis=1)
    loss = (loss1 + loss2) / 2.0
    return jnp.mean(loss)

if __name__ == "__main__":
    import jax
    _d = setup_inputs()
    print(jax.jit(kernel)(*tuple(_d.values())))

</pallas_src>

<mosaic_0001>
#map = affine_map<(d0, d1) -> (0, 0)>
module attributes {stable_mosaic.version = 14 : i64} {
  func.func @k(%arg0: i32, %arg1: i32, %arg2: memref<8x2048xf32, #tpu.memory_space<hbm>>, %arg3: memref<8x2048xf32, #tpu.memory_space<hbm>>, %arg4: memref<16x16xf32, #tpu.memory_space<hbm>>, %arg5: memref<2048xf32, #tpu.memory_space<vmem>>, %arg6: memref<2048xf32, #tpu.memory_space<vmem>>, %arg7: memref<2048xi32, #tpu.memory_space<vmem>>, %arg8: memref<2048xf32, #tpu.memory_space<vmem>>, %arg9: memref<2048xf32, #tpu.memory_space<vmem>>, %arg10: memref<2048xf32, #tpu.memory_space<vmem>>, %arg11: memref<16xf32, #tpu.memory_space<vmem>>, %arg12: memref<16384xf32, #tpu.memory_space<vmem_shared>>, %arg13: memref<16384xf32, #tpu.memory_space<vmem_shared>>) attributes {dimension_semantics = [#tpu.dimension_semantics<core_parallel>, #tpu.dimension_semantics<subcore_parallel>], iteration_bounds = array<i64: 2, 16>, scalar_prefetch = 0 : i64, scratch_operands = 9 : i64, tpu.core_type = #tpu.core_type<sc_vector_subcore>, window_params = [{transform_indices = #map}, {transform_indices = #map}, {transform_indices = #map}]} {
    %lt3A = arith.constant 8 : i32
    %lt3A_0 = arith.cmpi slt, %arg1, %lt3A : i32
    %convert_element_type3A = arith.extui %lt3A_0 : i1 to i32
    %cond3A = arith.constant 0 : i32
    %cond3A_1 = arith.cmpi ne, %convert_element_type3A, %cond3A : i32
    scf.if %cond3A_1 {
      %mul3A = arith.constant 8 : i32
      %mul3A_2 = arith.muli %arg0, %mul3A : i32
      %add3A = arith.addi %mul3A_2, %arg1 : i32
      %mul3A_3 = arith.constant 2048 : i32
      %mul3A_4 = arith.muli %arg1, %mul3A_3 : i32
      %lt3A_5 = arith.constant 8 : i32
      %lt3A_6 = arith.cmpi slt, %add3A, %lt3A_5 : i32
      %convert_element_type3A_7 = arith.extui %lt3A_6 : i1 to i32
      %cond3A_8 = arith.constant 0 : i32
      %cond3A_9 = arith.cmpi ne, %convert_element_type3A_7, %cond3A_8 : i32
      scf.if %cond3A_9 {
        "tpu.region"() ({
          %run_scoped3A = tpu.sem_alloc : memref<!tpu.dma_semaphore, #tpu.memory_space<semaphore_mem>>
          %dma_start3A = arith.constant 0 : i32
          %dma_start3A_32 = tpu.memref_slice %arg2[%add3A, %dma_start3A] : memref<8x2048xf32, #tpu.memory_space<hbm>> -> memref<1x2048xf32, #tpu.memory_space<hbm>>
          %dma_start3A_33 = tpu.memref_squeeze %dma_start3A_32 : memref<1x2048xf32, #tpu.memory_space<hbm>> -> memref<2048xf32, #tpu.memory_space<hbm>>
          %dma_start3A_34 = arith.constant 0 : i32
          %dma_start3A_35 = tpu.memref_slice %arg2[%add3A, %dma_start3A_34] : memref<8x2048xf32, #tpu.memory_space<hbm>> -> memref<1x2048xf32, #tpu.memory_space<hbm>>
          %dma_start3A_36 = tpu.memref_squeeze %dma_start3A_35 : memref<1x2048xf32, #tpu.memory_space<hbm>> -> memref<2048xf32, #tpu.memory_space<hbm>>
          tpu.enqueue_dma source(%dma_start3A_36 : memref<2048xf32, #tpu.memory_space<hbm>>) target(%arg5 : memref<2048xf32, #tpu.memory_space<vmem>>) target_semaphore(%run_scoped3A : memref<!tpu.dma_semaphore, #tpu.memory_space<semaphore_mem>>)
          %dma_wait3A = arith.constant 0 : i32
          %dma_wait3A_37 = tpu.memref_slice %arg2[%add3A, %dma_wait3A] : memref<8x2048xf32, #tpu.memory_space<hbm>> -> memref<1x2048xf32, #tpu.memory_space<hbm>>
          %dma_wait3A_38 = tpu.memref_squeeze %dma_wait3A_37 : memref<1x2048xf32, #tpu.memory_space<hbm>> -> memref<2048xf32, #tpu.memory_space<hbm>>
          %dma_wait3A_39 = arith.constant 0 : i32
          %dma_wait3A_40 = tpu.memref_slice %arg2[%add3A, %dma_wait3A_39] : memref<8x2048xf32, #tpu.memory_space<hbm>> -> memref<1x2048xf32, #tpu.memory_space<hbm>>
          %dma_wait3A_41 = tpu.memref_squeeze %dma_wait3A_40 : memref<1x2048xf32, #tpu.memory_space<hbm>> -> memref<2048xf32, #tpu.memory_space<hbm>>
          tpu.wait_dma2 semaphore(%run_scoped3A : memref<!tpu.dma_semaphore, #tpu.memory_space<semaphore_mem>>) src(%dma_wait3A_41 : memref<2048xf32, #tpu.memory_space<hbm>>) dst(%arg5 : memref<2048xf32, #tpu.memory_space<vmem>>)
          tpu.yield
        }) : () -> ()
      } else {
      }
      %ge3A = arith.constant 8 : i32
      %ge3A_10 = arith.cmpi sge, %add3A, %ge3A : i32
      %convert_element_type3A_11 = arith.extui %ge3A_10 : i1 to i32
      %cond3A_12 = arith.constant 0 : i32
      %cond3A_13 = arith.cmpi ne, %convert_element_type3A_11, %cond3A_12 : i32
      scf.if %cond3A_13 {
        %sub3A = arith.constant 8 : i32
        %sub3A_32 = arith.subi %add3A, %sub3A : i32
        "tpu.region"() ({
          %run_scoped3A = tpu.sem_alloc : memref<!tpu.dma_semaphore, #tpu.memory_space<semaphore_mem>>
          %dma_start3A = arith.constant 0 : i32
          %dma_start3A_33 = tpu.memref_slice %arg3[%sub3A_32, %dma_start3A] : memref<8x2048xf32, #tpu.memory_space<hbm>> -> memref<1x2048xf32, #tpu.memory_space<hbm>>
          %dma_start3A_34 = tpu.memref_squeeze %dma_start3A_33 : memref<1x2048xf32, #tpu.memory_space<hbm>> -> memref<2048xf32, #tpu.memory_space<hbm>>
          %dma_start3A_35 = arith.constant 0 : i32
          %dma_start3A_36 = tpu.memref_slice %arg3[%sub3A_32, %dma_start3A_35] : memref<8x2048xf32, #tpu.memory_space<hbm>> -> memref<1x2048xf32, #tpu.memory_space<hbm>>
          %dma_start3A_37 = tpu.memref_squeeze %dma_start3A_36 : memref<1x2048xf32, #tpu.memory_space<hbm>> -> memref<2048xf32, #tpu.memory_space<hbm>>
          tpu.enqueue_dma source(%dma_start3A_37 : memref<2048xf32, #tpu.memory_space<hbm>>) target(%arg5 : memref<2048xf32, #tpu.memory_space<vmem>>) target_semaphore(%run_scoped3A : memref<!tpu.dma_semaphore, #tpu.memory_space<semaphore_mem>>)
          %dma_wait3A = arith.constant 0 : i32
          %dma_wait3A_38 = tpu.memref_slice %arg3[%sub3A_32, %dma_wait3A] : memref<8x2048xf32, #tpu.memory_space<hbm>> -> memref<1x2048xf32, #tpu.memory_space<hbm>>
          %dma_wait3A_39 = tpu.memref_squeeze %dma_wait3A_38 : memref<1x2048xf32, #tpu.memory_space<hbm>> -> memref<2048xf32, #tpu.memory_space<hbm>>
          %dma_wait3A_40 = arith.constant 0 : i32
          %dma_wait3A_41 = tpu.memref_slice %arg3[%sub3A_32, %dma_wait3A_40] : memref<8x2048xf32, #tpu.memory_space<hbm>> -> memref<1x2048xf32, #tpu.memory_space<hbm>>
          %dma_wait3A_42 = tpu.memref_squeeze %dma_wait3A_41 : memref<1x2048xf32, #tpu.memory_space<hbm>> -> memref<2048xf32, #tpu.memory_space<hbm>>
          tpu.wait_dma2 semaphore(%run_scoped3A : memref<!tpu.dma_semaphore, #tpu.memory_space<semaphore_mem>>) src(%dma_wait3A_42 : memref<2048xf32, #tpu.memory_space<hbm>>) dst(%arg5 : memref<2048xf32, #tpu.memory_space<vmem>>)
          tpu.yield
        }) : () -> ()
      } else {
      }
      %broadcast_in_dim3A = arith.constant 0.000000e+00 : f32
      %broadcast_in_dim3A_14 = vector.broadcast %broadcast_in_dim3A : f32 to vector<16xf32>
      %broadcast_in_dim3A_15 = arith.constant 1.000000e+00 : f32
      %broadcast_in_dim3A_16 = vector.broadcast %broadcast_in_dim3A_15 : f32 to vector<16xf32>
      %scan3A = arith.constant 0 : i32
      %scan3A_17 = arith.constant 128 : i32
      %scan3A_18 = arith.addi %scan3A, %scan3A_17 : i32
      %scan3A_19 = arith.constant 1 : i32
      scf.for %scan3A_32 = %scan3A to %scan3A_18 step %scan3A_19  : i32 {
        %mul3A_33 = arith.constant 16 : i32
        %mul3A_34 = arith.muli %scan3A_32, %mul3A_33 : i32
        %add3A_35 = arith.constant 0 : i32
        %add3A_36 = arith.addi %add3A_35, %mul3A_34 : i32
        %swap3A_37 = arith.index_cast %add3A_36 : i32 to index
        %swap3A_38 = tpu.vector_load %arg8[%swap3A_37] {strides = array<i32>} : memref<2048xf32, #tpu.memory_space<vmem>>, vector<16xf32>,
        tpu.vector_store %arg8[%swap3A_37], %broadcast_in_dim3A_14 {strides = array<i32>} : memref<2048xf32, #tpu.memory_space<vmem>>, vector<16xf32>,
      }
      %scan3A_20 = arith.constant 128 : i32
      "tpu.region"() ({
        %run_scoped3A = tpu.sem_alloc : memref<!tpu.dma_semaphore, #tpu.memory_space<semaphore_mem>>
        %dma_start3A = tpu.memref_slice %arg12[%mul3A_4] : memref<16384xf32, #tpu.memory_space<vmem_shared>> -> memref<2048xf32, #tpu.memory_space<vmem_shared>>
        %dma_start3A_32 = tpu.memref_slice %arg12[%mul3A_4] : memref<16384xf32, #tpu.memory_space<vmem_shared>> -> memref<2048xf32, #tpu.memory_space<vmem_shared>>
        tpu.enqueue_dma source(%arg8 : memref<2048xf32, #tpu.memory_space<vmem>>) target(%dma_start3A_32 : memref<2048xf32, #tpu.memory_space<vmem_shared>>) target_semaphore(%run_scoped3A : memref<!tpu.dma_semaphore, #tpu.memory_space<semaphore_mem>>)
        %dma_wait3A = tpu.memref_slice %arg12[%mul3A_4] : memref<16384xf32, #tpu.memory_space<vmem_shared>> -> memref<2048xf32, #tpu.memory_space<vmem_shared>>
        %dma_wait3A_33 = tpu.memref_slice %arg12[%mul3A_4] : memref<16384xf32, #tpu.memory_space<vmem_shared>> -> memref<2048xf32, #tpu.memory_space<vmem_shared>>
        tpu.wait_dma2 semaphore(%run_scoped3A : memref<!tpu.dma_semaphore, #tpu.memory_space<semaphore_mem>>) src(%arg8 : memref<2048xf32, #tpu.memory_space<vmem>>) dst(%dma_wait3A_33 : memref<2048xf32, #tpu.memory_space<vmem_shared>>)
        tpu.yield
      }) : () -> ()
      "tpu.region"() ({
        %run_scoped3A = tpu.sem_alloc : memref<!tpu.dma_semaphore, #tpu.memory_space<semaphore_mem>>
        %dma_start3A = tpu.memref_slice %arg13[%mul3A_4] : memref<16384xf32, #tpu.memory_space<vmem_shared>> -> memref<2048xf32, #tpu.memory_space<vmem_shared>>
        %dma_start3A_32 = tpu.memref_slice %arg13[%mul3A_4] : memref<16384xf32, #tpu.memory_space<vmem_shared>> -> memref<2048xf32, #tpu.memory_space<vmem_shared>>
        tpu.enqueue_dma source(%arg8 : memref<2048xf32, #tpu.memory_space<vmem>>) target(%dma_start3A_32 : memref<2048xf32, #tpu.memory_space<vmem_shared>>) target_semaphore(%run_scoped3A : memref<!tpu.dma_semaphore, #tpu.memory_space<semaphore_mem>>)
        %dma_wait3A = tpu.memref_slice %arg13[%mul3A_4] : memref<16384xf32, #tpu.memory_space<vmem_shared>> -> memref<2048xf32, #tpu.memory_space<vmem_shared>>
        %dma_wait3A_33 = tpu.memref_slice %arg13[%mul3A_4] : memref<16384xf32, #tpu.memory_space<vmem_shared>> -> memref<2048xf32, #tpu.memory_space<vmem_shared>>
        tpu.wait_dma2 semaphore(%run_scoped3A : memref<!tpu.dma_semaphore, #tpu.memory_space<semaphore_mem>>) src(%arg8 : memref<2048xf32, #tpu.memory_space<vmem>>) dst(%dma_wait3A_33 : memref<2048xf32, #tpu.memory_space<vmem_shared>>)
        tpu.yield
      }) : () -> ()
      %scan3A_21 = arith.constant 0 : i32
      %scan3A_22 = arith.constant 128 : i32
      %scan3A_23 = arith.addi %scan3A_21, %scan3A_22 : i32
      %scan3A_24 = arith.constant 1 : i32
      scf.for %scan3A_32 = %scan3A_21 to %scan3A_23 step %scan3A_24  : i32 {
        %mul3A_33 = arith.constant 16 : i32
        %mul3A_34 = arith.muli %scan3A_32, %mul3A_33 : i32
        %add3A_35 = arith.constant 0 : i32
        %add3A_36 = arith.addi %add3A_35, %mul3A_34 : i32
        %swap3A_37 = arith.index_cast %add3A_36 : i32 to index
        %swap3A_38 = tpu.vector_load %arg8[%swap3A_37] {strides = array<i32>} : memref<2048xf32, #tpu.memory_space<vmem>>, vector<16xf32>,
        tpu.vector_store %arg8[%swap3A_37], %broadcast_in_dim3A_16 {strides = array<i32>} : memref<2048xf32, #tpu.memory_space<vmem>>, vector<16xf32>,
        %get3A = arith.index_cast %add3A_36 : i32 to index
        %get3A_39 = tpu.vector_load %arg5[%get3A] {strides = array<i32>} : memref<2048xf32, #tpu.memory_space<vmem>>, vector<16xf32>,
        %bitcast3A = vector.bitcast %get3A_39 : vector<16xf32> to vector<16xi32>
        %and3A = arith.constant 2047 : i32
        %and3A_40 = vector.broadcast %and3A : i32 to vector<16xi32>
        %and3A_41 = arith.andi %bitcast3A, %and3A_40 : vector<16xi32>
        %add3A_42 = vector.broadcast %mul3A_4 : i32 to vector<16xi32>
        %add3A_43 = arith.addi %and3A_41, %add3A_42 : vector<16xi32>
        %swap3A_44 = arith.index_cast %add3A_36 : i32 to index
        %swap3A_45 = tpu.vector_load %arg7[%swap3A_44] {strides = array<i32>} : memref<2048xi32, #tpu.memory_space<vmem>>, vector<16xi32>,
        tpu.vector_store %arg7[%swap3A_44], %add3A_43 {strides = array<i32>} : memref<2048xi32, #tpu.memory_space<vmem>>, vector<16xi32>,
        %and3A_46 = arith.constant -2048 : i32
        %and3A_47 = vector.broadcast %and3A_46 : i32 to vector<16xi32>
        %and3A_48 = arith.andi %bitcast3A, %and3A_47 : vector<16xi32>
        %bitcast3A_49 = vector.bitcast %and3A_48 : vector<16xi32> to vector<16xf32>
        %neg3A = arith.constant 0.000000e+00 : f32
        %neg3A_50 = vector.broadcast %neg3A : f32 to vector<16xf32>
        %neg3A_51 = arith.subf %neg3A_50, %bitcast3A_49 : vector<16xf32>
        %mul3A_52 = arith.constant 1.000000e+03 : f32
        %mul3A_53 = vector.broadcast %mul3A_52 : f32 to vector<16xf32>
        %mul3A_54 = arith.mulf %neg3A_51, %mul3A_53 : vector<16xf32>
        %exp3A = math.exp %mul3A_54 : vector<16xf32>
        %swap3A_55 = arith.index_cast %add3A_36 : i32 to index
        %swap3A_56 = tpu.vector_load %arg6[%swap3A_55] {strides = array<i32>} : memref<2048xf32, #tpu.memory_space<vmem>>, vector<16xf32>,
        tpu.vector_store %arg6[%swap3A_55], %exp3A {strides = array<i32>} : memref<2048xf32, #tpu.memory_space<vmem>>, vector<16xf32>,
      }
      %scan3A_25 = arith.constant 128 : i32
      "tpu.region"() ({
        %run_scoped3A = tpu.sem_alloc : memref<!tpu.dma_semaphore, #tpu.memory_space<semaphore_mem>>
        %dma_start3A = arith.constant 0 : i32
        %dma_start3A_32 = tpu.memref_slice %arg12[%dma_start3A] : memref<16384xf32, #tpu.memory_space<vmem_shared>> -> memref<16384xf32, #tpu.memory_space<vmem_shared>>
        tpu.enqueue_indirect_dma source(%arg8 : memref<2048xf32, #tpu.memory_space<vmem>>) target(%dma_start3A_32 : memref<16384xf32, #tpu.memory_space<vmem_shared>>) offsets(%arg7 : memref<2048xi32, #tpu.memory_space<vmem>>) semaphore(%run_scoped3A : memref<!tpu.dma_semaphore, #tpu.memory_space<semaphore_mem>>) {add = true}
        %dma_wait3A = arith.constant 0 : i32
        %dma_wait3A_33 = tpu.memref_slice %arg12[%dma_wait3A] : memref<16384xf32, #tpu.memory_space<vmem_shared>> -> memref<16384xf32, #tpu.memory_space<vmem_shared>>
        tpu.wait_indirect_dma semaphore(%run_scoped3A : memref<!tpu.dma_semaphore, #tpu.memory_space<semaphore_mem>>) src(%arg8 : memref<2048xf32, #tpu.memory_space<vmem>>) dst(%dma_wait3A_33 : memref<16384xf32, #tpu.memory_space<vmem_shared>>)
        tpu.yield
      }) : () -> ()
      "tpu.region"() ({
        %run_scoped3A = tpu.sem_alloc : memref<!tpu.dma_semaphore, #tpu.memory_space<semaphore_mem>>
        %dma_start3A = arith.constant 0 : i32
        %dma_start3A_32 = tpu.memref_slice %arg13[%dma_start3A] : memref<16384xf32, #tpu.memory_space<vmem_shared>> -> memref<16384xf32, #tpu.memory_space<vmem_shared>>
        tpu.enqueue_indirect_dma source(%arg6 : memref<2048xf32, #tpu.memory_space<vmem>>) target(%dma_start3A_32 : memref<16384xf32, #tpu.memory_space<vmem_shared>>) offsets(%arg7 : memref<2048xi32, #tpu.memory_space<vmem>>) semaphore(%run_scoped3A : memref<!tpu.dma_semaphore, #tpu.memory_space<semaphore_mem>>) {add = true}
        %dma_wait3A = arith.constant 0 : i32
        %dma_wait3A_33 = tpu.memref_slice %arg13[%dma_wait3A] : memref<16384xf32, #tpu.memory_space<vmem_shared>> -> memref<16384xf32, #tpu.memory_space<vmem_shared>>
        tpu.wait_indirect_dma semaphore(%run_scoped3A : memref<!tpu.dma_semaphore, #tpu.memory_space<semaphore_mem>>) src(%arg6 : memref<2048xf32, #tpu.memory_space<vmem>>) dst(%dma_wait3A_33 : memref<16384xf32, #tpu.memory_space<vmem_shared>>)
        tpu.yield
      }) : () -> ()
      "tpu.region"() ({
        %run_scoped3A = tpu.sem_alloc : memref<!tpu.dma_semaphore, #tpu.memory_space<semaphore_mem>>
        %dma_start3A = tpu.memref_slice %arg12[%mul3A_4] : memref<16384xf32, #tpu.memory_space<vmem_shared>> -> memref<2048xf32, #tpu.memory_space<vmem_shared>>
        %dma_start3A_32 = tpu.memref_slice %arg12[%mul3A_4] : memref<16384xf32, #tpu.memory_space<vmem_shared>> -> memref<2048xf32, #tpu.memory_space<vmem_shared>>
        tpu.enqueue_dma source(%dma_start3A_32 : memref<2048xf32, #tpu.memory_space<vmem_shared>>) target(%arg9 : memref<2048xf32, #tpu.memory_space<vmem>>) target_semaphore(%run_scoped3A : memref<!tpu.dma_semaphore, #tpu.memory_space<semaphore_mem>>)
        %dma_wait3A = tpu.memref_slice %arg12[%mul3A_4] : memref<16384xf32, #tpu.memory_space<vmem_shared>> -> memref<2048xf32, #tpu.memory_space<vmem_shared>>
        %dma_wait3A_33 = tpu.memref_slice %arg12[%mul3A_4] : memref<16384xf32, #tpu.memory_space<vmem_shared>> -> memref<2048xf32, #tpu.memory_space<vmem_shared>>
        tpu.wait_dma2 semaphore(%run_scoped3A : memref<!tpu.dma_semaphore, #tpu.memory_space<semaphore_mem>>) src(%dma_wait3A_33 : memref<2048xf32, #tpu.memory_space<vmem_shared>>) dst(%arg9 : memref<2048xf32, #tpu.memory_space<vmem>>)
        tpu.yield
      }) : () -> ()
      "tpu.region"() ({
        %run_scoped3A = tpu.sem_alloc : memref<!tpu.dma_semaphore, #tpu.memory_space<semaphore_mem>>
        %dma_start3A = tpu.memref_slice %arg13[%mul3A_4] : memref<16384xf32, #tpu.memory_space<vmem_shared>> -> memref<2048xf32, #tpu.memory_space<vmem_shared>>
        %dma_start3A_32 = tpu.memref_slice %arg13[%mul3A_4] : memref<16384xf32, #tpu.memory_space<vmem_shared>> -> memref<2048xf32, #tpu.memory_space<vmem_shared>>
        tpu.enqueue_dma source(%dma_start3A_32 : memref<2048xf32, #tpu.memory_space<vmem_shared>>) target(%arg10 : memref<2048xf32, #tpu.memory_space<vmem>>) target_semaphore(%run_scoped3A : memref<!tpu.dma_semaphore, #tpu.memory_space<semaphore_mem>>)
        %dma_wait3A = tpu.memref_slice %arg13[%mul3A_4] : memref<16384xf32, #tpu.memory_space<vmem_shared>> -> memref<2048xf32, #tpu.memory_space<vmem_shared>>
        %dma_wait3A_33 = tpu.memref_slice %arg13[%mul3A_4] : memref<16384xf32, #tpu.memory_space<vmem_shared>> -> memref<2048xf32, #tpu.memory_space<vmem_shared>>
        tpu.wait_dma2 semaphore(%run_scoped3A : memref<!tpu.dma_semaphore, #tpu.memory_space<semaphore_mem>>) src(%dma_wait3A_33 : memref<2048xf32, #tpu.memory_space<vmem_shared>>) dst(%arg10 : memref<2048xf32, #tpu.memory_space<vmem>>)
        tpu.yield
      }) : () -> ()
      %swap3A = arith.constant 0 : index
      %swap3A_26 = tpu.vector_load %arg11[%swap3A] {strides = array<i32>} : memref<16xf32, #tpu.memory_space<vmem>>, vector<16xf32>,
      tpu.vector_store %arg11[%swap3A], %broadcast_in_dim3A_14 {strides = array<i32>} : memref<16xf32, #tpu.memory_space<vmem>>, vector<16xf32>,
      %scan3A_27 = arith.constant 0 : i32
      %scan3A_28 = arith.constant 128 : i32
      %scan3A_29 = arith.addi %scan3A_27, %scan3A_28 : i32
      %scan3A_30 = arith.constant 1 : i32
      scf.for %scan3A_32 = %scan3A_27 to %scan3A_29 step %scan3A_30  : i32 {
        %mul3A_33 = arith.constant 16 : i32
        %mul3A_34 = arith.muli %scan3A_32, %mul3A_33 : i32
        %add3A_35 = arith.constant 0 : i32
        %add3A_36 = arith.addi %add3A_35, %mul3A_34 : i32
        %get3A = arith.constant 0 : index
        %get3A_37 = tpu.vector_load %arg11[%get3A] {strides = array<i32>} : memref<16xf32, #tpu.memory_space<vmem>>, vector<16xf32>,
        %get3A_38 = arith.index_cast %add3A_36 : i32 to index
        %get3A_39 = tpu.vector_load %arg10[%get3A_38] {strides = array<i32>} : memref<2048xf32, #tpu.memory_space<vmem>>, vector<16xf32>,
        %get3A_40 = arith.index_cast %add3A_36 : i32 to index
        %get3A_41 = tpu.vector_load %arg9[%get3A_40] {strides = array<i32>} : memref<2048xf32, #tpu.memory_space<vmem>>, vector<16xf32>,
        %add3A_42 = arith.constant 9.99999997E-7 : f32
        %add3A_43 = vector.broadcast %add3A_42 : f32 to vector<16xf32>
        %add3A_44 = arith.addf %get3A_41, %add3A_43 : vector<16xf32>
        %div3A = arith.divf %get3A_39, %add3A_44 : vector<16xf32>
        %add3A_45 = arith.addf %get3A_37, %div3A : vector<16xf32>
        %swap3A_46 = arith.constant 0 : index
        %swap3A_47 = tpu.vector_load %arg11[%swap3A_46] {strides = array<i32>} : memref<16xf32, #tpu.memory_space<vmem>>, vector<16xf32>,
        tpu.vector_store %arg11[%swap3A_46], %add3A_45 {strides = array<i32>} : memref<16xf32, #tpu.memory_space<vmem>>, vector<16xf32>,
      }
      %scan3A_31 = arith.constant 128 : i32
      "tpu.region"() ({
        %run_scoped3A = tpu.sem_alloc : memref<!tpu.dma_semaphore, #tpu.memory_space<semaphore_mem>>
        %dma_start3A = arith.constant 0 : i32
        %dma_start3A_32 = tpu.memref_slice %arg4[%add3A, %dma_start3A] : memref<16x16xf32, #tpu.memory_space<hbm>> -> memref<1x16xf32, #tpu.memory_space<hbm>>
        %dma_start3A_33 = tpu.memref_squeeze %dma_start3A_32 : memref<1x16xf32, #tpu.memory_space<hbm>> -> memref<16xf32, #tpu.memory_space<hbm>>
        %dma_start3A_34 = arith.constant 0 : i32
        %dma_start3A_35 = tpu.memref_slice %arg4[%add3A, %dma_start3A_34] : memref<16x16xf32, #tpu.memory_space<hbm>> -> memref<1x16xf32, #tpu.memory_space<hbm>>
        %dma_start3A_36 = tpu.memref_squeeze %dma_start3A_35 : memref<1x16xf32, #tpu.memory_space<hbm>> -> memref<16xf32, #tpu.memory_space<hbm>>
        tpu.enqueue_dma source(%arg11 : memref<16xf32, #tpu.memory_space<vmem>>) target(%dma_start3A_36 : memref<16xf32, #tpu.memory_space<hbm>>) target_semaphore(%run_scoped3A : memref<!tpu.dma_semaphore, #tpu.memory_space<semaphore_mem>>)
        %dma_wait3A = arith.constant 0 : i32
        %dma_wait3A_37 = tpu.memref_slice %arg4[%add3A, %dma_wait3A] : memref<16x16xf32, #tpu.memory_space<hbm>> -> memref<1x16xf32, #tpu.memory_space<hbm>>
        %dma_wait3A_38 = tpu.memref_squeeze %dma_wait3A_37 : memref<1x16xf32, #tpu.memory_space<hbm>> -> memref<16xf32, #tpu.memory_space<hbm>>
        %dma_wait3A_39 = arith.constant 0 : i32
        %dma_wait3A_40 = tpu.memref_slice %arg4[%add3A, %dma_wait3A_39] : memref<16x16xf32, #tpu.memory_space<hbm>> -> memref<1x16xf32, #tpu.memory_space<hbm>>
        %dma_wait3A_41 = tpu.memref_squeeze %dma_wait3A_40 : memref<1x16xf32, #tpu.memory_space<hbm>> -> memref<16xf32, #tpu.memory_space<hbm>>
        tpu.wait_dma2 semaphore(%run_scoped3A : memref<!tpu.dma_semaphore, #tpu.memory_space<semaphore_mem>>) src(%arg11 : memref<16xf32, #tpu.memory_space<vmem>>) dst(%dma_wait3A_41 : memref<16xf32, #tpu.memory_space<hbm>>)
        tpu.yield
      }) : () -> ()
    } else {
    }
    return
  }
}

module attributes {stable_mosaic.version = 14 : i64} {
  func.func @_tc_body(%arg0: i32, %arg1: memref<1x2048x3xf32, #tpu.memory_space<vmem>>, %arg2: memref<1x3x2048xf32, #tpu.memory_space<vmem>>, %arg3: memref<1x2048x1xf32, #tpu.memory_space<vmem>>, %arg4: memref<1x1x2048xf32, #tpu.memory_space<vmem>>) attributes {dimension_semantics = [#tpu.dimension_semantics<arbitrary>], iteration_bounds = array<i64: 8>, scalar_prefetch = 0 : i64, scratch_operands = 0 : i64, tpu.core_type = #tpu.core_type<tc>, window_params = [{transform_indices = @transform_0, window_bounds = array<i64: 1, 2048, 3>}, {transform_indices = @transform_1, window_bounds = array<i64: 1, 3, 2048>}, {transform_indices = @transform_2, window_bounds = array<i64: 1, 2048, 1>}, {transform_indices = @transform_3, window_bounds = array<i64: 1, 1, 2048>}]} {
    %iota3A = tpu.iota {dimensions = array<i32: 1>} : vector<256x128xi32>
    %add3A = arith.constant 0 : i32
    %add3A_0 = vector.broadcast %add3A : i32 to vector<256x128xi32>
    %add3A_1 = arith.addi %iota3A, %add3A_0 : vector<256x128xi32>
    %iota3A_2 = tpu.iota {dimensions = array<i32: 1>} : vector<256x128xi32>
    %add3A_3 = arith.constant 128 : i32
    %add3A_4 = vector.broadcast %add3A_3 : i32 to vector<256x128xi32>
    %add3A_5 = arith.addi %iota3A_2, %add3A_4 : vector<256x128xi32>
    %iota3A_6 = tpu.iota {dimensions = array<i32: 1>} : vector<256x128xi32>
    %add3A_7 = arith.constant 256 : i32
    %add3A_8 = vector.broadcast %add3A_7 : i32 to vector<256x128xi32>
    %add3A_9 = arith.addi %iota3A_6, %add3A_8 : vector<256x128xi32>
    %iota3A_10 = tpu.iota {dimensions = array<i32: 1>} : vector<256x128xi32>
    %add3A_11 = arith.constant 384 : i32
    %add3A_12 = vector.broadcast %add3A_11 : i32 to vector<256x128xi32>
    %add3A_13 = arith.addi %iota3A_10, %add3A_12 : vector<256x128xi32>
    %iota3A_14 = tpu.iota {dimensions = array<i32: 1>} : vector<256x128xi32>
    %add3A_15 = arith.constant 512 : i32
    %add3A_16 = vector.broadcast %add3A_15 : i32 to vector<256x128xi32>
    %add3A_17 = arith.addi %iota3A_14, %add3A_16 : vector<256x128xi32>
    %iota3A_18 = tpu.iota {dimensions = array<i32: 1>} : vector<256x128xi32>
    %add3A_19 = arith.constant 640 : i32
    %add3A_20 = vector.broadcast %add3A_19 : i32 to vector<256x128xi32>
    %add3A_21 = arith.addi %iota3A_18, %add3A_20 : vector<256x128xi32>
    %iota3A_22 = tpu.iota {dimensions = array<i32: 1>} : vector<256x128xi32>
    %add3A_23 = arith.constant 768 : i32
    %add3A_24 = vector.broadcast %add3A_23 : i32 to vector<256x128xi32>
    %add3A_25 = arith.addi %iota3A_22, %add3A_24 : vector<256x128xi32>
    %iota3A_26 = tpu.iota {dimensions = array<i32: 1>} : vector<256x128xi32>
    %add3A_27 = arith.constant 896 : i32
    %add3A_28 = vector.broadcast %add3A_27 : i32 to vector<256x128xi32>
    %add3A_29 = arith.addi %iota3A_26, %add3A_28 : vector<256x128xi32>
    %iota3A_30 = tpu.iota {dimensions = array<i32: 1>} : vector<256x128xi32>
    %add3A_31 = arith.constant 1024 : i32
    %add3A_32 = vector.broadcast %add3A_31 : i32 to vector<256x128xi32>
    %add3A_33 = arith.addi %iota3A_30, %add3A_32 : vector<256x128xi32>
    %iota3A_34 = tpu.iota {dimensions = array<i32: 1>} : vector<256x128xi32>
    %add3A_35 = arith.constant 1152 : i32
    %add3A_36 = vector.broadcast %add3A_35 : i32 to vector<256x128xi32>
    %add3A_37 = arith.addi %iota3A_34, %add3A_36 : vector<256x128xi32>
    %iota3A_38 = tpu.iota {dimensions = array<i32: 1>} : vector<256x128xi32>
    %add3A_39 = arith.constant 1280 : i32
    %add3A_40 = vector.broadcast %add3A_39 : i32 to vector<256x128xi32>
    %add3A_41 = arith.addi %iota3A_38, %add3A_40 : vector<256x128xi32>
    %iota3A_42 = tpu.iota {dimensions = array<i32: 1>} : vector<256x128xi32>
    %add3A_43 = arith.constant 1408 : i32
    %add3A_44 = vector.broadcast %add3A_43 : i32 to vector<256x128xi32>
    %add3A_45 = arith.addi %iota3A_42, %add3A_44 : vector<256x128xi32>
    %iota3A_46 = tpu.iota {dimensions = array<i32: 1>} : vector<256x128xi32>
    %add3A_47 = arith.constant 1536 : i32
    %add3A_48 = vector.broadcast %add3A_47 : i32 to vector<256x128xi32>
    %add3A_49 = arith.addi %iota3A_46, %add3A_48 : vector<256x128xi32>
    %iota3A_50 = tpu.iota {dimensions = array<i32: 1>} : vector<256x128xi32>
    %add3A_51 = arith.constant 1664 : i32
    %add3A_52 = vector.broadcast %add3A_51 : i32 to vector<256x128xi32>
    %add3A_53 = arith.addi %iota3A_50, %add3A_52 : vector<256x128xi32>
    %iota3A_54 = tpu.iota {dimensions = array<i32: 1>} : vector<256x128xi32>
    %add3A_55 = arith.constant 1792 : i32
    %add3A_56 = vector.broadcast %add3A_55 : i32 to vector<256x128xi32>
    %add3A_57 = arith.addi %iota3A_54, %add3A_56 : vector<256x128xi32>
    %iota3A_58 = tpu.iota {dimensions = array<i32: 1>} : vector<256x128xi32>
    %add3A_59 = arith.constant 1920 : i32
    %add3A_60 = vector.broadcast %add3A_59 : i32 to vector<256x128xi32>
    %add3A_61 = arith.addi %iota3A_58, %add3A_60 : vector<256x128xi32>
    %iota3A_62 = tpu.iota {dimensions = array<i32: 0>} : vector<256x128xi32>
    %add3A_63 = arith.constant 0 : i32
    %add3A_64 = vector.broadcast %add3A_63 : i32 to vector<256x128xi32>
    %add3A_65 = arith.addi %iota3A_62, %add3A_64 : vector<256x128xi32>
    %iota3A_66 = tpu.iota {dimensions = array<i32: 0>} : vector<256x128xi32>
    %add3A_67 = arith.constant 256 : i32
    %add3A_68 = vector.broadcast %add3A_67 : i32 to vector<256x128xi32>
    %add3A_69 = arith.addi %iota3A_66, %add3A_68 : vector<256x128xi32>
    %iota3A_70 = tpu.iota {dimensions = array<i32: 0>} : vector<256x128xi32>
    %add3A_71 = arith.constant 512 : i32
    %add3A_72 = vector.broadcast %add3A_71 : i32 to vector<256x128xi32>
    %add3A_73 = arith.addi %iota3A_70, %add3A_72 : vector<256x128xi32>
    %iota3A_74 = tpu.iota {dimensions = array<i32: 0>} : vector<256x128xi32>
    %add3A_75 = arith.constant 768 : i32
    %add3A_76 = vector.broadcast %add3A_75 : i32 to vector<256x128xi32>
    %add3A_77 = arith.addi %iota3A_74, %add3A_76 : vector<256x128xi32>
    %iota3A_78 = tpu.iota {dimensions = array<i32: 0>} : vector<256x128xi32>
    %add3A_79 = arith.constant 1024 : i32
    %add3A_80 = vector.broadcast %add3A_79 : i32 to vector<256x128xi32>
    %add3A_81 = arith.addi %iota3A_78, %add3A_80 : vector<256x128xi32>
    %iota3A_82 = tpu.iota {dimensions = array<i32: 0>} : vector<256x128xi32>
    %add3A_83 = arith.constant 1280 : i32
    %add3A_84 = vector.broadcast %add3A_83 : i32 to vector<256x128xi32>
    %add3A_85 = arith.addi %iota3A_82, %add3A_84 : vector<256x128xi32>
    %iota3A_86 = tpu.iota {dimensions = array<i32: 0>} : vector<256x128xi32>
    %add3A_87 = arith.constant 1536 : i32
    %add3A_88 = vector.broadcast %add3A_87 : i32 to vector<256x128xi32>
    %add3A_89 = arith.addi %iota3A_86, %add3A_88 : vector<256x128xi32>
    %iota3A_90 = tpu.iota {dimensions = array<i32: 0>} : vector<256x128xi32>
    %add3A_91 = arith.constant 1792 : i32
    %add3A_92 = vector.broadcast %add3A_91 : i32 to vector<256x128xi32>
    %add3A_93 = arith.addi %iota3A_90, %add3A_92 : vector<256x128xi32>
    %broadcast_in_dim3A = arith.constant 3.000000e+38 : f32
    %broadcast_in_dim3A_94 = vector.broadcast %broadcast_in_dim3A : f32 to vector<16x128xf32>
    %broadcast_in_dim3A_95 = arith.constant 3.000000e+38 : f32
    %broadcast_in_dim3A_96 = vector.broadcast %broadcast_in_dim3A_95 : f32 to vector<16x128xf32>
    %broadcast_in_dim3A_97 = arith.constant 3.000000e+38 : f32
    %broadcast_in_dim3A_98 = vector.broadcast %broadcast_in_dim3A_97 : f32 to vector<16x128xf32>
    %broadcast_in_dim3A_99 = arith.constant 3.000000e+38 : f32
    %broadcast_in_dim3A_100 = vector.broadcast %broadcast_in_dim3A_99 : f32 to vector<16x128xf32>
    %broadcast_in_dim3A_101 = arith.constant 3.000000e+38 : f32
    %broadcast_in_dim3A_102 = vector.broadcast %broadcast_in_dim3A_101 : f32 to vector<16x128xf32>
    %broadcast_in_dim3A_103 = arith.constant 3.000000e+38 : f32
    %broadcast_in_dim3A_104 = vector.broadcast %broadcast_in_dim3A_103 : f32 to vector<16x128xf32>
    %broadcast_in_dim3A_105 = arith.constant 3.000000e+38 : f32
    %broadcast_in_dim3A_106 = vector.broadcast %broadcast_in_dim3A_105 : f32 to vector<16x128xf32>
    %broadcast_in_dim3A_107 = arith.constant 3.000000e+38 : f32
    %broadcast_in_dim3A_108 = vector.broadcast %broadcast_in_dim3A_107 : f32 to vector<16x128xf32>
    %broadcast_in_dim3A_109 = arith.constant 3.000000e+38 : f32
    %broadcast_in_dim3A_110 = vector.broadcast %broadcast_in_dim3A_109 : f32 to vector<16x128xf32>
    %broadcast_in_dim3A_111 = arith.constant 3.000000e+38 : f32
    %broadcast_in_dim3A_112 = vector.broadcast %broadcast_in_dim3A_111 : f32 to vector<16x128xf32>
    %broadcast_in_dim3A_113 = arith.constant 3.000000e+38 : f32
    %broadcast_in_dim3A_114 = vector.broadcast %broadcast_in_dim3A_113 : f32 to vector<16x128xf32>
    %broadcast_in_dim3A_115 = arith.constant 3.000000e+38 : f32
    %broadcast_in_dim3A_116 = vector.broadcast %broadcast_in_dim3A_115 : f32 to vector<16x128xf32>
    %broadcast_in_dim3A_117 = arith.constant 3.000000e+38 : f32
    %broadcast_in_dim3A_118 = vector.broadcast %broadcast_in_dim3A_117 : f32 to vector<16x128xf32>
    %broadcast_in_dim3A_119 = arith.constant 3.000000e+38 : f32
    %broadcast_in_dim3A_120 = vector.broadcast %broadcast_in_dim3A_119 : f32 to vector<16x128xf32>
    %broadcast_in_dim3A_121 = arith.constant 3.000000e+38 : f32
    %broadcast_in_dim3A_122 = vector.broadcast %broadcast_in_dim3A_121 : f32 to vector<16x128xf32>
    %broadcast_in_dim3A_123 = arith.constant 3.000000e+38 : f32
    %broadcast_in_dim3A_124 = vector.broadcast %broadcast_in_dim3A_123 : f32 to vector<16x128xf32>
    %get3A = arith.constant 0 : index
    %get3A_125 = arith.constant 0 : index
    %get3A_126 = arith.constant 0 : index
    %get3A_127 = vector.load %arg1[%get3A, %get3A_125, %get3A_126] : memref<1x2048x3xf32, #tpu.memory_space<vmem>>, vector<1x256x1xf32>
    %get3A_128 = vector.shape_cast %get3A_127 : vector<1x256x1xf32> to vector<256x1xf32>
    %get3A_129 = arith.constant 0 : index
    %get3A_130 = arith.constant 0 : index
    %get3A_131 = arith.constant 1 : index
    %get3A_132 = vector.load %arg1[%get3A_129, %get3A_130, %get3A_131] : memref<1x2048x3xf32, #tpu.memory_space<vmem>>, vector<1x256x1xf32>
    %get3A_133 = vector.shape_cast %get3A_132 : vector<1x256x1xf32> to vector<256x1xf32>
    %get3A_134 = arith.constant 0 : index
    %get3A_135 = arith.constant 0 : index
    %get3A_136 = arith.constant 2 : index
    %get3A_137 = vector.load %arg1[%get3A_134, %get3A_135, %get3A_136] : memref<1x2048x3xf32, #tpu.memory_space<vmem>>, vector<1x256x1xf32>
    %get3A_138 = vector.shape_cast %get3A_137 : vector<1x256x1xf32> to vector<256x1xf32>
    %broadcast_in_dim3A_139 = arith.constant 3.000000e+38 : f32
    %broadcast_in_dim3A_140 = vector.broadcast %broadcast_in_dim3A_139 : f32 to vector<256x128xf32>
    %get3A_141 = arith.constant 0 : index
    %get3A_142 = arith.constant 0 : index
    %get3A_143 = arith.constant 0 : index
    %get3A_144 = vector.load %arg2[%get3A_141, %get3A_142, %get3A_143] : memref<1x3x2048xf32, #tpu.memory_space<vmem>>, vector<1x1x128xf32>
    %get3A_145 = vector.shape_cast %get3A_144 : vector<1x1x128xf32> to vector<1x128xf32>
    %get3A_146 = arith.constant 0 : index
    %get3A_147 = arith.constant 1 : index
    %get3A_148 = arith.constant 0 : index
    %get3A_149 = vector.load %arg2[%get3A_146, %get3A_147, %get3A_148] : memref<1x3x2048xf32, #tpu.memory_space<vmem>>, vector<1x1x128xf32>
    %get3A_150 = vector.shape_cast %get3A_149 : vector<1x1x128xf32> to vector<1x128xf32>
    %get3A_151 = arith.constant 0 : index
    %get3A_152 = arith.constant 2 : index
    %get3A_153 = arith.constant 0 : index
    %get3A_154 = vector.load %arg2[%get3A_151, %get3A_152, %get3A_153] : memref<1x3x2048xf32, #tpu.memory_space<vmem>>, vector<1x1x128xf32>
    %get3A_155 = vector.shape_cast %get3A_154 : vector<1x1x128xf32> to vector<1x128xf32>
    %sub3A = vector.broadcast %get3A_128 : vector<256x1xf32> to vector<256x128xf32>
    %sub3A_156 = vector.broadcast %get3A_145 : vector<1x128xf32> to vector<256x128xf32>
    %sub3A_157 = arith.subf %sub3A, %sub3A_156 : vector<256x128xf32>
    %sub3A_158 = vector.broadcast %get3A_133 : vector<256x1xf32> to vector<256x128xf32>
    %sub3A_159 = vector.broadcast %get3A_150 : vector<1x128xf32> to vector<256x128xf32>
    %sub3A_160 = arith.subf %sub3A_158, %sub3A_159 : vector<256x128xf32>
    %sub3A_161 = vector.broadcast %get3A_138 : vector<256x1xf32> to vector<256x128xf32>
    %sub3A_162 = vector.broadcast %get3A_155 : vector<1x128xf32> to vector<256x128xf32>
    %sub3A_163 = arith.subf %sub3A_161, %sub3A_162 : vector<256x128xf32>
    %mul3A = arith.mulf %sub3A_157, %sub3A_157 : vector<256x128xf32>
    %mul3A_164 = arith.mulf %sub3A_160, %sub3A_160 : vector<256x128xf32>
    %add3A_165 = arith.addf %mul3A, %mul3A_164 : vector<256x128xf32>
    %mul3A_166 = arith.mulf %sub3A_163, %sub3A_163 : vector<256x128xf32>
    %add3A_167 = arith.addf %add3A_165, %mul3A_166 : vector<256x128xf32>
    %bitcast_convert_type3A = tpu.bitcast %add3A_167 : vector<256x128xf32> -> vector<256x128xi32>
    %and3A = arith.constant -2048 : i32
    %and3A_168 = vector.broadcast %and3A : i32 to vector<256x128xi32>
    %and3A_169 = arith.andi %bitcast_convert_type3A, %and3A_168 : vector<256x128xi32>
    %or3A = arith.ori %and3A_169, %add3A_1 : vector<256x128xi32>
    %bitcast_convert_type3A_170 = tpu.bitcast %or3A : vector<256x128xi32> -> vector<256x128xf32>
    %min3A = arith.minimumf %broadcast_in_dim3A_140, %bitcast_convert_type3A_170 : vector<256x128xf32>
    %or3A_171 = arith.ori %and3A_169, %add3A_65 : vector<256x128xi32>
    %bitcast_convert_type3A_172 = tpu.bitcast %or3A_171 : vector<256x128xi32> -> vector<256x128xf32>
    %reshape3A = vector.shape_cast %bitcast_convert_type3A_172 : vector<256x128xf32> to vector<16x16x128xf32>
    %reduce_min3A = arith.constant dense<0x7F800000> : vector<16x128xf32>
    %reduce_min3A_173 = vector.multi_reduction <minimumf>, %reshape3A, %reduce_min3A [0] : vector<16x16x128xf32> to vector<16x128xf32>
    %min3A_174 = arith.minimumf %broadcast_in_dim3A_94, %reduce_min3A_173 : vector<16x128xf32>
    %get3A_175 = arith.constant 0 : index
    %get3A_176 = arith.constant 0 : index
    %get3A_177 = arith.constant 128 : index
    %get3A_178 = vector.load %arg2[%get3A_175, %get3A_176, %get3A_177] : memref<1x3x2048xf32, #tpu.memory_space<vmem>>, vector<1x1x128xf32>
    %get3A_179 = vector.shape_cast %get3A_178 : vector<1x1x128xf32> to vector<1x128xf32>
    %get3A_180 = arith.constant 0 : index
    %get3A_181 = arith.constant 1 : index
    %get3A_182 = arith.constant 128 : index
    %get3A_183 = vector.load %arg2[%get3A_180, %get3A_181, %get3A_182] : memref<1x3x2048xf32, #tpu.memory_space<vmem>>, vector<1x1x128xf32>
    %get3A_184 = vector.shape_cast %get3A_183 : vector<1x1x128xf32> to vector<1x128xf32>
    %get3A_185 = arith.constant 0 : index
    %get3A_186 = arith.constant 2 : index
    %get3A_187 = arith.constant 128 : index
    %get3A_188 = vector.load %arg2[%get3A_185, %get3A_186, %get3A_187] : memref<1x3x2048xf32, #tpu.memory_space<vmem>>, vector<1x1x128xf32>
    %get3A_189 = vector.shape_cast %get3A_188 : vector<1x1x128xf32> to vector<1x128xf32>
    %sub3A_190 = vector.broadcast %get3A_128 : vector<256x1xf32> to vector<256x128xf32>
    %sub3A_191 = vector.broadcast %get3A_179 : vector<1x128xf32> to vector<256x128xf32>
    %sub3A_192 = arith.subf %sub3A_190, %sub3A_191 : vector<256x128xf32>
    %sub3A_193 = vector.broadcast %get3A_133 : vector<256x1xf32> to vector<256x128xf32>
    %sub3A_194 = vector.broadcast %get3A_184 : vector<1x128xf32> to vector<256x128xf32>
    %sub3A_195 = arith.subf %sub3A_193, %sub3A_194 : vector<256x128xf32>
    %sub3A_196 = vector.broadcast %get3A_138 : vector<256x1xf32> to vector<256x128xf32>
    %sub3A_197 = vector.broadcast %get3A_189 : vector<1x128xf32> to vector<256x128xf32>
    %sub3A_198 = arith.subf %sub3A_196, %sub3A_197 : vector<256x128xf32>
    %mul3A_199 = arith.mulf %sub3A_192, %sub3A_192 : vector<256x128xf32>
    %mul3A_200 = arith.mulf %sub3A_195, %sub3A_195 : vector<256x128xf32>
    %add3A_201 = arith.addf %mul3A_199, %mul3A_200 : vector<256x128xf32>
    %mul3A_202 = arith.mulf %sub3A_198, %sub3A_198 : vector<256x128xf32>
    %add3A_203 = arith.addf %add3A_201, %mul3A_202 : vector<256x128xf32>
    %bitcast_convert_type3A_204 = tpu.bitcast %add3A_203 : vector<256x128xf32> -> vector<256x128xi32>
    %and3A_205 = arith.constant -2048 : i32
    %and3A_206 = vector.broadcast %and3A_205 : i32 to vector<256x128xi32>
    %and3A_207 = arith.andi %bitcast_convert_type3A_204, %and3A_206 : vector<256x128xi32>
    %or3A_208 = arith.ori %and3A_207, %add3A_5 : vector<256x128xi32>
    %bitcast_convert_type3A_209 = tpu.bitcast %or3A_208 : vector<256x128xi32> -> vector<256x128xf32>
    %min3A_210 = arith.minimumf %min3A, %bitcast_convert_type3A_209 : vector<256x128xf32>
    %or3A_211 = arith.ori %and3A_207, %add3A_65 : vector<256x128xi32>
    %bitcast_convert_type3A_212 = tpu.bitcast %or3A_211 : vector<256x128xi32> -> vector<256x128xf32>
    %reshape3A_213 = vector.shape_cast %bitcast_convert_type3A_212 : vector<256x128xf32> to vector<16x16x128xf32>
    %reduce_min3A_214 = arith.constant dense<0x7F800000> : vector<16x128xf32>
    %reduce_min3A_215 = vector.multi_reduction <minimumf>, %reshape3A_213, %reduce_min3A_214 [0] : vector<16x16x128xf32> to vector<16x128xf32>
    %min3A_216 = arith.minimumf %broadcast_in_dim3A_96, %reduce_min3A_215 : vector<16x128xf32>
    %get3A_217 = arith.constant 0 : index
    %get3A_218 = arith.constant 0 : index
    %get3A_219 = arith.constant 256 : index
    %get3A_220 = vector.load %arg2[%get3A_217, %get3A_218, %get3A_219] : memref<1x3x2048xf32, #tpu.memory_space<vmem>>, vector<1x1x128xf32>
    %get3A_221 = vector.shape_cast %get3A_220 : vector<1x1x128xf32> to vector<1x128xf32>
    %get3A_222 = arith.constant 0 : index
    %get3A_223 = arith.constant 1 : index
    %get3A_224 = arith.constant 256 : index
    %get3A_225 = vector.load %arg2[%get3A_222, %get3A_223, %get3A_224] : memref<1x3x2048xf32, #tpu.memory_space<vmem>>, vector<1x1x128xf32>
    %get3A_226 = vector.shape_cast %get3A_225 : vector<1x1x128xf32> to vector<1x128xf32>
    %get3A_227 = arith.constant 0 : index
    %get3A_228 = arith.constant 2 : index
    %get3A_229 = arith.constant 256 : index
    %get3A_230 = vector.load %arg2[%get3A_227, %get3A_228, %get3A_229] : memref<1x3x2048xf32, #tpu.memory_space<vmem>>, vector<1x1x128xf32>
    %get3A_231 = vector.shape_cast %get3A_230 : vector<1x1x128xf32> to vector<1x128xf32>
    %sub3A_232 = vector.broadcast %get3A_128 : vector<256x1xf32> to vector<256x128xf32>
    %sub3A_233 = vector.broadcast %get3A_221 : vector<1x128xf32> to vector<256x128xf32>
    %sub3A_234 = arith.subf %sub3A_232, %sub3A_233 : vector<256x128xf32>
    %sub3A_235 = vector.broadcast %get3A_133 : vector<256x1xf32> to vector<256x128xf32>
    %sub3A_236 = vector.broadcast %get3A_226 : vector<1x128xf32> to vector<256x128xf32>
    %sub3A_237 = arith.subf %sub3A_235, %sub3A_236 : vector<256x128xf32>
    %sub3A_238 = vector.broadcast %get3A_138 : vector<256x1xf32> to vector<256x128xf32>
    %sub3A_239 = vector.broadcast %get3A_231 : vector<1x128xf32> to vector<256x128xf32>
    %sub3A_240 = arith.subf %sub3A_238, %sub3A_239 : vector<256x128xf32>
    %mul3A_241 = arith.mulf %sub3A_234, %sub3A_234 : vector<256x128xf32>
    %mul3A_242 = arith.mulf %sub3A_237, %sub3A_237 : vector<256x128xf32>
    %add3A_243 = arith.addf %mul3A_241, %mul3A_242 : vector<256x128xf32>
    %mul3A_244 = arith.mulf %sub3A_240, %sub3A_240 : vector<256x128xf32>
    %add3A_245 = arith.addf %add3A_243, %mul3A_244 : vector<256x128xf32>
    %bitcast_convert_type3A_246 = tpu.bitcast %add3A_245 : vector<256x128xf32> -> vector<256x128xi32>
    %and3A_247 = arith.constant -2048 : i32
    %and3A_248 = vector.broadcast %and3A_247 : i32 to vector<256x128xi32>
    %and3A_249 = arith.andi %bitcast_convert_type3A_246, %and3A_248 : vector<256x128xi32>
    %or3A_250 = arith.ori %and3A_249, %add3A_9 : vector<256x128xi32>
    %bitcast_convert_type3A_251 = tpu.bitcast %or3A_250 : vector<256x128xi32> -> vector<256x128xf32>
    %min3A_252 = arith.minimumf %min3A_210, %bitcast_convert_type3A_251 : vector<256x128xf32>
    %or3A_253 = arith.ori %and3A_249, %add3A_65 : vector<256x128xi32>
    %bitcast_convert_type3A_254 = tpu.bitcast %or3A_253 : vector<256x128xi32> -> vector<256x128xf32>
    %reshape3A_255 = vector.shape_cast %bitcast_convert_type3A_254 : vector<256x128xf32> to vector<16x16x128xf32>
    %reduce_min3A_256 = arith.constant dense<0x7F800000> : vector<16x128xf32>
    %reduce_min3A_257 = vector.multi_reduction <minimumf>, %reshape3A_255, %reduce_min3A_256 [0] : vector<16x16x128xf32> to vector<16x128xf32>
    %min3A_258 = arith.minimumf %broadcast_in_dim3A_98, %reduce_min3A_257 : vector<16x128xf32>
    %get3A_259 = arith.constant 0 : index
    %get3A_260 = arith.constant 0 : index
    %get3A_261 = arith.constant 384 : index
    %get3A_262 = vector.load %arg2[%get3A_259, %get3A_260, %get3A_261] : memref<1x3x2048xf32, #tpu.memory_space<vmem>>, vector<1x1x128xf32>
    %get3A_263 = vector.shape_cast %get3A_262 : vector<1x1x128xf32> to vector<1x128xf32>
    %get3A_264 = arith.constant 0 : index
    %get3A_265 = arith.constant 1 : index
    %get3A_266 = arith.constant 384 : index
    %get3A_267 = vector.load %arg2[%get3A_264, %get3A_265, %get3A_266] : memref<1x3x2048xf32, #tpu.memory_space<vmem>>, vector<1x1x128xf32>
    %get3A_268 = vector.shape_cast %get3A_267 : vector<1x1x128xf32> to vector<1x128xf32>
    %get3A_269 = arith.constant 0 : index
    %get3A_270 = arith.constant 2 : index
    %get3A_271 = arith.constant 384 : index
    %get3A_272 = vector.load %arg2[%get3A_269, %get3A_270, %get3A_271] : memref<1x3x2048xf32, #tpu.memory_space<vmem>>, vector<1x1x128xf32>
    %get3A_273 = vector.shape_cast %get3A_272 : vector<1x1x128xf32> to vector<1x128xf32>
    %sub3A_274 = vector.broadcast %get3A_128 : vector<256x1xf32> to vector<256x128xf32>
    %sub3A_275 = vector.broadcast %get3A_263 : vector<1x128xf32> to vector<256x128xf32>
    %sub3A_276 = arith.subf %sub3A_274, %sub3A_275 : vector<256x128xf32>
    %sub3A_277 = vector.broadcast %get3A_133 : vector<256x1xf32> to vector<256x128xf32>
    %sub3A_278 = vector.broadcast %get3A_268 : vector<1x128xf32> to vector<256x128xf32>
    %sub3A_279 = arith.subf %sub3A_277, %sub3A_278 : vector<256x128xf32>
    %sub3A_280 = vector.broadcast %get3A_138 : vector<256x1xf32> to vector<256x128xf32>
    %sub3A_281 = vector.broadcast %get3A_273 : vector<1x128xf32> to vector<256x128xf32>
    %sub3A_282 = arith.subf %sub3A_280, %sub3A_281 : vector<256x128xf32>
    %mul3A_283 = arith.mulf %sub3A_276, %sub3A_276 : vector<256x128xf32>
    %mul3A_284 = arith.mulf %sub3A_279, %sub3A_279 : vector<256x128xf32>
    %add3A_285 = arith.addf %mul3A_283, %mul3A_284 : vector<256x128xf32>
    %mul3A_286 = arith.mulf %sub3A_282, %sub3A_282 : vector<256x128xf32>
    %add3A_287 = arith.addf %add3A_285, %mul3A_286 : vector<256x128xf32>
    %bitcast_convert_type3A_288 = tpu.bitcast %add3A_287 : vector<256x128xf32> -> vector<256x128xi32>
    %and3A_289 = arith.constant -2048 : i32
    %and3A_290 = vector.broadcast %and3A_289 : i32 to vector<256x128xi32>
    %and3A_291 = arith.andi %bitcast_convert_type3A_288, %and3A_290 : vector<256x128xi32>
    %or3A_292 = arith.ori %and3A_291, %add3A_13 : vector<256x128xi32>
    %bitcast_convert_type3A_293 = tpu.bitcast %or3A_292 : vector<256x128xi32> -> vector<256x128xf32>
    %min3A_294 = arith.minimumf %min3A_252, %bitcast_convert_type3A_293 : vector<256x128xf32>
    %or3A_295 = arith.ori %and3A_291, %add3A_65 : vector<256x128xi32>
    %bitcast_convert_type3A_296 = tpu.bitcast %or3A_295 : vector<256x128xi32> -> vector<256x128xf32>
    %reshape3A_297 = vector.shape_cast %bitcast_convert_type3A_296 : vector<256x128xf32> to vector<16x16x128xf32>
    %reduce_min3A_298 = arith.constant dense<0x7F800000> : vector<16x128xf32>
    %reduce_min3A_299 = vector.multi_reduction <minimumf>, %reshape3A_297, %reduce_min3A_298 [0] : vector<16x16x128xf32> to vector<16x128xf32>
    %min3A_300 = arith.minimumf %broadcast_in_dim3A_100, %reduce_min3A_299 : vector<16x128xf32>
    %get3A_301 = arith.constant 0 : index
    %get3A_302 = arith.constant 0 : index
    %get3A_303 = arith.constant 512 : index
    %get3A_304 = vector.load %arg2[%get3A_301, %get3A_302, %get3A_303] : memref<1x3x2048xf32, #tpu.memory_space<vmem>>, vector<1x1x128xf32>
    %get3A_305 = vector.shape_cast %get3A_304 : vector<1x1x128xf32> to vector<1x128xf32>
    %get3A_306 = arith.constant 0 : index
    %get3A_307 = arith.constant 1 : index
    %get3A_308 = arith.constant 512 : index
    %get3A_309 = vector.load %arg2[%get3A_306, %get3A_307, %get3A_308] : memref<1x3x2048xf32, #tpu.memory_space<vmem>>, vector<1x1x128xf32>
    %get3A_310 = vector.shape_cast %get3A_309 : vector<1x1x128xf32> to vector<1x128xf32>
    %get3A_311 = arith.constant 0 : index
    %get3A_312 = arith.constant 2 : index
    %get3A_313 = arith.constant 512 : index
    %get3A_314 = vector.load %arg2[%get3A_311, %get3A_312, %get3A_313] : memref<1x3x2048xf32, #tpu.memory_space<vmem>>, vector<1x1x128xf32>
    %get3A_315 = vector.shape_cast %get3A_314 : vector<1x1x128xf32> to vector<1x128xf32>
    %sub3A_316 = vector.broadcast %get3A_128 : vector<256x1xf32> to vector<256x128xf32>
    %sub3A_317 = vector.broadcast %get3A_305 : vector<1x128xf32> to vector<256x128xf32>
    %sub3A_318 = arith.subf %sub3A_316, %sub3A_317 : vector<256x128xf32>
    %sub3A_319 = vector.broadcast %get3A_133 : vector<256x1xf32> to vector<256x128xf32>
    %sub3A_320 = vector.broadcast %get3A_310 : vector<1x128xf32> to vector<256x128xf32>
    %sub3A_321 = arith.subf %sub3A_319, %sub3A_320 : vector<256x128xf32>
    %sub3A_322 = vector.broadcast %get3A_138 : vector<256x1xf32> to vector<256x128xf32>
    %sub3A_323 = vector.broadcast %get3A_315 : vector<1x128xf32> to vector<256x128xf32>
    %sub3A_324 = arith.subf %sub3A_322, %sub3A_323 : vector<256x128xf32>
    %mul3A_325 = arith.mulf %sub3A_318, %sub3A_318 : vector<256x128xf32>
    %mul3A_326 = arith.mulf %sub3A_321, %sub3A_321 : vector<256x128xf32>
    %add3A_327 = arith.addf %mul3A_325, %mul3A_326 : vector<256x128xf32>
    %mul3A_328 = arith.mulf %sub3A_324, %sub3A_324 : vector<256x128xf32>
    %add3A_329 = arith.addf %add3A_327, %mul3A_328 : vector<256x128xf32>
    %bitcast_convert_type3A_330 = tpu.bitcast %add3A_329 : vector<256x128xf32> -> vector<256x128xi32>
    %and3A_331 = arith.constant -2048 : i32
    %and3A_332 = vector.broadcast %and3A_331 : i32 to vector<256x128xi32>
    %and3A_333 = arith.andi %bitcast_convert_type3A_330, %and3A_332 : vector<256x128xi32>
    %or3A_334 = arith.ori %and3A_333, %add3A_17 : vector<256x128xi32>
    %bitcast_convert_type3A_335 = tpu.bitcast %or3A_334 : vector<256x128xi32> -> vector<256x128xf32>
    %min3A_336 = arith.minimumf %min3A_294, %bitcast_convert_type3A_335 : vector<256x128xf32>
    %or3A_337 = arith.ori %and3A_333, %add3A_65 : vector<256x128xi32>
    %bitcast_convert_type3A_338 = tpu.bitcast %or3A_337 : vector<256x128xi32> -> vector<256x128xf32>
    %reshape3A_339 = vector.shape_cast %bitcast_convert_type3A_338 : vector<256x128xf32> to vector<16x16x128xf32>
    %reduce_min3A_340 = arith.constant dense<0x7F800000> : vector<16x128xf32>
    %reduce_min3A_341 = vector.multi_reduction <minimumf>, %reshape3A_339, %reduce_min3A_340 [0] : vector<16x16x128xf32> to vector<16x128xf32>
    %min3A_342 = arith.minimumf %broadcast_in_dim3A_102, %reduce_min3A_341 : vector<16x128xf32>
    %get3A_343 = arith.constant 0 : index
    %get3A_344 = arith.constant 0 : index
    %get3A_345 = arith.constant 640 : index
    %get3A_346 = vector.load %arg2[%get3A_343, %get3A_344, %get3A_345] : memref<1x3x2048xf32, #tpu.memory_space<vmem>>, vector<1x1x128xf32>
    %get3A_347 = vector.shape_cast %get3A_346 : vector<1x1x128xf32> to vector<1x128xf32>
    %get3A_348 = arith.constant 0 : index
    %get3A_349 = arith.constant 1 : index
    %get3A_350 = arith.constant 640 : index
    %get3A_351 = vector.load %arg2[%get3A_348, %get3A_349, %get3A_350] : memref<1x3x2048xf32, #tpu.memory_space<vmem>>, vector<1x1x128xf32>
    %get3A_352 = vector.shape_cast %get3A_351 : vector<1x1x128xf32> to vector<1x128xf32>
    %get3A_353 = arith.constant 0 : index
    %get3A_354 = arith.constant 2 : index
    %get3A_355 = arith.constant 640 : index
    %get3A_356 = vector.load %arg2[%get3A_353, %get3A_354, %get3A_355] : memref<1x3x2048xf32, #tpu.memory_space<vmem>>, vector<1x1x128xf32>
    %get3A_357 = vector.shape_cast %get3A_356 : vector<1x1x128xf32> to vector<1x128xf32>
    %sub3A_358 = vector.broadcast %get3A_128 : vector<256x1xf32> to vector<256x128xf32>
    %sub3A_359 = vector.broadcast %get3A_347 : vector<1x128xf32> to vector<256x128xf32>
    %sub3A_360 = arith.subf %sub3A_358, %sub3A_359 : vector<256x128xf32>
    %sub3A_361 = vector.broadcast %get3A_133 : vector<256x1xf32> to vector<256x128xf32>
    %sub3A_362 = vector.broadcast %get3A_352 : vector<1x128xf32> to vector<256x128xf32>
    %sub3A_363 = arith.subf %sub3A_361, %sub3A_362 : vector<256x128xf32>
    %sub3A_364 = vector.broadcast %get3A_138 : vector<256x1xf32> to vector<256x128xf32>
    %sub3A_365 = vector.broadcast %get3A_357 : vector<1x128xf32> to vector<256x128xf32>
    %sub3A_366 = arith.subf %sub3A_364, %sub3A_365 : vector<256x128xf32>
    %mul3A_367 = arith.mulf %sub3A_360, %sub3A_360 : vector<256x128xf32>
    %mul3A_368 = arith.mulf %sub3A_363, %sub3A_363 : vector<256x128xf32>
    %add3A_369 = arith.addf %mul3A_367, %mul3A_368 : vector<256x128xf32>
    %mul3A_370 = arith.mulf %sub3A_366, %sub3A_366 : vector<256x128xf32>
    %add3A_371 = arith.addf %add3A_369, %mul3A_370 : vector<256x128xf32>
    %bitcast_convert_type3A_372 = tpu.bitcast %add3A_371 : vector<256x128xf32> -> vector<256x128xi32>
    %and3A_373 = arith.constant -2048 : i32
    %and3A_374 = vector.broadcast %and3A_373 : i32 to vector<256x128xi32>
    %and3A_375 = arith.andi %bitcast_convert_type3A_372, %and3A_374 : vector<256x128xi32>
    %or3A_376 = arith.ori %and3A_375, %add3A_21 : vector<256x128xi32>
    %bitcast_convert_type3A_377 = tpu.bitcast %or3A_376 : vector<256x128xi32> -> vector<256x128xf32>
    %min3A_378 = arith.minimumf %min3A_336, %bitcast_convert_type3A_377 : vector<256x128xf32>
    %or3A_379 = arith.ori %and3A_375, %add3A_65 : vector<256x128xi32>
    %bitcast_convert_type3A_380 = tpu.bitcast %or3A_379 : vector<256x128xi32> -> vector<256x128xf32>
    %reshape3A_381 = vector.shape_cast %bitcast_convert_type3A_380 : vector<256x128xf32> to vector<16x16x128xf32>
    %reduce_min3A_382 = arith.constant dense<0x7F800000> : vector<16x128xf32>
    %reduce_min3A_383 = vector.multi_reduction <minimumf>, %reshape3A_381, %reduce_min3A_382 [0] : vector<16x16x128xf32> to vector<16x128xf32>
    %min3A_384 = arith.minimumf %broadcast_in_dim3A_104, %reduce_min3A_383 : vector<16x128xf32>
    %get3A_385 = arith.constant 0 : index
    %get3A_386 = arith.constant 0 : index
    %get3A_387 = arith.constant 768 : index
    %get3A_388 = vector.load %arg2[%get3A_385, %get3A_386, %get3A_387] : memref<1x3x2048xf32, #tpu.memory_space<vmem>>, vector<1x1x128xf32>
    %get3A_389 = vector.shape_cast %get3A_388 : vector<1x1x128xf32> to vector<1x128xf32>
    %get3A_390 = arith.constant 0 : index
    %get3A_391 = arith.constant 1 : index
    %get3A_392 = arith.constant 768 : index
    %get3A_393 = vector.load %arg2[%get3A_390, %get3A_391, %get3A_392] : memref<1x3x2048xf32, #tpu.memory_space<vmem>>, vector<1x1x128xf32>
    %get3A_394 = vector.shape_cast %get3A_393 : vector<1x1x128xf32> to vector<1x128xf32>
    %get3A_395 = arith.constant 0 : index
    %get3A_396 = arith.constant 2 : index
    %get3A_397 = arith.constant 768 : index
    %get3A_398 = vector.load %arg2[%get3A_395, %get3A_396, %get3A_397] : memref<1x3x2048xf32, #tpu.memory_space<vmem>>, vector<1x1x128xf32>
    %get3A_399 = vector.shape_cast %get3A_398 : vector<1x1x128xf32> to vector<1x128xf32>
    %sub3A_400 = vector.broadcast %get3A_128 : vector<256x1xf32> to vector<256x128xf32>
    %sub3A_401 = vector.broadcast %get3A_389 : vector<1x128xf32> to vector<256x128xf32>
    %sub3A_402 = arith.subf %sub3A_400, %sub3A_401 : vector<256x128xf32>
    %sub3A_403 = vector.broadcast %get3A_133 : vector<256x1xf32> to vector<256x128xf32>
    %sub3A_404 = vector.broadcast %get3A_394 : vector<1x128xf32> to vector<256x128xf32>
    %sub3A_405 = arith.subf %sub3A_403, %sub3A_404 : vector<256x128xf32>
    %sub3A_406 = vector.broadcast %get3A_138 : vector<256x1xf32> to vector<256x128xf32>
    %sub3A_407 = vector.broadcast %get3A_399 : vector<1x128xf32> to vector<256x128xf32>
    %sub3A_408 = arith.subf %sub3A_406, %sub3A_407 : vector<256x128xf32>
    %mul3A_409 = arith.mulf %sub3A_402, %sub3A_402 : vector<256x128xf32>
    %mul3A_410 = arith.mulf %sub3A_405, %sub3A_405 : vector<256x128xf32>
    %add3A_411 = arith.addf %mul3A_409, %mul3A_410 : vector<256x128xf32>
    %mul3A_412 = arith.mulf %sub3A_408, %sub3A_408 : vector<256x128xf32>
    %add3A_413 = arith.addf %add3A_411, %mul3A_412 : vector<256x128xf32>
    %bitcast_convert_type3A_414 = tpu.bitcast %add3A_413 : vector<256x128xf32> -> vector<256x128xi32>
    %and3A_415 = arith.constant -2048 : i32
    %and3A_416 = vector.broadcast %and3A_415 : i32 to vector<256x128xi32>
    %and3A_417 = arith.andi %bitcast_convert_type3A_414, %and3A_416 : vector<256x128xi32>
    %or3A_418 = arith.ori %and3A_417, %add3A_25 : vector<256x128xi32>
    %bitcast_convert_type3A_419 = tpu.bitcast %or3A_418 : vector<256x128xi32> -> vector<256x128xf32>
    %min3A_420 = arith.minimumf %min3A_378, %bitcast_convert_type3A_419 : vector<256x128xf32>
    %or3A_421 = arith.ori %and3A_417, %add3A_65 : vector<256x128xi32>
    %bitcast_convert_type3A_422 = tpu.bitcast %or3A_421 : vector<256x128xi32> -> vector<256x128xf32>
    %reshape3A_423 = vector.shape_cast %bitcast_convert_type3A_422 : vector<256x128xf32> to vector<16x16x128xf32>
    %reduce_min3A_424 = arith.constant dense<0x7F800000> : vector<16x128xf32>
    %reduce_min3A_425 = vector.multi_reduction <minimumf>, %reshape3A_423, %reduce_min3A_424 [0] : vector<16x16x128xf32> to vector<16x128xf32>
    %min3A_426 = arith.minimumf %broadcast_in_dim3A_106, %reduce_min3A_425 : vector<16x128xf32>
    %get3A_427 = arith.constant 0 : index
    %get3A_428 = arith.constant 0 : index
    %get3A_429 = arith.constant 896 : index
    %get3A_430 = vector.load %arg2[%get3A_427, %get3A_428, %get3A_429] : memref<1x3x2048xf32, #tpu.memory_space<vmem>>, vector<1x1x128xf32>
    %get3A_431 = vector.shape_cast %get3A_430 : vector<1x1x128xf32> to vector<1x128xf32>
    %get3A_432 = arith.constant 0 : index
    %get3A_433 = arith.constant 1 : index
    %get3A_434 = arith.constant 896 : index
    %get3A_435 = vector.load %arg2[%get3A_432, %get3A_433, %get3A_434] : memref<1x3x2048xf32, #tpu.memory_space<vmem>>, vector<1x1x128xf32>
    %get3A_436 = vector.shape_cast %get3A_435 : vector<1x1x128xf32> to vector<1x128xf32>
    %get3A_437 = arith.constant 0 : index
    %get3A_438 = arith.constant 2 : index
    %get3A_439 = arith.constant 896 : index
    %get3A_440 = vector.load %arg2[%get3A_437, %get3A_438, %get3A_439] : memref<1x3x2048xf32, #tpu.memory_space<vmem>>, vector<1x1x128xf32>
    %get3A_441 = vector.shape_cast %get3A_440 : vector<1x1x128xf32> to vector<1x128xf32>
    %sub3A_442 = vector.broadcast %get3A_128 : vector<256x1xf32> to vector<256x128xf32>
    %sub3A_443 = vector.broadcast %get3A_431 : vector<1x128xf32> to vector<256x128xf32>
    %sub3A_444 = arith.subf %sub3A_442, %sub3A_443 : vector<256x128xf32>
    %sub3A_445 = vector.broadcast %get3A_133 : vector<256x1xf32> to vector<256x128xf32>
    %sub3A_446 = vector.broadcast %get3A_436 : vector<1x128xf32> to vector<256x128xf32>
    %sub3A_447 = arith.subf %sub3A_445, %sub3A_446 : vector<256x128xf32>
    %sub3A_448 = vector.broadcast %get3A_138 : vector<256x1xf32> to vector<256x128xf32>
    %sub3A_449 = vector.broadcast %get3A_441 : vector<1x128xf32> to vector<256x128xf32>
    %sub3A_450 = arith.subf %sub3A_448, %sub3A_449 : vector<256x128xf32>
    %mul3A_451 = arith.mulf %sub3A_444, %sub3A_444 : vector<256x128xf32>
    %mul3A_452 = arith.mulf %sub3A_447, %sub3A_447 : vector<256x128xf32>
    %add3A_453 = arith.addf %mul3A_451, %mul3A_452 : vector<256x128xf32>
    %mul3A_454 = arith.mulf %sub3A_450, %sub3A_450 : vector<256x128xf32>
    %add3A_455 = arith.addf %add3A_453, %mul3A_454 : vector<256x128xf32>
    %bitcast_convert_type3A_456 = tpu.bitcast %add3A_455 : vector<256x128xf32> -> vector<256x128xi32>
    %and3A_457 = arith.constant -2048 : i32
    %and3A_458 = vector.broadcast %and3A_457 : i32 to vector<256x128xi32>
    %and3A_459 = arith.andi %bitcast_convert_type3A_456, %and3A_458 : vector<256x128xi32>
    %or3A_460 = arith.ori %and3A_459, %add3A_29 : vector<256x128xi32>
    %bitcast_convert_type3A_461 = tpu.bitcast %or3A_460 : vector<256x128xi32> -> vector<256x128xf32>
    %min3A_462 = arith.minimumf %min3A_420, %bitcast_convert_type3A_461 : vector<256x128xf32>
    %or3A_463 = arith.ori %and3A_459, %add3A_65 : vector<256x128xi32>
    %bitcast_convert_type3A_464 = tpu.bitcast %or3A_463 : vector<256x128xi32> -> vector<256x128xf32>
    %reshape3A_465 = vector.shape_cast %bitcast_convert_type3A_464 : vector<256x128xf32> to vector<16x16x128xf32>
    %reduce_min3A_466 = arith.constant dense<0x7F800000> : vector<16x128xf32>
    %reduce_min3A_467 = vector.multi_reduction <minimumf>, %reshape3A_465, %reduce_min3A_466 [0] : vector<16x16x128xf32> to vector<16x128xf32>
    %min3A_468 = arith.minimumf %broadcast_in_dim3A_108, %reduce_min3A_467 : vector<16x128xf32>
    %get3A_469 = arith.constant 0 : index
    %get3A_470 = arith.constant 0 : index
    %get3A_471 = arith.constant 1024 : index
    %get3A_472 = vector.load %arg2[%get3A_469, %get3A_470, %get3A_471] : memref<1x3x2048xf32, #tpu.memory_space<vmem>>, vector<1x1x128xf32>
    %get3A_473 = vector.shape_cast %get3A_472 : vector<1x1x128xf32> to vector<1x128xf32>
    %get3A_474 = arith.constant 0 : index
    %get3A_475 = arith.constant 1 : index
    %get3A_476 = arith.constant 1024 : index
    %get3A_477 = vector.load %arg2[%get3A_474, %get3A_475, %get3A_476] : memref<1x3x2048xf32, #tpu.memory_space<vmem>>, vector<1x1x128xf32>
    %get3A_478 = vector.shape_cast %get3A_477 : vector<1x1x128xf32> to vector<1x128xf32>
    %get3A_479 = arith.constant 0 : index
    %get3A_480 = arith.constant 2 : index
    %get3A_481 = arith.constant 1024 : index
    %get3A_482 = vector.load %arg2[%get3A_479, %get3A_480, %get3A_481] : memref<1x3x2048xf32, #tpu.memory_space<vmem>>, vector<1x1x128xf32>
    %get3A_483 = vector.shape_cast %get3A_482 : vector<1x1x128xf32> to vector<1x128xf32>
    %sub3A_484 = vector.broadcast %get3A_128 : vector<256x1xf32> to vector<256x128xf32>
    %sub3A_485 = vector.broadcast %get3A_473 : vector<1x128xf32> to vector<256x128xf32>
    %sub3A_486 = arith.subf %sub3A_484, %sub3A_485 : vector<256x128xf32>
    %sub3A_487 = vector.broadcast %get3A_133 : vector<256x1xf32> to vector<256x128xf32>
    %sub3A_488 = vector.broadcast %get3A_478 : vector<1x128xf32> to vector<256x128xf32>
    %sub3A_489 = arith.subf %sub3A_487, %sub3A_488 : vector<256x128xf32>
    %sub3A_490 = vector.broadcast %get3A_138 : vector<256x1xf32> to vector<256x128xf32>
    %sub3A_491 = vector.broadcast %get3A_483 : vector<1x128xf32> to vector<256x128xf32>
    %sub3A_492 = arith.subf %sub3A_490, %sub3A_491 : vector<256x128xf32>
    %mul3A_493 = arith.mulf %sub3A_486, %sub3A_486 : vector<256x128xf32>
    %mul3A_494 = arith.mulf %sub3A_489, %sub3A_489 : vector<256x128xf32>
    %add3A_495 = arith.addf %mul3A_493, %mul3A_494 : vector<256x128xf32>
    %mul3A_496 = arith.mulf %sub3A_492, %sub3A_492 : vector<256x128xf32>
    %add3A_497 = arith.addf %add3A_495, %mul3A_496 : vector<256x128xf32>
    %bitcast_convert_type3A_498 = tpu.bitcast %add3A_497 : vector<256x128xf32> -> vector<256x128xi32>
    %and3A_499 = arith.constant -2048 : i32
    %and3A_500 = vector.broadcast %and3A_499 : i32 to vector<256x128xi32>
    %and3A_501 = arith.andi %bitcast_convert_type3A_498, %and3A_500 : vector<256x128xi32>
    %or3A_502 = arith.ori %and3A_501, %add3A_33 : vector<256x128xi32>
    %bitcast_convert_type3A_503 = tpu.bitcast %or3A_502 : vector<256x128xi32> -> vector<256x128xf32>
    %min3A_504 = arith.minimumf %min3A_462, %bitcast_convert_type3A_503 : vector<256x128xf32>
    %or3A_505 = arith.ori %and3A_501, %add3A_65 : vector<256x128xi32>
    %bitcast_convert_type3A_506 = tpu.bitcast %or3A_505 : vector<256x128xi32> -> vector<256x128xf32>
    %reshape3A_507 = vector.shape_cast %bitcast_convert_type3A_506 : vector<256x128xf32> to vector<16x16x128xf32>
    %reduce_min3A_508 = arith.constant dense<0x7F800000> : vector<16x128xf32>
    %reduce_min3A_509 = vector.multi_reduction <minimumf>, %reshape3A_507, %reduce_min3A_508 [0] : vector<16x16x128xf32> to vector<16x128xf32>
    %min3A_510 = arith.minimumf %broadcast_in_dim3A_110, %reduce_min3A_509 : vector<16x128xf32>
    %get3A_511 = arith.constant 0 : index
    %get3A_512 = arith.constant 0 : index
    %get3A_513 = arith.constant 1152 : index
    %get3A_514 = vector.load %arg2[%get3A_511, %get3A_512, %get3A_513] : memref<1x3x2048xf32, #tpu.memory_space<vmem>>, vector<1x1x128xf32>
    %get3A_515 = vector.shape_cast %get3A_514 : vector<1x1x128xf32> to vector<1x128xf32>
    %get3A_516 = arith.constant 0 : index
    %get3A_517 = arith.constant 1 : index
    %get3A_518 = arith.constant 1152 : index
    %get3A_519 = vector.load %arg2[%get3A_516, %get3A_517, %get3A_518] : memref<1x3x2048xf32, #tpu.memory_space<vmem>>, vector<1x1x128xf32>
    %get3A_520 = vector.shape_cast %get3A_519 : vector<1x1x128xf32> to vector<1x128xf32>
    %get3A_521 = arith.constant 0 : index
    %get3A_522 = arith.constant 2 : index
    %get3A_523 = arith.constant 1152 : index
    %get3A_524 = vector.load %arg2[%get3A_521, %get3A_522, %get3A_523] : memref<1x3x2048xf32, #tpu.memory_space<vmem>>, vector<1x1x128xf32>
    %get3A_525 = vector.shape_cast %get3A_524 : vector<1x1x128xf32> to vector<1x128xf32>
    %sub3A_526 = vector.broadcast %get3A_128 : vector<256x1xf32> to vector<256x128xf32>
    %sub3A_527 = vector.broadcast %get3A_515 : vector<1x128xf32> to vector<256x128xf32>
    %sub3A_528 = arith.subf %sub3A_526, %sub3A_527 : vector<256x128xf32>
    %sub3A_529 = vector.broadcast %get3A_133 : vector<256x1xf32> to vector<256x128xf32>
    %sub3A_530 = vector.broadcast %get3A_520 : vector<1x128xf32> to vector<256x128xf32>
    %sub3A_531 = arith.subf %sub3A_529, %sub3A_530 : vector<256x128xf32>
    %sub3A_532 = vector.broadcast %get3A_138 : vector<256x1xf32> to vector<256x128xf32>
    %sub3A_533 = vector.broadcast %get3A_525 : vector<1x128xf32> to vector<256x128xf32>
    %sub3A_534 = arith.subf %sub3A_532, %sub3A_533 : vector<256x128xf32>
    %mul3A_535 = arith.mulf %sub3A_528, %sub3A_528 : vector<256x128xf32>
    %mul3A_536 = arith.mulf %sub3A_531, %sub3A_531 : vector<256x128xf32>
    %add3A_537 = arith.addf %mul3A_535, %mul3A_536 : vector<256x128xf32>
    %mul3A_538 = arith.mulf %sub3A_534, %sub3A_534 : vector<256x128xf32>
    %add3A_539 = arith.addf %add3A_537, %mul3A_538 : vector<256x128xf32>
    %bitcast_convert_type3A_540 = tpu.bitcast %add3A_539 : vector<256x128xf32> -> vector<256x128xi32>
    %and3A_541 = arith.constant -2048 : i32
    %and3A_542 = vector.broadcast %and3A_541 : i32 to vector<256x128xi32>
    %and3A_543 = arith.andi %bitcast_convert_type3A_540, %and3A_542 : vector<256x128xi32>
    %or3A_544 = arith.ori %and3A_543, %add3A_37 : vector<256x128xi32>
    %bitcast_convert_type3A_545 = tpu.bitcast %or3A_544 : vector<256x128xi32> -> vector<256x128xf32>
    %min3A_546 = arith.minimumf %min3A_504, %bitcast_convert_type3A_545 : vector<256x128xf32>
    %or3A_547 = arith.ori %and3A_543, %add3A_65 : vector<256x128xi32>
    %bitcast_convert_type3A_548 = tpu.bitcast %or3A_547 : vector<256x128xi32> -> vector<256x128xf32>
    %reshape3A_549 = vector.shape_cast %bitcast_convert_type3A_548 : vector<256x128xf32> to vector<16x16x128xf32>
    %reduce_min3A_550 = arith.constant dense<0x7F800000> : vector<16x128xf32>
    %reduce_min3A_551 = vector.multi_reduction <minimumf>, %reshape3A_549, %reduce_min3A_550 [0] : vector<16x16x128xf32> to vector<16x128xf32>
    %min3A_552 = arith.minimumf %broadcast_in_dim3A_112, %reduce_min3A_551 : vector<16x128xf32>
    %get3A_553 = arith.constant 0 : index
    %get3A_554 = arith.constant 0 : index
    %get3A_555 = arith.constant 1280 : index
    %get3A_556 = vector.load %arg2[%get3A_553, %get3A_554, %get3A_555] : memref<1x3x2048xf32, #tpu.memory_space<vmem>>, vector<1x1x128xf32>
    %get3A_557 = vector.shape_cast %get3A_556 : vector<1x1x128xf32> to vector<1x128xf32>
    %get3A_558 = arith.constant 0 : index
    %get3A_559 = arith.constant 1 : index
    %get3A_560 = arith.constant 1280 : index
    %get3A_561 = vector.load %arg2[%get3A_558, %get3A_559, %get3A_560] : memref<1x3x2048xf32, #tpu.memory_space<vmem>>, vector<1x1x128xf32>
    %get3A_562 = vector.shape_cast %get3A_561 : vector<1x1x128xf32> to vector<1x128xf32>
    %get3A_563 = arith.constant 0 : index
    %get3A_564 = arith.constant 2 : index
    %get3A_565 = arith.constant 1280 : index
    %get3A_566 = vector.load %arg2[%get3A_563, %get3A_564, %get3A_565] : memref<1x3x2048xf32, #tpu.memory_space<vmem>>, vector<1x1x128xf32>
    %get3A_567 = vector.shape_cast %get3A_566 : vector<1x1x128xf32> to vector<1x128xf32>
    %sub3A_568 = vector.broadcast %get3A_128 : vector<256x1xf32> to vector<256x128xf32>
    %sub3A_569 = vector.broadcast %get3A_557 : vector<1x128xf32> to vector<256x128xf32>
    %sub3A_570 = arith.subf %sub3A_568, %sub3A_569 : vector<256x128xf32>
    %sub3A_571 = vector.broadcast %get3A_133 : vector<256x1xf32> to vector<256x128xf32>
    %sub3A_572 = vector.broadcast %get3A_562 : vector<1x128xf32> to vector<256x128xf32>
    %sub3A_573 = arith.subf %sub3A_571, %sub3A_572 : vector<256x128xf32>
    %sub3A_574 = vector.broadcast %get3A_138 : vector<256x1xf32> to vector<256x128xf32>
    %sub3A_575 = vector.broadcast %get3A_567 : vector<1x128xf32> to vector<256x128xf32>
    %sub3A_576 = arith.subf %sub3A_574, %sub3A_575 : vector<256x128xf32>
    %mul3A_577 = arith.mulf %sub3A_570, %sub3A_570 : vector<256x128xf32>
    %mul3A_578 = arith.mulf %sub3A_573, %sub3A_573 : vector<256x128xf32>
    %add3A_579 = arith.addf %mul3A_577, %mul3A_578 : vector<256x128xf32>
    %mul3A_580 = arith.mulf %sub3A_576, %sub3A_576 : vector<256x128xf32>
    %add3A_581 = arith.addf %add3A_579, %mul3A_580 : vector<256x128xf32>
    %bitcast_convert_type3A_582 = tpu.bitcast %add3A_581 : vector<256x128xf32> -> vector<256x128xi32>
    %and3A_583 = arith.constant -2048 : i32
    %and3A_584 = vector.broadcast %and3A_583 : i32 to vector<256x128xi32>
    %and3A_585 = arith.andi %bitcast_convert_type3A_582, %and3A_584 : vector<256x128xi32>
    %or3A_586 = arith.ori %and3A_585, %add3A_41 : vector<256x128xi32>
    %bitcast_convert_type3A_587 = tpu.bitcast %or3A_586 : vector<256x128xi32> -> vector<256x128xf32>
    %min3A_588 = arith.minimumf %min3A_546, %bitcast_convert_type3A_587 : vector<256x128xf32>
    %or3A_589 = arith.ori %and3A_585, %add3A_65 : vector<256x128xi32>
    %bitcast_convert_type3A_590 = tpu.bitcast %or3A_589 : vector<256x128xi32> -> vector<256x128xf32>
    %reshape3A_591 = vector.shape_cast %bitcast_convert_type3A_590 : vector<256x128xf32> to vector<16x16x128xf32>
    %reduce_min3A_592 = arith.constant dense<0x7F800000> : vector<16x128xf32>
    %reduce_min3A_593 = vector.multi_reduction <minimumf>, %reshape3A_591, %reduce_min3A_592 [0] : vector<16x16x128xf32> to vector<16x128xf32>
    %min3A_594 = arith.minimumf %broadcast_in_dim3A_114, %reduce_min3A_593 : vector<16x128xf32>
    %get3A_595 = arith.constant 0 : index
    %get3A_596 = arith.constant 0 : index
    %get3A_597 = arith.constant 1408 : index
    %get3A_598 = vector.load %arg2[%get3A_595, %get3A_596, %get3A_597] : memref<1x3x2048xf32, #tpu.memory_space<vmem>>, vector<1x1x128xf32>
    %get3A_599 = vector.shape_cast %get3A_598 : vector<1x1x128xf32> to vector<1x128xf32>
    %get3A_600 = arith.constant 0 : index
    %get3A_601 = arith.constant 1 : index
    %get3A_602 = arith.constant 1408 : index
    %get3A_603 = vector.load %arg2[%get3A_600, %get3A_601, %get3A_602] : memref<1x3x2048xf32, #tpu.memory_space<vmem>>, vector<1x1x128xf32>
    %get3A_604 = vector.shape_cast %get3A_603 : vector<1x1x128xf32> to vector<1x128xf32>
    %get3A_605 = arith.constant 0 : index
    %get3A_606 = arith.constant 2 : index
    %get3A_607 = arith.constant 1408 : index
    %get3A_608 = vector.load %arg2[%get3A_605, %get3A_606, %get3A_607] : memref<1x3x2048xf32, #tpu.memory_space<vmem>>, vector<1x1x128xf32>
    %get3A_609 = vector.shape_cast %get3A_608 : vector<1x1x128xf32> to vector<1x128xf32>
    %sub3A_610 = vector.broadcast %get3A_128 : vector<256x1xf32> to vector<256x128xf32>
    %sub3A_611 = vector.broadcast %get3A_599 : vector<1x128xf32> to vector<256x128xf32>
    %sub3A_612 = arith.subf %sub3A_610, %sub3A_611 : vector<256x128xf32>
    %sub3A_613 = vector.broadcast %get3A_133 : vector<256x1xf32> to vector<256x128xf32>
    %sub3A_614 = vector.broadcast %get3A_604 : vector<1x128xf32> to vector<256x128xf32>
    %sub3A_615 = arith.subf %sub3A_613, %sub3A_614 : vector<256x128xf32>
    %sub3A_616 = vector.broadcast %get3A_138 : vector<256x1xf32> to vector<256x128xf32>
    %sub3A_617 = vector.broadcast %get3A_609 : vector<1x128xf32> to vector<256x128xf32>
    %sub3A_618 = arith.subf %sub3A_616, %sub3A_617 : vector<256x128xf32>
    %mul3A_619 = arith.mulf %sub3A_612, %sub3A_612 : vector<256x128xf32>
    %mul3A_620 = arith.mulf %sub3A_615, %sub3A_615 : vector<256x128xf32>
    %add3A_621 = arith.addf %mul3A_619, %mul3A_620 : vector<256x128xf32>
    %mul3A_622 = arith.mulf %sub3A_618, %sub3A_618 : vector<256x128xf32>
    %add3A_623 = arith.addf %add3A_621, %mul3A_622 : vector<256x128xf32>
    %bitcast_convert_type3A_624 = tpu.bitcast %add3A_623 : vector<256x128xf32> -> vector<256x128xi32>
    %and3A_625 = arith.constant -2048 : i32
    %and3A_626 = vector.broadcast %and3A_625 : i32 to vector<256x128xi32>
    %and3A_627 = arith.andi %bitcast_convert_type3A_624, %and3A_626 : vector<256x128xi32>
    %or3A_628 = arith.ori %and3A_627, %add3A_45 : vector<256x128xi32>
    %bitcast_convert_type3A_629 = tpu.bitcast %or3A_628 : vector<256x128xi32> -> vector<256x128xf32>
    %min3A_630 = arith.minimumf %min3A_588, %bitcast_convert_type3A_629 : vector<256x128xf32>
    %or3A_631 = arith.ori %and3A_627, %add3A_65 : vector<256x128xi32>
    %bitcast_convert_type3A_632 = tpu.bitcast %or3A_631 : vector<256x128xi32> -> vector<256x128xf32>
    %reshape3A_633 = vector.shape_cast %bitcast_convert_type3A_632 : vector<256x128xf32> to vector<16x16x128xf32>
    %reduce_min3A_634 = arith.constant dense<0x7F800000> : vector<16x128xf32>
    %reduce_min3A_635 = vector.multi_reduction <minimumf>, %reshape3A_633, %reduce_min3A_634 [0] : vector<16x16x128xf32> to vector<16x128xf32>
    %min3A_636 = arith.minimumf %broadcast_in_dim3A_116, %reduce_min3A_635 : vector<16x128xf32>
    %get3A_637 = arith.constant 0 : index
    %get3A_638 = arith.constant 0 : index
    %get3A_639 = arith.constant 1536 : index
    %get3A_640 = vector.load %arg2[%get3A_637, %get3A_638, %get3A_639] : memref<1x3x2048xf32, #tpu.memory_space<vmem>>, vector<1x1x128xf32>
    %get3A_641 = vector.shape_cast %get3A_640 : vector<1x1x128xf32> to vector<1x128xf32>
    %get3A_642 = arith.constant 0 : index
    %get3A_643 = arith.constant 1 : index
    %get3A_644 = arith.constant 1536 : index
    %get3A_645 = vector.load %arg2[%get3A_642, %get3A_643, %get3A_644] : memref<1x3x2048xf32, #tpu.memory_space<vmem>>, vector<1x1x128xf32>
    %get3A_646 = vector.shape_cast %get3A_645 : vector<1x1x128xf32> to vector<1x128xf32>
    %get3A_647 = arith.constant 0 : index
    %get3A_648 = arith.constant 2 : index
    %get3A_649 = arith.constant 1536 : index
    %get3A_650 = vector.load %arg2[%get3A_647, %get3A_648, %get3A_649] : memref<1x3x2048xf32, #tpu.memory_space<vmem>>, vector<1x1x128xf32>
    %get3A_651 = vector.shape_cast %get3A_650 : vector<1x1x128xf32> to vector<1x128xf32>
    %sub3A_652 = vector.broadcast %get3A_128 : vector<256x1xf32> to vector<256x128xf32>
    %sub3A_653 = vector.broadcast %get3A_641 : vector<1x128xf32> to vector<256x128xf32>
    %sub3A_654 = arith.subf %sub3A_652, %sub3A_653 : vector<256x128xf32>
    %sub3A_655 = vector.broadcast %get3A_133 : vector<256x1xf32> to vector<256x128xf32>
    %sub3A_656 = vector.broadcast %get3A_646 : vector<1x128xf32> to vector<256x128xf32>
    %sub3A_657 = arith.subf %sub3A_655, %sub3A_656 : vector<256x128xf32>
    %sub3A_658 = vector.broadcast %get3A_138 : vector<256x1xf32> to vector<256x128xf32>
    %sub3A_659 = vector.broadcast %get3A_651 : vector<1x128xf32> to vector<256x128xf32>
    %sub3A_660 = arith.subf %sub3A_658, %sub3A_659 : vector<256x128xf32>
    %mul3A_661 = arith.mulf %sub3A_654, %sub3A_654 : vector<256x128xf32>
    %mul3A_662 = arith.mulf %sub3A_657, %sub3A_657 : vector<256x128xf32>
    %add3A_663 = arith.addf %mul3A_661, %mul3A_662 : vector<256x128xf32>
    %mul3A_664 = arith.mulf %sub3A_660, %sub3A_660 : vector<256x128xf32>
    %add3A_665 = arith.addf %add3A_663, %mul3A_664 : vector<256x128xf32>
    %bitcast_convert_type3A_666 = tpu.bitcast %add3A_665 : vector<256x128xf32> -> vector<256x128xi32>
    %and3A_667 = arith.constant -2048 : i32
    %and3A_668 = vector.broadcast %and3A_667 : i32 to vector<256x128xi32>
    %and3A_669 = arith.andi %bitcast_convert_type3A_666, %and3A_668 : vector<256x128xi32>
    %or3A_670 = arith.ori %and3A_669, %add3A_49 : vector<256x128xi32>
    %bitcast_convert_type3A_671 = tpu.bitcast %or3A_670 : vector<256x128xi32> -> vector<256x128xf32>
    %min3A_672 = arith.minimumf %min3A_630, %bitcast_convert_type3A_671 : vector<256x128xf32>
    %or3A_673 = arith.ori %and3A_669, %add3A_65 : vector<256x128xi32>
    %bitcast_convert_type3A_674 = tpu.bitcast %or3A_673 : vector<256x128xi32> -> vector<256x128xf32>
    %reshape3A_675 = vector.shape_cast %bitcast_convert_type3A_674 : vector<256x128xf32> to vector<16x16x128xf32>
    %reduce_min3A_676 = arith.constant dense<0x7F800000> : vector<16x128xf32>
    %reduce_min3A_677 = vector.multi_reduction <minimumf>, %reshape3A_675, %reduce_min3A_676 [0] : vector<16x16x128xf32> to vector<16x128xf32>
    %min3A_678 = arith.minimumf %broadcast_in_dim3A_118, %reduce_min3A_677 : vector<16x128xf32>
    %get3A_679 = arith.constant 0 : index
    %get3A_680 = arith.constant 0 : index
    %get3A_681 = arith.constant 1664 : index
    %get3A_682 = vector.load %arg2[%get3A_679, %get3A_680, %get3A_681] : memref<1x3x2048xf32, #tpu.memory_space<vmem>>, vector<1x1x128xf32>
    %get3A_683 = vector.shape_cast %get3A_682 : vector<1x1x128xf32> to vector<1x128xf32>
    %get3A_684 = arith.constant 0 : index
    %get3A_685 = arith.constant 1 : index
    %get3A_686 = arith.constant 1664 : index
    %get3A_687 = vector.load %arg2[%get3A_684, %get3A_685, %get3A_686] : memref<1x3x2048xf32, #tpu.memory_space<vmem>>, vector<1x1x128xf32>
    %get3A_688 = vector.shape_cast %get3A_687 : vector<1x1x128xf32> to vector<1x128xf32>
    %get3A_689 = arith.constant 0 : index
    %get3A_690 = arith.constant 2 : index
    %get3A_691 = arith.constant 1664 : index
    %get3A_692 = vector.load %arg2[%get3A_689, %get3A_690, %get3A_691] : memref<1x3x2048xf32, #tpu.memory_space<vmem>>, vector<1x1x128xf32>
    %get3A_693 = vector.shape_cast %get3A_692 : vector<1x1x128xf32> to vector<1x128xf32>
    %sub3A_694 = vector.broadcast %get3A_128 : vector<256x1xf32> to vector<256x128xf32>
    %sub3A_695 = vector.broadcast %get3A_683 : vector<1x128xf32> to vector<256x128xf32>
    %sub3A_696 = arith.subf %sub3A_694, %sub3A_695 : vector<256x128xf32>
    %sub3A_697 = vector.broadcast %get3A_133 : vector<256x1xf32> to vector<256x128xf32>
    %sub3A_698 = vector.broadcast %get3A_688 : vector<1x128xf32> to vector<256x128xf32>
    %sub3A_699 = arith.subf %sub3A_697, %sub3A_698 : vector<256x128xf32>
    %sub3A_700 = vector.broadcast %get3A_138 : vector<256x1xf32> to vector<256x128xf32>
    %sub3A_701 = vector.broadcast %get3A_693 : vector<1x128xf32> to vector<256x128xf32>
    %sub3A_702 = arith.subf %sub3A_700, %sub3A_701 : vector<256x128xf32>
    %mul3A_703 = arith.mulf %sub3A_696, %sub3A_696 : vector<256x128xf32>
    %mul3A_704 = arith.mulf %sub3A_699, %sub3A_699 : vector<256x128xf32>
    %add3A_705 = arith.addf %mul3A_703, %mul3A_704 : vector<256x128xf32>
    %mul3A_706 = arith.mulf %sub3A_702, %sub3A_702 : vector<256x128xf32>
    %add3A_707 = arith.addf %add3A_705, %mul3A_706 : vector<256x128xf32>
    %bitcast_convert_type3A_708 = tpu.bitcast %add3A_707 : vector<256x128xf32> -> vector<256x128xi32>
    %and3A_709 = arith.constant -2048 : i32
    %and3A_710 = vector.broadcast %and3A_709 : i32 to vector<256x128xi32>
    %and3A_711 = arith.andi %bitcast_convert_type3A_708, %and3A_710 : vector<256x128xi32>
    %or3A_712 = arith.ori %and3A_711, %add3A_53 : vector<256x128xi32>
    %bitcast_convert_type3A_713 = tpu.bitcast %or3A_712 : vector<256x128xi32> -> vector<256x128xf32>
    %min3A_714 = arith.minimumf %min3A_672, %bitcast_convert_type3A_713 : vector<256x128xf32>
    %or3A_715 = arith.ori %and3A_711, %add3A_65 : vector<256x128xi32>
    %bitcast_convert_type3A_716 = tpu.bitcast %or3A_715 : vector<256x128xi32> -> vector<256x128xf32>
    %reshape3A_717 = vector.shape_cast %bitcast_convert_type3A_716 : vector<256x128xf32> to vector<16x16x128xf32>
    %reduce_min3A_718 = arith.constant dense<0x7F800000> : vector<16x128xf32>
    %reduce_min3A_719 = vector.multi_reduction <minimumf>, %reshape3A_717, %reduce_min3A_718 [0] : vector<16x16x128xf32> to vector<16x128xf32>
    %min3A_720 = arith.minimumf %broadcast_in_dim3A_120, %reduce_min3A_719 : vector<16x128xf32>
    %get3A_721 = arith.constant 0 : index
    %get3A_722 = arith.constant 0 : index
    %get3A_723 = arith.constant 1792 : index
    %get3A_724 = vector.load %arg2[%get3A_721, %get3A_722, %get3A_723] : memref<1x3x2048xf32, #tpu.memory_space<vmem>>, vector<1x1x128xf32>
    %get3A_725 = vector.shape_cast %get3A_724 : vector<1x1x128xf32> to vector<1x128xf32>
    %get3A_726 = arith.constant 0 : index
    %get3A_727 = arith.constant 1 : index
    %get3A_728 = arith.constant 1792 : index
    %get3A_729 = vector.load %arg2[%get3A_726, %get3A_727, %get3A_728] : memref<1x3x2048xf32, #tpu.memory_space<vmem>>, vector<1x1x128xf32>
    %get3A_730 = vector.shape_cast %get3A_729 : vector<1x1x128xf32> to vector<1x128xf32>
    %get3A_731 = arith.constant 0 : index
    %get3A_732 = arith.constant 2 : index
    %get3A_733 = arith.constant 1792 : index
    %get3A_734 = vector.load %arg2[%get3A_731, %get3A_732, %get3A_733] : memref<1x3x2048xf32, #tpu.memory_space<vmem>>, vector<1x1x128xf32>
    %get3A_735 = vector.shape_cast %get3A_734 : vector<1x1x128xf32> to vector<1x128xf32>
    %sub3A_736 = vector.broadcast %get3A_128 : vector<256x1xf32> to vector<256x128xf32>
    %sub3A_737 = vector.broadcast %get3A_725 : vector<1x128xf32> to vector<256x128xf32>
    %sub3A_738 = arith.subf %sub3A_736, %sub3A_737 : vector<256x128xf32>
    %sub3A_739 = vector.broadcast %get3A_133 : vector<256x1xf32> to vector<256x128xf32>
    %sub3A_740 = vector.broadcast %get3A_730 : vector<1x128xf32> to vector<256x128xf32>
    %sub3A_741 = arith.subf %sub3A_739, %sub3A_740 : vector<256x128xf32>
    %sub3A_742 = vector.broadcast %get3A_138 : vector<256x1xf32> to vector<256x128xf32>
    %sub3A_743 = vector.broadcast %get3A_735 : vector<1x128xf32> to vector<256x128xf32>
    %sub3A_744 = arith.subf %sub3A_742, %sub3A_743 : vector<256x128xf32>
    %mul3A_745 = arith.mulf %sub3A_738, %sub3A_738 : vector<256x128xf32>
    %mul3A_746 = arith.mulf %sub3A_741, %sub3A_741 : vector<256x128xf32>
    %add3A_747 = arith.addf %mul3A_745, %mul3A_746 : vector<256x128xf32>
    %mul3A_748 = arith.mulf %sub3A_744, %sub3A_744 : vector<256x128xf32>
    %add3A_749 = arith.addf %add3A_747, %mul3A_748 : vector<256x128xf32>
    %bitcast_convert_type3A_750 = tpu.bitcast %add3A_749 : vector<256x128xf32> -> vector<256x128xi32>
    %and3A_751 = arith.constant -2048 : i32
    %and3A_752 = vector.broadcast %and3A_751 : i32 to vector<256x128xi32>
    %and3A_753 = arith.andi %bitcast_convert_type3A_750, %and3A_752 : vector<256x128xi32>
    %or3A_754 = arith.ori %and3A_753, %add3A_57 : vector<256x128xi32>
    %bitcast_convert_type3A_755 = tpu.bitcast %or3A_754 : vector<256x128xi32> -> vector<256x128xf32>
    %min3A_756 = arith.minimumf %min3A_714, %bitcast_convert_type3A_755 : vector<256x128xf32>
    %or3A_757 = arith.ori %and3A_753, %add3A_65 : vector<256x128xi32>
    %bitcast_convert_type3A_758 = tpu.bitcast %or3A_757 : vector<256x128xi32> -> vector<256x128xf32>
    %reshape3A_759 = vector.shape_cast %bitcast_convert_type3A_758 : vector<256x128xf32> to vector<16x16x128xf32>
    %reduce_min3A_760 = arith.constant dense<0x7F800000> : vector<16x128xf32>
    %reduce_min3A_761 = vector.multi_reduction <minimumf>, %reshape3A_759, %reduce_min3A_760 [0] : vector<16x16x128xf32> to vector<16x128xf32>
    %min3A_762 = arith.minimumf %broadcast_in_dim3A_122, %reduce_min3A_761 : vector<16x128xf32>
    %get3A_763 = arith.constant 0 : index
    %get3A_764 = arith.constant 0 : index
    %get3A_765 = arith.constant 1920 : index
    %get3A_766 = vector.load %arg2[%get3A_763, %get3A_764, %get3A_765] : memref<1x3x2048xf32, #tpu.memory_space<vmem>>, vector<1x1x128xf32>
    %get3A_767 = vector.shape_cast %get3A_766 : vector<1x1x128xf32> to vector<1x128xf32>
    %get3A_768 = arith.constant 0 : index
    %get3A_769 = arith.constant 1 : index
    %get3A_770 = arith.constant 1920 : index
    %get3A_771 = vector.load %arg2[%get3A_768, %get3A_769, %get3A_770] : memref<1x3x2048xf32, #tpu.memory_space<vmem>>, vector<1x1x128xf32>
    %get3A_772 = vector.shape_cast %get3A_771 : vector<1x1x128xf32> to vector<1x128xf32>
    %get3A_773 = arith.constant 0 : index
    %get3A_774 = arith.constant 2 : index
    %get3A_775 = arith.constant 1920 : index
    %get3A_776 = vector.load %arg2[%get3A_773, %get3A_774, %get3A_775] : memref<1x3x2048xf32, #tpu.memory_space<vmem>>, vector<1x1x128xf32>
    %get3A_777 = vector.shape_cast %get3A_776 : vector<1x1x128xf32> to vector<1x128xf32>
    %sub3A_778 = vector.broadcast %get3A_128 : vector<256x1xf32> to vector<256x128xf32>
    %sub3A_779 = vector.broadcast %get3A_767 : vector<1x128xf32> to vector<256x128xf32>
    %sub3A_780 = arith.subf %sub3A_778, %sub3A_779 : vector<256x128xf32>
    %sub3A_781 = vector.broadcast %get3A_133 : vector<256x1xf32> to vector<256x128xf32>
    %sub3A_782 = vector.broadcast %get3A_772 : vector<1x128xf32> to vector<256x128xf32>
    %sub3A_783 = arith.subf %sub3A_781, %sub3A_782 : vector<256x128xf32>
    %sub3A_784 = vector.broadcast %get3A_138 : vector<256x1xf32> to vector<256x128xf32>
    %sub3A_785 = vector.broadcast %get3A_777 : vector<1x128xf32> to vector<256x128xf32>
    %sub3A_786 = arith.subf %sub3A_784, %sub3A_785 : vector<256x128xf32>
    %mul3A_787 = arith.mulf %sub3A_780, %sub3A_780 : vector<256x128xf32>
    %mul3A_788 = arith.mulf %sub3A_783, %sub3A_783 : vector<256x128xf32>
    %add3A_789 = arith.addf %mul3A_787, %mul3A_788 : vector<256x128xf32>
    %mul3A_790 = arith.mulf %sub3A_786, %sub3A_786 : vector<256x128xf32>
    %add3A_791 = arith.addf %add3A_789, %mul3A_790 : vector<256x128xf32>
    %bitcast_convert_type3A_792 = tpu.bitcast %add3A_791 : vector<256x128xf32> -> vector<256x128xi32>
    %and3A_793 = arith.constant -2048 : i32
    %and3A_794 = vector.broadcast %and3A_793 : i32 to vector<256x128xi32>
    %and3A_795 = arith.andi %bitcast_convert_type3A_792, %and3A_794 : vector<256x128xi32>
    %or3A_796 = arith.ori %and3A_795, %add3A_61 : vector<256x128xi32>
    %bitcast_convert_type3A_797 = tpu.bitcast %or3A_796 : vector<256x128xi32> -> vector<256x128xf32>
    %min3A_798 = arith.minimumf %min3A_756, %bitcast_convert_type3A_797 : vector<256x128xf32>
    %or3A_799 = arith.ori %and3A_795, %add3A_65 : vector<256x128xi32>
    %bitcast_convert_type3A_800 = tpu.bitcast %or3A_799 : vector<256x128xi32> -> vector<256x128xf32>
    %reshape3A_801 = vector.shape_cast %bitcast_convert_type3A_800 : vector<256x128xf32> to vector<16x16x128xf32>
    %reduce_min3A_802 = arith.constant dense<0x7F800000> : vector<16x128xf32>
    %reduce_min3A_803 = vector.multi_reduction <minimumf>, %reshape3A_801, %reduce_min3A_802 [0] : vector<16x16x128xf32> to vector<16x128xf32>
    %min3A_804 = arith.minimumf %broadcast_in_dim3A_124, %reduce_min3A_803 : vector<16x128xf32>
    %reduce_min3A_805 = arith.constant dense<0x7F800000> : vector<256xf32>
    %reduce_min3A_806 = vector.multi_reduction <minimumf>, %min3A_798, %reduce_min3A_805 [1] : vector<256x128xf32> to vector<256xf32>
    %broadcast_in_dim3A_807 = vector.shape_cast %reduce_min3A_806 : vector<256xf32> to vector<256x1xf32>
    %swap3A = arith.constant 0 : index
    %swap3A_808 = arith.constant 0 : index
    %swap3A_809 = arith.constant 0 : index
    %swap3A_810 = vector.load %arg3[%swap3A, %swap3A_808, %swap3A_809] : memref<1x2048x1xf32, #tpu.memory_space<vmem>>, vector<1x256x1xf32>
    %swap3A_811 = vector.shape_cast %swap3A_810 : vector<1x256x1xf32> to vector<256x1xf32>
    %swap3A_812 = vector.shape_cast %broadcast_in_dim3A_807 : vector<256x1xf32> to vector<1x256x1xf32>
    tpu.vector_store %arg3[%swap3A, %swap3A_808, %swap3A_809], %swap3A_812 {strides = array<i32>} : memref<1x2048x1xf32, #tpu.memory_space<vmem>>, vector<1x256x1xf32>,
    %get3A_813 = arith.constant 0 : index
    %get3A_814 = arith.constant 256 : index
    %get3A_815 = arith.constant 0 : index
    %get3A_816 = vector.load %arg1[%get3A_813, %get3A_814, %get3A_815] : memref<1x2048x3xf32, #tpu.memory_space<vmem>>, vector<1x256x1xf32>
    %get3A_817 = vector.shape_cast %get3A_816 : vector<1x256x1xf32> to vector<256x1xf32>
    %get3A_818 = arith.constant 0 : index
    %get3A_819 = arith.constant 256 : index
    %get3A_820 = arith.constant 1 : index
    %get3A_821 = vector.load %arg1[%get3A_818, %get3A_819, %get3A_820] : memref<1x2048x3xf32, #tpu.memory_space<vmem>>, vector<1x256x1xf32>
    %get3A_822 = vector.shape_cast %get3A_821 : vector<1x256x1xf32> to vector<256x1xf32>
    %get3A_823 = arith.constant 0 : index
    %get3A_824 = arith.constant 256 : index
    %get3A_825 = arith.constant 2 : index
    %get3A_826 = vector.load %arg1[%get3A_823, %get3A_824, %get3A_825] : memref<1x2048x3xf32, #tpu.memory_space<vmem>>, vector<1x256x1xf32>
    %get3A_827 = vector.shape_cast %get3A_826 : vector<1x256x1xf32> to vector<256x1xf32>
    %broadcast_in_dim3A_828 = arith.constant 3.000000e+38 : f32
    %broadcast_in_dim3A_829 = vector.broadcast %broadcast_in_dim3A_828 : f32 to vector<256x128xf32>
    %get3A_830 = arith.constant 0 : index
    %get3A_831 = arith.constant 0 : index
    %get3A_832 = arith.constant 0 : index
    %get3A_833 = vector.load %arg2[%get3A_830, %get3A_831, %get3A_832] : memref<1x3x2048xf32, #tpu.memory_space<vmem>>, vector<1x1x128xf32>
    %get3A_834 = vector.shape_cast %get3A_833 : vector<1x1x128xf32> to vector<1x128xf32>
    %get3A_835 = arith.constant 0 : index
    %get3A_836 = arith.constant 1 : index
    %get3A_837 = arith.constant 0 : index
    %get3A_838 = vector.load %arg2[%get3A_835, %get3A_836, %get3A_837] : memref<1x3x2048xf32, #tpu.memory_space<vmem>>, vector<1x1x128xf32>
    %get3A_839 = vector.shape_cast %get3A_838 : vector<1x1x128xf32> to vector<1x128xf32>
    %get3A_840 = arith.constant 0 : index
    %get3A_841 = arith.constant 2 : index
    %get3A_842 = arith.constant 0 : index
    %get3A_843 = vector.load %arg2[%get3A_840, %get3A_841, %get3A_842] : memref<1x3x2048xf32, #tpu.memory_space<vmem>>, vector<1x1x128xf32>
    %get3A_844 = vector.shape_cast %get3A_843 : vector<1x1x128xf32> to vector<1x128xf32>
    %sub3A_845 = vector.broadcast %get3A_817 : vector<256x1xf32> to vector<256x128xf32>
    %sub3A_846 = vector.broadcast %get3A_834 : vector<1x128xf32> to vector<256x128xf32>
    %sub3A_847 = arith.subf %sub3A_845, %sub3A_846 : vector<256x128xf32>
    %sub3A_848 = vector.broadcast %get3A_822 : vector<256x1xf32> to vector<256x128xf32>
    %sub3A_849 = vector.broadcast %get3A_839 : vector<1x128xf32> to vector<256x128xf32>
    %sub3A_850 = arith.subf %sub3A_848, %sub3A_849 : vector<256x128xf32>
    %sub3A_851 = vector.broadcast %get3A_827 : vector<256x1xf32> to vector<256x128xf32>
    %sub3A_852 = vector.broadcast %get3A_844 : vector<1x128xf32> to vector<256x128xf32>
    %sub3A_853 = arith.subf %sub3A_851, %sub3A_852 : vector<256x128xf32>
    %mul3A_854 = arith.mulf %sub3A_847, %sub3A_847 : vector<256x128xf32>
    %mul3A_855 = arith.mulf %sub3A_850, %sub3A_850 : vector<256x128xf32>
    %add3A_856 = arith.addf %mul3A_854, %mul3A_855 : vector<256x128xf32>
    %mul3A_857 = arith.mulf %sub3A_853, %sub3A_853 : vector<256x128xf32>
    %add3A_858 = arith.addf %add3A_856, %mul3A_857 : vector<256x128xf32>
    %bitcast_convert_type3A_859 = tpu.bitcast %add3A_858 : vector<256x128xf32> -> vector<256x128xi32>
    %and3A_860 = arith.constant -2048 : i32
    %and3A_861 = vector.broadcast %and3A_860 : i32 to vector<256x128xi32>
    %and3A_862 = arith.andi %bitcast_convert_type3A_859, %and3A_861 : vector<256x128xi32>
    %or3A_863 = arith.ori %and3A_862, %add3A_1 : vector<256x128xi32>
    %bitcast_convert_type3A_864 = tpu.bitcast %or3A_863 : vector<256x128xi32> -> vector<256x128xf32>
    %min3A_865 = arith.minimumf %broadcast_in_dim3A_829, %bitcast_convert_type3A_864 : vector<256x128xf32>
    %or3A_866 = arith.ori %and3A_862, %add3A_69 : vector<256x128xi32>
    %bitcast_convert_type3A_867 = tpu.bitcast %or3A_866 : vector<256x128xi32> -> vector<256x128xf32>
    %reshape3A_868 = vector.shape_cast %bitcast_convert_type3A_867 : vector<256x128xf32> to vector<16x16x128xf32>
    %reduce_min3A_869 = arith.constant dense<0x7F800000> : vector<16x128xf32>
    %reduce_min3A_870 = vector.multi_reduction <minimumf>, %reshape3A_868, %reduce_min3A_869 [0] : vector<16x16x128xf32> to vector<16x128xf32>
    %min3A_871 = arith.minimumf %min3A_174, %reduce_min3A_870 : vector<16x128xf32>
    %get3A_872 = arith.constant 0 : index
    %get3A_873 = arith.constant 0 : index
    %get3A_874 = arith.constant 128 : index
    %get3A_875 = vector.load %arg2[%get3A_872, %get3A_873, %get3A_874] : memref<1x3x2048xf32, #tpu.memory_space<vmem>>, vector<1x1x128xf32>
    %get3A_876 = vector.shape_cast %get3A_875 : vector<1x1x128xf32> to vector<1x128xf32>
    %get3A_877 = arith.constant 0 : index
    %get3A_878 = arith.constant 1 : index
    %get3A_879 = arith.constant 128 : index
    %get3A_880 = vector.load %arg2[%get3A_877, %get3A_878, %get3A_879] : memref<1x3x2048xf32, #tpu.memory_space<vmem>>, vector<1x1x128xf32>
    %get3A_881 = vector.shape_cast %get3A_880 : vector<1x1x128xf32> to vector<1x128xf32>
    %get3A_882 = arith.constant 0 : index
    %get3A_883 = arith.constant 2 : index
    %get3A_884 = arith.constant 128 : index
    %get3A_885 = vector.load %arg2[%get3A_882, %get3A_883, %get3A_884] : memref<1x3x2048xf32, #tpu.memory_space<vmem>>, vector<1x1x128xf32>
    %get3A_886 = vector.shape_cast %get3A_885 : vector<1x1x128xf32> to vector<1x128xf32>
    %sub3A_887 = vector.broadcast %get3A_817 : vector<256x1xf32> to vector<256x128xf32>
    %sub3A_888 = vector.broadcast %get3A_876 : vector<1x128xf32> to vector<256x128xf32>
    %sub3A_889 = arith.subf %sub3A_887, %sub3A_888 : vector<256x128xf32>
    %sub3A_890 = vector.broadcast %get3A_822 : vector<256x1xf32> to vector<256x128xf32>
    %sub3A_891 = vector.broadcast %get3A_881 : vector<1x128xf32> to vector<256x128xf32>
    %sub3A_892 = arith.subf %sub3A_890, %sub3A_891 : vector<256x128xf32>
    %sub3A_893 = vector.broadcast %get3A_827 : vector<256x1xf32> to vector<256x128xf32>
    %sub3A_894 = vector.broadcast %get3A_886 : vector<1x128xf32> to vector<256x128xf32>
    %sub3A_895 = arith.subf %sub3A_893, %sub3A_894 : vector<256x128xf32>
    %mul3A_896 = arith.mulf %sub3A_889, %sub3A_889 : vector<256x128xf32>
    %mul3A_897 = arith.mulf %sub3A_892, %sub3A_892 : vector<256x128xf32>
    %add3A_898 = arith.addf %mul3A_896, %mul3A_897 : vector<256x128xf32>
    %mul3A_899 = arith.mulf %sub3A_895, %sub3A_895 : vector<256x128xf32>
    %add3A_900 = arith.addf %add3A_898, %mul3A_899 : vector<256x128xf32>
    %bitcast_convert_type3A_901 = tpu.bitcast %add3A_900 : vector<256x128xf32> -> vector<256x128xi32>
    %and3A_902 = arith.constant -2048 : i32
    %and3A_903 = vector.broadcast %and3A_902 : i32 to vector<256x128xi32>
    %and3A_904 = arith.andi %bitcast_convert_type3A_901, %and3A_903 : vector<256x128xi32>
    %or3A_905 = arith.ori %and3A_904, %add3A_5 : vector<256x128xi32>
    %bitcast_convert_type3A_906 = tpu.bitcast %or3A_905 : vector<256x128xi32> -> vector<256x128xf32>
    %min3A_907 = arith.minimumf %min3A_865, %bitcast_convert_type3A_906 : vector<256x128xf32>
    %or3A_908 = arith.ori %and3A_904, %add3A_69 : vector<256x128xi32>
    %bitcast_convert_type3A_909 = tpu.bitcast %or3A_908 : vector<256x128xi32> -> vector<256x128xf32>
    %reshape3A_910 = vector.shape_cast %bitcast_convert_type3A_909 : vector<256x128xf32> to vector<16x16x128xf32>
    %reduce_min3A_911 = arith.constant dense<0x7F800000> : vector<16x128xf32>
    %reduce_min3A_912 = vector.multi_reduction <minimumf>, %reshape3A_910, %reduce_min3A_911 [0] : vector<16x16x128xf32> to vector<16x128xf32>
    %min3A_913 = arith.minimumf %min3A_216, %reduce_min3A_912 : vector<16x128xf32>
    %get3A_914 = arith.constant 0 : index
    %get3A_915 = arith.constant 0 : index
    %get3A_916 = arith.constant 256 : index
    %get3A_917 = vector.load %arg2[%get3A_914, %get3A_915, %get3A_916] : memref<1x3x2048xf32, #tpu.memory_space<vmem>>, vector<1x1x128xf32>
    %get3A_918 = vector.shape_cast %get3A_917 : vector<1x1x128xf32> to vector<1x128xf32>
    %get3A_919 = arith.constant 0 : index
    %get3A_920 = arith.constant 1 : index
    %get3A_921 = arith.constant 256 : index
    %get3A_922 = vector.load %arg2[%get3A_919, %get3A_920, %get3A_921] : memref<1x3x2048xf32, #tpu.memory_space<vmem>>, vector<1x1x128xf32>
    %get3A_923 = vector.shape_cast %get3A_922 : vector<1x1x128xf32> to vector<1x128xf32>
    %get3A_924 = arith.constant 0 : index
    %get3A_925 = arith.constant 2 : index
    %get3A_926 = arith.constant 256 : index
    %get3A_927 = vector.load %arg2[%get3A_924, %get3A_925, %get3A_926] : memref<1x3x2048xf32, #tpu.memory_space<vmem>>, vector<1x1x128xf32>
    %get3A_928 = vector.shape_cast %get3A_927 : vector<1x1x128xf32> to vector<1x128xf32>
    %sub3A_929 = vector.broadcast %get3A_817 : vector<256x1xf32> to vector<256x128xf32>
    %sub3A_930 = vector.broadcast %get3A_918 : vector<1x128xf32> to vector<256x128xf32>
    %sub3A_931 = arith.subf %sub3A_929, %sub3A_930 : vector<256x128xf32>
    %sub3A_932 = vector.broadcast %get3A_822 : vector<256x1xf32> to vector<256x128xf32>
    %sub3A_933 = vector.broadcast %get3A_923 : vector<1x128xf32> to vector<256x128xf32>
    %sub3A_934 = arith.subf %sub3A_932, %sub3A_933 : vector<256x128xf32>
    %sub3A_935 = vector.broadcast %get3A_827 : vector<256x1xf32> to vector<256x128xf32>
    %sub3A_936 = vector.broadcast %get3A_928 : vector<1x128xf32> to vector<256x128xf32>
    %sub3A_937 = arith.subf %sub3A_935, %sub3A_936 : vector<256x128xf32>
    %mul3A_938 = arith.mulf %sub3A_931, %sub3A_931 : vector<256x128xf32>
    %mul3A_939 = arith.mulf %sub3A_934, %sub3A_934 : vector<256x128xf32>
    %add3A_940 = arith.addf %mul3A_938, %mul3A_939 : vector<256x128xf32>
    %mul3A_941 = arith.mulf %sub3A_937, %sub3A_937 : vector<256x128xf32>
    %add3A_942 = arith.addf %add3A_940, %mul3A_941 : vector<256x128xf32>
    %bitcast_convert_type3A_943 = tpu.bitcast %add3A_942 : vector<256x128xf32> -> vector<256x128xi32>
    %and3A_944 = arith.constant -2048 : i32
    %and3A_945 = vector.broadcast %and3A_944 : i32 to vector<256x128xi32>
    %and3A_946 = arith.andi %bitcast_convert_type3A_943, %and3A_945 : vector<256x128xi32>
    %or3A_947 = arith.ori %and3A_946, %add3A_9 : vector<256x128xi32>
    %bitcast_convert_type3A_948 = tpu.bitcast %or3A_947 : vector<256x128xi32> -> vector<256x128xf32>
    %min3A_949 = arith.minimumf %min3A_907, %bitcast_convert_type3A_948 : vector<256x128xf32>
    %or3A_950 = arith.ori %and3A_946, %add3A_69 : vector<256x128xi32>
    %bitcast_convert_type3A_951 = tpu.bitcast %or3A_950 : vector<256x128xi32> -> vector<256x128xf32>
    %reshape3A_952 = vector.shape_cast %bitcast_convert_type3A_951 : vector<256x128xf32> to vector<16x16x128xf32>
    %reduce_min3A_953 = arith.constant dense<0x7F800000> : vector<16x128xf32>
    %reduce_min3A_954 = vector.multi_reduction <minimumf>, %reshape3A_952, %reduce_min3A_953 [0] : vector<16x16x128xf32> to vector<16x128xf32>
    %min3A_955 = arith.minimumf %min3A_258, %reduce_min3A_954 : vector<16x128xf32>
    %get3A_956 = arith.constant 0 : index
    %get3A_957 = arith.constant 0 : index
    %get3A_958 = arith.constant 384 : index
    %get3A_959 = vector.load %arg2[%get3A_956, %get3A_957, %get3A_958] : memref<1x3x2048xf32, #tpu.memory_space<vmem>>, vector<1x1x128xf32>
    %get3A_960 = vector.shape_cast %get3A_959 : vector<1x1x128xf32> to vector<1x128xf32>
    %get3A_961 = arith.constant 0 : index
    %get3A_962 = arith.constant 1 : index
    %get3A_963 = arith.constant 384 : index
    %get3A_964 = vector.load %arg2[%get3A_961, %get3A_962, %get3A_963] : memref<1x3x2048xf32, #tpu.memory_space<vmem>>, vector<1x1x128xf32>
    %get3A_965 = vector.shape_cast %get3A_964 : vector<1x1x128xf32> to vector<1x128xf32>
    %get3A_966 = arith.constant 0 : index
    %get3A_967 = arith.constant 2 : index
    %get3A_968 = arith.constant 384 : index
    %get3A_969 = vector.load %arg2[%get3A_966, %get3A_967, %get3A_968] : memref<1x3x2048xf32, #tpu.memory_space<vmem>>, vector<1x1x128xf32>
    %get3A_970 = vector.shape_cast %get3A_969 : vector<1x1x128xf32> to vector<1x128xf32>
    %sub3A_971 = vector.broadcast %get3A_817 : vector<256x1xf32> to vector<256x128xf32>
    %sub3A_972 = vector.broadcast %get3A_960 : vector<1x128xf32> to vector<256x128xf32>
    %sub3A_973 = arith.subf %sub3A_971, %sub3A_972 : vector<256x128xf32>
    %sub3A_974 = vector.broadcast %get3A_822 : vector<256x1xf32> to vector<256x128xf32>
    %sub3A_975 = vector.broadcast %get3A_965 : vector<1x128xf32> to vector<256x128xf32>
    %sub3A_976 = arith.subf %sub3A_974, %sub3A_975 : vector<256x128xf32>
    %sub3A_977 = vector.broadcast %get3A_827 : vector<256x1xf32> to vector<256x128xf32>
    %sub3A_978 = vector.broadcast %get3A_970 : vector<1x128xf32> to vector<256x128xf32>
    %sub3A_979 = arith.subf %sub3A_977, %sub3A_978 : vector<256x128xf32>
    %mul3A_980 = arith.mulf %sub3A_973, %sub3A_973 : vector<256x128xf32>
    %mul3A_981 = arith.mulf %sub3A_976, %sub3A_976 : vector<256x128xf32>
    %add3A_982 = arith.addf %mul3A_980, %mul3A_981 : vector<256x128xf32>
    %mul3A_983 = arith.mulf %sub3A_979, %sub3A_979 : vector<256x128xf32>
    %add3A_984 = arith.addf %add3A_982, %mul3A_983 : vector<256x128xf32>
    %bitcast_convert_type3A_985 = tpu.bitcast %add3A_984 : vector<256x128xf32> -> vector<256x128xi32>
    %and3A_986 = arith.constant -2048 : i32
    %and3A_987 = vector.broadcast %and3A_986 : i32 to vector<256x128xi32>
    %and3A_988 = arith.andi %bitcast_convert_type3A_985, %and3A_987 : vector<256x128xi32>
    %or3A_989 = arith.ori %and3A_988, %add3A_13 : vector<256x128xi32>
    %bitcast_convert_type3A_990 = tpu.bitcast %or3A_989 : vector<256x128xi32> -> vector<256x128xf32>
    %min3A_991 = arith.minimumf %min3A_949, %bitcast_convert_type3A_990 : vector<256x128xf32>
    %or3A_992 = arith.ori %and3A_988, %add3A_69 : vector<256x128xi32>
    %bitcast_convert_type3A_993 = tpu.bitcast %or3A_992 : vector<256x128xi32> -> vector<256x128xf32>
    %reshape3A_994 = vector.shape_cast %bitcast_convert_type3A_993 : vector<256x128xf32> to vector<16x16x128xf32>
    %reduce_min3A_995 = arith.constant dense<0x7F800000> : vector<16x128xf32>
    %reduce_min3A_996 = vector.multi_reduction <minimumf>, %reshape3A_994, %reduce_min3A_995 [0] : vector<16x16x128xf32> to vector<16x128xf32>
    %min3A_997 = arith.minimumf %min3A_300, %reduce_min3A_996 : vector<16x128xf32>
    %get3A_998 = arith.constant 0 : index
    %get3A_999 = arith.constant 0 : index
    %get3A_1000 = arith.constant 512 : index
    %get3A_1001 = vector.load %arg2[%get3A_998, %get3A_999, %get3A_1000] : memref<1x3x2048xf32, #tpu.memory_space<vmem>>, vector<1x1x128xf32>
    %get3A_1002 = vector.shape_cast %get3A_1001 : vector<1x1x128xf32> to vector<1x128xf32>
    %get3A_1003 = arith.constant 0 : index
    %get3A_1004 = arith.constant 1 : index
    %get3A_1005 = arith.constant 512 : index
    %get3A_1006 = vector.load %arg2[%get3A_1003, %get3A_1004, %get3A_1005] : memref<1x3x2048xf32, #tpu.memory_space<vmem>>, vector<1x1x128xf32>
    %get3A_1007 = vector.shape_cast %get3A_1006 : vector<1x1x128xf32> to vector<1x128xf32>
    %get3A_1008 = arith.constant 0 : index
    %get3A_1009 = arith.constant 2 : index
    %get3A_1010 = arith.constant 512 : index
    %get3A_1011 = vector.load %arg2[%get3A_1008, %get3A_1009, %get3A_1010] : memref<1x3x2048xf32, #tpu.memory_space<vmem>>, vector<1x1x128xf32>
    %get3A_1012 = vector.shape_cast %get3A_1011 : vector<1x1x128xf32> to vector<1x128xf32>
    %sub3A_1013 = vector.broadcast %get3A_817 : vector<256x1xf32> to vector<256x128xf32>
    %sub3A_1014 = vector.broadcast %get3A_1002 : vector<1x128xf32> to vector<256x128xf32>
    %sub3A_1015 = arith.subf %sub3A_1013, %sub3A_1014 : vector<256x128xf32>
    %sub3A_1016 = vector.broadcast %get3A_822 : vector<256x1xf32> to vector<256x128xf32>
    %sub3A_1017 = vector.broadcast %get3A_1007 : vector<1x128xf32> to vector<256x128xf32>
    %sub3A_1018 = arith.subf %sub3A_1016, %sub3A_1017 : vector<256x128xf32>
    %sub3A_1019 = vector.broadcast %get3A_827 : vector<256x1xf32> to vector<256x128xf32>
    %sub3A_1020 = vector.broadcast %get3A_1012 : vector<1x128xf32> to vector<256x128xf32>
    %sub3A_1021 = arith.subf %sub3A_1019, %sub3A_1020 : vector<256x128xf32>
    %mul3A_1022 = arith.mulf %sub3A_1015, %sub3A_1015 : vector<256x128xf32>
    %mul3A_1023 = arith.mulf %sub3A_1018, %sub3A_1018 : vector<256x128xf32>
    %add3A_1024 = arith.addf %mul3A_1022, %mul3A_1023 : vector<256x128xf32>
    %mul3A_1025 = arith.mulf %sub3A_1021, %sub3A_1021 : vector<256x128xf32>
    %add3A_1026 = arith.addf %add3A_1024, %mul3A_1025 : vector<256x128xf32>
    %bitcast_convert_type3A_1027 = tpu.bitcast %add3A_1026 : vector<256x128xf32> -> vector<256x128xi32>
    %and3A_1028 = arith.constant -2048 : i32
    %and3A_1029 = vector.broadcast %and3A_1028 : i32 to vector<256x128xi32>
    %and3A_1030 = arith.andi %bitcast_convert_type3A_1027, %and3A_1029 : vector<256x128xi32>
    %or3A_1031 = arith.ori %and3A_1030, %add3A_17 : vector<256x128xi32>
    %bitcast_convert_type3A_1032 = tpu.bitcast %or3A_1031 : vector<256x128xi32> -> vector<256x128xf32>
    %min3A_1033 = arith.minimumf %min3A_991, %bitcast_convert_type3A_1032 : vector<256x128xf32>
    %or3A_1034 = arith.ori %and3A_1030, %add3A_69 : vector<256x128xi32>
    %bitcast_convert_type3A_1035 = tpu.bitcast %or3A_1034 : vector<256x128xi32> -> vector<256x128xf32>
    %reshape3A_1036 = vector.shape_cast %bitcast_convert_type3A_1035 : vector<256x128xf32> to vector<16x16x128xf32>
    %reduce_min3A_1037 = arith.constant dense<0x7F800000> : vector<16x128xf32>
    %reduce_min3A_1038 = vector.multi_reduction <minimumf>, %reshape3A_1036, %reduce_min3A_1037 [0] : vector<16x16x128xf32> to vector<16x128xf32>
    %min3A_1039 = arith.minimumf %min3A_342, %reduce_min3A_1038 : vector<16x128xf32>
    %get3A_1040 = arith.constant 0 : index
    %get3A_1041 = arith.constant 0 : index
    %get3A_1042 = arith.constant 640 : index
    %get3A_1043 = vector.load %arg2[%get3A_1040, %get3A_1041, %get3A_1042] : memref<1x3x2048xf32, #tpu.memory_space<vmem>>, vector<1x1x128xf32>
    %get3A_1044 = vector.shape_cast %get3A_1043 : vector<1x1x128xf32> to vector<1x128xf32>
    %get3A_1045 = arith.constant 0 : index
    %get3A_1046 = arith.constant 1 : index
    %get3A_1047 = arith.constant 640 : index
    %get3A_1048 = vector.load %arg2[%get3A_1045, %get3A_1046, %get3A_1047] : memref<1x3x2048xf32, #tpu.memory_space<vmem>>, vector<1x1x128xf32>
    %get3A_1049 = vector.shape_cast %get3A_1048 : vector<1x1x128xf32> to vector<1x128xf32>
    %get3A_1050 = arith.constant 0 : index
    %get3A_1051 = arith.constant 2 : index
    %get3A_1052 = arith.constant 640 : index
    %get3A_1053 = vector.load %arg2[%get3A_1050, %get3A_1051, %get3A_1052] : memref<1x3x2048xf32, #tpu.memory_space<vmem>>, vector<1x1x128xf32>
    %get3A_1054 = vector.shape_cast %get3A_1053 : vector<1x1x128xf32> to vector<1x128xf32>
    %sub3A_1055 = vector.broadcast %get3A_817 : vector<256x1xf32> to vector<256x128xf32>
    %sub3A_1056 = vector.broadcast %get3A_1044 : vector<1x128xf32> to vector<256x128xf32>
    %sub3A_1057 = arith.subf %sub3A_1055, %sub3A_1056 : vector<256x128xf32>
    %sub3A_1058 = vector.broadcast %get3A_822 : vector<256x1xf32> to vector<256x128xf32>
    %sub3A_1059 = vector.broadcast %get3A_1049 : vector<1x128xf32> to vector<256x128xf32>
    %sub3A_1060 = arith.subf %sub3A_1058, %sub3A_1059 : vector<256x128xf32>
    %sub3A_1061 = vector.broadcast %get3A_827 : vector<256x1xf32> to vector<256x128xf32>
    %sub3A_1062 = vector.broadcast %get3A_1054 : vector<1x128xf32> to vector<256x128xf32>
    %sub3A_1063 = arith.subf %sub3A_1061, %sub3A_1062 : vector<256x128xf32>
    %mul3A_1064 = arith.mulf %sub3A_1057, %sub3A_1057 : vector<256x128xf32>
    %mul3A_1065 = arith.mulf %sub3A_1060, %sub3A_1060 : vector<256x128xf32>
    %add3A_1066 = arith.addf %mul3A_1064, %mul3A_1065 : vector<256x128xf32>
    %mul3A_1067 = arith.mulf %sub3A_1063, %sub3A_1063 : vector<256x128xf32>
    %add3A_1068 = arith.addf %add3A_1066, %mul3A_1067 : vector<256x128xf32>
    %bitcast_convert_type3A_1069 = tpu.bitcast %add3A_1068 : vector<256x128xf32> -> vector<256x128xi32>
    %and3A_1070 = arith.constant -2048 : i32
    %and3A_1071 = vector.broadcast %and3A_1070 : i32 to vector<256x128xi32>
    %and3A_1072 = arith.andi %bitcast_convert_type3A_1069, %and3A_1071 : vector<256x128xi32>
    %or3A_1073 = arith.ori %and3A_1072, %add3A_21 : vector<256x128xi32>
    %bitcast_convert_type3A_1074 = tpu.bitcast %or3A_1073 : vector<256x128xi32> -> vector<256x128xf32>
    %min3A_1075 = arith.minimumf %min3A_1033, %bitcast_convert_type3A_1074 : vector<256x128xf32>
    %or3A_1076 = arith.ori %and3A_1072, %add3A_69 : vector<256x128xi32>
    %bitcast_convert_type3A_1077 = tpu.bitcast %or3A_1076 : vector<256x128xi32> -> vector<256x128xf32>
    %reshape3A_1078 = vector.shape_cast %bitcast_convert_type3A_1077 : vector<256x128xf32> to vector<16x16x128xf32>
    %reduce_min3A_1079 = arith.constant dense<0x7F800000> : vector<16x128xf32>
    %reduce_min3A_1080 = vector.multi_reduction <minimumf>, %reshape3A_1078, %reduce_min3A_1079 [0] : vector<16x16x128xf32> to vector<16x128xf32>
    %min3A_1081 = arith.minimumf %min3A_384, %reduce_min3A_1080 : vector<16x128xf32>
    %get3A_1082 = arith.constant 0 : index
    %get3A_1083 = arith.constant 0 : index
    %get3A_1084 = arith.constant 768 : index
    %get3A_1085 = vector.load %arg2[%get3A_1082, %get3A_1083, %get3A_1084] : memref<1x3x2048xf32, #tpu.memory_space<vmem>>, vector<1x1x128xf32>
    %get3A_1086 = vector.shape_cast %get3A_1085 : vector<1x1x128xf32> to vector<1x128xf32>
    %get3A_1087 = arith.constant 0 : index
    %get3A_1088 = arith.constant 1 : index
    %get3A_1089 = arith.constant 768 : index
    %get3A_1090 = vector.load %arg2[%get3A_1087, %get3A_1088, %get3A_1089] : memref<1x3x2048xf32, #tpu.memory_space<vmem>>, vector<1x1x128xf32>
    %get3A_1091 = vector.shape_cast %get3A_1090 : vector<1x1x128xf32> to vector<1x128xf32>
    %get3A_1092 = arith.constant 0 : index
    %get3A_1093 = arith.constant 2 : index
    %get3A_1094 = arith.constant 768 : index
    %get3A_1095 = vector.load %arg2[%get3A_1092, %get3A_1093, %get3A_1094] : memref<1x3x2048xf32, #tpu.memory_space<vmem>>, vector<1x1x128xf32>
    %get3A_1096 = vector.shape_cast %get3A_1095 : vector<1x1x128xf32> to vector<1x128xf32>
    %sub3A_1097 = vector.broadcast %get3A_817 : vector<256x1xf32> to vector<256x128xf32>
    %sub3A_1098 = vector.broadcast %get3A_1086 : vector<1x128xf32> to vector<256x128xf32>
    %sub3A_1099 = arith.subf %sub3A_1097, %sub3A_1098 : vector<256x128xf32>
    %sub3A_1100 = vector.broadcast %get3A_822 : vector<256x1xf32> to vector<256x128xf32>
    %sub3A_1101 = vector.broadcast %get3A_1091 : vector<1x128xf32> to vector<256x128xf32>
    %sub3A_1102 = arith.subf %sub3A_1100, %sub3A_1101 : vector<256x128xf32>
    %sub3A_1103 = vector.broadcast %get3A_827 : vector<256x1xf32> to vector<256x128xf32>
    %sub3A_1104 = vector.broadcast %get3A_1096 : vector<1x128xf32> to vector<256x128xf32>
    %sub3A_1105 = arith.subf %sub3A_1103, %sub3A_1104 : vector<256x128xf32>
    %mul3A_1106 = arith.mulf %sub3A_1099, %sub3A_1099 : vector<256x128xf32>
    %mul3A_1107 = arith.mulf %sub3A_1102, %sub3A_1102 : vector<256x128xf32>
    %add3A_1108 = arith.addf %mul3A_1106, %mul3A_1107 : vector<256x128xf32>
    %mul3A_1109 = arith.mulf %sub3A_1105, %sub3A_1105 : vector<256x128xf32>
    %add3A_1110 = arith.addf %add3A_1108, %mul3A_1109 : vector<256x128xf32>
    %bitcast_convert_type3A_1111 = tpu.bitcast %add3A_1110 : vector<256x128xf32> -> vector<256x128xi32>
    %and3A_1112 = arith.constant -2048 : i32
    %and3A_1113 = vector.broadcast %and3A_1112 : i32 to vector<256x128xi32>
    %and3A_1114 = arith.andi %bitcast_convert_type3A_1111, %and3A_1113 : vector<256x128xi32>
    %or3A_1115 = arith.ori %and3A_1114, %add3A_25 : vector<256x128xi32>
    %bitcast_convert_type3A_1116 = tpu.bitcast %or3A_1115 : vector<256x128xi32> -> vector<256x128xf32>
    %min3A_1117 = arith.minimumf %min3A_1075, %bitcast_convert_type3A_1116 : vector<256x128xf32>
    %or3A_1118 = arith.ori %and3A_1114, %add3A_69 : vector<256x128xi32>
    %bitcast_convert_type3A_1119 = tpu.bitcast %or3A_1118 : vector<256x128xi32> -> vector<256x128xf32>
    %reshape3A_1120 = vector.shape_cast %bitcast_convert_type3A_1119 : vector<256x128xf32> to vector<16x16x128xf32>
    %reduce_min3A_1121 = arith.constant dense<0x7F800000> : vector<16x128xf32>
    %reduce_min3A_1122 = vector.multi_reduction <minimumf>, %reshape3A_1120, %reduce_min3A_1121 [0] : vector<16x16x128xf32> to vector<16x128xf32>
    %min3A_1123 = arith.minimumf %min3A_426, %reduce_min3A_1122 : vector<16x128xf32>
    %get3A_1124 = arith.constant 0 : index
    %get3A_1125 = arith.constant 0 : index
    %get3A_1126 = arith.constant 896 : index
    %get3A_1127 = vector.load %arg2[%get3A_1124, %get3A_1125, %get3A_1126] : memref<1x3x2048xf32, #tpu.memory_space<vmem>>, vector<1x1x128xf32>
    %get3A_1128 = vector.shape_cast %get3A_1127 : vector<1x1x128xf32> to vector<1x128xf32>
    %get3A_1129 = arith.constant 0 : index
    %get3A_1130 = arith.constant 1 : index
    %get3A_1131 = arith.constant 896 : index
    %get3A_1132 = vector.load %arg2[%get3A_1129, %get3A_1130, %get3A_1131] : memref<1x3x2048xf32, #tpu.memory_space<vmem>>, vector<1x1x128xf32>
    %get3A_1133 = vector.shape_cast %get3A_1132 : vector<1x1x128xf32> to vector<1x128xf32>
    %get3A_1134 = arith.constant 0 : index
    %get3A_1135 = arith.constant 2 : index
    %get3A_1136 = arith.constant 896 : index
    %get3A_1137 = vector.load %arg2[%get3A_1134, %get3A_1135, %get3A_1136] : memref<1x3x2048xf32, #tpu.memory_space<vmem>>, vector<1x1x128xf32>
    %get3A_1138 = vector.shape_cast %get3A_1137 : vector<1x1x128xf32> to vector<1x128xf32>
    %sub3A_1139 = vector.broadcast %get3A_817 : vector<256x1xf32> to vector<256x128xf32>
    %sub3A_1140 = vector.broadcast %get3A_1128 : vector<1x128xf32> to vector<256x128xf32>
    %sub3A_1141 = arith.subf %sub3A_1139, %sub3A_1140 : vector<256x128xf32>
    %sub3A_1142 = vector.broadcast %get3A_822 : vector<256x1xf32> to vector<256x128xf32>
    %sub3A_1143 = vector.broadcast %get3A_1133 : vector<1x128xf32> to vector<256x128xf32>
    %sub3A_1144 = arith.subf %sub3A_1142, %sub3A_1143 : vector<256x128xf32>
    %sub3A_1145 = vector.broadcast %get3A_827 : vector<256x1xf32> to vector<256x128xf32>
    %sub3A_1146 = vector.broadcast %get3A_1138 : vector<1x128xf32> to vector<256x128xf32>
    %sub3A_1147 = arith.subf %sub3A_1145, %sub3A_1146 : vector<256x128xf32>
    %mul3A_1148 = arith.mulf %sub3A_1141, %sub3A_1141 : vector<256x128xf32>
    %mul3A_1149 = arith.mulf %sub3A_1144, %sub3A_1144 : vector<256x128xf32>
    %add3A_1150 = arith.addf %mul3A_1148, %mul3A_1149 : vector<256x128xf32>
    %mul3A_1151 = arith.mulf %sub3A_1147, %sub3A_1147 : vector<256x128xf32>
    %add3A_1152 = arith.addf %add3A_1150, %mul3A_1151 : vector<256x128xf32>
    %bitcast_convert_type3A_1153 = tpu.bitcast %add3A_1152 : vector<256x128xf32> -> vector<256x128xi32>
    %and3A_1154 = arith.constant -2048 : i32
    %and3A_1155 = vector.broadcast %and3A_1154 : i32 to vector<256x128xi32>
    %and3A_1156 = arith.andi %bitcast_convert_type3A_1153, %and3A_1155 : vector<256x128xi32>
    %or3A_1157 = arith.ori %and3A_1156, %add3A_29 : vector<256x128xi32>
    %bitcast_convert_type3A_1158 = tpu.bitcast %or3A_1157 : vector<256x128xi32> -> vector<256x128xf32>
    %min3A_1159 = arith.minimumf %min3A_1117, %bitcast_convert_type3A_1158 : vector<256x128xf32>
    %or3A_1160 = arith.ori %and3A_1156, %add3A_69 : vector<256x128xi32>
    %bitcast_convert_type3A_1161 = tpu.bitcast %or3A_1160 : vector<256x128xi32> -> vector<256x128xf32>
    %reshape3A_1162 = vector.shape_cast %bitcast_convert_type3A_1161 : vector<256x128xf32> to vector<16x16x128xf32>
    %reduce_min3A_1163 = arith.constant dense<0x7F800000> : vector<16x128xf32>
    %reduce_min3A_1164 = vector.multi_reduction <minimumf>, %reshape3A_1162, %reduce_min3A_1163 [0] : vector<16x16x128xf32> to vector<16x128xf32>
    %min3A_1165 = arith.minimumf %min3A_468, %reduce_min3A_1164 : vector<16x128xf32>
    %get3A_1166 = arith.constant 0 : index
    %get3A_1167 = arith.constant 0 : index
    %get3A_1168 = arith.constant 1024 : index
    %get3A_1169 = vector.load %arg2[%get3A_1166, %get3A_1167, %get3A_1168] : memref<1x3x2048xf32, #tpu.memory_space<vmem>>, vector<1x1x128xf32>
    %get3A_1170 = vector.shape_cast %get3A_1169 : vector<1x1x128xf32> to vector<1x128xf32>
    %get3A_1171 = arith.constant 0 : index
    %get3A_1172 = arith.constant 1 : index
    %get3A_1173 = arith.constant 1024 : index
    %get3A_1174 = vector.load %arg2[%get3A_1171, %get3A_1172, %get3A_1173] : memref<1x3x2048xf32, #tpu.memory_space<vmem>>, vector<1x1x128xf32>
    %get3A_1175 = vector.shape_cast %get3A_1174 : vector<1x1x128xf32> to vector<1x128xf32>
    %get3A_1176 = arith.constant 0 : index
    %get3A_1177 = arith.constant 2 : index
    %get3A_1178 = arith.constant 1024 : index
    %get3A_1179 = vector.load %arg2[%get3A_1176, %get3A_1177, %get3A_1178] : memref<1x3x2048xf32, #tpu.memory_space<vmem>>, vector<1x1x128xf32>
    %get3A_1180 = vector.shape_cast %get3A_1179 : vector<1x1x128xf32> to vector<1x128xf32>
    %sub3A_1181 = vector.broadcast %get3A_817 : vector<256x1xf32> to vector<256x128xf32>
    %sub3A_1182 = vector.broadcast %get3A_1170 : vector<1x128xf32> to vector<256x128xf32>
    %sub3A_1183 = arith.subf %sub3A_1181, %sub3A_1182 : vector<256x128xf32>
    %sub3A_1184 = vector.broadcast %get3A_822 : vector<256x1xf32> to vector<256x128xf32>
    %sub3A_1185 = vector.broadcast %get3A_1175 : vector<1x128xf32> to vector<256x128xf32>
    %sub3A_1186 = arith.subf %sub3A_1184, %sub3A_1185 : vector<256x128xf32>
    %sub3A_1187 = vector.broadcast %get3A_827 : vector<256x1xf32> to vector<256x128xf32>
    %sub3A_1188 = vector.broadcast %get3A_1180 : vector<1x128xf32> to vector<256x128xf32>
    %sub3A_1189 = arith.subf %sub3A_1187, %sub3A_1188 : vector<256x128xf32>
    %mul3A_1190 = arith.mulf %sub3A_1183, %sub3A_1183 : vector<256x128xf32>
    %mul3A_1191 = arith.mulf %sub3A_1186, %sub3A_1186 : vector<256x128xf32>
    %add3A_1192 = arith.addf %mul3A_1190, %mul3A_1191 : vector<256x128xf32>
    %mul3A_1193 = arith.mulf %sub3A_1189, %sub3A_1189 : vector<256x128xf32>
    %add3A_1194 = arith.addf %add3A_1192, %mul3A_1193 : vector<256x128xf32>
    %bitcast_convert_type3A_1195 = tpu.bitcast %add3A_1194 : vector<256x128xf32> -> vector<256x128xi32>
    %and3A_1196 = arith.constant -2048 : i32
    %and3A_1197 = vector.broadcast %and3A_1196 : i32 to vector<256x128xi32>
    %and3A_1198 = arith.andi %bitcast_convert_type3A_1195, %and3A_1197 : vector<256x128xi32>
    %or3A_1199 = arith.ori %and3A_1198, %add3A_33 : vector<256x128xi32>
    %bitcast_convert_type3A_1200 = tpu.bitcast %or3A_1199 : vector<256x128xi32> -> vector<256x128xf32>
    %min3A_1201 = arith.minimumf %min3A_1159, %bitcast_convert_type3A_1200 : vector<256x128xf32>
    %or3A_1202 = arith.ori %and3A_1198, %add3A_69 : vector<256x128xi32>
    %bitcast_convert_type3A_1203 = tpu.bitcast %or3A_1202 : vector<256x128xi32> -> vector<256x128xf32>
    %reshape3A_1204 = vector.shape_cast %bitcast_convert_type3A_1203 : vector<256x128xf32> to vector<16x16x128xf32>
    %reduce_min3A_1205 = arith.constant dense<0x7F800000> : vector<16x128xf32>
    %reduce_min3A_1206 = vector.multi_reduction <minimumf>, %reshape3A_1204, %reduce_min3A_1205 [0] : vector<16x16x128xf32> to vector<16x128xf32>
    %min3A_1207 = arith.minimumf %min3A_510, %reduce_min3A_1206 : vector<16x128xf32>
    %get3A_1208 = arith.constant 0 : index
    %get3A_1209 = arith.constant 0 : index
    %get3A_1210 = arith.constant 1152 : index
    %get3A_1211 = vector.load %arg2[%get3A_1208, %get3A_1209, %get3A_1210] : memref<1x3x2048xf32, #tpu.memory_space<vmem>>, vector<1x1x128xf32>
    %get3A_1212 = vector.shape_cast %get3A_1211 : vector<1x1x128xf32> to vector<1x128xf32>
    %get3A_1213 = arith.constant 0 : index
    %get3A_1214 = arith.constant 1 : index
    %get3A_1215 = arith.constant 1152 : index
    %get3A_1216 = vector.load %arg2[%get3A_1213, %get3A_1214, %get3A_1215] : memref<1x3x2048xf32, #tpu.memory_space<vmem>>, vector<1x1x128xf32>
    %get3A_1217 = vector.shape_cast %get3A_1216 : vector<1x1x128xf32> to vector<1x128xf32>
    %get3A_1218 = arith.constant 0 : index
    %get3A_1219 = arith.constant 2 : index
    %get3A_1220 = arith.constant 1152 : index
    %get3A_1221 = vector.load %arg2[%get3A_1218, %get3A_1219, %get3A_1220] : memref<1x3x2048xf32, #tpu.memory_space<vmem>>, vector<1x1x128xf32>
    %get3A_1222 = vector.shape_cast %get3A_1221 : vector<1x1x128xf32> to vector<1x128xf32>
    %sub3A_1223 = vector.broadcast %get3A_817 : vector<256x1xf32> to vector<256x128xf32>
    %sub3A_1224 = vector.broadcast %get3A_1212 : vector<1x128xf32> to vector<256x128xf32>
    %sub3A_1225 = arith.subf %sub3A_1223, %sub3A_1224 : vector<256x128xf32>
    %sub3A_1226 = vector.broadcast %get3A_822 : vector<256x1xf32> to vector<256x128xf32>
    %sub3A_1227 = vector.broadcast %get3A_1217 : vector<1x128xf32> to vector<256x128xf32>
    %sub3A_1228 = arith.subf %sub3A_1226, %sub3A_1227 : vector<256x128xf32>
    %sub3A_1229 = vector.broadcast %get3A_827 : vector<256x1xf32> to vector<256x128xf32>
    %sub3A_1230 = vector.broadcast %get3A_1222 : vector<1x128xf32> to vector<256x128xf32>
    %sub3A_1231 = arith.subf %sub3A_1229, %sub3A_1230 : vector<256x128xf32>
    %mul3A_1232 = arith.mulf %sub3A_1225, %sub3A_1225 : vector<256x128xf32>
    %mul3A_1233 = arith.mulf %sub3A_1228, %sub3A_1228 : vector<256x128xf32>
    %add3A_1234 = arith.addf %mul3A_1232, %mul3A_1233 : vector<256x128xf32>
    %mul3A_1235 = arith.mulf %sub3A_1231, %sub3A_1231 : vector<256x128xf32>
    %add3A_1236 = arith.addf %add3A_1234, %mul3A_1235 : vector<256x128xf32>
    %bitcast_convert_type3A_1237 = tpu.bitcast %add3A_1236 : vector<256x128xf32> -> vector<256x128xi32>
    %and3A_1238 = arith.constant -2048 : i32
    %and3A_1239 = vector.broadcast %and3A_1238 : i32 to vector<256x128xi32>
    %and3A_1240 = arith.andi %bitcast_convert_type3A_1237, %and3A_1239 : vector<256x128xi32>
    %or3A_1241 = arith.ori %and3A_1240, %add3A_37 : vector<256x128xi32>
    %bitcast_convert_type3A_1242 = tpu.bitcast %or3A_1241 : vector<256x128xi32> -> vector<256x128xf32>
    %min3A_1243 = arith.minimumf %min3A_1201, %bitcast_convert_type3A_1242 : vector<256x128xf32>
    %or3A_1244 = arith.ori %and3A_1240, %add3A_69 : vector<256x128xi32>
    %bitcast_convert_type3A_1245 = tpu.bitcast %or3A_1244 : vector<256x128xi32> -> vector<256x128xf32>
    %reshape3A_1246 = vector.shape_cast %bitcast_convert_type3A_1245 : vector<256x128xf32> to vector<16x16x128xf32>
    %reduce_min3A_1247 = arith.constant dense<0x7F800000> : vector<16x128xf32>
    %reduce_min3A_1248 = vector.multi_reduction <minimumf>, %reshape3A_1246, %reduce_min3A_1247 [0] : vector<16x16x128xf32> to vector<16x128xf32>
    %min3A_1249 = arith.minimumf %min3A_552, %reduce_min3A_1248 : vector<16x128xf32>
    %get3A_1250 = arith.constant 0 : index
    %get3A_1251 = arith.constant 0 : index
    %get3A_1252 = arith.constant 1280 : index
    %get3A_1253 = vector.load %arg2[%get3A_1250, %get3A_1251, %get3A_1252] : memref<1x3x2048xf32, #tpu.memory_space<vmem>>, vector<1x1x128xf32>
    %get3A_1254 = vector.shape_cast %get3A_1253 : vector<1x1x128xf32> to vector<1x128xf32>
    %get3A_1255 = arith.constant 0 : index
    %get3A_1256 = arith.constant 1 : index
    %get3A_1257 = arith.constant 1280 : index
    %get3A_1258 = vector.load %arg2[%get3A_1255, %get3A_1256, %get3A_1257] : memref<1x3x2048xf32, #tpu.memory_space<vmem>>, vector<1x1x128xf32>
    %get3A_1259 = vector.shape_cast %get3A_1258 : vector<1x1x128xf32> to vector<1x128xf32>
    %get3A_1260 = arith.constant 0 : index
    %get3A_1261 = arith.constant 2 : index
    %get3A_1262 = arith.constant 1280 : index
    %get3A_1263 = vector.load %arg2[%get3A_1260, %get3A_1261, %get3A_1262] : memref<1x3x2048xf32, #tpu.memory_space<vmem>>, vector<1x1x128xf32>
    %get3A_1264 = vector.shape_cast %get3A_1263 : vector<1x1x128xf32> to vector<1x128xf32>
    %sub3A_1265 = vector.broadcast %get3A_817 : vector<256x1xf32> to vector<256x128xf32>
    %sub3A_1266 = vector.broadcast %get3A_1254 : vector<1x128xf32> to vector<256x128xf32>
    %sub3A_1267 = arith.subf %sub3A_1265, %sub3A_1266 : vector<256x128xf32>
    %sub3A_1268 = vector.broadcast %get3A_822 : vector<256x1xf32> to vector<256x128xf32>
    %sub3A_1269 = vector.broadcast %get3A_1259 : vector<1x128xf32> to vector<256x128xf32>
    %sub3A_1270 = arith.subf %sub3A_1268, %sub3A_1269 : vector<256x128xf32>
    %sub3A_1271 = vector.broadcast %get3A_827 : vector<256x1xf32> to vector<256x128xf32>
    %sub3A_1272 = vector.broadcast %get3A_1264 : vector<1x128xf32> to vector<256x128xf32>
    %sub3A_1273 = arith.subf %sub3A_1271, %sub3A_1272 : vector<256x128xf32>
    %mul3A_1274 = arith.mulf %sub3A_1267, %sub3A_1267 : vector<256x128xf32>
    %mul3A_1275 = arith.mulf %sub3A_1270, %sub3A_1270 : vector<256x128xf32>
    %add3A_1276 = arith.addf %mul3A_1274, %mul3A_1275 : vector<256x128xf32>
    %mul3A_1277 = arith.mulf %sub3A_1273, %sub3A_1273 : vector<256x128xf32>
    %add3A_1278 = arith.addf %add3A_1276, %mul3A_1277 : vector<256x128xf32>
    %bitcast_convert_type3A_1279 = tpu.bitcast %add3A_1278 : vector<256x128xf32> -> vector<256x128xi32>
    %and3A_1280 = arith.constant -2048 : i32
    %and3A_1281 = vector.broadcast %and3A_1280 : i32 to vector<256x128xi32>
    %and3A_1282 = arith.andi %bitcast_convert_type3A_1279, %and3A_1281 : vector<256x128xi32>
    %or3A_1283 = arith.ori %and3A_1282, %add3A_41 : vector<256x128xi32>
    %bitcast_convert_type3A_1284 = tpu.bitcast %or3A_1283 : vector<256x128xi32> -> vector<256x128xf32>
    %min3A_1285 = arith.minimumf %min3A_1243, %bitcast_convert_type3A_1284 : vector<256x128xf32>
    %or3A_1286 = arith.ori %and3A_1282, %add3A_69 : vector<256x128xi32>
    %bitcast_convert_type3A_1287 = tpu.bitcast %or3A_1286 : vector<256x128xi32> -> vector<256x128xf32>
    %reshape3A_1288 = vector.shape_cast %bitcast_convert_type3A_1287 : vector<256x128xf32> to vector<16x16x128xf32>
    %reduce_min3A_1289 = arith.constant dense<0x7F800000> : vector<16x128xf32>
    %reduce_min3A_1290 = vector.multi_reduction <minimumf>, %reshape3A_1288, %reduce_min3A_1289 [0] : vector<16x16x128xf32> to vector<16x128xf32>
    %min3A_1291 = arith.minimumf %min3A_594, %reduce_min3A_1290 : vector<16x128xf32>
    %get3A_1292 = arith.constant 0 : index
    %get3A_1293 = arith.constant 0 : index
    %get3A_1294 = arith.constant 1408 : index
    %get3A_1295 = vector.load %arg2[%get3A_1292, %get3A_1293, %get3A_1294] : memref<1x3x2048xf32, #tpu.memory_space<vmem>>, vector<1x1x128xf32>
    %get3A_1296 = vector.shape_cast %get3A_1295 : vector<1x1x128xf32> to vector<1x128xf32>
    %get3A_1297 = arith.constant 0 : index
    %get3A_1298 = arith.constant 1 : index
    %get3A_1299 = arith.constant 1408 : index
    %get3A_1300 = vector.load %arg2[%get3A_1297, %get3A_1298, %get3A_1299] : memref<1x3x2048xf32, #tpu.memory_space<vmem>>, vector<1x1x128xf32>
    %get3A_1301 = vector.shape_cast %get3A_1300 : vector<1x1x128xf32> to vector<1x128xf32>
    %get3A_1302 = arith.constant 0 : index
    %get3A_1303 = arith.constant 2 : index
    %get3A_1304 = arith.constant 1408 : index
    %get3A_1305 = vector.load %arg2[%get3A_1302, %get3A_1303, %get3A_1304] : memref<1x3x2048xf32, #tpu.memory_space<vmem>>, vector<1x1x128xf32>
    %get3A_1306 = vector.shape_cast %get3A_1305 : vector<1x1x128xf32> to vector<1x128xf32>
    %sub3A_1307 = vector.broadcast %get3A_817 : vector<256x1xf32> to vector<256x128xf32>
    %sub3A_1308 = vector.broadcast %get3A_1296 : vector<1x128xf32> to vector<256x128xf32>
    %sub3A_1309 = arith.subf %sub3A_1307, %sub3A_1308 : vector<256x128xf32>
    %sub3A_1310 = vector.broadcast %get3A_822 : vector<256x1xf32> to vector<256x128xf32>
    %sub3A_1311 = vector.broadcast %get3A_1301 : vector<1x128xf32> to vector<256x128xf32>
    %sub3A_1312 = arith.subf %sub3A_1310, %sub3A_1311 : vector<256x128xf32>
    %sub3A_1313 = vector.broadcast %get3A_827 : vector<256x1xf32> to vector<256x128xf32>
    %sub3A_1314 = vector.broadcast %get3A_1306 : vector<1x128xf32> to vector<256x128xf32>
    %sub3A_1315 = arith.subf %sub3A_1313, %sub3A_1314 : vector<256x128xf32>
    %mul3A_1316 = arith.mulf %sub3A_1309, %sub3A_1309 : vector<256x128xf32>
    %mul3A_1317 = arith.mulf %sub3A_1312, %sub3A_1312 : vector<256x128xf32>
    %add3A_1318 = arith.addf %mul3A_1316, %mul3A_1317 : vector<256x128xf32>
    %mul3A_1319 = arith.mulf %sub3A_1315, %sub3A_1315 : vector<256x128xf32>
    %add3A_1320 = arith.addf %add3A_1318, %mul3A_1319 : vector<256x128xf32>
    %bitcast_convert_type3A_1321 = tpu.bitcast %add3A_1320 : vector<256x128xf32> -> vector<256x128xi32>
    %and3A_1322 = arith.constant -2048 : i32
    %and3A_1323 = vector.broadcast %and3A_1322 : i32 to vector<256x128xi32>
    %and3A_1324 = arith.andi %bitcast_convert_type3A_1321, %and3A_1323 : vector<256x128xi32>
    %or3A_1325 = arith.ori %and3A_1324, %add3A_45 : vector<256x128xi32>
    %bitcast_convert_type3A_1326 = tpu.bitcast %or3A_1325 : vector<256x128xi32> -> vector<256x128xf32>
    %min3A_1327 = arith.minimumf %min3A_1285, %bitcast_convert_type3A_1326 : vector<256x128xf32>
    %or3A_1328 = arith.ori %and3A_1324, %add3A_69 : vector<256x128xi32>
    %bitcast_convert_type3A_1329 = tpu.bitcast %or3A_1328 : vector<256x128xi32> -> vector<256x128xf32>
    %reshape3A_1330 = vector.shape_cast %bitcast_convert_type3A_1329 : vector<256x128xf32> to vector<16x16x128xf32>
    %reduce_min3A_1331 = arith.constant dense<0x7F800000> : vector<16x128xf32>
    %reduce_min3A_1332 = vector.multi_reduction <minimumf>, %reshape3A_1330, %reduce_min3A_1331 [0] : vector<16x16x128xf32> to vector<16x128xf32>
    %min3A_1333 = arith.minimumf %min3A_636, %reduce_min3A_1332 : vector<16x128xf32>
    %get3A_1334 = arith.constant 0 : index
    %get3A_1335 = arith.constant 0 : index
    %get3A_1336 = arith.constant 1536 : index
    %get3A_1337 = vector.load %arg2[%get3A_1334, %get3A_1335, %get3A_1336] : memref<1x3x2048xf32, #tpu.memory_space<vmem>>, vector<1x1x128xf32>
    %get3A_1338 = vector.shape_cast %get3A_1337 : vector<1x1x128xf32> to vector<1x128xf32>
    %get3A_1339 = arith.constant 0 : index
    %get3A_1340 = arith.constant 1 : index
    %get3A_1341 = arith.constant 1536 : index
    %get3A_1342 = vector.load %arg2[%get3A_1339, %get3A_1340, %get3A_1341] : memref<1x3x2048xf32, #tpu.memory_space<vmem>>, vector<1x1x128xf32>
    %get3A_1343 = vector.shape_cast %get3A_1342 : vector<1x1x128xf32> to vector<1x128xf32>
    %get3A_1344 = arith.constant 0 : index
    %get3A_1345 = arith.constant 2 : index
    %get3A_1346 = arith.constant 1536 : index
    %get3A_1347 = vector.load %arg2[%get3A_1344, %get3A_1345, %get3A_1346] : memref<1x3x2048xf32, #tpu.memory_space<vmem>>, vector<1x1x128xf32>
    %get3A_1348 = vector.shape_cast %get3A_1347 : vector<1x1x128xf32> to vector<1x128xf32>
    %sub3A_1349 = vector.broadcast %get3A_817 : vector<256x1xf32> to vector<256x128xf32>
    %sub3A_1350 = vector.broadcast %get3A_1338 : vector<1x128xf32> to vector<256x128xf32>
    %sub3A_1351 = arith.subf %sub3A_1349, %sub3A_1350 : vector<256x128xf32>
    %sub3A_1352 = vector.broadcast %get3A_822 : vector<256x1xf32> to vector<256x128xf32>
    %sub3A_1353 = vector.broadcast %get3A_1343 : vector<1x128xf32> to vector<256x128xf32>
    %sub3A_1354 = arith.subf %sub3A_1352, %sub3A_1353 : vector<256x128xf32>
    %sub3A_1355 = vector.broadcast %get3A_827 : vector<256x1xf32> to vector<256x128xf32>
    %sub3A_1356 = vector.broadcast %get3A_1348 : vector<1x128xf32> to vector<256x128xf32>
    %sub3A_1357 = arith.subf %sub3A_1355, %sub3A_1356 : vector<256x128xf32>
    %mul3A_1358 = arith.mulf %sub3A_1351, %sub3A_1351 : vector<256x128xf32>
    %mul3A_1359 = arith.mulf %sub3A_1354, %sub3A_1354 : vector<256x128xf32>
    %add3A_1360 = arith.addf %mul3A_1358, %mul3A_1359 : vector<256x128xf32>
    %mul3A_1361 = arith.mulf %sub3A_1357, %sub3A_1357 : vector<256x128xf32>
    %add3A_1362 = arith.addf %add3A_1360, %mul3A_1361 : vector<256x128xf32>
    %bitcast_convert_type3A_1363 = tpu.bitcast %add3A_1362 : vector<256x128xf32> -> vector<256x128xi32>
    %and3A_1364 = arith.constant -2048 : i32
    %and3A_1365 = vector.broadcast %and3A_1364 : i32 to vector<256x128xi32>
    %and3A_1366 = arith.andi %bitcast_convert_type3A_1363, %and3A_1365 : vector<256x128xi32>
    %or3A_1367 = arith.ori %and3A_1366, %add3A_49 : vector<256x128xi32>
    %bitcast_convert_type3A_1368 = tpu.bitcast %or3A_1367 : vector<256x128xi32> -> vector<256x128xf32>
    %min3A_1369 = arith.minimumf %min3A_1327, %bitcast_convert_type3A_1368 : vector<256x128xf32>
    %or3A_1370 = arith.ori %and3A_1366, %add3A_69 : vector<256x128xi32>
    %bitcast_convert_type3A_1371 = tpu.bitcast %or3A_1370 : vector<256x128xi32> -> vector<256x128xf32>
    %reshape3A_1372 = vector.shape_cast %bitcast_convert_type3A_1371 : vector<256x128xf32> to vector<16x16x128xf32>
    %reduce_min3A_1373 = arith.constant dense<0x7F800000> : vector<16x128xf32>
    %reduce_min3A_1374 = vector.multi_reduction <minimumf>, %reshape3A_1372, %reduce_min3A_1373 [0] : vector<16x16x128xf32> to vector<16x128xf32>
    %min3A_1375 = arith.minimumf %min3A_678, %reduce_min3A_1374 : vector<16x128xf32>
    %get3A_1376 = arith.constant 0 : index
    %get3A_1377 = arith.constant 0 : index
    %get3A_1378 = arith.constant 1664 : index
    %get3A_1379 = vector.load %arg2[%get3A_1376, %get3A_1377, %get3A_1378] : memref<1x3x2048xf32, #tpu.memory_space<vmem>>, vector<1x1x128xf32>
    %get3A_1380 = vector.shape_cast %get3A_1379 : vector<1x1x128xf32> to vector<1x128xf32>
    %get3A_1381 = arith.constant 0 : index
    %get3A_1382 = arith.constant 1 : index
    %get3A_1383 = arith.constant 1664 : index
    %get3A_1384 = vector.load %arg2[%get3A_1381, %get3A_1382, %get3A_1383] : memref<1x3x2048xf32, #tpu.memory_space<vmem>>, vector<1x1x128xf32>
    %get3A_1385 = vector.shape_cast %get3A_1384 : vector<1x1x128xf32> to vector<1x128xf32>
    %get3A_1386 = arith.constant 0 : index
    %get3A_1387 = arith.constant 2 : index
    %get3A_1388 = arith.constant 1664 : index
    %get3A_1389 = vector.load %arg2[%get3A_1386, %get3A_1387, %get3A_1388] : memref<1x3x2048xf32, #tpu.memory_space<vmem>>, vector<1x1x128xf32>
    %get3A_1390 = vector.shape_cast %get3A_1389 : vector<1x1x128xf32> to vector<1x128xf32>
    %sub3A_1391 = vector.broadcast %get3A_817 : vector<256x1xf32> to vector<256x128xf32>
    %sub3A_1392 = vector.broadcast %get3A_1380 : vector<1x128xf32> to vector<256x128xf32>
    %sub3A_1393 = arith.subf %sub3A_1391, %sub3A_1392 : vector<256x128xf32>
    %sub3A_1394 = vector.broadcast %get3A_822 : vector<256x1xf32> to vector<256x128xf32>
    %sub3A_1395 = vector.broadcast %get3A_1385 : vector<1x128xf32> to vector<256x128xf32>
    %sub3A_1396 = arith.subf %sub3A_1394, %sub3A_1395 : vector<256x128xf32>
    %sub3A_1397 = vector.broadcast %get3A_827 : vector<256x1xf32> to vector<256x128xf32>
    %sub3A_1398 = vector.broadcast %get3A_1390 : vector<1x128xf32> to vector<256x128xf32>
    %sub3A_1399 = arith.subf %sub3A_1397, %sub3A_1398 : vector<256x128xf32>
    %mul3A_1400 = arith.mulf %sub3A_1393, %sub3A_1393 : vector<256x128xf32>
    %mul3A_1401 = arith.mulf %sub3A_1396, %sub3A_1396 : vector<256x128xf32>
    %add3A_1402 = arith.addf %mul3A_1400, %mul3A_1401 : vector<256x128xf32>
    %mul3A_1403 = arith.mulf %sub3A_1399, %sub3A_1399 : vector<256x128xf32>
    %add3A_1404 = arith.addf %add3A_1402, %mul3A_1403 : vector<256x128xf32>
    %bitcast_convert_type3A_1405 = tpu.bitcast %add3A_1404 : vector<256x128xf32> -> vector<256x128xi32>
    %and3A_1406 = arith.constant -2048 : i32
    %and3A_1407 = vector.broadcast %and3A_1406 : i32 to vector<256x128xi32>
    %and3A_1408 = arith.andi %bitcast_convert_type3A_1405, %and3A_1407 : vector<256x128xi32>
    %or3A_1409 = arith.ori %and3A_1408, %add3A_53 : vector<256x128xi32>
    %bitcast_convert_type3A_1410 = tpu.bitcast %or3A_1409 : vector<256x128xi32> -> vector<256x128xf32>
    %min3A_1411 = arith.minimumf %min3A_1369, %bitcast_convert_type3A_1410 : vector<256x128xf32>
    %or3A_1412 = arith.ori %and3A_1408, %add3A_69 : vector<256x128xi32>
    %bitcast_convert_type3A_1413 = tpu.bitcast %or3A_1412 : vector<256x128xi32> -> vector<256x128xf32>
    %reshape3A_1414 = vector.shape_cast %bitcast_convert_type3A_1413 : vector<256x128xf32> to vector<16x16x128xf32>
    %reduce_min3A_1415 = arith.constant dense<0x7F800000> : vector<16x128xf32>
    %reduce_min3A_1416 = vector.multi_reduction <minimumf>, %reshape3A_1414, %reduce_min3A_1415 [0] : vector<16x16x128xf32> to vector<16x128xf32>
    %min3A_1417 = arith.minimumf %min3A_720, %reduce_min3A_1416 : vector<16x128xf32>
    %get3A_1418 = arith.constant 0 : index
    %get3A_1419 = arith.constant 0 : index
    %get3A_1420 = arith.constant 1792 : index
    %get3A_1421 = vector.load %arg2[%get3A_1418, %get3A_1419, %get3A_1420] : memref<1x3x2048xf32, #tpu.memory_space<vmem>>, vector<1x1x128xf32>
    %get3A_1422 = vector.shape_cast %get3A_1421 : vector<1x1x128xf32> to vector<1x128xf32>
    %get3A_1423 = arith.constant 0 : index
    %get3A_1424 = arith.constant 1 : index
    %get3A_1425 = arith.constant 1792 : index
    %get3A_1426 = vector.load %arg2[%get3A_1423, %get3A_1424, %get3A_1425] : memref<1x3x2048xf32, #tpu.memory_space<vmem>>, vector<1x1x128xf32>
    %get3A_1427 = vector.shape_cast %get3A_1426 : vector<1x1x128xf32> to vector<1x128xf32>
    %get3A_1428 = arith.constant 0 : index
    %get3A_1429 = arith.constant 2 : index
    %get3A_1430 = arith.constant 1792 : index
    %get3A_1431 = vector.load %arg2[%get3A_1428, %get3A_1429, %get3A_1430] : memref<1x3x2048xf32, #tpu.memory_space<vmem>>, vector<1x1x128xf32>
    %get3A_1432 = vector.shape_cast %get3A_1431 : vector<1x1x128xf32> to vector<1x128xf32>
    %sub3A_1433 = vector.broadcast %get3A_817 : vector<256x1xf32> to vector<256x128xf32>
    %sub3A_1434 = vector.broadcast %get3A_1422 : vector<1x128xf32> to vector<256x128xf32>
    %sub3A_1435 = arith.subf %sub3A_1433, %sub3A_1434 : vector<256x128xf32>
    %sub3A_1436 = vector.broadcast %get3A_822 : vector<256x1xf32> to vector<256x128xf32>
    %sub3A_1437 = vector.broadcast %get3A_1427 : vector<1x128xf32> to vector<256x128xf32>
    %sub3A_1438 = arith.subf %sub3A_1436, %sub3A_1437 : vector<256x128xf32>
    %sub3A_1439 = vector.broadcast %get3A_827 : vector<256x1xf32> to vector<256x128xf32>
    %sub3A_1440 = vector.broadcast %get3A_1432 : vector<1x128xf32> to vector<256x128xf32>
    %sub3A_1441 = arith.subf %sub3A_1439, %sub3A_1440 : vector<256x128xf32>
    %mul3A_1442 = arith.mulf %sub3A_1435, %sub3A_1435 : vector<256x128xf32>
    %mul3A_1443 = arith.mulf %sub3A_1438, %sub3A_1438 : vector<256x128xf32>
    %add3A_1444 = arith.addf %mul3A_1442, %mul3A_1443 : vector<256x128xf32>
    %mul3A_1445 = arith.mulf %sub3A_1441, %sub3A_1441 : vector<256x128xf32>
    %add3A_1446 = arith.addf %add3A_1444, %mul3A_1445 : vector<256x128xf32>
    %bitcast_convert_type3A_1447 = tpu.bitcast %add3A_1446 : vector<256x128xf32> -> vector<256x128xi32>
    %and3A_1448 = arith.constant -2048 : i32
    %and3A_1449 = vector.broadcast %and3A_1448 : i32 to vector<256x128xi32>
    %and3A_1450 = arith.andi %bitcast_convert_type3A_1447, %and3A_1449 : vector<256x128xi32>
    %or3A_1451 = arith.ori %and3A_1450, %add3A_57 : vector<256x128xi32>
    %bitcast_convert_type3A_1452 = tpu.bitcast %or3A_1451 : vector<256x128xi32> -> vector<256x128xf32>
    %min3A_1453 = arith.minimumf %min3A_1411, %bitcast_convert_type3A_1452 : vector<256x128xf32>
    %or3A_1454 = arith.ori %and3A_1450, %add3A_69 : vector<256x128xi32>
    %bitcast_convert_type3A_1455 = tpu.bitcast %or3A_1454 : vector<256x128xi32> -> vector<256x128xf32>
    %reshape3A_1456 = vector.shape_cast %bitcast_convert_type3A_1455 : vector<256x128xf32> to vector<16x16x128xf32>
    %reduce_min3A_1457 = arith.constant dense<0x7F800000> : vector<16x128xf32>
    %reduce_min3A_1458 = vector.multi_reduction <minimumf>, %reshape3A_1456, %reduce_min3A_1457 [0] : vector<16x16x128xf32> to vector<16x128xf32>
    %min3A_1459 = arith.minimumf %min3A_762, %reduce_min3A_1458 : vector<16x128xf32>
    %get3A_1460 = arith.constant 0 : index
    %get3A_1461 = arith.constant 0 : index
    %get3A_1462 = arith.constant 1920 : index
    %get3A_1463 = vector.load %arg2[%get3A_1460, %get3A_1461, %get3A_1462] : memref<1x3x2048xf32, #tpu.memory_space<vmem>>, vector<1x1x128xf32>
    %get3A_1464 = vector.shape_cast %get3A_1463 : vector<1x1x128xf32> to vector<1x128xf32>
    %get3A_1465 = arith.constant 0 : index
    %get3A_1466 = arith.constant 1 : index
    %get3A_1467 = arith.constant 1920 : index
    %get3A_1468 = vector.load %arg2[%get3A_1465, %get3A_1466, %get3A_1467] : memref<1x3x2048xf32, #tpu.memory_space<vmem>>, vector<1x1x128xf32>
    %get3A_1469 = vector.shape_cast %get3A_1468 : vector<1x1x128xf32> to vector<1x128xf32>
    %get3A_1470 = arith.constant 0 : index
    %get3A_1471 = arith.constant 2 : index
    %get3A_1472 = arith.constant 1920 : index
    %get3A_1473 = vector.load %arg2[%get3A_1470, %get3A_1471, %get3A_1472] : memref<1x3x2048xf32, #tpu.memory_space<vmem>>, vector<1x1x128xf32>
    %get3A_1474 = vector.shape_cast %get3A_1473 : vector<1x1x128xf32> to vector<1x128xf32>
    %sub3A_1475 = vector.broadcast %get3A_817 : vector<256x1xf32> to vector<256x128xf32>
    %sub3A_1476 = vector.broadcast %get3A_1464 : vector<1x128xf32> to vector<256x128xf32>
    %sub3A_1477 = arith.subf %sub3A_1475, %sub3A_1476 : vector<256x128xf32>
    %sub3A_1478 = vector.broadcast %get3A_822 : vector<256x1xf32> to vector<256x128xf32>
    %sub3A_1479 = vector.broadcast %get3A_1469 : vector<1x128xf32> to vector<256x128xf32>
    %sub3A_1480 = arith.subf %sub3A_1478, %sub3A_1479 : vector<256x128xf32>
    %sub3A_1481 = vector.broadcast %get3A_827 : vector<256x1xf32> to vector<256x128xf32>
    %sub3A_1482 = vector.broadcast %get3A_1474 : vector<1x128xf32> to vector<256x128xf32>
    %sub3A_1483 = arith.subf %sub3A_1481, %sub3A_1482 : vector<256x128xf32>
    %mul3A_1484 = arith.mulf %sub3A_1477, %sub3A_1477 : vector<256x128xf32>
    %mul3A_1485 = arith.mulf %sub3A_1480, %sub3A_1480 : vector<256x128xf32>
    %add3A_1486 = arith.addf %mul3A_1484, %mul3A_1485 : vector<256x128xf32>
    %mul3A_1487 = arith.mulf %sub3A_1483, %sub3A_1483 : vector<256x128xf32>
    %add3A_1488 = arith.addf %add3A_1486, %mul3A_1487 : vector<256x128xf32>
    %bitcast_convert_type3A_1489 = tpu.bitcast %add3A_1488 : vector<256x128xf32> -> vector<256x128xi32>
    %and3A_1490 = arith.constant -2048 : i32
    %and3A_1491 = vector.broadcast %and3A_1490 : i32 to vector<256x128xi32>
    %and3A_1492 = arith.andi %bitcast_convert_type3A_1489, %and3A_1491 : vector<256x128xi32>
    %or3A_1493 = arith.ori %and3A_1492, %add3A_61 : vector<256x128xi32>
    %bitcast_convert_type3A_1494 = tpu.bitcast %or3A_1493 : vector<256x128xi32> -> vector<256x128xf32>
    %min3A_1495 = arith.minimumf %min3A_1453, %bitcast_convert_type3A_1494 : vector<256x128xf32>
    %or3A_1496 = arith.ori %and3A_1492, %add3A_69 : vector<256x128xi32>
    %bitcast_convert_type3A_1497 = tpu.bitcast %or3A_1496 : vector<256x128xi32> -> vector<256x128xf32>
    %reshape3A_1498 = vector.shape_cast %bitcast_convert_type3A_1497 : vector<256x128xf32> to vector<16x16x128xf32>
    %reduce_min3A_1499 = arith.constant dense<0x7F800000> : vector<16x128xf32>
    %reduce_min3A_1500 = vector.multi_reduction <minimumf>, %reshape3A_1498, %reduce_min3A_1499 [0] : vector<16x16x128xf32> to vector<16x128xf32>
    %min3A_1501 = arith.minimumf %min3A_804, %reduce_min3A_1500 : vector<16x128xf32>
    %reduce_min3A_1502 = arith.constant dense<0x7F800000> : vector<256xf32>
    %reduce_min3A_1503 = vector.multi_reduction <minimumf>, %min3A_1495, %reduce_min3A_1502 [1] : vector<256x128xf32> to vector<256xf32>
    %broadcast_in_dim3A_1504 = vector.shape_cast %reduce_min3A_1503 : vector<256xf32> to vector<256x1xf32>
    %swap3A_1505 = arith.constant 0 : index
    %swap3A_1506 = arith.constant 256 : index
    %swap3A_1507 = arith.constant 0 : index
    %swap3A_1508 = vector.load %arg3[%swap3A_1505, %swap3A_1506, %swap3A_1507] : memref<1x2048x1xf32, #tpu.memory_space<vmem>>, vector<1x256x1xf32>
    %swap3A_1509 = vector.shape_cast %swap3A_1508 : vector<1x256x1xf32> to vector<256x1xf32>
    %swap3A_1510 = vector.shape_cast %broadcast_in_dim3A_1504 : vector<256x1xf32> to vector<1x256x1xf32>
    tpu.vector_store %arg3[%swap3A_1505, %swap3A_1506, %swap3A_1507], %swap3A_1510 {strides = array<i32>} : memref<1x2048x1xf32, #tpu.memory_space<vmem>>, vector<1x256x1xf32>,
    %get3A_1511 = arith.constant 0 : index
    %get3A_1512 = arith.constant 512 : index
    %get3A_1513 = arith.constant 0 : index
    %get3A_1514 = vector.load %arg1[%get3A_1511, %get3A_1512, %get3A_1513] : memref<1x2048x3xf32, #tpu.memory_space<vmem>>, vector<1x256x1xf32>
    %get3A_1515 = vector.shape_cast %get3A_1514 : vector<1x256x1xf32> to vector<256x1xf32>
    %get3A_1516 = arith.constant 0 : index
    %get3A_1517 = arith.constant 512 : index
    %get3A_1518 = arith.constant 1 : index
    %get3A_1519 = vector.load %arg1[%get3A_1516, %get3A_1517, %get3A_1518] : memref<1x2048x3xf32, #tpu.memory_space<vmem>>, vector<1x256x1xf32>
    %get3A_1520 = vector.shape_cast %get3A_1519 : vector<1x256x1xf32> to vector<256x1xf32>
    %get3A_1521 = arith.constant 0 : index
    %get3A_1522 = arith.constant 512 : index
    %get3A_1523 = arith.constant 2 : index
    %get3A_1524 = vector.load %arg1[%get3A_1521, %get3A_1522, %get3A_1523] : memref<1x2048x3xf32, #tpu.memory_space<vmem>>, vector<1x256x1xf32>
    %get3A_1525 = vector.shape_cast %get3A_1524 : vector<1x256x1xf32> to vector<256x1xf32>
    %broadcast_in_dim3A_1526 = arith.constant 3.000000e+38 : f32
    %broadcast_in_dim3A_1527 = vector.broadcast %broadcast_in_dim3A_1526 : f32 to vector<256x128xf32>
    %get3A_1528 = arith.constant 0 : index
    %get3A_1529 = arith.constant 0 : index
    %get3A_1530 = arith.constant 0 : index
    %get3A_1531 = vector.load %arg2[%get3A_1528, %get3A_1529, %get3A_1530] : memref<1x3x2048xf32, #tpu.memory_space<vmem>>, vector<1x1x128xf32>
    %get3A_1532 = vector.shape_cast %get3A_1531 : vector<1x1x128xf32> to vector<1x128xf32>
    %get3A_1533 = arith.constant 0 : index
    %get3A_1534 = arith.constant 1 : index
    %get3A_1535 = arith.constant 0 : index
    %get3A_1536 = vector.load %arg2[%get3A_1533, %get3A_1534, %get3A_1535] : memref<1x3x2048xf32, #tpu.memory_space<vmem>>, vector<1x1x128xf32>
    %get3A_1537 = vector.shape_cast %get3A_1536 : vector<1x1x128xf32> to vector<1x128xf32>
    %get3A_1538 = arith.constant 0 : index
    %get3A_1539 = arith.constant 2 : index
    %get3A_1540 = arith.constant 0 : index
    %get3A_1541 = vector.load %arg2[%get3A_1538, %get3A_1539, %get3A_1540] : memref<1x3x2048xf32, #tpu.memory_space<vmem>>, vector<1x1x128xf32>
    %get3A_1542 = vector.shape_cast %get3A_1541 : vector<1x1x128xf32> to vector<1x128xf32>
    %sub3A_1543 = vector.broadcast %get3A_1515 : vector<256x1xf32> to vector<256x128xf32>
    %sub3A_1544 = vector.broadcast %get3A_1532 : vector<1x128xf32> to vector<256x128xf32>
    %sub3A_1545 = arith.subf %sub3A_1543, %sub3A_1544 : vector<256x128xf32>
    %sub3A_1546 = vector.broadcast %get3A_1520 : vector<256x1xf32> to vector<256x128xf32>
    %sub3A_1547 = vector.broadcast %get3A_1537 : vector<1x128xf32> to vector<256x128xf32>
    %sub3A_1548 = arith.subf %sub3A_1546, %sub3A_1547 : vector<256x128xf32>
    %sub3A_1549 = vector.broadcast %get3A_1525 : vector<256x1xf32> to vector<256x128xf32>
    %sub3A_1550 = vector.broadcast %get3A_1542 : vector<1x128xf32> to vector<256x128xf32>
    %sub3A_1551 = arith.subf %sub3A_1549, %sub3A_1550 : vector<256x128xf32>
    %mul3A_1552 = arith.mulf %sub3A_1545, %sub3A_1545 : vector<256x128xf32>
    %mul3A_1553 = arith.mulf %sub3A_1548, %sub3A_1548 : vector<256x128xf32>
    %add3A_1554 = arith.addf %mul3A_1552, %mul3A_1553 : vector<256x128xf32>
    %mul3A_1555 = arith.mulf %sub3A_1551, %sub3A_1551 : vector<256x128xf32>
    %add3A_1556 = arith.addf %add3A_1554, %mul3A_1555 : vector<256x128xf32>
    %bitcast_convert_type3A_1557 = tpu.bitcast %add3A_1556 : vector<256x128xf32> -> vector<256x128xi32>
    %and3A_1558 = arith.constant -2048 : i32
    %and3A_1559 = vector.broadcast %and3A_1558 : i32 to vector<256x128xi32>
    %and3A_1560 = arith.andi %bitcast_convert_type3A_1557, %and3A_1559 : vector<256x128xi32>
    %or3A_1561 = arith.ori %and3A_1560, %add3A_1 : vector<256x128xi32>
    %bitcast_convert_type3A_1562 = tpu.bitcast %or3A_1561 : vector<256x128xi32> -> vector<256x128xf32>
    %min3A_1563 = arith.minimumf %broadcast_in_dim3A_1527, %bitcast_convert_type3A_1562 : vector<256x128xf32>
    %or3A_1564 = arith.ori %and3A_1560, %add3A_73 : vector<256x128xi32>
    %bitcast_convert_type3A_1565 = tpu.bitcast %or3A_1564 : vector<256x128xi32> -> vector<256x128xf32>
    %reshape3A_1566 = vector.shape_cast %bitcast_convert_type3A_1565 : vector<256x128xf32> to vector<16x16x128xf32>
    %reduce_min3A_1567 = arith.constant dense<0x7F800000> : vector<16x128xf32>
    %reduce_min3A_1568 = vector.multi_reduction <minimumf>, %reshape3A_1566, %reduce_min3A_1567 [0] : vector<16x16x128xf32> to vector<16x128xf32>
    %min3A_1569 = arith.minimumf %min3A_871, %reduce_min3A_1568 : vector<16x128xf32>
    %get3A_1570 = arith.constant 0 : index
    %get3A_1571 = arith.constant 0 : index
    %get3A_1572 = arith.constant 128 : index
    %get3A_1573 = vector.load %arg2[%get3A_1570, %get3A_1571, %get3A_1572] : memref<1x3x2048xf32, #tpu.memory_space<vmem>>, vector<1x1x128xf32>
    %get3A_1574 = vector.shape_cast %get3A_1573 : vector<1x1x128xf32> to vector<1x128xf32>
    %get3A_1575 = arith.constant 0 : index
    %get3A_1576 = arith.constant 1 : index
    %get3A_1577 = arith.constant 128 : index
    %get3A_1578 = vector.load %arg2[%get3A_1575, %get3A_1576, %get3A_1577] : memref<1x3x2048xf32, #tpu.memory_space<vmem>>, vector<1x1x128xf32>
    %get3A_1579 = vector.shape_cast %get3A_1578 : vector<1x1x128xf32> to vector<1x128xf32>
    %get3A_1580 = arith.constant 0 : index
    %get3A_1581 = arith.constant 2 : index
    %get3A_1582 = arith.constant 128 : index
    %get3A_1583 = vector.load %arg2[%get3A_1580, %get3A_1581, %get3A_1582] : memref<1x3x2048xf32, #tpu.memory_space<vmem>>, vector<1x1x128xf32>
    %get3A_1584 = vector.shape_cast %get3A_1583 : vector<1x1x128xf32> to vector<1x128xf32>
    %sub3A_1585 = vector.broadcast %get3A_1515 : vector<256x1xf32> to vector<256x128xf32>
    %sub3A_1586 = vector.broadcast %get3A_1574 : vector<1x128xf32> to vector<256x128xf32>
    %sub3A_1587 = arith.subf %sub3A_1585, %sub3A_1586 : vector<256x128xf32>
    %sub3A_1588 = vector.broadcast %get3A_1520 : vector<256x1xf32> to vector<256x128xf32>
    %sub3A_1589 = vector.broadcast %get3A_1579 : vector<1x128xf32> to vector<256x128xf32>
    %sub3A_1590 = arith.subf %sub3A_1588, %sub3A_1589 : vector<256x128xf32>
    %sub3A_1591 = vector.broadcast %get3A_1525 : vector<256x1xf32> to vector<256x128xf32>
    %sub3A_1592 = vector.broadcast %get3A_1584 : vector<1x128xf32> to vector<256x128xf32>
    %sub3A_1593 = arith.subf %sub3A_1591, %sub3A_1592 : vector<256x128xf32>
    %mul3A_1594 = arith.mulf %sub3A_1587, %sub3A_1587 : vector<256x128xf32>
    %mul3A_1595 = arith.mulf %sub3A_1590, %sub3A_1590 : vector<256x128xf32>
    %add3A_1596 = arith.addf %mul3A_1594, %mul3A_1595 : vector<256x128xf32>
    %mul3A_1597 = arith.mulf %sub3A_1593, %sub3A_1593 : vector<256x128xf32>
    %add3A_1598 = arith.addf %add3A_1596, %mul3A_1597 : vector<256x128xf32>
    %bitcast_convert_type3A_1599 = tpu.bitcast %add3A_1598 : vector<256x128xf32> -> vector<256x128xi32>
    %and3A_1600 = arith.constant -2048 : i32
    %and3A_1601 = vector.broadcast %and3A_1600 : i32 to vector<256x128xi32>
    %and3A_1602 = arith.andi %bitcast_convert_type3A_1599, %and3A_1601 : vector<256x128xi32>
    %or3A_1603 = arith.ori %and3A_1602, %add3A_5 : vector<256x128xi32>
    %bitcast_convert_type3A_1604 = tpu.bitcast %or3A_1603 : vector<256x128xi32> -> vector<256x128xf32>
    %min3A_1605 = arith.minimumf %min3A_1563, %bitcast_convert_type3A_1604 : vector<256x128xf32>
    %or3A_1606 = arith.ori %and3A_1602, %add3A_73 : vector<256x128xi32>
    %bitcast_convert_type3A_1607 = tpu.bitcast %or3A_1606 : vector<256x128xi32> -> vector<256x128xf32>
    %reshape3A_1608 = vector.shape_cast %bitcast_convert_type3A_1607 : vector<256x128xf32> to vector<16x16x128xf32>
    %reduce_min3A_1609 = arith.constant dense<0x7F800000> : vector<16x128xf32>
    %reduce_min3A_1610 = vector.multi_reduction <minimumf>, %reshape3A_1608, %reduce_min3A_1609 [0] : vector<16x16x128xf32> to vector<16x128xf32>
    %min3A_1611 = arith.minimumf %min3A_913, %reduce_min3A_1610 : vector<16x128xf32>
    %get3A_1612 = arith.constant 0 : index
    %get3A_1613 = arith.constant 0 : index
    %get3A_1614 = arith.constant 256 : index
    %get3A_1615 = vector.load %arg2[%get3A_1612, %get3A_1613, %get3A_1614] : memref<1x3x2048xf32, #tpu.memory_space<vmem>>, vector<1x1x128xf32>
    %get3A_1616 = vector.shape_cast %get3A_1615 : vector<1x1x128xf32> to vector<1x128xf32>
    %get3A_1617 = arith.constant 0 : index
    %get3A_1618 = arith.constant 1 : index
    %get3A_1619 = arith.constant 256 : index
    %get3A_1620 = vector.load %arg2[%get3A_1617, %get3A_1618, %get3A_1619] : memref<1x3x2048xf32, #tpu.memory_space<vmem>>, vector<1x1x128xf32>
    %get3A_1621 = vector.shape_cast %get3A_1620 : vector<1x1x128xf32> to vector<1x128xf32>
    %get3A_1622 = arith.constant 0 : index
    %get3A_1623 = arith.constant 2 : index
    %get3A_1624 = arith.constant 256 : index
    %get3A_1625 = vector.load %arg2[%get3A_1622, %get3A_1623, %get3A_1624] : memref<1x3x2048xf32, #tpu.memory_space<vmem>>, vector<1x1x128xf32>
    %get3A_1626 = vector.shape_cast %get3A_1625 : vector<1x1x128xf32> to vector<1x128xf32>
    %sub3A_1627 = vector.broadcast %get3A_1515 : vector<256x1xf32> to vector<256x128xf32>
    %sub3A_1628 = vector.broadcast %get3A_1616 : vector<1x128xf32> to vector<256x128xf32>
    %sub3A_1629 = arith.subf %sub3A_1627, %sub3A_1628 : vector<256x128xf32>
    %sub3A_1630 = vector.broadcast %get3A_1520 : vector<256x1xf32> to vector<256x128xf32>
    %sub3A_1631 = vector.broadcast %get3A_1621 : vector<1x128xf32> to vector<256x128xf32>
    %sub3A_1632 = arith.subf %sub3A_1630, %sub3A_1631 : vector<256x128xf32>
    %sub3A_1633 = vector.broadcast %get3A_1525 : vector<256x1xf32> to vector<256x128xf32>
    %sub3A_1634 = vector.broadcast %get3A_1626 : vector<1x128xf32> to vector<256x128xf32>
    %sub3A_1635 = arith.subf %sub3A_1633, %sub3A_1634 : vector<256x128xf32>
    %mul3A_1636 = arith.mulf %sub3A_1629, %sub3A_1629 : vector<256x128xf32>
    %mul3A_1637 = arith.mulf %sub3A_1632, %sub3A_1632 : vector<256x128xf32>
    %add3A_1638 = arith.addf %mul3A_1636, %mul3A_1637 : vector<256x128xf32>
    %mul3A_1639 = arith.mulf %sub3A_1635, %sub3A_1635 : vector<256x128xf32>
    %add3A_1640 = arith.addf %add3A_1638, %mul3A_1639 : vector<256x128xf32>
    %bitcast_convert_type3A_1641 = tpu.bitcast %add3A_1640 : vector<256x128xf32> -> vector<256x128xi32>
    %and3A_1642 = arith.constant -2048 : i32
    %and3A_1643 = vector.broadcast %and3A_1642 : i32 to vector<256x128xi32>
    %and3A_1644 = arith.andi %bitcast_convert_type3A_1641, %and3A_1643 : vector<256x128xi32>
    %or3A_1645 = arith.ori %and3A_1644, %add3A_9 : vector<256x128xi32>
    %bitcast_convert_type3A_1646 = tpu.bitcast %or3A_1645 : vector<256x128xi32> -> vector<256x128xf32>
    %min3A_1647 = arith.minimumf %min3A_1605, %bitcast_convert_type3A_1646 : vector<256x128xf32>
    %or3A_1648 = arith.ori %and3A_1644, %add3A_73 : vector<256x128xi32>
    %bitcast_convert_type3A_1649 = tpu.bitcast %or3A_1648 : vector<256x128xi32> -> vector<256x128xf32>
    %reshape3A_1650 = vector.shape_cast %bitcast_convert_type3A_1649 : vector<256x128xf32> to vector<16x16x128xf32>
    %reduce_min3A_1651 = arith.constant dense<0x7F800000> : vector<16x128xf32>
    %reduce_min3A_1652 = vector.multi_reduction <minimumf>, %reshape3A_1650, %reduce_min3A_1651 [0] : vector<16x16x128xf32> to vector<16x128xf32>
    %min3A_1653 = arith.minimumf %min3A_955, %reduce_min3A_1652 : vector<16x128xf32>
    %get3A_1654 = arith.constant 0 : index
    %get3A_1655 = arith.constant 0 : index
    %get3A_1656 = arith.constant 384 : index
    %get3A_1657 = vector.load %arg2[%get3A_1654, %get3A_1655, %get3A_1656] : memref<1x3x2048xf32, #tpu.memory_space<vmem>>, vector<1x1x128xf32>
    %get3A_1658 = vector.shape_cast %get3A_1657 : vector<1x1x128xf32> to vector<1x128xf32>
    %get3A_1659 = arith.constant 0 : index
    %get3A_1660 = arith.constant 1 : index
    %get3A_1661 = arith.constant 384 : index
    %get3A_1662 = vector.load %arg2[%get3A_1659, %get3A_1660, %get3A_1661] : memref<1x3x2048xf32, #tpu.memory_space<vmem>>, vector<1x1x128xf32>
    %get3A_1663 = vector.shape_cast %get3A_1662 : vector<1x1x128xf32> to vector<1x128xf32>
    %get3A_1664 = arith.constant 0 : index
    %get3A_1665 = arith.constant 2 : index
    %get3A_1666 = arith.constant 384 : index
    %get3A_1667 = vector.load %arg2[%get3A_1664, %get3A_1665, %get3A_1666] : memref<1x3x2048xf32, #tpu.memory_space<vmem>>, vector<1x1x128xf32>
    %get3A_1668 = vector.shape_cast %get3A_1667 : vector<1x1x128xf32> to vector<1x128xf32>
    %sub3A_1669 = vector.broadcast %get3A_1515 : vector<256x1xf32> to vector<256x128xf32>
    %sub3A_1670 = vector.broadcast %get3A_1658 : vector<1x128xf32> to vector<256x128xf32>
    %sub3A_1671 = arith.subf %sub3A_1669, %sub3A_1670 : vector<256x128xf32>
    %sub3A_1672 = vector.broadcast %get3A_1520 : vector<256x1xf32> to vector<256x128xf32>
    %sub3A_1673 = vector.broadcast %get3A_1663 : vector<1x128xf32> to vector<256x128xf32>
    %sub3A_1674 = arith.subf %sub3A_1672, %sub3A_1673 : vector<256x128xf32>
    %sub3A_1675 = vector.broadcast %get3A_1525 : vector<256x1xf32> to vector<256x128xf32>
    %sub3A_1676 = vector.broadcast %get3A_1668 : vector<1x128xf32> to vector<256x128xf32>
    %sub3A_1677 = arith.subf %sub3A_1675, %sub3A_1676 : vector<256x128xf32>
    %mul3A_1678 = arith.mulf %sub3A_1671, %sub3A_1671 : vector<256x128xf32>
    %mul3A_1679 = arith.mulf %sub3A_1674, %sub3A_1674 : vector<256x128xf32>
    %add3A_1680 = arith.addf %mul3A_1678, %mul3A_1679 : vector<256x128xf32>
    %mul3A_1681 = arith.mulf %sub3A_1677, %sub3A_1677 : vector<256x128xf32>
    %add3A_1682 = arith.addf %add3A_1680, %mul3A_1681 : vector<256x128xf32>
    %bitcast_convert_type3A_1683 = tpu.bitcast %add3A_1682 : vector<256x128xf32> -> vector<256x128xi32>
    %and3A_1684 = arith.constant -2048 : i32
    %and3A_1685 = vector.broadcast %and3A_1684 : i32 to vector<256x128xi32>
    %and3A_1686 = arith.andi %bitcast_convert_type3A_1683, %and3A_1685 : vector<256x128xi32>
    %or3A_1687 = arith.ori %and3A_1686, %add3A_13 : vector<256x128xi32>
    %bitcast_convert_type3A_1688 = tpu.bitcast %or3A_1687 : vector<256x128xi32> -> vector<256x128xf32>
    %min3A_1689 = arith.minimumf %min3A_1647, %bitcast_convert_type3A_1688 : vector<256x128xf32>
    %or3A_1690 = arith.ori %and3A_1686, %add3A_73 : vector<256x128xi32>
    %bitcast_convert_type3A_1691 = tpu.bitcast %or3A_1690 : vector<256x128xi32> -> vector<256x128xf32>
    %reshape3A_1692 = vector.shape_cast %bitcast_convert_type3A_1691 : vector<256x128xf32> to vector<16x16x128xf32>
    %reduce_min3A_1693 = arith.constant dense<0x7F800000> : vector<16x128xf32>
    %reduce_min3A_1694 = vector.multi_reduction <minimumf>, %reshape3A_1692, %reduce_min3A_1693 [0] : vector<16x16x128xf32> to vector<16x128xf32>
    %min3A_1695 = arith.minimumf %min3A_997, %reduce_min3A_1694 : vector<16x128xf32>
    %get3A_1696 = arith.constant 0 : index
    %get3A_1697 = arith.constant 0 : index
    %get3A_1698 = arith.constant 512 : index
    %get3A_1699 = vector.load %arg2[%get3A_1696, %get3A_1697, %get3A_1698] : memref<1x3x2048xf32, #tpu.memory_space<vmem>>, vector<1x1x128xf32>
    %get3A_1700 = vector.shape_cast %get3A_1699 : vector<1x1x128xf32> to vector<1x128xf32>
    %get3A_1701 = arith.constant 0 : index
    %get3A_1702 = arith.constant 1 : index
    %get3A_1703 = arith.constant 512 : index
    %get3A_1704 = vector.load %arg2[%get3A_1701, %get3A_1702, %get3A_1703] : memref<1x3x2048xf32, #tpu.memory_space<vmem>>, vector<1x1x128xf32>
    %get3A_1705 = vector.shape_cast %get3A_1704 : vector<1x1x128xf32> to vector<1x128xf32>
    %get3A_1706 = arith.constant 0 : index
    %get3A_1707 = arith.constant 2 : index
    %get3A_1708 = arith.constant 512 : index
    %get3A_1709 = vector.load %arg2[%get3A_1706, %get3A_1707, %get3A_1708] : memref<1x3x2048xf32, #tpu.memory_space<vmem>>, vector<1x1x128xf32>
    %get3A_1710 = vector.shape_cast %get3A_1709 : vector<1x1x128xf32> to vector<1x128xf32>
    %sub3A_1711 = vector.broadcast %get3A_1515 : vector<256x1xf32> to vector<256x128xf32>
    %sub3A_1712 = vector.broadcast %get3A_1700 : vector<1x128xf32> to vector<256x128xf32>
    %sub3A_1713 = arith.subf %sub3A_1711, %sub3A_1712 : vector<256x128xf32>
    %sub3A_1714 = vector.broadcast %get3A_1520 : vector<256x1xf32> to vector<256x128xf32>
    %sub3A_1715 = vector.broadcast %get3A_1705 : vector<1x128xf32> to vector<256x128xf32>
    %sub3A_1716 = arith.subf %sub3A_1714, %sub3A_1715 : vector<256x128xf32>
    %sub3A_1717 = vector.broadcast %get3A_1525 : vector<256x1xf32> to vector<256x128xf32>
    %sub3A_1718 = vector.broadcast %get3A_1710 : vector<1x128xf32> to vector<256x128xf32>
    %sub3A_1719 = arith.subf %sub3A_1717, %sub3A_1718 : vector<256x128xf32>
    %mul3A_1720 = arith.mulf %sub3A_1713, %sub3A_1713 : vector<256x128xf32>
    %mul3A_1721 = arith.mulf %sub3A_1716, %sub3A_1716 : vector<256x128xf32>
    %add3A_1722 = arith.addf %mul3A_1720, %mul3A_1721 : vector<256x128xf32>
    %mul3A_1723 = arith.mulf %sub3A_1719, %sub3A_1719 : vector<256x128xf32>
    %add3A_1724 = arith.addf %add3A_1722, %mul3A_1723 : vector<256x128xf32>
    %bitcast_convert_type3A_1725 = tpu.bitcast %add3A_1724 : vector<256x128xf32> -> vector<256x128xi32>
    %and3A_1726 = arith.constant -2048 : i32
    %and3A_1727 = vector.broadcast %and3A_1726 : i32 to vector<256x128xi32>
    %and3A_1728 = arith.andi %bitcast_convert_type3A_1725, %and3A_1727 : vector<256x128xi32>
    %or3A_1729 = arith.ori %and3A_1728, %add3A_17 : vector<256x128xi32>
    %bitcast_convert_type3A_1730 = tpu.bitcast %or3A_1729 : vector<256x128xi32> -> vector<256x128xf32>
    %min3A_1731 = arith.minimumf %min3A_1689, %bitcast_convert_type3A_1730 : vector<256x128xf32>
    %or3A_1732 = arith.ori %and3A_1728, %add3A_73 : vector<256x128xi32>
    %bitcast_convert_type3A_1733 = tpu.bitcast %or3A_1732 : vector<256x128xi32> -> vector<256x128xf32>
    %reshape3A_1734 = vector.shape_cast %bitcast_convert_type3A_1733 : vector<256x128xf32> to vector<16x16x128xf32>
    %reduce_min3A_1735 = arith.constant dense<0x7F800000> : vector<16x128xf32>
    %reduce_min3A_1736 = vector.multi_reduction <minimumf>, %reshape3A_1734, %reduce_min3A_1735 [0] : vector<16x16x128xf32> to vector<16x128xf32>
    %min3A_1737 = arith.minimumf %min3A_1039, %reduce_min3A_1736 : vector<16x128xf32>
    %get3A_1738 = arith.constant 0 : index
    %get3A_1739 = arith.constant 0 : index
    %get3A_1740 = arith.constant 640 : index
    %get3A_1741 = vector.load %arg2[%get3A_1738, %get3A_1739, %get3A_1740] : memref<1x3x2048xf32, #tpu.memory_space<vmem>>, vector<1x1x128xf32>
    %get3A_1742 = vector.shape_cast %get3A_1741 : vector<1x1x128xf32> to vector<1x128xf32>
    %get3A_1743 = arith.constant 0 : index
    %get3A_1744 = arith.constant 1 : index
    %get3A_1745 = arith.constant 640 : index
    %get3A_1746 = vector.load %arg2[%get3A_1743, %get3A_1744, %get3A_1745] : memref<1x3x2048xf32, #tpu.memory_space<vmem>>, vector<1x1x128xf32>
    %get3A_1747 = vector.shape_cast %get3A_1746 : vector<1x1x128xf32> to vector<1x128xf32>
    %get3A_1748 = arith.constant 0 : index
    %get3A_1749 = arith.constant 2 : index
    %get3A_1750 = arith.constant 640 : index
    %get3A_1751 = vector.load %arg2[%get3A_1748, %get3A_1749, %get3A_1750] : memref<1x3x2048xf32, #tpu.memory_space<vmem>>, vector<1x1x128xf32>
    %get3A_1752 = vector.shape_cast %get3A_1751 : vector<1x1x128xf32> to vector<1x128xf32>
    %sub3A_1753 = vector.broadcast %get3A_1515 : vector<256x1xf32> to vector<256x128xf32>
    %sub3A_1754 = vector.broadcast %get3A_1742 : vector<1x128xf32> to vector<256x128xf32>
    %sub3A_1755 = arith.subf %sub3A_1753, %sub3A_1754 : vector<256x128xf32>
    %sub3A_1756 = vector.broadcast %get3A_1520 : vector<256x1xf32> to vector<256x128xf32>
    %sub3A_1757 = vector.broadcast %get3A_1747 : vector<1x128xf32> to vector<256x128xf32>
    %sub3A_1758 = arith.subf %sub3A_1756, %sub3A_1757 : vector<256x128xf32>
    %sub3A_1759 = vector.broadcast %get3A_1525 : vector<256x1xf32> to vector<256x128xf32>
    %sub3A_1760 = vector.broadcast %get3A_1752 : vector<1x128xf32> to vector<256x128xf32>
    %sub3A_1761 = arith.subf %sub3A_1759, %sub3A_1760 : vector<256x128xf32>
    %mul3A_1762 = arith.mulf %sub3A_1755, %sub3A_1755 : vector<256x128xf32>
    %mul3A_1763 = arith.mulf %sub3A_1758, %sub3A_1758 : vector<256x128xf32>
    %add3A_1764 = arith.addf %mul3A_1762, %mul3A_1763 : vector<256x128xf32>
    %mul3A_1765 = arith.mulf %sub3A_1761, %sub3A_1761 : vector<256x128xf32>
    %add3A_1766 = arith.addf %add3A_1764, %mul3A_1765 : vector<256x128xf32>
    %bitcast_convert_type3A_1767 = tpu.bitcast %add3A_1766 : vector<256x128xf32> -> vector<256x128xi32>
    %and3A_1768 = arith.constant -2048 : i32
    %and3A_1769 = vector.broadcast %and3A_1768 : i32 to vector<256x128xi32>
    %and3A_1770 = arith.andi %bitcast_convert_type3A_1767, %and3A_1769 : vector<256x128xi32>
    %or3A_1771 = arith.ori %and3A_1770, %add3A_21 : vector<256x128xi32>
    %bitcast_convert_type3A_1772 = tpu.bitcast %or3A_1771 : vector<256x128xi32> -> vector<256x128xf32>
    %min3A_1773 = arith.minimumf %min3A_1731, %bitcast_convert_type3A_1772 : vector<256x128xf32>
    %or3A_1774 = arith.ori %and3A_1770, %add3A_73 : vector<256x128xi32>
    %bitcast_convert_type3A_1775 = tpu.bitcast %or3A_1774 : vector<256x128xi32> -> vector<256x128xf32>
    %reshape3A_1776 = vector.shape_cast %bitcast_convert_type3A_1775 : vector<256x128xf32> to vector<16x16x128xf32>
    %reduce_min3A_1777 = arith.constant dense<0x7F800000> : vector<16x128xf32>
    %reduce_min3A_1778 = vector.multi_reduction <minimumf>, %reshape3A_1776, %reduce_min3A_1777 [0] : vector<16x16x128xf32> to vector<16x128xf32>
    %min3A_1779 = arith.minimumf %min3A_1081, %reduce_min3A_1778 : vector<16x128xf32>
    %get3A_1780 = arith.constant 0 : index
    %get3A_1781 = arith.constant 0 : index
    %get3A_1782 = arith.constant 768 : index
    %get3A_1783 = vector.load %arg2[%get3A_1780, %get3A_1781, %get3A_1782] : memref<1x3x2048xf32, #tpu.memory_space<vmem>>, vector<1x1x128xf32>
    %get3A_1784 = vector.shape_cast %get3A_1783 : vector<1x1x128xf32> to vector<1x128xf32>
    %get3A_1785 = arith.constant 0 : index
    %get3A_1786 = arith.constant 1 : index
    %get3A_1787 = arith.constant 768 : index
    %get3A_1788 = vector.load %arg2[%get3A_1785, %get3A_1786, %get3A_1787] : memref<1x3x2048xf32, #tpu.memory_space<vmem>>, vector<1x1x128xf32>
    %get3A_1789 = vector.shape_cast %get3A_1788 : vector<1x1x128xf32> to vector<1x128xf32>
    %get3A_1790 = arith.constant 0 : index
    %get3A_1791 = arith.constant 2 : index
    %get3A_1792 = arith.constant 768 : index
    %get3A_1793 = vector.load %arg2[%get3A_1790, %get3A_1791, %get3A_1792] : memref<1x3x2048xf32, #tpu.memory_space<vmem>>, vector<1x1x128xf32>
    %get3A_1794 = vector.shape_cast %get3A_1793 : vector<1x1x128xf32> to vector<1x128xf32>
    %sub3A_1795 = vector.broadcast %get3A_1515 : vector<256x1xf32> to vector<256x128xf32>
    %sub3A_1796 = vector.broadcast %get3A_1784 : vector<1x128xf32> to vector<256x128xf32>
    %sub3A_1797 = arith.subf %sub3A_1795, %sub3A_1796 : vector<256x128xf32>
    %sub3A_1798 = vector.broadcast %get3A_1520 : vector<256x1xf32> to vector<256x128xf32>
    %sub3A_1799 = vector.broadcast %get3A_1789 : vector<1x128xf32> to vector<256x128xf32>
    %sub3A_1800 = arith.subf %sub3A_1798, %sub3A_1799 : vector<256x128xf32>
    %sub3A_1801 = vector.broadcast %get3A_1525 : vector<256x1xf32> to vector<256x128xf32>
    %sub3A_1802 = vector.broadcast %get3A_1794 : vector<1x128xf32> to vector<256x128xf32>
    %sub3A_1803 = arith.subf %sub3A_1801, %sub3A_1802 : vector<256x128xf32>
    %mul3A_1804 = arith.mulf %sub3A_1797, %sub3A_1797 : vector<256x128xf32>
    %mul3A_1805 = arith.mulf %sub3A_1800, %sub3A_1800 : vector<256x128xf32>
    %add3A_1806 = arith.addf %mul3A_1804, %mul3A_1805 : vector<256x128xf32>
    %mul3A_1807 = arith.mulf %sub3A_1803, %sub3A_1803 : vector<256x128xf32>
    %add3A_1808 = arith.addf %add3A_1806, %mul3A_1807 : vector<256x128xf32>
    %bitcast_convert_type3A_1809 = tpu.bitcast %add3A_1808 : vector<256x128xf32> -> vector<256x128xi32>
    %and3A_1810 = arith.constant -2048 : i32
    %and3A_1811 = vector.broadcast %and3A_1810 : i32 to vector<256x128xi32>
    %and3A_1812 = arith.andi %bitcast_convert_type3A_1809, %and3A_1811 : vector<256x128xi32>
    %or3A_1813 = arith.ori %and3A_1812, %add3A_25 : vector<256x128xi32>
    %bitcast_convert_type3A_1814 = tpu.bitcast %or3A_1813 : vector<256x128xi32> -> vector<256x128xf32>
    %min3A_1815 = arith.minimumf %min3A_1773, %bitcast_convert_type3A_1814 : vector<256x128xf32>
    %or3A_1816 = arith.ori %and3A_1812, %add3A_73 : vector<256x128xi32>
    %bitcast_convert_type3A_1817 = tpu.bitcast %or3A_1816 : vector<256x128xi32> -> vector<256x128xf32>
    %reshape3A_1818 = vector.shape_cast %bitcast_convert_type3A_1817 : vector<256x128xf32> to vector<16x16x128xf32>
    %reduce_min3A_1819 = arith.constant dense<0x7F800000> : vector<16x128xf32>
    %reduce_min3A_1820 = vector.multi_reduction <minimumf>, %reshape3A_1818, %reduce_min3A_1819 [0] : vector<16x16x128xf32> to vector<16x128xf32>
    %min3A_1821 = arith.minimumf %min3A_1123, %reduce_min3A_1820 : vector<16x128xf32>
    %get3A_1822 = arith.constant 0 : index
    %get3A_1823 = arith.constant 0 : index
    %get3A_1824 = arith.constant 896 : index
    %get3A_1825 = vector.load %arg2[%get3A_1822, %get3A_1823, %get3A_1824] : memref<1x3x2048xf32, #tpu.memory_space<vmem>>, vector<1x1x128xf32>
    %get3A_1826 = vector.shape_cast %get3A_1825 : vector<1x1x128xf32> to vector<1x128xf32>
    %get3A_1827 = arith.constant 0 : index
    %get3A_1828 = arith.constant 1 : index
    %get3A_1829 = arith.constant 896 : index
    %get3A_1830 = vector.load %arg2[%get3A_1827, %get3A_1828, %get3A_1829] : memref<1x3x2048xf32, #tpu.memory_space<vmem>>, vector<1x1x128xf32>
    %get3A_1831 = vector.shape_cast %get3A_1830 : vector<1x1x128xf32> to vector<1x128xf32>
    %get3A_1832 = arith.constant 0 : index
    %get3A_1833 = arith.constant 2 : index
    %get3A_1834 = arith.constant 896 : index
    %get3A_1835 = vector.load %arg2[%get3A_1832, %get3A_1833, %get3A_1834] : memref<1x3x2048xf32, #tpu.memory_space<vmem>>, vector<1x1x128xf32>
    %get3A_1836 = vector.shape_cast %get3A_1835 : vector<1x1x128xf32> to vector<1x128xf32>
    %sub3A_1837 = vector.broadcast %get3A_1515 : vector<256x1xf32> to vector<256x128xf32>
    %sub3A_1838 = vector.broadcast %get3A_1826 : vector<1x128xf32> to vector<256x128xf32>
    %sub3A_1839 = arith.subf %sub3A_1837, %sub3A_1838 : vector<256x128xf32>
    %sub3A_1840 = vector.broadcast %get3A_1520 : vector<256x1xf32> to vector<256x128xf32>
    %sub3A_1841 = vector.broadcast %get3A_1831 : vector<1x128xf32> to vector<256x128xf32>
    %sub3A_1842 = arith.subf %sub3A_1840, %sub3A_1841 : vector<256x128xf32>
    %sub3A_1843 = vector.broadcast %get3A_1525 : vector<256x1xf32> to vector<256x128xf32>
    %sub3A_1844 = vector.broadcast %get3A_1836 : vector<1x128xf32> to vector<256x128xf32>
    %sub3A_1845 = arith.subf %sub3A_1843, %sub3A_1844 : vector<256x128xf32>
    %mul3A_1846 = arith.mulf %sub3A_1839, %sub3A_1839 : vector<256x128xf32>
    %mul3A_1847 = arith.mulf %sub3A_1842, %sub3A_1842 : vector<256x128xf32>
    %add3A_1848 = arith.addf %mul3A_1846, %mul3A_1847 : vector<256x128xf32>
    %mul3A_1849 = arith.mulf %sub3A_1845, %sub3A_1845 : vector<256x128xf32>
    %add3A_1850 = arith.addf %add3A_1848, %mul3A_1849 : vector<256x128xf32>
    %bitcast_convert_type3A_1851 = tpu.bitcast %add3A_1850 : vector<256x128xf32> -> vector<256x128xi32>
    %and3A_1852 = arith.constant -2048 : i32
    %and3A_1853 = vector.broadcast %and3A_1852 : i32 to vector<256x128xi32>
    %and3A_1854 = arith.andi %bitcast_convert_type3A_1851, %and3A_1853 : vector<256x128xi32>
    %or3A_1855 = arith.ori %and3A_1854, %add3A_29 : vector<256x128xi32>
    %bitcast_convert_type3A_1856 = tpu.bitcast %or3A_1855 : vector<256x128xi32> -> vector<256x128xf32>
    %min3A_1857 = arith.minimumf %min3A_1815, %bitcast_convert_type3A_1856 : vector<256x128xf32>
    %or3A_1858 = arith.ori %and3A_1854, %add3A_73 : vector<256x128xi32>
    %bitcast_convert_type3A_1859 = tpu.bitcast %or3A_1858 : vector<256x128xi32> -> vector<256x128xf32>
    %reshape3A_1860 = vector.shape_cast %bitcast_convert_type3A_1859 : vector<256x128xf32> to vector<16x16x128xf32>
    %reduce_min3A_1861 = arith.constant dense<0x7F800000> : vector<16x128xf32>
    %reduce_min3A_1862 = vector.multi_reduction <minimumf>, %reshape3A_1860, %reduce_min3A_1861 [0] : vector<16x16x128xf32> to vector<16x128xf32>
    %min3A_1863 = arith.minimumf %min3A_1165, %reduce_min3A_1862 : vector<16x128xf32>
    %get3A_1864 = arith.constant 0 : index
    %get3A_1865 = arith.constant 0 : index
    %get3A_1866 = arith.constant 1024 : index
    %get3A_1867 = vector.load %arg2[%get3A_1864, %get3A_1865, %get3A_1866] : memref<1x3x2048xf32, #tpu.memory_space<vmem>>, vector<1x1x128xf32>
    %get3A_1868 = vector.shape_cast %get3A_1867 : vector<1x1x128xf32> to vector<1x128xf32>
    %get3A_1869 = arith.constant 0 : index
    %get3A_1870 = arith.constant 1 : index
    %get3A_1871 = arith.constant 1024 : index
    %get3A_1872 = vector.load %arg2[%get3A_1869, %get3A_1870, %get3A_1871] : memref<1x3x2048xf32, #tpu.memory_space<vmem>>, vector<1x1x128xf32>
    %get3A_1873 = vector.shape_cast %get3A_1872 : vector<1x1x128xf32> to vector<1x128xf32>
    %get3A_1874 = arith.constant 0 : index
    %get3A_1875 = arith.constant 2 : index
    %get3A_1876 = arith.constant 1024 : index
    %get3A_1877 = vector.load %arg2[%get3A_1874, %get3A_1875, %get3A_1876] : memref<1x3x2048xf32, #tpu.memory_space<vmem>>, vector<1x1x128xf32>
    %get3A_1878 = vector.shape_cast %get3A_1877 : vector<1x1x128xf32> to vector<1x128xf32>
    %sub3A_1879 = vector.broadcast %get3A_1515 : vector<256x1xf32> to vector<256x128xf32>
    %sub3A_1880 = vector.broadcast %get3A_1868 : vector<1x128xf32> to vector<256x128xf32>
    %sub3A_1881 = arith.subf %sub3A_1879, %sub3A_1880 : vector<256x128xf32>
    %sub3A_1882 = vector.broadcast %get3A_1520 : vector<256x1xf32> to vector<256x128xf32>
    %sub3A_1883 = vector.broadcast %get3A_1873 : vector<1x128xf32> to vector<256x128xf32>
    %sub3A_1884 = arith.subf %sub3A_1882, %sub3A_1883 : vector<256x128xf32>
    %sub3A_1885 = vector.broadcast %get3A_1525 : vector<256x1xf32> to vector<256x128xf32>
    %sub3A_1886 = vector.broadcast %get3A_1878 : vector<1x128xf32> to vector<256x128xf32>
    %sub3A_1887 = arith.subf %sub3A_1885, %sub3A_1886 : vector<256x128xf32>
    %mul3A_1888 = arith.mulf %sub3A_1881, %sub3A_1881 : vector<256x128xf32>
    %mul3A_1889 = arith.mulf %sub3A_1884, %sub3A_1884 : vector<256x128xf32>
    %add3A_1890 = arith.addf %mul3A_1888, %mul3A_1889 : vector<256x128xf32>
    %mul3A_1891 = arith.mulf %sub3A_1887, %sub3A_1887 : vector<256x128xf32>
    %add3A_1892 = arith.addf %add3A_1890, %mul3A_1891 : vector<256x128xf32>
    %bitcast_convert_type3A_1893 = tpu.bitcast %add3A_1892 : vector<256x128xf32> -> vector<256x128xi32>
    %and3A_1894 = arith.constant -2048 : i32
    %and3A_1895 = vector.broadcast %and3A_1894 : i32 to vector<256x128xi32>
    %and3A_1896 = arith.andi %bitcast_convert_type3A_1893, %and3A_1895 : vector<256x128xi32>
    %or3A_1897 = arith.ori %and3A_1896, %add3A_33 : vector<256x128xi32>
    %bitcast_convert_type3A_1898 = tpu.bitcast %or3A_1897 : vector<256x128xi32> -> vector<256x128xf32>
    %min3A_1899 = arith.minimumf %min3A_1857, %bitcast_convert_type3A_1898 : vector<256x128xf32>
    %or3A_1900 = arith.ori %and3A_1896, %add3A_73 : vector<256x128xi32>
    %bitcast_convert_type3A_1901 = tpu.bitcast %or3A_1900 : vector<256x128xi32> -> vector<256x128xf32>
    %reshape3A_1902 = vector.shape_cast %bitcast_convert_type3A_1901 : vector<256x128xf32> to vector<16x16x128xf32>
    %reduce_min3A_1903 = arith.constant dense<0x7F800000> : vector<16x128xf32>
    %reduce_min3A_1904 = vector.multi_reduction <minimumf>, %reshape3A_1902, %reduce_min3A_1903 [0] : vector<16x16x128xf32> to vector<16x128xf32>
    %min3A_1905 = arith.minimumf %min3A_1207, %reduce_min3A_1904 : vector<16x128xf32>
    %get3A_1906 = arith.constant 0 : index
    %get3A_1907 = arith.constant 0 : index
    %get3A_1908 = arith.constant 1152 : index
    %get3A_1909 = vector.load %arg2[%get3A_1906, %get3A_1907, %get3A_1908] : memref<1x3x2048xf32, #tpu.memory_space<vmem>>, vector<1x1x128xf32>
    %get3A_1910 = vector.shape_cast %get3A_1909 : vector<1x1x128xf32> to vector<1x128xf32>
    %get3A_1911 = arith.constant 0 : index
    %get3A_1912 = arith.constant 1 : index
    %get3A_1913 = arith.constant 1152 : index
    %get3A_1914 = vector.load %arg2[%get3A_1911, %get3A_1912, %get3A_1913] : memref<1x3x2048xf32, #tpu.memory_space<vmem>>, vector<1x1x128xf32>
    %get3A_1915 = vector.shape_cast %get3A_1914 : vector<1x1x128xf32> to vector<1x128xf32>
    %get3A_1916 = arith.constant 0 : index
    %get3A_1917 = arith.constant 2 : index
    %get3A_1918 = arith.constant 1152 : index
    %get3A_1919 = vector.load %arg2[%get3A_1916, %get3A_1917, %get3A_1918] : memref<1x3x2048xf32, #tpu.memory_space<vmem>>, vector<1x1x128xf32>
    %get3A_1920 = vector.shape_cast %get3A_1919 : vector<1x1x128xf32> to vector<1x128xf32>
    %sub3A_1921 = vector.broadcast %get3A_1515 : vector<256x1xf32> to vector<256x128xf32>
    %sub3A_1922 = vector.broadcast %get3A_1910 : vector<1x128xf32> to vector<256x128xf32>
    %sub3A_1923 = arith.subf %sub3A_1921, %sub3A_1922 : vector<256x128xf32>
    %sub3A_1924 = vector.broadcast %get3A_1520 : vector<256x1xf32> to vector<256x128xf32>
    %sub3A_1925 = vector.broadcast %get3A_1915 : vector<1x128xf32> to vector<256x128xf32>
    %sub3A_1926 = arith.subf %sub3A_1924, %sub3A_1925 : vector<256x128xf32>
    %sub3A_1927 = vector.broadcast %get3A_1525 : vector<256x1xf32> to vector<256x128xf32>
    %sub3A_1928 = vector.broadcast %get3A_1920 : vector<1x128xf32> to vector<256x128xf32>
    %sub3A_1929 = arith.subf %sub3A_1927, %sub3A_1928 : vector<256x128xf32>
    %mul3A_1930 = arith.mulf %sub3A_1923, %sub3A_1923 : vector<256x128xf32>
    %mul3A_1931 = arith.mulf %sub3A_1926, %sub3A_1926 : vector<256x128xf32>
    %add3A_1932 = arith.addf %mul3A_1930, %mul3A_1931 : vector<256x128xf32>
    %mul3A_1933 = arith.mulf %sub3A_1929, %sub3A_1929 : vector<256x128xf32>
    %add3A_1934 = arith.addf %add3A_1932, %mul3A_1933 : vector<256x128xf32>
    %bitcast_convert_type3A_1935 = tpu.bitcast %add3A_1934 : vector<256x128xf32> -> vector<256x128xi32>
    %and3A_1936 = arith.constant -2048 : i32
    %and3A_1937 = vector.broadcast %and3A_1936 : i32 to vector<256x128xi32>
    %and3A_1938 = arith.andi %bitcast_convert_type3A_1935, %and3A_1937 : vector<256x128xi32>
    %or3A_1939 = arith.ori %and3A_1938, %add3A_37 : vector<256x128xi32>
    %bitcast_convert_type3A_1940 = tpu.bitcast %or3A_1939 : vector<256x128xi32> -> vector<256x128xf32>
    %min3A_1941 = arith.minimumf %min3A_1899, %bitcast_convert_type3A_1940 : vector<256x128xf32>
    %or3A_1942 = arith.ori %and3A_1938, %add3A_73 : vector<256x128xi32>
    %bitcast_convert_type3A_1943 = tpu.bitcast %or3A_1942 : vector<256x128xi32> -> vector<256x128xf32>
    %reshape3A_1944 = vector.shape_cast %bitcast_convert_type3A_1943 : vector<256x128xf32> to vector<16x16x128xf32>
    %reduce_min3A_1945 = arith.constant dense<0x7F800000> : vector<16x128xf32>
    %reduce_min3A_1946 = vector.multi_reduction <minimumf>, %reshape3A_1944, %reduce_min3A_1945 [0] : vector<16x16x128xf32> to vector<16x128xf32>
    %min3A_1947 = arith.minimumf %min3A_1249, %reduce_min3A_1946 : vector<16x128xf32>
    %get3A_1948 = arith.constant 0 : index
    %get3A_1949 = arith.constant 0 : index
    %get3A_1950 = arith.constant 1280 : index
    %get3A_1951 = vector.load %arg2[%get3A_1948, %get3A_1949, %get3A_1950] : memref<1x3x2048xf32, #tpu.memory_space<vmem>>, vector<1x1x128xf32>
    %get3A_1952 = vector.shape_cast %get3A_1951 : vector<1x1x128xf32> to vector<1x128xf32>
    %get3A_1953 = arith.constant 0 : index
    %get3A_1954 = arith.constant 1 : index
    %get3A_1955 = arith.constant 1280 : index
    %get3A_1956 = vector.load %arg2[%get3A_1953, %get3A_1954, %get3A_1955] : memref<1x3x2048xf32, #tpu.memory_space<vmem>>, vector<1x1x128xf32>
    %get3A_1957 = vector.shape_cast %get3A_1956 : vector<1x1x128xf32> to vector<1x128xf32>
    %get3A_1958 = arith.constant 0 : index
    %get3A_1959 = arith.constant 2 : index
    %get3A_1960 = arith.constant 1280 : index
    %get3A_1961 = vector.load %arg2[%get3A_1958, %get3A_1959, %get3A_1960] : memref<1x3x2048xf32, #tpu.memory_space<vmem>>, vector<1x1x128xf32>
    %get3A_1962 = vector.shape_cast %get3A_1961 : vector<1x1x128xf32> to vector<1x128xf32>
    %sub3A_1963 = vector.broadcast %get3A_1515 : vector<256x1xf32> to vector<256x128xf32>
    %sub3A_1964 = vector.broadcast %get3A_1952 : vector<1x128xf32> to vector<256x128xf32>
    %sub3A_1965 = arith.subf %sub3A_1963, %sub3A_1964 : vector<256x128xf32>
    %sub3A_1966 = vector.broadcast %get3A_1520 : vector<256x1xf32> to vector<256x128xf32>
    %sub3A_1967 = vector.broadcast %get3A_1957 : vector<1x128xf32> to vector<256x128xf32>
    %sub3A_1968 = arith.subf %sub3A_1966, %sub3A_1967 : vector<256x128xf32>
    %sub3A_1969 = vector.broadcast %get3A_1525 : vector<256x1xf32> to vector<256x128xf32>
    %sub3A_1970 = vector.broadcast %get3A_1962 : vector<1x128xf32> to vector<256x128xf32>
    %sub3A_1971 = arith.subf %sub3A_1969, %sub3A_1970 : vector<256x128xf32>
    %mul3A_1972 = arith.mulf %sub3A_1965, %sub3A_1965 : vector<256x128xf32>
    %mul3A_1973 = arith.mulf %sub3A_1968, %sub3A_1968 : vector<256x128xf32>
    %add3A_1974 = arith.addf %mul3A_1972, %mul3A_1973 : vector<256x128xf32>
    %mul3A_1975 = arith.mulf %sub3A_1971, %sub3A_1971 : vector<256x128xf32>
    %add3A_1976 = arith.addf %add3A_1974, %mul3A_1975 : vector<256x128xf32>
    %bitcast_convert_type3A_1977 = tpu.bitcast %add3A_1976 : vector<256x128xf32> -> vector<256x128xi32>
    %and3A_1978 = arith.constant -2048 : i32
    %and3A_1979 = vector.broadcast %and3A_1978 : i32 to vector<256x128xi32>
    %and3A_1980 = arith.andi %bitcast_convert_type3A_1977, %and3A_1979 : vector<256x128xi32>
    %or3A_1981 = arith.ori %and3A_1980, %add3A_41 : vector<256x128xi32>
    %bitcast_convert_type3A_1982 = tpu.bitcast %or3A_1981 : vector<256x128xi32> -> vector<256x128xf32>
    %min3A_1983 = arith.minimumf %min3A_1941, %bitcast_convert_type3A_1982 : vector<256x128xf32>
    %or3A_1984 = arith.ori %and3A_1980, %add3A_73 : vector<256x128xi32>
    %bitcast_convert_type3A_1985 = tpu.bitcast %or3A_1984 : vector<256x128xi32> -> vector<256x128xf32>
    %reshape3A_1986 = vector.shape_cast %bitcast_convert_type3A_1985 : vector<256x128xf32> to vector<16x16x128xf32>
    %reduce_min3A_1987 = arith.constant dense<0x7F800000> : vector<16x128xf32>
    %reduce_min3A_1988 = vector.multi_reduction <minimumf>, %reshape3A_1986, %reduce_min3A_1987 [0] : vector<16x16x128xf32> to vector<16x128xf32>
    %min3A_1989 = arith.minimumf %min3A_1291, %reduce_min3A_1988 : vector<16x128xf32>
    %get3A_1990 = arith.constant 0 : index
    %get3A_1991 = arith.constant 0 : index
    %get3A_1992 = arith.constant 1408 : index
    %get3A_1993 = vector.load %arg2[%get3A_1990, %get3A_1991, %get3A_1992] : memref<1x3x2048xf32, #tpu.memory_space<vmem>>, vector<1x1x128xf32>
    %get3A_1994 = vector.shape_cast %get3A_1993 : vector<1x1x128xf32> to vector<1x128xf32>
    %get3A_1995 = arith.constant 0 : index
    %get3A_1996 = arith.constant 1 : index
    %get3A_1997 = arith.constant 1408 : index
    %get3A_1998 = vector.load %arg2[%get3A_1995, %get3A_1996, %get3A_1997] : memref<1x3x2048xf32, #tpu.memory_space<vmem>>, vector<1x1x128xf32>
    %get3A_1999 = vector.shape_cast %get3A_1998 : vector<1x1x128xf32> to vector<1x128xf32>
    %get3A_2000 = arith.constant 0 : index
    %get3A_2001 = arith.constant 2 : index
    %get3A_2002 = arith.constant 1408 : index
    %get3A_2003 = vector.load %arg2[%get3A_2000, %get3A_2001, %get3A_2002] : memref<1x3x2048xf32, #tpu.memory_space<vmem>>, vector<1x1x128xf32>
    %get3A_2004 = vector.shape_cast %get3A_2003 : vector<1x1x128xf32> to vector<1x128xf32>
    %sub3A_2005 = vector.broadcast %get3A_1515 : vector<256x1xf32> to vector<256x128xf32>
    %sub3A_2006 = vector.broadcast %get3A_1994 : vector<1x128xf32> to vector<256x128xf32>
    %sub3A_2007 = arith.subf %sub3A_2005, %sub3A_2006 : vector<256x128xf32>
    %sub3A_2008 = vector.broadcast %get3A_1520 : vector<256x1xf32> to vector<256x128xf32>
    %sub3A_2009 = vector.broadcast %get3A_1999 : vector<1x128xf32> to vector<256x128xf32>
    %sub3A_2010 = arith.subf %sub3A_2008, %sub3A_2009 : vector<256x128xf32>
    %sub3A_2011 = vector.broadcast %get3A_1525 : vector<256x1xf32> to vector<256x128xf32>
    %sub3A_2012 = vector.broadcast %get3A_2004 : vector<1x128xf32> to vector<256x128xf32>
    %sub3A_2013 = arith.subf %sub3A_2011, %sub3A_2012 : vector<256x128xf32>
    %mul3A_2014 = arith.mulf %sub3A_2007, %sub3A_2007 : vector<256x128xf32>
    %mul3A_2015 = arith.mulf %sub3A_2010, %sub3A_2010 : vector<256x128xf32>
    %add3A_2016 = arith.addf %mul3A_2014, %mul3A_2015 : vector<256x128xf32>
    %mul3A_2017 = arith.mulf %sub3A_2013, %sub3A_2013 : vector<256x128xf32>
    %add3A_2018 = arith.addf %add3A_2016, %mul3A_2017 : vector<256x128xf32>
    %bitcast_convert_type3A_2019 = tpu.bitcast %add3A_2018 : vector<256x128xf32> -> vector<256x128xi32>
    %and3A_2020 = arith.constant -2048 : i32
    %and3A_2021 = vector.broadcast %and3A_2020 : i32 to vector<256x128xi32>
    %and3A_2022 = arith.andi %bitcast_convert_type3A_2019, %and3A_2021 : vector<256x128xi32>
    %or3A_2023 = arith.ori %and3A_2022, %add3A_45 : vector<256x128xi32>
    %bitcast_convert_type3A_2024 = tpu.bitcast %or3A_2023 : vector<256x128xi32> -> vector<256x128xf32>
    %min3A_2025 = arith.minimumf %min3A_1983, %bitcast_convert_type3A_2024 : vector<256x128xf32>
    %or3A_2026 = arith.ori %and3A_2022, %add3A_73 : vector<256x128xi32>
    %bitcast_convert_type3A_2027 = tpu.bitcast %or3A_2026 : vector<256x128xi32> -> vector<256x128xf32>
    %reshape3A_2028 = vector.shape_cast %bitcast_convert_type3A_2027 : vector<256x128xf32> to vector<16x16x128xf32>
    %reduce_min3A_2029 = arith.constant dense<0x7F800000> : vector<16x128xf32>
    %reduce_min3A_2030 = vector.multi_reduction <minimumf>, %reshape3A_2028, %reduce_min3A_2029 [0] : vector<16x16x128xf32> to vector<16x128xf32>
    %min3A_2031 = arith.minimumf %min3A_1333, %reduce_min3A_2030 : vector<16x128xf32>
    %get3A_2032 = arith.constant 0 : index
    %get3A_2033 = arith.constant 0 : index
    %get3A_2034 = arith.constant 1536 : index
    %get3A_2035 = vector.load %arg2[%get3A_2032, %get3A_2033, %get3A_2034] : memref<1x3x2048xf32, #tpu.memory_space<vmem>>, vector<1x1x128xf32>
    %get3A_2036 = vector.shape_cast %get3A_2035 : vector<1x1x128xf32> to vector<1x128xf32>
    %get3A_2037 = arith.constant 0 : index
    %get3A_2038 = arith.constant 1 : index
    %get3A_2039 = arith.constant 1536 : index
    %get3A_2040 = vector.load %arg2[%get3A_2037, %get3A_2038, %get3A_2039] : memref<1x3x2048xf32, #tpu.memory_space<vmem>>, vector<1x1x128xf32>
    %get3A_2041 = vector.shape_cast %get3A_2040 : vector<1x1x128xf32> to vector<1x128xf32>
    %get3A_2042 = arith.constant 0 : index
    %get3A_2043 = arith.constant 2 : index
    %get3A_2044 = arith.constant 1536 : index
    %get3A_2045 = vector.load %arg2[%get3A_2042, %get3A_2043, %get3A_2044] : memref<1x3x2048xf32, #tpu.memory_space<vmem>>, vector<1x1x128xf32>
    %get3A_2046 = vector.shape_cast %get3A_2045 : vector<1x1x128xf32> to vector<1x128xf32>
    %sub3A_2047 = vector.broadcast %get3A_1515 : vector<256x1xf32> to vector<256x128xf32>
    %sub3A_2048 = vector.broadcast %get3A_2036 : vector<1x128xf32> to vector<256x128xf32>
    %sub3A_2049 = arith.subf %sub3A_2047, %sub3A_2048 : vector<256x128xf32>
    %sub3A_2050 = vector.broadcast %get3A_1520 : vector<256x1xf32> to vector<256x128xf32>
    %sub3A_2051 = vector.broadcast %get3A_2041 : vector<1x128xf32> to vector<256x128xf32>
    %sub3A_2052 = arith.subf %sub3A_2050, %sub3A_2051 : vector<256x128xf32>
    %sub3A_2053 = vector.broadcast %get3A_1525 : vector<256x1xf32> to vector<256x128xf32>
    %sub3A_2054 = vector.broadcast %get3A_2046 : vector<1x128xf32> to vector<256x128xf32>
    %sub3A_2055 = arith.subf %sub3A_2053, %sub3A_2054 : vector<256x128xf32>
    %mul3A_2056 = arith.mulf %sub3A_2049, %sub3A_2049 : vector<256x128xf32>
    %mul3A_2057 = arith.mulf %sub3A_2052, %sub3A_2052 : vector<256x128xf32>
    %add3A_2058 = arith.addf %mul3A_2056, %mul3A_2057 : vector<256x128xf32>
    %mul3A_2059 = arith.mulf %sub3A_2055, %sub3A_2055 : vector<256x128xf32>
    %add3A_2060 = arith.addf %add3A_2058, %mul3A_2059 : vector<256x128xf32>
    %bitcast_convert_type3A_2061 = tpu.bitcast %add3A_2060 : vector<256x128xf32> -> vector<256x128xi32>
    %and3A_2062 = arith.constant -2048 : i32
    %and3A_2063 = vector.broadcast %and3A_2062 : i32 to vector<256x128xi32>
    %and3A_2064 = arith.andi %bitcast_convert_type3A_2061, %and3A_2063 : vector<256x128xi32>
    %or3A_2065 = arith.ori %and3A_2064, %add3A_49 : vector<256x128xi32>
    %bitcast_convert_type3A_2066 = tpu.bitcast %or3A_2065 : vector<256x128xi32> -> vector<256x128xf32>
    %min3A_2067 = arith.minimumf %min3A_2025, %bitcast_convert_type3A_2066 : vector<256x128xf32>
    %or3A_2068 = arith.ori %and3A_2064, %add3A_73 : vector<256x128xi32>
    %bitcast_convert_type3A_2069 = tpu.bitcast %or3A_2068 : vector<256x128xi32> -> vector<256x128xf32>
    %reshape3A_2070 = vector.shape_cast %bitcast_convert_type3A_2069 : vector<256x128xf32> to vector<16x16x128xf32>
    %reduce_min3A_2071 = arith.constant dense<0x7F800000> : vector<16x128xf32>
    %reduce_min3A_2072 = vector.multi_reduction <minimumf>, %reshape3A_2070, %reduce_min3A_2071 [0] : vector<16x16x128xf32> to vector<16x128xf32>
    %min3A_2073 = arith.minimumf %min3A_1375, %reduce_min3A_2072 : vector<16x128xf32>
    %get3A_2074 = arith.constant 0 : index
    %get3A_2075 = arith.constant 0 : index
    %get3A_2076 = arith.constant 1664 : index
    %get3A_2077 = vector.load %arg2[%get3A_2074, %get3A_2075, %get3A_2076] : memref<1x3x2048xf32, #tpu.memory_space<vmem>>, vector<1x1x128xf32>
    %get3A_2078 = vector.shape_cast %get3A_2077 : vector<1x1x128xf32> to vector<1x128xf32>
    %get3A_2079 = arith.constant 0 : index
    %get3A_2080 = arith.constant 1 : index
    %get3A_2081 = arith.constant 1664 : index
    %get3A_2082 = vector.load %arg2[%get3A_2079, %get3A_2080, %get3A_2081] : memref<1x3x2048xf32, #tpu.memory_space<vmem>>, vector<1x1x128xf32>
    %get3A_2083 = vector.shape_cast %get3A_2082 : vector<1x1x128xf32> to vector<1x128xf32>
    %get3A_2084 = arith.constant 0 : index
    %get3A_2085 = arith.constant 2 : index
    %get3A_2086 = arith.constant 1664 : index
    %get3A_2087 = vector.load %arg2[%get3A_2084, %get3A_2085, %get3A_2086] : memref<1x3x2048xf32, #tpu.memory_space<vmem>>, vector<1x1x128xf32>
    %get3A_2088 = vector.shape_cast %get3A_2087 : vector<1x1x128xf32> to vector<1x128xf32>
    %sub3A_2089 = vector.broadcast %get3A_1515 : vector<256x1xf32> to vector<256x128xf32>
    %sub3A_2090 = vector.broadcast %get3A_2078 : vector<1x128xf32> to vector<256x128xf32>
    %sub3A_2091 = arith.subf %sub3A_2089, %sub3A_2090 : vector<256x128xf32>
    %sub3A_2092 = vector.broadcast %get3A_1520 : vector<256x1xf32> to vector<256x128xf32>
    %sub3A_2093 = vector.broadcast %get3A_2083 : vector<1x128xf32> to vector<256x128xf32>
    %sub3A_2094 = arith.subf %sub3A_2092, %sub3A_2093 : vector<256x128xf32>
    %sub3A_2095 = vector.broadcast %get3A_1525 : vector<256x1xf32> to vector<256x128xf32>
    %sub3A_2096 = vector.broadcast %get3A_2088 : vector<1x128xf32> to vector<256x128xf32>
    %sub3A_2097 = arith.subf %sub3A_2095, %sub3A_2096 : vector<256x128xf32>
    %mul3A_2098 = arith.mulf %sub3A_2091, %sub3A_2091 : vector<256x128xf32>
    %mul3A_2099 = arith.mulf %sub3A_2094, %sub3A_2094 : vector<256x128xf32>
    %add3A_2100 = arith.addf %mul3A_2098, %mul3A_2099 : vector<256x128xf32>
    %mul3A_2101 = arith.mulf %sub3A_2097, %sub3A_2097 : vector<256x128xf32>
    %add3A_2102 = arith.addf %add3A_2100, %mul3A_2101 : vector<256x128xf32>
    %bitcast_convert_type3A_2103 = tpu.bitcast %add3A_2102 : vector<256x128xf32> -> vector<256x128xi32>
    %and3A_2104 = arith.constant -2048 : i32
    %and3A_2105 = vector.broadcast %and3A_2104 : i32 to vector<256x128xi32>
    %and3A_2106 = arith.andi %bitcast_convert_type3A_2103, %and3A_2105 : vector<256x128xi32>
    %or3A_2107 = arith.ori %and3A_2106, %add3A_53 : vector<256x128xi32>
    %bitcast_convert_type3A_2108 = tpu.bitcast %or3A_2107 : vector<256x128xi32> -> vector<256x128xf32>
    %min3A_2109 = arith.minimumf %min3A_2067, %bitcast_convert_type3A_2108 : vector<256x128xf32>
    %or3A_2110 = arith.ori %and3A_2106, %add3A_73 : vector<256x128xi32>
    %bitcast_convert_type3A_2111 = tpu.bitcast %or3A_2110 : vector<256x128xi32> -> vector<256x128xf32>
    %reshape3A_2112 = vector.shape_cast %bitcast_convert_type3A_2111 : vector<256x128xf32> to vector<16x16x128xf32>
    %reduce_min3A_2113 = arith.constant dense<0x7F800000> : vector<16x128xf32>
    %reduce_min3A_2114 = vector.multi_reduction <minimumf>, %reshape3A_2112, %reduce_min3A_2113 [0] : vector<16x16x128xf32> to vector<16x128xf32>
    %min3A_2115 = arith.minimumf %min3A_1417, %reduce_min3A_2114 : vector<16x128xf32>
    %get3A_2116 = arith.constant 0 : index
    %get3A_2117 = arith.constant 0 : index
    %get3A_2118 = arith.constant 1792 : index
    %get3A_2119 = vector.load %arg2[%get3A_2116, %get3A_2117, %get3A_2118] : memref<1x3x2048xf32, #tpu.memory_space<vmem>>, vector<1x1x128xf32>
    %get3A_2120 = vector.shape_cast %get3A_2119 : vector<1x1x128xf32> to vector<1x128xf32>
    %get3A_2121 = arith.constant 0 : index
    %get3A_2122 = arith.constant 1 : index
    %get3A_2123 = arith.constant 1792 : index
    %get3A_2124 = vector.load %arg2[%get3A_2121, %get3A_2122, %get3A_2123] : memref<1x3x2048xf32, #tpu.memory_space<vmem>>, vector<1x1x128xf32>
    %get3A_2125 = vector.shape_cast %get3A_2124 : vector<1x1x128xf32> to vector<1x128xf32>
    %get3A_2126 = arith.constant 0 : index
    %get3A_2127 = arith.constant 2 : index
    %get3A_2128 = arith.constant 1792 : index
    %get3A_2129 = vector.load %arg2[%get3A_2126, %get3A_2127, %get3A_2128] : memref<1x3x2048xf32, #tpu.memory_space<vmem>>, vector<1x1x128xf32>
    %get3A_2130 = vector.shape_cast %get3A_2129 : vector<1x1x128xf32> to vector<1x128xf32>
    %sub3A_2131 = vector.broadcast %get3A_1515 : vector<256x1xf32> to vector<256x128xf32>
    %sub3A_2132 = vector.broadcast %get3A_2120 : vector<1x128xf32> to vector<256x128xf32>
    %sub3A_2133 = arith.subf %sub3A_2131, %sub3A_2132 : vector<256x128xf32>
    %sub3A_2134 = vector.broadcast %get3A_1520 : vector<256x1xf32> to vector<256x128xf32>
    %sub3A_2135 = vector.broadcast %get3A_2125 : vector<1x128xf32> to vector<256x128xf32>
    %sub3A_2136 = arith.subf %sub3A_2134, %sub3A_2135 : vector<256x128xf32>
    %sub3A_2137 = vector.broadcast %get3A_1525 : vector<256x1xf32> to vector<256x128xf32>
    %sub3A_2138 = vector.broadcast %get3A_2130 : vector<1x128xf32> to vector<256x128xf32>
    %sub3A_2139 = arith.subf %sub3A_2137, %sub3A_2138 : vector<256x128xf32>
    %mul3A_2140 = arith.mulf %sub3A_2133, %sub3A_2133 : vector<256x128xf32>
    %mul3A_2141 = arith.mulf %sub3A_2136, %sub3A_2136 : vector<256x128xf32>
    %add3A_2142 = arith.addf %mul3A_2140, %mul3A_2141 : vector<256x128xf32>
    %mul3A_2143 = arith.mulf %sub3A_2139, %sub3A_2139 : vector<256x128xf32>
    %add3A_2144 = arith.addf %add3A_2142, %mul3A_2143 : vector<256x128xf32>
    %bitcast_convert_type3A_2145 = tpu.bitcast %add3A_2144 : vector<256x128xf32> -> vector<256x128xi32>
    %and3A_2146 = arith.constant -2048 : i32
    %and3A_2147 = vector.broadcast %and3A_2146 : i32 to vector<256x128xi32>
    %and3A_2148 = arith.andi %bitcast_convert_type3A_2145, %and3A_2147 : vector<256x128xi32>
    %or3A_2149 = arith.ori %and3A_2148, %add3A_57 : vector<256x128xi32>
    %bitcast_convert_type3A_2150 = tpu.bitcast %or3A_2149 : vector<256x128xi32> -> vector<256x128xf32>
    %min3A_2151 = arith.minimumf %min3A_2109, %bitcast_convert_type3A_2150 : vector<256x128xf32>
    %or3A_2152 = arith.ori %and3A_2148, %add3A_73 : vector<256x128xi32>
    %bitcast_convert_type3A_2153 = tpu.bitcast %or3A_2152 : vector<256x128xi32> -> vector<256x128xf32>
    %reshape3A_2154 = vector.shape_cast %bitcast_convert_type3A_2153 : vector<256x128xf32> to vector<16x16x128xf32>
    %reduce_min3A_2155 = arith.constant dense<0x7F800000> : vector<16x128xf32>
    %reduce_min3A_2156 = vector.multi_reduction <minimumf>, %reshape3A_2154, %reduce_min3A_2155 [0] : vector<16x16x128xf32> to vector<16x128xf32>
    %min3A_2157 = arith.minimumf %min3A_1459, %reduce_min3A_2156 : vector<16x128xf32>
    %get3A_2158 = arith.constant 0 : index
    %get3A_2159 = arith.constant 0 : index
    %get3A_2160 = arith.constant 1920 : index
    %get3A_2161 = vector.load %arg2[%get3A_2158, %get3A_2159, %get3A_2160] : memref<1x3x2048xf32, #tpu.memory_space<vmem>>, vector<1x1x128xf32>
    %get3A_2162 = vector.shape_cast %get3A_2161 : vector<1x1x128xf32> to vector<1x128xf32>
    %get3A_2163 = arith.constant 0 : index
    %get3A_2164 = arith.constant 1 : index
    %get3A_2165 = arith.constant 1920 : index
    %get3A_2166 = vector.load %arg2[%get3A_2163, %get3A_2164, %get3A_2165] : memref<1x3x2048xf32, #tpu.memory_space<vmem>>, vector<1x1x128xf32>
    %get3A_2167 = vector.shape_cast %get3A_2166 : vector<1x1x128xf32> to vector<1x128xf32>
    %get3A_2168 = arith.constant 0 : index
    %get3A_2169 = arith.constant 2 : index
    %get3A_2170 = arith.constant 1920 : index
    %get3A_2171 = vector.load %arg2[%get3A_2168, %get3A_2169, %get3A_2170] : memref<1x3x2048xf32, #tpu.memory_space<vmem>>, vector<1x1x128xf32>
    %get3A_2172 = vector.shape_cast %get3A_2171 : vector<1x1x128xf32> to vector<1x128xf32>
    %sub3A_2173 = vector.broadcast %get3A_1515 : vector<256x1xf32> to vector<256x128xf32>
    %sub3A_2174 = vector.broadcast %get3A_2162 : vector<1x128xf32> to vector<256x128xf32>
    %sub3A_2175 = arith.subf %sub3A_2173, %sub3A_2174 : vector<256x128xf32>
    %sub3A_2176 = vector.broadcast %get3A_1520 : vector<256x1xf32> to vector<256x128xf32>
    %sub3A_2177 = vector.broadcast %get3A_2167 : vector<1x128xf32> to vector<256x128xf32>
    %sub3A_2178 = arith.subf %sub3A_2176, %sub3A_2177 : vector<256x128xf32>
    %sub3A_2179 = vector.broadcast %get3A_1525 : vector<256x1xf32> to vector<256x128xf32>
    %sub3A_2180 = vector.broadcast %get3A_2172 : vector<1x128xf32> to vector<256x128xf32>
    %sub3A_2181 = arith.subf %sub3A_2179, %sub3A_2180 : vector<256x128xf32>
    %mul3A_2182 = arith.mulf %sub3A_2175, %sub3A_2175 : vector<256x128xf32>
    %mul3A_2183 = arith.mulf %sub3A_2178, %sub3A_2178 : vector<256x128xf32>
    %add3A_2184 = arith.addf %mul3A_2182, %mul3A_2183 : vector<256x128xf32>
    %mul3A_2185 = arith.mulf %sub3A_2181, %sub3A_2181 : vector<256x128xf32>
    %add3A_2186 = arith.addf %add3A_2184, %mul3A_2185 : vector<256x128xf32>
    %bitcast_convert_type3A_2187 = tpu.bitcast %add3A_2186 : vector<256x128xf32> -> vector<256x128xi32>
    %and3A_2188 = arith.constant -2048 : i32
    %and3A_2189 = vector.broadcast %and3A_2188 : i32 to vector<256x128xi32>
    %and3A_2190 = arith.andi %bitcast_convert_type3A_2187, %and3A_2189 : vector<256x128xi32>
    %or3A_2191 = arith.ori %and3A_2190, %add3A_61 : vector<256x128xi32>
    %bitcast_convert_type3A_2192 = tpu.bitcast %or3A_2191 : vector<256x128xi32> -> vector<256x128xf32>
    %min3A_2193 = arith.minimumf %min3A_2151, %bitcast_convert_type3A_2192 : vector<256x128xf32>
    %or3A_2194 = arith.ori %and3A_2190, %add3A_73 : vector<256x128xi32>
    %bitcast_convert_type3A_2195 = tpu.bitcast %or3A_2194 : vector<256x128xi32> -> vector<256x128xf32>
    %reshape3A_2196 = vector.shape_cast %bitcast_convert_type3A_2195 : vector<256x128xf32> to vector<16x16x128xf32>
    %reduce_min3A_2197 = arith.constant dense<0x7F800000> : vector<16x128xf32>
    %reduce_min3A_2198 = vector.multi_reduction <minimumf>, %reshape3A_2196, %reduce_min3A_2197 [0] : vector<16x16x128xf32> to vector<16x128xf32>
    %min3A_2199 = arith.minimumf %min3A_1501, %reduce_min3A_2198 : vector<16x128xf32>
    %reduce_min3A_2200 = arith.constant dense<0x7F800000> : vector<256xf32>
    %reduce_min3A_2201 = vector.multi_reduction <minimumf>, %min3A_2193, %reduce_min3A_2200 [1] : vector<256x128xf32> to vector<256xf32>
    %broadcast_in_dim3A_2202 = vector.shape_cast %reduce_min3A_2201 : vector<256xf32> to vector<256x1xf32>
    %swap3A_2203 = arith.constant 0 : index
    %swap3A_2204 = arith.constant 512 : index
    %swap3A_2205 = arith.constant 0 : index
    %swap3A_2206 = vector.load %arg3[%swap3A_2203, %swap3A_2204, %swap3A_2205] : memref<1x2048x1xf32, #tpu.memory_space<vmem>>, vector<1x256x1xf32>
    %swap3A_2207 = vector.shape_cast %swap3A_2206 : vector<1x256x1xf32> to vector<256x1xf32>
    %swap3A_2208 = vector.shape_cast %broadcast_in_dim3A_2202 : vector<256x1xf32> to vector<1x256x1xf32>
    tpu.vector_store %arg3[%swap3A_2203, %swap3A_2204, %swap3A_2205], %swap3A_2208 {strides = array<i32>} : memref<1x2048x1xf32, #tpu.memory_space<vmem>>, vector<1x256x1xf32>,
    %get3A_2209 = arith.constant 0 : index
    %get3A_2210 = arith.constant 768 : index
    %get3A_2211 = arith.constant 0 : index
    %get3A_2212 = vector.load %arg1[%get3A_2209, %get3A_2210, %get3A_2211] : memref<1x2048x3xf32, #tpu.memory_space<vmem>>, vector<1x256x1xf32>
    %get3A_2213 = vector.shape_cast %get3A_2212 : vector<1x256x1xf32> to vector<256x1xf32>
    %get3A_2214 = arith.constant 0 : index
    %get3A_2215 = arith.constant 768 : index
    %get3A_2216 = arith.constant 1 : index
    %get3A_2217 = vector.load %arg1[%get3A_2214, %get3A_2215, %get3A_2216] : memref<1x2048x3xf32, #tpu.memory_space<vmem>>, vector<1x256x1xf32>
    %get3A_2218 = vector.shape_cast %get3A_2217 : vector<1x256x1xf32> to vector<256x1xf32>
    %get3A_2219 = arith.constant 0 : index
    %get3A_2220 = arith.constant 768 : index
    %get3A_2221 = arith.constant 2 : index
    %get3A_2222 = vector.load %arg1[%get3A_2219, %get3A_2220, %get3A_2221] : memref<1x2048x3xf32, #tpu.memory_space<vmem>>, vector<1x256x1xf32>
    %get3A_2223 = vector.shape_cast %get3A_2222 : vector<1x256x1xf32> to vector<256x1xf32>
    %broadcast_in_dim3A_2224 = arith.constant 3.000000e+38 : f32
    %broadcast_in_dim3A_2225 = vector.broadcast %broadcast_in_dim3A_2224 : f32 to vector<256x128xf32>
    %get3A_2226 = arith.constant 0 : index
    %get3A_2227 = arith.constant 0 : index
    %get3A_2228 = arith.constant 0 : index
    %get3A_2229 = vector.load %arg2[%get3A_2226, %get3A_2227, %get3A_2228] : memref<1x3x2048xf32, #tpu.memory_space<vmem>>, vector<1x1x128xf32>
    %get3A_2230 = vector.shape_cast %get3A_2229 : vector<1x1x128xf32> to vector<1x128xf32>
    %get3A_2231 = arith.constant 0 : index
    %get3A_2232 = arith.constant 1 : index
    %get3A_2233 = arith.constant 0 : index
    %get3A_2234 = vector.load %arg2[%get3A_2231, %get3A_2232, %get3A_2233] : memref<1x3x2048xf32, #tpu.memory_space<vmem>>, vector<1x1x128xf32>
    %get3A_2235 = vector.shape_cast %get3A_2234 : vector<1x1x128xf32> to vector<1x128xf32>
    %get3A_2236 = arith.constant 0 : index
    %get3A_2237 = arith.constant 2 : index
    %get3A_2238 = arith.constant 0 : index
    %get3A_2239 = vector.load %arg2[%get3A_2236, %get3A_2237, %get3A_2238] : memref<1x3x2048xf32, #tpu.memory_space<vmem>>, vector<1x1x128xf32>
    %get3A_2240 = vector.shape_cast %get3A_2239 : vector<1x1x128xf32> to vector<1x128xf32>
    %sub3A_2241 = vector.broadcast %get3A_2213 : vector<256x1xf32> to vector<256x128xf32>
    %sub3A_2242 = vector.broadcast %get3A_2230 : vector<1x128xf32> to vector<256x128xf32>
    %sub3A_2243 = arith.subf %sub3A_2241, %sub3A_2242 : vector<256x128xf32>
    %sub3A_2244 = vector.broadcast %get3A_2218 : vector<256x1xf32> to vector<256x128xf32>
    %sub3A_2245 = vector.broadcast %get3A_2235 : vector<1x128xf32> to vector<256x128xf32>
    %sub3A_2246 = arith.subf %sub3A_2244, %sub3A_2245 : vector<256x128xf32>
    %sub3A_2247 = vector.broadcast %get3A_2223 : vector<256x1xf32> to vector<256x128xf32>
    %sub3A_2248 = vector.broadcast %get3A_2240 : vector<1x128xf32> to vector<256x128xf32>
    %sub3A_2249 = arith.subf %sub3A_2247, %sub3A_2248 : vector<256x128xf32>
    %mul3A_2250 = arith.mulf %sub3A_2243, %sub3A_2243 : vector<256x128xf32>
    %mul3A_2251 = arith.mulf %sub3A_2246, %sub3A_2246 : vector<256x128xf32>
    %add3A_2252 = arith.addf %mul3A_2250, %mul3A_2251 : vector<256x128xf32>
    %mul3A_2253 = arith.mulf %sub3A_2249, %sub3A_2249 : vector<256x128xf32>
    %add3A_2254 = arith.addf %add3A_2252, %mul3A_2253 : vector<256x128xf32>
    %bitcast_convert_type3A_2255 = tpu.bitcast %add3A_2254 : vector<256x128xf32> -> vector<256x128xi32>
    %and3A_2256 = arith.constant -2048 : i32
    %and3A_2257 = vector.broadcast %and3A_2256 : i32 to vector<256x128xi32>
    %and3A_2258 = arith.andi %bitcast_convert_type3A_2255, %and3A_2257 : vector<256x128xi32>
    %or3A_2259 = arith.ori %and3A_2258, %add3A_1 : vector<256x128xi32>
    %bitcast_convert_type3A_2260 = tpu.bitcast %or3A_2259 : vector<256x128xi32> -> vector<256x128xf32>
    %min3A_2261 = arith.minimumf %broadcast_in_dim3A_2225, %bitcast_convert_type3A_2260 : vector<256x128xf32>
    %or3A_2262 = arith.ori %and3A_2258, %add3A_77 : vector<256x128xi32>
    %bitcast_convert_type3A_2263 = tpu.bitcast %or3A_2262 : vector<256x128xi32> -> vector<256x128xf32>
    %reshape3A_2264 = vector.shape_cast %bitcast_convert_type3A_2263 : vector<256x128xf32> to vector<16x16x128xf32>
    %reduce_min3A_2265 = arith.constant dense<0x7F800000> : vector<16x128xf32>
    %reduce_min3A_2266 = vector.multi_reduction <minimumf>, %reshape3A_2264, %reduce_min3A_2265 [0] : vector<16x16x128xf32> to vector<16x128xf32>
    %min3A_2267 = arith.minimumf %min3A_1569, %reduce_min3A_2266 : vector<16x128xf32>
    %get3A_2268 = arith.constant 0 : index
    %get3A_2269 = arith.constant 0 : index
    %get3A_2270 = arith.constant 128 : index
    %get3A_2271 = vector.load %arg2[%get3A_2268, %get3A_2269, %get3A_2270] : memref<1x3x2048xf32, #tpu.memory_space<vmem>>, vector<1x1x128xf32>
    %get3A_2272 = vector.shape_cast %get3A_2271 : vector<1x1x128xf32> to vector<1x128xf32>
    %get3A_2273 = arith.constant 0 : index
    %get3A_2274 = arith.constant 1 : index
    %get3A_2275 = arith.constant 128 : index
    %get3A_2276 = vector.load %arg2[%get3A_2273, %get3A_2274, %get3A_2275] : memref<1x3x2048xf32, #tpu.memory_space<vmem>>, vector<1x1x128xf32>
    %get3A_2277 = vector.shape_cast %get3A_2276 : vector<1x1x128xf32> to vector<1x128xf32>
    %get3A_2278 = arith.constant 0 : index
    %get3A_2279 = arith.constant 2 : index
    %get3A_2280 = arith.constant 128 : index
    %get3A_2281 = vector.load %arg2[%get3A_2278, %get3A_2279, %get3A_2280] : memref<1x3x2048xf32, #tpu.memory_space<vmem>>, vector<1x1x128xf32>
    %get3A_2282 = vector.shape_cast %get3A_2281 : vector<1x1x128xf32> to vector<1x128xf32>
    %sub3A_2283 = vector.broadcast %get3A_2213 : vector<256x1xf32> to vector<256x128xf32>
    %sub3A_2284 = vector.broadcast %get3A_2272 : vector<1x128xf32> to vector<256x128xf32>
    %sub3A_2285 = arith.subf %sub3A_2283, %sub3A_2284 : vector<256x128xf32>
    %sub3A_2286 = vector.broadcast %get3A_2218 : vector<256x1xf32> to vector<256x128xf32>
    %sub3A_2287 = vector.broadcast %get3A_2277 : vector<1x128xf32> to vector<256x128xf32>
    %sub3A_2288 = arith.subf %sub3A_2286, %sub3A_2287 : vector<256x128xf32>
    %sub3A_2289 = vector.broadcast %get3A_2223 : vector<256x1xf32> to vector<256x128xf32>
    %sub3A_2290 = vector.broadcast %get3A_2282 : vector<1x128xf32> to vector<256x128xf32>
    %sub3A_2291 = arith.subf %sub3A_2289, %sub3A_2290 : vector<256x128xf32>
    %mul3A_2292 = arith.mulf %sub3A_2285, %sub3A_2285 : vector<256x128xf32>
    %mul3A_2293 = arith.mulf %sub3A_2288, %sub3A_2288 : vector<256x128xf32>
    %add3A_2294 = arith.addf %mul3A_2292, %mul3A_2293 : vector<256x128xf32>
    %mul3A_2295 = arith.mulf %sub3A_2291, %sub3A_2291 : vector<256x128xf32>
    %add3A_2296 = arith.addf %add3A_2294, %mul3A_2295 : vector<256x128xf32>
    %bitcast_convert_type3A_2297 = tpu.bitcast %add3A_2296 : vector<256x128xf32> -> vector<256x128xi32>
    %and3A_2298 = arith.constant -2048 : i32
    %and3A_2299 = vector.broadcast %and3A_2298 : i32 to vector<256x128xi32>
    %and3A_2300 = arith.andi %bitcast_convert_type3A_2297, %and3A_2299 : vector<256x128xi32>
    %or3A_2301 = arith.ori %and3A_2300, %add3A_5 : vector<256x128xi32>
    %bitcast_convert_type3A_2302 = tpu.bitcast %or3A_2301 : vector<256x128xi32> -> vector<256x128xf32>
    %min3A_2303 = arith.minimumf %min3A_2261, %bitcast_convert_type3A_2302 : vector<256x128xf32>
    %or3A_2304 = arith.ori %and3A_2300, %add3A_77 : vector<256x128xi32>
    %bitcast_convert_type3A_2305 = tpu.bitcast %or3A_2304 : vector<256x128xi32> -> vector<256x128xf32>
    %reshape3A_2306 = vector.shape_cast %bitcast_convert_type3A_2305 : vector<256x128xf32> to vector<16x16x128xf32>
    %reduce_min3A_2307 = arith.constant dense<0x7F800000> : vector<16x128xf32>
    %reduce_min3A_2308 = vector.multi_reduction <minimumf>, %reshape3A_2306, %reduce_min3A_2307 [0] : vector<16x16x128xf32> to vector<16x128xf32>
    %min3A_2309 = arith.minimumf %min3A_1611, %reduce_min3A_2308 : vector<16x128xf32>
    %get3A_2310 = arith.constant 0 : index
    %get3A_2311 = arith.constant 0 : index
    %get3A_2312 = arith.constant 256 : index
    %get3A_2313 = vector.load %arg2[%get3A_2310, %get3A_2311, %get3A_2312] : memref<1x3x2048xf32, #tpu.memory_space<vmem>>, vector<1x1x128xf32>
    %get3A_2314 = vector.shape_cast %get3A_2313 : vector<1x1x128xf32> to vector<1x128xf32>
    %get3A_2315 = arith.constant 0 : index
    %get3A_2316 = arith.constant 1 : index
    %get3A_2317 = arith.constant 256 : index
    %get3A_2318 = vector.load %arg2[%get3A_2315, %get3A_2316, %get3A_2317] : memref<1x3x2048xf32, #tpu.memory_space<vmem>>, vector<1x1x128xf32>
    %get3A_2319 = vector.shape_cast %get3A_2318 : vector<1x1x128xf32> to vector<1x128xf32>
    %get3A_2320 = arith.constant 0 : index
    %get3A_2321 = arith.constant 2 : index
    %get3A_2322 = arith.constant 256 : index
    %get3A_2323 = vector.load %arg2[%get3A_2320, %get3A_2321, %get3A_2322] : memref<1x3x2048xf32, #tpu.memory_space<vmem>>, vector<1x1x128xf32>
    %get3A_2324 = vector.shape_cast %get3A_2323 : vector<1x1x128xf32> to vector<1x128xf32>
    %sub3A_2325 = vector.broadcast %get3A_2213 : vector<256x1xf32> to vector<256x128xf32>
    %sub3A_2326 = vector.broadcast %get3A_2314 : vector<1x128xf32> to vector<256x128xf32>
    %sub3A_2327 = arith.subf %sub3A_2325, %sub3A_2326 : vector<256x128xf32>
    %sub3A_2328 = vector.broadcast %get3A_2218 : vector<256x1xf32> to vector<256x128xf32>
    %sub3A_2329 = vector.broadcast %get3A_2319 : vector<1x128xf32> to vector<256x128xf32>
    %sub3A_2330 = arith.subf %sub3A_2328, %sub3A_2329 : vector<256x128xf32>
    %sub3A_2331 = vector.broadcast %get3A_2223 : vector<256x1xf32> to vector<256x128xf32>
    %sub3A_2332 = vector.broadcast %get3A_2324 : vector<1x128xf32> to vector<256x128xf32>
    %sub3A_2333 = arith.subf %sub3A_2331, %sub3A_2332 : vector<256x128xf32>
    %mul3A_2334 = arith.mulf %sub3A_2327, %sub3A_2327 : vector<256x128xf32>
    %mul3A_2335 = arith.mulf %sub3A_2330, %sub3A_2330 : vector<256x128xf32>
    %add3A_2336 = arith.addf %mul3A_2334, %mul3A_2335 : vector<256x128xf32>
    %mul3A_2337 = arith.mulf %sub3A_2333, %sub3A_2333 : vector<256x128xf32>
    %add3A_2338 = arith.addf %add3A_2336, %mul3A_2337 : vector<256x128xf32>
    %bitcast_convert_type3A_2339 = tpu.bitcast %add3A_2338 : vector<256x128xf32> -> vector<256x128xi32>
    %and3A_2340 = arith.constant -2048 : i32
    %and3A_2341 = vector.broadcast %and3A_2340 : i32 to vector<256x128xi32>
    %and3A_2342 = arith.andi %bitcast_convert_type3A_2339, %and3A_2341 : vector<256x128xi32>
    %or3A_2343 = arith.ori %and3A_2342, %add3A_9 : vector<256x128xi32>
    %bitcast_convert_type3A_2344 = tpu.bitcast %or3A_2343 : vector<256x128xi32> -> vector<256x128xf32>
    %min3A_2345 = arith.minimumf %min3A_2303, %bitcast_convert_type3A_2344 : vector<256x128xf32>
    %or3A_2346 = arith.ori %and3A_2342, %add3A_77 : vector<256x128xi32>
    %bitcast_convert_type3A_2347 = tpu.bitcast %or3A_2346 : vector<256x128xi32> -> vector<256x128xf32>
    %reshape3A_2348 = vector.shape_cast %bitcast_convert_type3A_2347 : vector<256x128xf32> to vector<16x16x128xf32>
    %reduce_min3A_2349 = arith.constant dense<0x7F800000> : vector<16x128xf32>
    %reduce_min3A_2350 = vector.multi_reduction <minimumf>, %reshape3A_2348, %reduce_min3A_2349 [0] : vector<16x16x128xf32> to vector<16x128xf32>
    %min3A_2351 = arith.minimumf %min3A_1653, %reduce_min3A_2350 : vector<16x128xf32>
    %get3A_2352 = arith.constant 0 : index
    %get3A_2353 = arith.constant 0 : index
    %get3A_2354 = arith.constant 384 : index
    %get3A_2355 = vector.load %arg2[%get3A_2352, %get3A_2353, %get3A_2354] : memref<1x3x2048xf32, #tpu.memory_space<vmem>>, vector<1x1x128xf32>
    %get3A_2356 = vector.shape_cast %get3A_2355 : vector<1x1x128xf32> to vector<1x128xf32>
    %get3A_2357 = arith.constant 0 : index
    %get3A_2358 = arith.constant 1 : index
    %get3A_2359 = arith.constant 384 : index
    %get3A_2360 = vector.load %arg2[%get3A_2357, %get3A_2358, %get3A_2359] : memref<1x3x2048xf32, #tpu.memory_space<vmem>>, vector<1x1x128xf32>
    %get3A_2361 = vector.shape_cast %get3A_2360 : vector<1x1x128xf32> to vector<1x128xf32>
    %get3A_2362 = arith.constant 0 : index
    %get3A_2363 = arith.constant 2 : index
    %get3A_2364 = arith.constant 384 : index
    %get3A_2365 = vector.load %arg2[%get3A_2362, %get3A_2363, %get3A_2364] : memref<1x3x2048xf32, #tpu.memory_space<vmem>>, vector<1x1x128xf32>
    %get3A_2366 = vector.shape_cast %get3A_2365 : vector<1x1x128xf32> to vector<1x128xf32>
    %sub3A_2367 = vector.broadcast %get3A_2213 : vector<256x1xf32> to vector<256x128xf32>
    %sub3A_2368 = vector.broadcast %get3A_2356 : vector<1x128xf32> to vector<256x128xf32>
    %sub3A_2369 = arith.subf %sub3A_2367, %sub3A_2368 : vector<256x128xf32>
    %sub3A_2370 = vector.broadcast %get3A_2218 : vector<256x1xf32> to vector<256x128xf32>
    %sub3A_2371 = vector.broadcast %get3A_2361 : vector<1x128xf32> to vector<256x128xf32>
    %sub3A_2372 = arith.subf %sub3A_2370, %sub3A_2371 : vector<256x128xf32>
    %sub3A_2373 = vector.broadcast %get3A_2223 : vector<256x1xf32> to vector<256x128xf32>
    %sub3A_2374 = vector.broadcast %get3A_2366 : vector<1x128xf32> to vector<256x128xf32>
    %sub3A_2375 = arith.subf %sub3A_2373, %sub3A_2374 : vector<256x128xf32>
    %mul3A_2376 = arith.mulf %sub3A_2369, %sub3A_2369 : vector<256x128xf32>
    %mul3A_2377 = arith.mulf %sub3A_2372, %sub3A_2372 : vector<256x128xf32>
    %add3A_2378 = arith.addf %mul3A_2376, %mul3A_2377 : vector<256x128xf32>
    %mul3A_2379 = arith.mulf %sub3A_2375, %sub3A_2375 : vector<256x128xf32>
    %add3A_2380 = arith.addf %add3A_2378, %mul3A_2379 : vector<256x128xf32>
    %bitcast_convert_type3A_2381 = tpu.bitcast %add3A_2380 : vector<256x128xf32> -> vector<256x128xi32>
    %and3A_2382 = arith.constant -2048 : i32
    %and3A_2383 = vector.broadcast %and3A_2382 : i32 to vector<256x128xi32>
    %and3A_2384 = arith.andi %bitcast_convert_type3A_2381, %and3A_2383 : vector<256x128xi32>
    %or3A_2385 = arith.ori %and3A_2384, %add3A_13 : vector<256x128xi32>
    %bitcast_convert_type3A_2386 = tpu.bitcast %or3A_2385 : vector<256x128xi32> -> vector<256x128xf32>
    %min3A_2387 = arith.minimumf %min3A_2345, %bitcast_convert_type3A_2386 : vector<256x128xf32>
    %or3A_2388 = arith.ori %and3A_2384, %add3A_77 : vector<256x128xi32>
    %bitcast_convert_type3A_2389 = tpu.bitcast %or3A_2388 : vector<256x128xi32> -> vector<256x128xf32>
    %reshape3A_2390 = vector.shape_cast %bitcast_convert_type3A_2389 : vector<256x128xf32> to vector<16x16x128xf32>
    %reduce_min3A_2391 = arith.constant dense<0x7F800000> : vector<16x128xf32>
    %reduce_min3A_2392 = vector.multi_reduction <minimumf>, %reshape3A_2390, %reduce_min3A_2391 [0] : vector<16x16x128xf32> to vector<16x128xf32>
    %min3A_2393 = arith.minimumf %min3A_1695, %reduce_min3A_2392 : vector<16x128xf32>
    %get3A_2394 = arith.constant 0 : index
    %get3A_2395 = arith.constant 0 : index
    %get3A_2396 = arith.constant 512 : index
    %get3A_2397 = vector.load %arg2[%get3A_2394, %get3A_2395, %get3A_2396] : memref<1x3x2048xf32, #tpu.memory_space<vmem>>, vector<1x1x128xf32>
    %get3A_2398 = vector.shape_cast %get3A_2397 : vector<1x1x128xf32> to vector<1x128xf32>
    %get3A_2399 = arith.constant 0 : index
    %get3A_2400 = arith.constant 1 : index
    %get3A_2401 = arith.constant 512 : index
    %get3A_2402 = vector.load %arg2[%get3A_2399, %get3A_2400, %get3A_2401] : memref<1x3x2048xf32, #tpu.memory_space<vmem>>, vector<1x1x128xf32>
    %get3A_2403 = vector.shape_cast %get3A_2402 : vector<1x1x128xf32> to vector<1x128xf32>
    %get3A_2404 = arith.constant 0 : index
    %get3A_2405 = arith.constant 2 : index
    %get3A_2406 = arith.constant 512 : index
    %get3A_2407 = vector.load %arg2[%get3A_2404, %get3A_2405, %get3A_2406] : memref<1x3x2048xf32, #tpu.memory_space<vmem>>, vector<1x1x128xf32>
    %get3A_2408 = vector.shape_cast %get3A_2407 : vector<1x1x128xf32> to vector<1x128xf32>
    %sub3A_2409 = vector.broadcast %get3A_2213 : vector<256x1xf32> to vector<256x128xf32>
    %sub3A_2410 = vector.broadcast %get3A_2398 : vector<1x128xf32> to vector<256x128xf32>
    %sub3A_2411 = arith.subf %sub3A_2409, %sub3A_2410 : vector<256x128xf32>
    %sub3A_2412 = vector.broadcast %get3A_2218 : vector<256x1xf32> to vector<256x128xf32>
    %sub3A_2413 = vector.broadcast %get3A_2403 : vector<1x128xf32> to vector<256x128xf32>
    %sub3A_2414 = arith.subf %sub3A_2412, %sub3A_2413 : vector<256x128xf32>
    %sub3A_2415 = vector.broadcast %get3A_2223 : vector<256x1xf32> to vector<256x128xf32>
    %sub3A_2416 = vector.broadcast %get3A_2408 : vector<1x128xf32> to vector<256x128xf32>
    %sub3A_2417 = arith.subf %sub3A_2415, %sub3A_2416 : vector<256x128xf32>
    %mul3A_2418 = arith.mulf %sub3A_2411, %sub3A_2411 : vector<256x128xf32>
    %mul3A_2419 = arith.mulf %sub3A_2414, %sub3A_2414 : vector<256x128xf32>
    %add3A_2420 = arith.addf %mul3A_2418, %mul3A_2419 : vector<256x128xf32>
    %mul3A_2421 = arith.mulf %sub3A_2417, %sub3A_2417 : vector<256x128xf32>
    %add3A_2422 = arith.addf %add3A_2420, %mul3A_2421 : vector<256x128xf32>
    %bitcast_convert_type3A_2423 = tpu.bitcast %add3A_2422 : vector<256x128xf32> -> vector<256x128xi32>
    %and3A_2424 = arith.constant -2048 : i32
    %and3A_2425 = vector.broadcast %and3A_2424 : i32 to vector<256x128xi32>
    %and3A_2426 = arith.andi %bitcast_convert_type3A_2423, %and3A_2425 : vector<256x128xi32>
    %or3A_2427 = arith.ori %and3A_2426, %add3A_17 : vector<256x128xi32>
    %bitcast_convert_type3A_2428 = tpu.bitcast %or3A_2427 : vector<256x128xi32> -> vector<256x128xf32>
    %min3A_2429 = arith.minimumf %min3A_2387, %bitcast_convert_type3A_2428 : vector<256x128xf32>
    %or3A_2430 = arith.ori %and3A_2426, %add3A_77 : vector<256x128xi32>
    %bitcast_convert_type3A_2431 = tpu.bitcast %or3A_2430 : vector<256x128xi32> -> vector<256x128xf32>
    %reshape3A_2432 = vector.shape_cast %bitcast_convert_type3A_2431 : vector<256x128xf32> to vector<16x16x128xf32>
    %reduce_min3A_2433 = arith.constant dense<0x7F800000> : vector<16x128xf32>
    %reduce_min3A_2434 = vector.multi_reduction <minimumf>, %reshape3A_2432, %reduce_min3A_2433 [0] : vector<16x16x128xf32> to vector<16x128xf32>
    %min3A_2435 = arith.minimumf %min3A_1737, %reduce_min3A_2434 : vector<16x128xf32>
    %get3A_2436 = arith.constant 0 : index
    %get3A_2437 = arith.constant 0 : index
    %get3A_2438 = arith.constant 640 : index
    %get3A_2439 = vector.load %arg2[%get3A_2436, %get3A_2437, %get3A_2438] : memref<1x3x2048xf32, #tpu.memory_space<vmem>>, vector<1x1x128xf32>
    %get3A_2440 = vector.shape_cast %get3A_2439 : vector<1x1x128xf32> to vector<1x128xf32>
    %get3A_2441 = arith.constant 0 : index
    %get3A_2442 = arith.constant 1 : index
    %get3A_2443 = arith.constant 640 : index
    %get3A_2444 = vector.load %arg2[%get3A_2441, %get3A_2442, %get3A_2443] : memref<1x3x2048xf32, #tpu.memory_space<vmem>>, vector<1x1x128xf32>
    %get3A_2445 = vector.shape_cast %get3A_2444 : vector<1x1x128xf32> to vector<1x128xf32>
    %get3A_2446 = arith.constant 0 : index
    %get3A_2447 = arith.constant 2 : index
    %get3A_2448 = arith.constant 640 : index
    %get3A_2449 = vector.load %arg2[%get3A_2446, %get3A_2447, %get3A_2448] : memref<1x3x2048xf32, #tpu.memory_space<vmem>>, vector<1x1x128xf32>
    %get3A_2450 = vector.shape_cast %get3A_2449 : vector<1x1x128xf32> to vector<1x128xf32>
    %sub3A_2451 = vector.broadcast %get3A_2213 : vector<256x1xf32> to vector<256x128xf32>
    %sub3A_2452 = vector.broadcast %get3A_2440 : vector<1x128xf32> to vector<256x128xf32>
    %sub3A_2453 = arith.subf %sub3A_2451, %sub3A_2452 : vector<256x128xf32>
    %sub3A_2454 = vector.broadcast %get3A_2218 : vector<256x1xf32> to vector<256x128xf32>
    %sub3A_2455 = vector.broadcast %get3A_2445 : vector<1x128xf32> to vector<256x128xf32>
    %sub3A_2456 = arith.subf %sub3A_2454, %sub3A_2455 : vector<256x128xf32>
    %sub3A_2457 = vector.broadcast %get3A_2223 : vector<256x1xf32> to vector<256x128xf32>
    %sub3A_2458 = vector.broadcast %get3A_2450 : vector<1x128xf32> to vector<256x128xf32>
    %sub3A_2459 = arith.subf %sub3A_2457, %sub3A_2458 : vector<256x128xf32>
    %mul3A_2460 = arith.mulf %sub3A_2453, %sub3A_2453 : vector<256x128xf32>
    %mul3A_2461 = arith.mulf %sub3A_2456, %sub3A_2456 : vector<256x128xf32>
    %add3A_2462 = arith.addf %mul3A_2460, %mul3A_2461 : vector<256x128xf32>
    %mul3A_2463 = arith.mulf %sub3A_2459, %sub3A_2459 : vector<256x128xf32>
    %add3A_2464 = arith.addf %add3A_2462, %mul3A_2463 : vector<256x128xf32>
    %bitcast_convert_type3A_2465 = tpu.bitcast %add3A_2464 : vector<256x128xf32> -> vector<256x128xi32>
    %and3A_2466 = arith.constant -2048 : i32
    %and3A_2467 = vector.broadcast %and3A_2466 : i32 to vector<256x128xi32>
    %and3A_2468 = arith.andi %bitcast_convert_type3A_2465, %and3A_2467 : vector<256x128xi32>
    %or3A_2469 = arith.ori %and3A_2468, %add3A_21 : vector<256x128xi32>
    %bitcast_convert_type3A_2470 = tpu.bitcast %or3A_2469 : vector<256x128xi32> -> vector<256x128xf32>
    %min3A_2471 = arith.minimumf %min3A_2429, %bitcast_convert_type3A_2470 : vector<256x128xf32>
    %or3A_2472 = arith.ori %and3A_2468, %add3A_77 : vector<256x128xi32>
    %bitcast_convert_type3A_2473 = tpu.bitcast %or3A_2472 : vector<256x128xi32> -> vector<256x128xf32>
    %reshape3A_2474 = vector.shape_cast %bitcast_convert_type3A_2473 : vector<256x128xf32> to vector<16x16x128xf32>
    %reduce_min3A_2475 = arith.constant dense<0x7F800000> : vector<16x128xf32>
    %reduce_min3A_2476 = vector.multi_reduction <minimumf>, %reshape3A_2474, %reduce_min3A_2475 [0] : vector<16x16x128xf32> to vector<16x128xf32>
    %min3A_2477 = arith.minimumf %min3A_1779, %reduce_min3A_2476 : vector<16x128xf32>
    %get3A_2478 = arith.constant 0 : index
    %get3A_2479 = arith.constant 0 : index
    %get3A_2480 = arith.constant 768 : index
    %get3A_2481 = vector.load %arg2[%get3A_2478, %get3A_2479, %get3A_2480] : memref<1x3x2048xf32, #tpu.memory_space<vmem>>, vector<1x1x128xf32>
    %get3A_2482 = vector.shape_cast %get3A_2481 : vector<1x1x128xf32> to vector<1x128xf32>
    %get3A_2483 = arith.constant 0 : index
    %get3A_2484 = arith.constant 1 : index
    %get3A_2485 = arith.constant 768 : index
    %get3A_2486 = vector.load %arg2[%get3A_2483, %get3A_2484, %get3A_2485] : memref<1x3x2048xf32, #tpu.memory_space<vmem>>, vector<1x1x128xf32>
    %get3A_2487 = vector.shape_cast %get3A_2486 : vector<1x1x128xf32> to vector<1x128xf32>
    %get3A_2488 = arith.constant 0 : index
    %get3A_2489 = arith.constant 2 : index
    %get3A_2490 = arith.constant 768 : index
    %get3A_2491 = vector.load %arg2[%get3A_2488, %get3A_2489, %get3A_2490] : memref<1x3x2048xf32, #tpu.memory_space<vmem>>, vector<1x1x128xf32>
    %get3A_2492 = vector.shape_cast %get3A_2491 : vector<1x1x128xf32> to vector<1x128xf32>
    %sub3A_2493 = vector.broadcast %get3A_2213 : vector<256x1xf32> to vector<256x128xf32>
    %sub3A_2494 = vector.broadcast %get3A_2482 : vector<1x128xf32> to vector<256x128xf32>
    %sub3A_2495 = arith.subf %sub3A_2493, %sub3A_2494 : vector<256x128xf32>
    %sub3A_2496 = vector.broadcast %get3A_2218 : vector<256x1xf32> to vector<256x128xf32>
    %sub3A_2497 = vector.broadcast %get3A_2487 : vector<1x128xf32> to vector<256x128xf32>
    %sub3A_2498 = arith.subf %sub3A_2496, %sub3A_2497 : vector<256x128xf32>
    %sub3A_2499 = vector.broadcast %get3A_2223 : vector<256x1xf32> to vector<256x128xf32>
    %sub3A_2500 = vector.broadcast %get3A_2492 : vector<1x128xf32> to vector<256x128xf32>
    %sub3A_2501 = arith.subf %sub3A_2499, %sub3A_2500 : vector<256x128xf32>
    %mul3A_2502 = arith.mulf %sub3A_2495, %sub3A_2495 : vector<256x128xf32>
    %mul3A_2503 = arith.mulf %sub3A_2498, %sub3A_2498 : vector<256x128xf32>
    %add3A_2504 = arith.addf %mul3A_2502, %mul3A_2503 : vector<256x128xf32>
    %mul3A_2505 = arith.mulf %sub3A_2501, %sub3A_2501 : vector<256x128xf32>
    %add3A_2506 = arith.addf %add3A_2504, %mul3A_2505 : vector<256x128xf32>
    %bitcast_convert_type3A_2507 = tpu.bitcast %add3A_2506 : vector<256x128xf32> -> vector<256x128xi32>
    %and3A_2508 = arith.constant -2048 : i32
    %and3A_2509 = vector.broadcast %and3A_2508 : i32 to vector<256x128xi32>
    %and3A_2510 = arith.andi %bitcast_convert_type3A_2507, %and3A_2509 : vector<256x128xi32>
    %or3A_2511 = arith.ori %and3A_2510, %add3A_25 : vector<256x128xi32>
    %bitcast_convert_type3A_2512 = tpu.bitcast %or3A_2511 : vector<256x128xi32> -> vector<256x128xf32>
    %min3A_2513 = arith.minimumf %min3A_2471, %bitcast_convert_type3A_2512 : vector<256x128xf32>
    %or3A_2514 = arith.ori %and3A_2510, %add3A_77 : vector<256x128xi32>
    %bitcast_convert_type3A_2515 = tpu.bitcast %or3A_2514 : vector<256x128xi32> -> vector<256x128xf32>
    %reshape3A_2516 = vector.shape_cast %bitcast_convert_type3A_2515 : vector<256x128xf32> to vector<16x16x128xf32>
    %reduce_min3A_2517 = arith.constant dense<0x7F800000> : vector<16x128xf32>
    %reduce_min3A_2518 = vector.multi_reduction <minimumf>, %reshape3A_2516, %reduce_min3A_2517 [0] : vector<16x16x128xf32> to vector<16x128xf32>
    %min3A_2519 = arith.minimumf %min3A_1821, %reduce_min3A_2518 : vector<16x128xf32>
    %get3A_2520 = arith.constant 0 : index
    %get3A_2521 = arith.constant 0 : index
    %get3A_2522 = arith.constant 896 : index
    %get3A_2523 = vector.load %arg2[%get3A_2520, %get3A_2521, %get3A_2522] : memref<1x3x2048xf32, #tpu.memory_space<vmem>>, vector<1x1x128xf32>
    %get3A_2524 = vector.shape_cast %get3A_2523 : vector<1x1x128xf32> to vector<1x128xf32>
    %get3A_2525 = arith.constant 0 : index
    %get3A_2526 = arith.constant 1 : index
    %get3A_2527 = arith.constant 896 : index
    %get3A_2528 = vector.load %arg2[%get3A_2525, %get3A_2526, %get3A_2527] : memref<1x3x2048xf32, #tpu.memory_space<vmem>>, vector<1x1x128xf32>
    %get3A_2529 = vector.shape_cast %get3A_2528 : vector<1x1x128xf32> to vector<1x128xf32>
    %get3A_2530 = arith.constant 0 : index
    %get3A_2531 = arith.constant 2 : index
    %get3A_2532 = arith.constant 896 : index
    %get3A_2533 = vector.load %arg2[%get3A_2530, %get3A_2531, %get3A_2532] : memref<1x3x2048xf32, #tpu.memory_space<vmem>>, vector<1x1x128xf32>
    %get3A_2534 = vector.shape_cast %get3A_2533 : vector<1x1x128xf32> to vector<1x128xf32>
    %sub3A_2535 = vector.broadcast %get3A_2213 : vector<256x1xf32> to vector<256x128xf32>
    %sub3A_2536 = vector.broadcast %get3A_2524 : vector<1x128xf32> to vector<256x128xf32>
    %sub3A_2537 = arith.subf %sub3A_2535, %sub3A_2536 : vector<256x128xf32>
    %sub3A_2538 = vector.broadcast %get3A_2218 : vector<256x1xf32> to vector<256x128xf32>
    %sub3A_2539 = vector.broadcast %get3A_2529 : vector<1x128xf32> to vector<256x128xf32>
    %sub3A_2540 = arith.subf %sub3A_2538, %sub3A_2539 : vector<256x128xf32>
    %sub3A_2541 = vector.broadcast %get3A_2223 : vector<256x1xf32> to vector<256x128xf32>
    %sub3A_2542 = vector.broadcast %get3A_2534 : vector<1x128xf32> to vector<256x128xf32>
    %sub3A_2543 = arith.subf %sub3A_2541, %sub3A_2542 : vector<256x128xf32>
    %mul3A_2544 = arith.mulf %sub3A_2537, %sub3A_2537 : vector<256x128xf32>
    %mul3A_2545 = arith.mulf %sub3A_2540, %sub3A_2540 : vector<256x128xf32>
    %add3A_2546 = arith.addf %mul3A_2544, %mul3A_2545 : vector<256x128xf32>
    %mul3A_2547 = arith.mulf %sub3A_2543, %sub3A_2543 : vector<256x128xf32>
    %add3A_2548 = arith.addf %add3A_2546, %mul3A_2547 : vector<256x128xf32>
    %bitcast_convert_type3A_2549 = tpu.bitcast %add3A_2548 : vector<256x128xf32> -> vector<256x128xi32>
    %and3A_2550 = arith.constant -2048 : i32
    %and3A_2551 = vector.broadcast %and3A_2550 : i32 to vector<256x128xi32>
    %and3A_2552 = arith.andi %bitcast_convert_type3A_2549, %and3A_2551 : vector<256x128xi32>
    %or3A_2553 = arith.ori %and3A_2552, %add3A_29 : vector<256x128xi32>
    %bitcast_convert_type3A_2554 = tpu.bitcast %or3A_2553 : vector<256x128xi32> -> vector<256x128xf32>
    %min3A_2555 = arith.minimumf %min3A_2513, %bitcast_convert_type3A_2554 : vector<256x128xf32>
    %or3A_2556 = arith.ori %and3A_2552, %add3A_77 : vector<256x128xi32>
    %bitcast_convert_type3A_2557 = tpu.bitcast %or3A_2556 : vector<256x128xi32> -> vector<256x128xf32>
    %reshape3A_2558 = vector.shape_cast %bitcast_convert_type3A_2557 : vector<256x128xf32> to vector<16x16x128xf32>
    %reduce_min3A_2559 = arith.constant dense<0x7F800000> : vector<16x128xf32>
    %reduce_min3A_2560 = vector.multi_reduction <minimumf>, %reshape3A_2558, %reduce_min3A_2559 [0] : vector<16x16x128xf32> to vector<16x128xf32>
    %min3A_2561 = arith.minimumf %min3A_1863, %reduce_min3A_2560 : vector<16x128xf32>
    %get3A_2562 = arith.constant 0 : index
    %get3A_2563 = arith.constant 0 : index
    %get3A_2564 = arith.constant 1024 : index
    %get3A_2565 = vector.load %arg2[%get3A_2562, %get3A_2563, %get3A_2564] : memref<1x3x2048xf32, #tpu.memory_space<vmem>>, vector<1x1x128xf32>
    %get3A_2566 = vector.shape_cast %get3A_2565 : vector<1x1x128xf32> to vector<1x128xf32>
    %get3A_2567 = arith.constant 0 : index
    %get3A_2568 = arith.constant 1 : index
    %get3A_2569 = arith.constant 1024 : index
    %get3A_2570 = vector.load %arg2[%get3A_2567, %get3A_2568, %get3A_2569] : memref<1x3x2048xf32, #tpu.memory_space<vmem>>, vector<1x1x128xf32>
    %get3A_2571 = vector.shape_cast %get3A_2570 : vector<1x1x128xf32> to vector<1x128xf32>
    %get3A_2572 = arith.constant 0 : index
    %get3A_2573 = arith.constant 2 : index
    %get3A_2574 = arith.constant 1024 : index
    %get3A_2575 = vector.load %arg2[%get3A_2572, %get3A_2573, %get3A_2574] : memref<1x3x2048xf32, #tpu.memory_space<vmem>>, vector<1x1x128xf32>
    %get3A_2576 = vector.shape_cast %get3A_2575 : vector<1x1x128xf32> to vector<1x128xf32>
    %sub3A_2577 = vector.broadcast %get3A_2213 : vector<256x1xf32> to vector<256x128xf32>
    %sub3A_2578 = vector.broadcast %get3A_2566 : vector<1x128xf32> to vector<256x128xf32>
    %sub3A_2579 = arith.subf %sub3A_2577, %sub3A_2578 : vector<256x128xf32>
    %sub3A_2580 = vector.broadcast %get3A_2218 : vector<256x1xf32> to vector<256x128xf32>
    %sub3A_2581 = vector.broadcast %get3A_2571 : vector<1x128xf32> to vector<256x128xf32>
    %sub3A_2582 = arith.subf %sub3A_2580, %sub3A_2581 : vector<256x128xf32>
    %sub3A_2583 = vector.broadcast %get3A_2223 : vector<256x1xf32> to vector<256x128xf32>
    %sub3A_2584 = vector.broadcast %get3A_2576 : vector<1x128xf32> to vector<256x128xf32>
    %sub3A_2585 = arith.subf %sub3A_2583, %sub3A_2584 : vector<256x128xf32>
    %mul3A_2586 = arith.mulf %sub3A_2579, %sub3A_2579 : vector<256x128xf32>
    %mul3A_2587 = arith.mulf %sub3A_2582, %sub3A_2582 : vector<256x128xf32>
    %add3A_2588 = arith.addf %mul3A_2586, %mul3A_2587 : vector<256x128xf32>
    %mul3A_2589 = arith.mulf %sub3A_2585, %sub3A_2585 : vector<256x128xf32>
    %add3A_2590 = arith.addf %add3A_2588, %mul3A_2589 : vector<256x128xf32>
    %bitcast_convert_type3A_2591 = tpu.bitcast %add3A_2590 : vector<256x128xf32> -> vector<256x128xi32>
    %and3A_2592 = arith.constant -2048 : i32
    %and3A_2593 = vector.broadcast %and3A_2592 : i32 to vector<256x128xi32>
    %and3A_2594 = arith.andi %bitcast_convert_type3A_2591, %and3A_2593 : vector<256x128xi32>
    %or3A_2595 = arith.ori %and3A_2594, %add3A_33 : vector<256x128xi32>
    %bitcast_convert_type3A_2596 = tpu.bitcast %or3A_2595 : vector<256x128xi32> -> vector<256x128xf32>
    %min3A_2597 = arith.minimumf %min3A_2555, %bitcast_convert_type3A_2596 : vector<256x128xf32>
    %or3A_2598 = arith.ori %and3A_2594, %add3A_77 : vector<256x128xi32>
    %bitcast_convert_type3A_2599 = tpu.bitcast %or3A_2598 : vector<256x128xi32> -> vector<256x128xf32>
    %reshape3A_2600 = vector.shape_cast %bitcast_convert_type3A_2599 : vector<256x128xf32> to vector<16x16x128xf32>
    %reduce_min3A_2601 = arith.constant dense<0x7F800000> : vector<16x128xf32>
    %reduce_min3A_2602 = vector.multi_reduction <minimumf>, %reshape3A_2600, %reduce_min3A_2601 [0] : vector<16x16x128xf32> to vector<16x128xf32>
    %min3A_2603 = arith.minimumf %min3A_1905, %reduce_min3A_2602 : vector<16x128xf32>
    %get3A_2604 = arith.constant 0 : index
    %get3A_2605 = arith.constant 0 : index
    %get3A_2606 = arith.constant 1152 : index
    %get3A_2607 = vector.load %arg2[%get3A_2604, %get3A_2605, %get3A_2606] : memref<1x3x2048xf32, #tpu.memory_space<vmem>>, vector<1x1x128xf32>
    %get3A_2608 = vector.shape_cast %get3A_2607 : vector<1x1x128xf32> to vector<1x128xf32>
    %get3A_2609 = arith.constant 0 : index
    %get3A_2610 = arith.constant 1 : index
    %get3A_2611 = arith.constant 1152 : index
    %get3A_2612 = vector.load %arg2[%get3A_2609, %get3A_2610, %get3A_2611] : memref<1x3x2048xf32, #tpu.memory_space<vmem>>, vector<1x1x128xf32>
    %get3A_2613 = vector.shape_cast %get3A_2612 : vector<1x1x128xf32> to vector<1x128xf32>
    %get3A_2614 = arith.constant 0 : index
    %get3A_2615 = arith.constant 2 : index
    %get3A_2616 = arith.constant 1152 : index
    %get3A_2617 = vector.load %arg2[%get3A_2614, %get3A_2615, %get3A_2616] : memref<1x3x2048xf32, #tpu.memory_space<vmem>>, vector<1x1x128xf32>
    %get3A_2618 = vector.shape_cast %get3A_2617 : vector<1x1x128xf32> to vector<1x128xf32>
    %sub3A_2619 = vector.broadcast %get3A_2213 : vector<256x1xf32> to vector<256x128xf32>
    %sub3A_2620 = vector.broadcast %get3A_2608 : vector<1x128xf32> to vector<256x128xf32>
    %sub3A_2621 = arith.subf %sub3A_2619, %sub3A_2620 : vector<256x128xf32>
    %sub3A_2622 = vector.broadcast %get3A_2218 : vector<256x1xf32> to vector<256x128xf32>
    %sub3A_2623 = vector.broadcast %get3A_2613 : vector<1x128xf32> to vector<256x128xf32>
    %sub3A_2624 = arith.subf %sub3A_2622, %sub3A_2623 : vector<256x128xf32>
    %sub3A_2625 = vector.broadcast %get3A_2223 : vector<256x1xf32> to vector<256x128xf32>
    %sub3A_2626 = vector.broadcast %get3A_2618 : vector<1x128xf32> to vector<256x128xf32>
    %sub3A_2627 = arith.subf %sub3A_2625, %sub3A_2626 : vector<256x128xf32>
    %mul3A_2628 = arith.mulf %sub3A_2621, %sub3A_2621 : vector<256x128xf32>
    %mul3A_2629 = arith.mulf %sub3A_2624, %sub3A_2624 : vector<256x128xf32>
    %add3A_2630 = arith.addf %mul3A_2628, %mul3A_2629 : vector<256x128xf32>
    %mul3A_2631 = arith.mulf %sub3A_2627, %sub3A_2627 : vector<256x128xf32>
    %add3A_2632 = arith.addf %add3A_2630, %mul3A_2631 : vector<256x128xf32>
    %bitcast_convert_type3A_2633 = tpu.bitcast %add3A_2632 : vector<256x128xf32> -> vector<256x128xi32>
    %and3A_2634 = arith.constant -2048 : i32
    %and3A_2635 = vector.broadcast %and3A_2634 : i32 to vector<256x128xi32>
    %and3A_2636 = arith.andi %bitcast_convert_type3A_2633, %and3A_2635 : vector<256x128xi32>
    %or3A_2637 = arith.ori %and3A_2636, %add3A_37 : vector<256x128xi32>
    %bitcast_convert_type3A_2638 = tpu.bitcast %or3A_2637 : vector<256x128xi32> -> vector<256x128xf32>
    %min3A_2639 = arith.minimumf %min3A_2597, %bitcast_convert_type3A_2638 : vector<256x128xf32>
    %or3A_2640 = arith.ori %and3A_2636, %add3A_77 : vector<256x128xi32>
    %bitcast_convert_type3A_2641 = tpu.bitcast %or3A_2640 : vector<256x128xi32> -> vector<256x128xf32>
    %reshape3A_2642 = vector.shape_cast %bitcast_convert_type3A_2641 : vector<256x128xf32> to vector<16x16x128xf32>
    %reduce_min3A_2643 = arith.constant dense<0x7F800000> : vector<16x128xf32>
    %reduce_min3A_2644 = vector.multi_reduction <minimumf>, %reshape3A_2642, %reduce_min3A_2643 [0] : vector<16x16x128xf32> to vector<16x128xf32>
    %min3A_2645 = arith.minimumf %min3A_1947, %reduce_min3A_2644 : vector<16x128xf32>
    %get3A_2646 = arith.constant 0 : index
    %get3A_2647 = arith.constant 0 : index
    %get3A_2648 = arith.constant 1280 : index
    %get3A_2649 = vector.load %arg2[%get3A_2646, %get3A_2647, %get3A_2648] : memref<1x3x2048xf32, #tpu.memory_space<vmem>>, vector<1x1x128xf32>
    %get3A_2650 = vector.shape_cast %get3A_2649 : vector<1x1x128xf32> to vector<1x128xf32>
    %get3A_2651 = arith.constant 0 : index
    %get3A_2652 = arith.constant 1 : index
    %get3A_2653 = arith.constant 1280 : index
    %get3A_2654 = vector.load %arg2[%get3A_2651, %get3A_2652, %get3A_2653] : memref<1x3x2048xf32, #tpu.memory_space<vmem>>, vector<1x1x128xf32>
    %get3A_2655 = vector.shape_cast %get3A_2654 : vector<1x1x128xf32> to vector<1x128xf32>
    %get3A_2656 = arith.constant 0 : index
    %get3A_2657 = arith.constant 2 : index
    %get3A_2658 = arith.constant 1280 : index
    %get3A_2659 = vector.load %arg2[%get3A_2656, %get3A_2657, %get3A_2658] : memref<1x3x2048xf32, #tpu.memory_space<vmem>>, vector<1x1x128xf32>
    %get3A_2660 = vector.shape_cast %get3A_2659 : vector<1x1x128xf32> to vector<1x128xf32>
    %sub3A_2661 = vector.broadcast %get3A_2213 : vector<256x1xf32> to vector<256x128xf32>
    %sub3A_2662 = vector.broadcast %get3A_2650 : vector<1x128xf32> to vector<256x128xf32>
    %sub3A_2663 = arith.subf %sub3A_2661, %sub3A_2662 : vector<256x128xf32>
    %sub3A_2664 = vector.broadcast %get3A_2218 : vector<256x1xf32> to vector<256x128xf32>
    %sub3A_2665 = vector.broadcast %get3A_2655 : vector<1x128xf32> to vector<256x128xf32>
    %sub3A_2666 = arith.subf %sub3A_2664, %sub3A_2665 : vector<256x128xf32>
    %sub3A_2667 = vector.broadcast %get3A_2223 : vector<256x1xf32> to vector<256x128xf32>
    %sub3A_2668 = vector.broadcast %get3A_2660 : vector<1x128xf32> to vector<256x128xf32>
    %sub3A_2669 = arith.subf %sub3A_2667, %sub3A_2668 : vector<256x128xf32>
    %mul3A_2670 = arith.mulf %sub3A_2663, %sub3A_2663 : vector<256x128xf32>
    %mul3A_2671 = arith.mulf %sub3A_2666, %sub3A_2666 : vector<256x128xf32>
    %add3A_2672 = arith.addf %mul3A_2670, %mul3A_2671 : vector<256x128xf32>
    %mul3A_2673 = arith.mulf %sub3A_2669, %sub3A_2669 : vector<256x128xf32>
    %add3A_2674 = arith.addf %add3A_2672, %mul3A_2673 : vector<256x128xf32>
    %bitcast_convert_type3A_2675 = tpu.bitcast %add3A_2674 : vector<256x128xf32> -> vector<256x128xi32>
    %and3A_2676 = arith.constant -2048 : i32
    %and3A_2677 = vector.broadcast %and3A_2676 : i32 to vector<256x128xi32>
    %and3A_2678 = arith.andi %bitcast_convert_type3A_2675, %and3A_2677 : vector<256x128xi32>
    %or3A_2679 = arith.ori %and3A_2678, %add3A_41 : vector<256x128xi32>
    %bitcast_convert_type3A_2680 = tpu.bitcast %or3A_2679 : vector<256x128xi32> -> vector<256x128xf32>
    %min3A_2681 = arith.minimumf %min3A_2639, %bitcast_convert_type3A_2680 : vector<256x128xf32>
    %or3A_2682 = arith.ori %and3A_2678, %add3A_77 : vector<256x128xi32>
    %bitcast_convert_type3A_2683 = tpu.bitcast %or3A_2682 : vector<256x128xi32> -> vector<256x128xf32>
    %reshape3A_2684 = vector.shape_cast %bitcast_convert_type3A_2683 : vector<256x128xf32> to vector<16x16x128xf32>
    %reduce_min3A_2685 = arith.constant dense<0x7F800000> : vector<16x128xf32>
    %reduce_min3A_2686 = vector.multi_reduction <minimumf>, %reshape3A_2684, %reduce_min3A_2685 [0] : vector<16x16x128xf32> to vector<16x128xf32>
    %min3A_2687 = arith.minimumf %min3A_1989, %reduce_min3A_2686 : vector<16x128xf32>
    %get3A_2688 = arith.constant 0 : index
    %get3A_2689 = arith.constant 0 : index
    %get3A_2690 = arith.constant 1408 : index
    %get3A_2691 = vector.load %arg2[%get3A_2688, %get3A_2689, %get3A_2690] : memref<1x3x2048xf32, #tpu.memory_space<vmem>>, vector<1x1x128xf32>
    %get3A_2692 = vector.shape_cast %get3A_2691 : vector<1x1x128xf32> to vector<1x128xf32>
    %get3A_2693 = arith.constant 0 : index
    %get3A_2694 = arith.constant 1 : index
    %get3A_2695 = arith.constant 1408 : index
    %get3A_2696 = vector.load %arg2[%get3A_2693, %get3A_2694, %get3A_2695] : memref<1x3x2048xf32, #tpu.memory_space<vmem>>, vector<1x1x128xf32>
    %get3A_2697 = vector.shape_cast %get3A_2696 : vector<1x1x128xf32> to vector<1x128xf32>
    %get3A_2698 = arith.constant 0 : index
    %get3A_2699 = arith.constant 2 : index
    %get3A_2700 = arith.constant 1408 : index
    %get3A_2701 = vector.load %arg2[%get3A_2698, %get3A_2699, %get3A_2700] : memref<1x3x2048xf32, #tpu.memory_space<vmem>>, vector<1x1x128xf32>
    %get3A_2702 = vector.shape_cast %get3A_2701 : vector<1x1x128xf32> to vector<1x128xf32>
    %sub3A_2703 = vector.broadcast %get3A_2213 : vector<256x1xf32> to vector<256x128xf32>
    %sub3A_2704 = vector.broadcast %get3A_2692 : vector<1x128xf32> to vector<256x128xf32>
    %sub3A_2705 = arith.subf %sub3A_2703, %sub3A_2704 : vector<256x128xf32>
    %sub3A_2706 = vector.broadcast %get3A_2218 : vector<256x1xf32> to vector<256x128xf32>
    %sub3A_2707 = vector.broadcast %get3A_2697 : vector<1x128xf32> to vector<256x128xf32>
    %sub3A_2708 = arith.subf %sub3A_2706, %sub3A_2707 : vector<256x128xf32>
    %sub3A_2709 = vector.broadcast %get3A_2223 : vector<256x1xf32> to vector<256x128xf32>
    %sub3A_2710 = vector.broadcast %get3A_2702 : vector<1x128xf32> to vector<256x128xf32>
    %sub3A_2711 = arith.subf %sub3A_2709, %sub3A_2710 : vector<256x128xf32>
    %mul3A_2712 = arith.mulf %sub3A_2705, %sub3A_2705 : vector<256x128xf32>
    %mul3A_2713 = arith.mulf %sub3A_2708, %sub3A_2708 : vector<256x128xf32>
    %add3A_2714 = arith.addf %mul3A_2712, %mul3A_2713 : vector<256x128xf32>
    %mul3A_2715 = arith.mulf %sub3A_2711, %sub3A_2711 : vector<256x128xf32>
    %add3A_2716 = arith.addf %add3A_2714, %mul3A_2715 : vector<256x128xf32>
    %bitcast_convert_type3A_2717 = tpu.bitcast %add3A_2716 : vector<256x128xf32> -> vector<256x128xi32>
    %and3A_2718 = arith.constant -2048 : i32
    %and3A_2719 = vector.broadcast %and3A_2718 : i32 to vector<256x128xi32>
    %and3A_2720 = arith.andi %bitcast_convert_type3A_2717, %and3A_2719 : vector<256x128xi32>
    %or3A_2721 = arith.ori %and3A_2720, %add3A_45 : vector<256x128xi32>
    %bitcast_convert_type3A_2722 = tpu.bitcast %or3A_2721 : vector<256x128xi32> -> vector<256x128xf32>
    %min3A_2723 = arith.minimumf %min3A_2681, %bitcast_convert_type3A_2722 : vector<256x128xf32>
    %or3A_2724 = arith.ori %and3A_2720, %add3A_77 : vector<256x128xi32>
    %bitcast_convert_type3A_2725 = tpu.bitcast %or3A_2724 : vector<256x128xi32> -> vector<256x128xf32>
    %reshape3A_2726 = vector.shape_cast %bitcast_convert_type3A_2725 : vector<256x128xf32> to vector<16x16x128xf32>
    %reduce_min3A_2727 = arith.constant dense<0x7F800000> : vector<16x128xf32>
    %reduce_min3A_2728 = vector.multi_reduction <minimumf>, %reshape3A_2726, %reduce_min3A_2727 [0] : vector<16x16x128xf32> to vector<16x128xf32>
    %min3A_2729 = arith.minimumf %min3A_2031, %reduce_min3A_2728 : vector<16x128xf32>
    %get3A_2730 = arith.constant 0 : index
    %get3A_2731 = arith.constant 0 : index
    %get3A_2732 = arith.constant 1536 : index
    %get3A_2733 = vector.load %arg2[%get3A_2730, %get3A_2731, %get3A_2732] : memref<1x3x2048xf32, #tpu.memory_space<vmem>>, vector<1x1x128xf32>
    %get3A_2734 = vector.shape_cast %get3A_2733 : vector<1x1x128xf32> to vector<1x128xf32>
    %get3A_2735 = arith.constant 0 : index
    %get3A_2736 = arith.constant 1 : index
    %get3A_2737 = arith.constant 1536 : index
    %get3A_2738 = vector.load %arg2[%get3A_2735, %get3A_2736, %get3A_2737] : memref<1x3x2048xf32, #tpu.memory_space<vmem>>, vector<1x1x128xf32>
    %get3A_2739 = vector.shape_cast %get3A_2738 : vector<1x1x128xf32> to vector<1x128xf32>
    %get3A_2740 = arith.constant 0 : index
    %get3A_2741 = arith.constant 2 : index
    %get3A_2742 = arith.constant 1536 : index
    %get3A_2743 = vector.load %arg2[%get3A_2740, %get3A_2741, %get3A_2742] : memref<1x3x2048xf32, #tpu.memory_space<vmem>>, vector<1x1x128xf32>
    %get3A_2744 = vector.shape_cast %get3A_2743 : vector<1x1x128xf32> to vector<1x128xf32>
    %sub3A_2745 = vector.broadcast %get3A_2213 : vector<256x1xf32> to vector<256x128xf32>
    %sub3A_2746 = vector.broadcast %get3A_2734 : vector<1x128xf32> to vector<256x128xf32>
    %sub3A_2747 = arith.subf %sub3A_2745, %sub3A_2746 : vector<256x128xf32>
    %sub3A_2748 = vector.broadcast %get3A_2218 : vector<256x1xf32> to vector<256x128xf32>
    %sub3A_2749 = vector.broadcast %get3A_2739 : vector<1x128xf32> to vector<256x128xf32>
    %sub3A_2750 = arith.subf %sub3A_2748, %sub3A_2749 : vector<256x128xf32>
    %sub3A_2751 = vector.broadcast %get3A_2223 : vector<256x1xf32> to vector<256x128xf32>
    %sub3A_2752 = vector.broadcast %get3A_2744 : vector<1x128xf32> to vector<256x128xf32>
    %sub3A_2753 = arith.subf %sub3A_2751, %sub3A_2752 : vector<256x128xf32>
    %mul3A_2754 = arith.mulf %sub3A_2747, %sub3A_2747 : vector<256x128xf32>
    %mul3A_2755 = arith.mulf %sub3A_2750, %sub3A_2750 : vector<256x128xf32>
    %add3A_2756 = arith.addf %mul3A_2754, %mul3A_2755 : vector<256x128xf32>
    %mul3A_2757 = arith.mulf %sub3A_2753, %sub3A_2753 : vector<256x128xf32>
    %add3A_2758 = arith.addf %add3A_2756, %mul3A_2757 : vector<256x128xf32>
    %bitcast_convert_type3A_2759 = tpu.bitcast %add3A_2758 : vector<256x128xf32> -> vector<256x128xi32>
    %and3A_2760 = arith.constant -2048 : i32
    %and3A_2761 = vector.broadcast %and3A_2760 : i32 to vector<256x128xi32>
    %and3A_2762 = arith.andi %bitcast_convert_type3A_2759, %and3A_2761 : vector<256x128xi32>
    %or3A_2763 = arith.ori %and3A_2762, %add3A_49 : vector<256x128xi32>
    %bitcast_convert_type3A_2764 = tpu.bitcast %or3A_2763 : vector<256x128xi32> -> vector<256x128xf32>
    %min3A_2765 = arith.minimumf %min3A_2723, %bitcast_convert_type3A_2764 : vector<256x128xf32>
    %or3A_2766 = arith.ori %and3A_2762, %add3A_77 : vector<256x128xi32>
    %bitcast_convert_type3A_2767 = tpu.bitcast %or3A_2766 : vector<256x128xi32> -> vector<256x128xf32>
    %reshape3A_2768 = vector.shape_cast %bitcast_convert_type3A_2767 : vector<256x128xf32> to vector<16x16x128xf32>
    %reduce_min3A_2769 = arith.constant dense<0x7F800000> : vector<16x128xf32>
    %reduce_min3A_2770 = vector.multi_reduction <minimumf>, %reshape3A_2768, %reduce_min3A_2769 [0] : vector<16x16x128xf32> to vector<16x128xf32>
    %min3A_2771 = arith.minimumf %min3A_2073, %reduce_min3A_2770 : vector<16x128xf32>
    %get3A_2772 = arith.constant 0 : index
    %get3A_2773 = arith.constant 0 : index
    %get3A_2774 = arith.constant 1664 : index
    %get3A_2775 = vector.load %arg2[%get3A_2772, %get3A_2773, %get3A_2774] : memref<1x3x2048xf32, #tpu.memory_space<vmem>>, vector<1x1x128xf32>
    %get3A_2776 = vector.shape_cast %get3A_2775 : vector<1x1x128xf32> to vector<1x128xf32>
    %get3A_2777 = arith.constant 0 : index
    %get3A_2778 = arith.constant 1 : index
    %get3A_2779 = arith.constant 1664 : index
    %get3A_2780 = vector.load %arg2[%get3A_2777, %get3A_2778, %get3A_2779] : memref<1x3x2048xf32, #tpu.memory_space<vmem>>, vector<1x1x128xf32>
    %get3A_2781 = vector.shape_cast %get3A_2780 : vector<1x1x128xf32> to vector<1x128xf32>
    %get3A_2782 = arith.constant 0 : index
    %get3A_2783 = arith.constant 2 : index
    %get3A_2784 = arith.constant 1664 : index
    %get3A_2785 = vector.load %arg2[%get3A_2782, %get3A_2783, %get3A_2784] : memref<1x3x2048xf32, #tpu.memory_space<vmem>>, vector<1x1x128xf32>
    %get3A_2786 = vector.shape_cast %get3A_2785 : vector<1x1x128xf32> to vector<1x128xf32>
    %sub3A_2787 = vector.broadcast %get3A_2213 : vector<256x1xf32> to vector<256x128xf32>
    %sub3A_2788 = vector.broadcast %get3A_2776 : vector<1x128xf32> to vector<256x128xf32>
    %sub3A_2789 = arith.subf %sub3A_2787, %sub3A_2788 : vector<256x128xf32>
    %sub3A_2790 = vector.broadcast %get3A_2218 : vector<256x1xf32> to vector<256x128xf32>
    %sub3A_2791 = vector.broadcast %get3A_2781 : vector<1x128xf32> to vector<256x128xf32>
    %sub3A_2792 = arith.subf %sub3A_2790, %sub3A_2791 : vector<256x128xf32>
    %sub3A_2793 = vector.broadcast %get3A_2223 : vector<256x1xf32> to vector<256x128xf32>
    %sub3A_2794 = vector.broadcast %get3A_2786 : vector<1x128xf32> to vector<256x128xf32>
    %sub3A_2795 = arith.subf %sub3A_2793, %sub3A_2794 : vector<256x128xf32>
    %mul3A_2796 = arith.mulf %sub3A_2789, %sub3A_2789 : vector<256x128xf32>
    %mul3A_2797 = arith.mulf %sub3A_2792, %sub3A_2792 : vector<256x128xf32>
    %add3A_2798 = arith.addf %mul3A_2796, %mul3A_2797 : vector<256x128xf32>
    %mul3A_2799 = arith.mulf %sub3A_2795, %sub3A_2795 : vector<256x128xf32>
    %add3A_2800 = arith.addf %add3A_2798, %mul3A_2799 : vector<256x128xf32>
    %bitcast_convert_type3A_2801 = tpu.bitcast %add3A_2800 : vector<256x128xf32> -> vector<256x128xi32>
    %and3A_2802 = arith.constant -2048 : i32
    %and3A_2803 = vector.broadcast %and3A_2802 : i32 to vector<256x128xi32>
    %and3A_2804 = arith.andi %bitcast_convert_type3A_2801, %and3A_2803 : vector<256x128xi32>
    %or3A_2805 = arith.ori %and3A_2804, %add3A_53 : vector<256x128xi32>
    %bitcast_convert_type3A_2806 = tpu.bitcast %or3A_2805 : vector<256x128xi32> -> vector<256x128xf32>
    %min3A_2807 = arith.minimumf %min3A_2765, %bitcast_convert_type3A_2806 : vector<256x128xf32>
    %or3A_2808 = arith.ori %and3A_2804, %add3A_77 : vector<256x128xi32>
    %bitcast_convert_type3A_2809 = tpu.bitcast %or3A_2808 : vector<256x128xi32> -> vector<256x128xf32>
    %reshape3A_2810 = vector.shape_cast %bitcast_convert_type3A_2809 : vector<256x128xf32> to vector<16x16x128xf32>
    %reduce_min3A_2811 = arith.constant dense<0x7F800000> : vector<16x128xf32>
    %reduce_min3A_2812 = vector.multi_reduction <minimumf>, %reshape3A_2810, %reduce_min3A_2811 [0] : vector<16x16x128xf32> to vector<16x128xf32>
    %min3A_2813 = arith.minimumf %min3A_2115, %reduce_min3A_2812 : vector<16x128xf32>
    %get3A_2814 = arith.constant 0 : index
    %get3A_2815 = arith.constant 0 : index
    %get3A_2816 = arith.constant 1792 : index
    %get3A_2817 = vector.load %arg2[%get3A_2814, %get3A_2815, %get3A_2816] : memref<1x3x2048xf32, #tpu.memory_space<vmem>>, vector<1x1x128xf32>
    %get3A_2818 = vector.shape_cast %get3A_2817 : vector<1x1x128xf32> to vector<1x128xf32>
    %get3A_2819 = arith.constant 0 : index
    %get3A_2820 = arith.constant 1 : index
    %get3A_2821 = arith.constant 1792 : index
    %get3A_2822 = vector.load %arg2[%get3A_2819, %get3A_2820, %get3A_2821] : memref<1x3x2048xf32, #tpu.memory_space<vmem>>, vector<1x1x128xf32>
    %get3A_2823 = vector.shape_cast %get3A_2822 : vector<1x1x128xf32> to vector<1x128xf32>
    %get3A_2824 = arith.constant 0 : index
    %get3A_2825 = arith.constant 2 : index
    %get3A_2826 = arith.constant 1792 : index
    %get3A_2827 = vector.load %arg2[%get3A_2824, %get3A_2825, %get3A_2826] : memref<1x3x2048xf32, #tpu.memory_space<vmem>>, vector<1x1x128xf32>
    %get3A_2828 = vector.shape_cast %get3A_2827 : vector<1x1x128xf32> to vector<1x128xf32>
    %sub3A_2829 = vector.broadcast %get3A_2213 : vector<256x1xf32> to vector<256x128xf32>
    %sub3A_2830 = vector.broadcast %get3A_2818 : vector<1x128xf32> to vector<256x128xf32>
    %sub3A_2831 = arith.subf %sub3A_2829, %sub3A_2830 : vector<256x128xf32>
    %sub3A_2832 = vector.broadcast %get3A_2218 : vector<256x1xf32> to vector<256x128xf32>
    %sub3A_2833 = vector.broadcast %get3A_2823 : vector<1x128xf32> to vector<256x128xf32>
    %sub3A_2834 = arith.subf %sub3A_2832, %sub3A_2833 : vector<256x128xf32>
    %sub3A_2835 = vector.broadcast %get3A_2223 : vector<256x1xf32> to vector<256x128xf32>
    %sub3A_2836 = vector.broadcast %get3A_2828 : vector<1x128xf32> to vector<256x128xf32>
    %sub3A_2837 = arith.subf %sub3A_2835, %sub3A_2836 : vector<256x128xf32>
    %mul3A_2838 = arith.mulf %sub3A_2831, %sub3A_2831 : vector<256x128xf32>
    %mul3A_2839 = arith.mulf %sub3A_2834, %sub3A_2834 : vector<256x128xf32>
    %add3A_2840 = arith.addf %mul3A_2838, %mul3A_2839 : vector<256x128xf32>
    %mul3A_2841 = arith.mulf %sub3A_2837, %sub3A_2837 : vector<256x128xf32>
    %add3A_2842 = arith.addf %add3A_2840, %mul3A_2841 : vector<256x128xf32>
    %bitcast_convert_type3A_2843 = tpu.bitcast %add3A_2842 : vector<256x128xf32> -> vector<256x128xi32>
    %and3A_2844 = arith.constant -2048 : i32
    %and3A_2845 = vector.broadcast %and3A_2844 : i32 to vector<256x128xi32>
    %and3A_2846 = arith.andi %bitcast_convert_type3A_2843, %and3A_2845 : vector<256x128xi32>
    %or3A_2847 = arith.ori %and3A_2846, %add3A_57 : vector<256x128xi32>
    %bitcast_convert_type3A_2848 = tpu.bitcast %or3A_2847 : vector<256x128xi32> -> vector<256x128xf32>
    %min3A_2849 = arith.minimumf %min3A_2807, %bitcast_convert_type3A_2848 : vector<256x128xf32>
    %or3A_2850 = arith.ori %and3A_2846, %add3A_77 : vector<256x128xi32>
    %bitcast_convert_type3A_2851 = tpu.bitcast %or3A_2850 : vector<256x128xi32> -> vector<256x128xf32>
    %reshape3A_2852 = vector.shape_cast %bitcast_convert_type3A_2851 : vector<256x128xf32> to vector<16x16x128xf32>
    %reduce_min3A_2853 = arith.constant dense<0x7F800000> : vector<16x128xf32>
    %reduce_min3A_2854 = vector.multi_reduction <minimumf>, %reshape3A_2852, %reduce_min3A_2853 [0] : vector<16x16x128xf32> to vector<16x128xf32>
    %min3A_2855 = arith.minimumf %min3A_2157, %reduce_min3A_2854 : vector<16x128xf32>
    %get3A_2856 = arith.constant 0 : index
    %get3A_2857 = arith.constant 0 : index
    %get3A_2858 = arith.constant 1920 : index
    %get3A_2859 = vector.load %arg2[%get3A_2856, %get3A_2857, %get3A_2858] : memref<1x3x2048xf32, #tpu.memory_space<vmem>>, vector<1x1x128xf32>
    %get3A_2860 = vector.shape_cast %get3A_2859 : vector<1x1x128xf32> to vector<1x128xf32>
    %get3A_2861 = arith.constant 0 : index
    %get3A_2862 = arith.constant 1 : index
    %get3A_2863 = arith.constant 1920 : index
    %get3A_2864 = vector.load %arg2[%get3A_2861, %get3A_2862, %get3A_2863] : memref<1x3x2048xf32, #tpu.memory_space<vmem>>, vector<1x1x128xf32>
    %get3A_2865 = vector.shape_cast %get3A_2864 : vector<1x1x128xf32> to vector<1x128xf32>
    %get3A_2866 = arith.constant 0 : index
    %get3A_2867 = arith.constant 2 : index
    %get3A_2868 = arith.constant 1920 : index
    %get3A_2869 = vector.load %arg2[%get3A_2866, %get3A_2867, %get3A_2868] : memref<1x3x2048xf32, #tpu.memory_space<vmem>>, vector<1x1x128xf32>
    %get3A_2870 = vector.shape_cast %get3A_2869 : vector<1x1x128xf32> to vector<1x128xf32>
    %sub3A_2871 = vector.broadcast %get3A_2213 : vector<256x1xf32> to vector<256x128xf32>
    %sub3A_2872 = vector.broadcast %get3A_2860 : vector<1x128xf32> to vector<256x128xf32>
    %sub3A_2873 = arith.subf %sub3A_2871, %sub3A_2872 : vector<256x128xf32>
    %sub3A_2874 = vector.broadcast %get3A_2218 : vector<256x1xf32> to vector<256x128xf32>
    %sub3A_2875 = vector.broadcast %get3A_2865 : vector<1x128xf32> to vector<256x128xf32>
    %sub3A_2876 = arith.subf %sub3A_2874, %sub3A_2875 : vector<256x128xf32>
    %sub3A_2877 = vector.broadcast %get3A_2223 : vector<256x1xf32> to vector<256x128xf32>
    %sub3A_2878 = vector.broadcast %get3A_2870 : vector<1x128xf32> to vector<256x128xf32>
    %sub3A_2879 = arith.subf %sub3A_2877, %sub3A_2878 : vector<256x128xf32>
    %mul3A_2880 = arith.mulf %sub3A_2873, %sub3A_2873 : vector<256x128xf32>
    %mul3A_2881 = arith.mulf %sub3A_2876, %sub3A_2876 : vector<256x128xf32>
    %add3A_2882 = arith.addf %mul3A_2880, %mul3A_2881 : vector<256x128xf32>
    %mul3A_2883 = arith.mulf %sub3A_2879, %sub3A_2879 : vector<256x128xf32>
    %add3A_2884 = arith.addf %add3A_2882, %mul3A_2883 : vector<256x128xf32>
    %bitcast_convert_type3A_2885 = tpu.bitcast %add3A_2884 : vector<256x128xf32> -> vector<256x128xi32>
    %and3A_2886 = arith.constant -2048 : i32
    %and3A_2887 = vector.broadcast %and3A_2886 : i32 to vector<256x128xi32>
    %and3A_2888 = arith.andi %bitcast_convert_type3A_2885, %and3A_2887 : vector<256x128xi32>
    %or3A_2889 = arith.ori %and3A_2888, %add3A_61 : vector<256x128xi32>
    %bitcast_convert_type3A_2890 = tpu.bitcast %or3A_2889 : vector<256x128xi32> -> vector<256x128xf32>
    %min3A_2891 = arith.minimumf %min3A_2849, %bitcast_convert_type3A_2890 : vector<256x128xf32>
    %or3A_2892 = arith.ori %and3A_2888, %add3A_77 : vector<256x128xi32>
    %bitcast_convert_type3A_2893 = tpu.bitcast %or3A_2892 : vector<256x128xi32> -> vector<256x128xf32>
    %reshape3A_2894 = vector.shape_cast %bitcast_convert_type3A_2893 : vector<256x128xf32> to vector<16x16x128xf32>
    %reduce_min3A_2895 = arith.constant dense<0x7F800000> : vector<16x128xf32>
    %reduce_min3A_2896 = vector.multi_reduction <minimumf>, %reshape3A_2894, %reduce_min3A_2895 [0] : vector<16x16x128xf32> to vector<16x128xf32>
    %min3A_2897 = arith.minimumf %min3A_2199, %reduce_min3A_2896 : vector<16x128xf32>
    %reduce_min3A_2898 = arith.constant dense<0x7F800000> : vector<256xf32>
    %reduce_min3A_2899 = vector.multi_reduction <minimumf>, %min3A_2891, %reduce_min3A_2898 [1] : vector<256x128xf32> to vector<256xf32>
    %broadcast_in_dim3A_2900 = vector.shape_cast %reduce_min3A_2899 : vector<256xf32> to vector<256x1xf32>
    %swap3A_2901 = arith.constant 0 : index
    %swap3A_2902 = arith.constant 768 : index
    %swap3A_2903 = arith.constant 0 : index
    %swap3A_2904 = vector.load %arg3[%swap3A_2901, %swap3A_2902, %swap3A_2903] : memref<1x2048x1xf32, #tpu.memory_space<vmem>>, vector<1x256x1xf32>
    %swap3A_2905 = vector.shape_cast %swap3A_2904 : vector<1x256x1xf32> to vector<256x1xf32>
    %swap3A_2906 = vector.shape_cast %broadcast_in_dim3A_2900 : vector<256x1xf32> to vector<1x256x1xf32>
    tpu.vector_store %arg3[%swap3A_2901, %swap3A_2902, %swap3A_2903], %swap3A_2906 {strides = array<i32>} : memref<1x2048x1xf32, #tpu.memory_space<vmem>>, vector<1x256x1xf32>,
    %get3A_2907 = arith.constant 0 : index
    %get3A_2908 = arith.constant 1024 : index
    %get3A_2909 = arith.constant 0 : index
    %get3A_2910 = vector.load %arg1[%get3A_2907, %get3A_2908, %get3A_2909] : memref<1x2048x3xf32, #tpu.memory_space<vmem>>, vector<1x256x1xf32>
    %get3A_2911 = vector.shape_cast %get3A_2910 : vector<1x256x1xf32> to vector<256x1xf32>
    %get3A_2912 = arith.constant 0 : index
    %get3A_2913 = arith.constant 1024 : index
    %get3A_2914 = arith.constant 1 : index
    %get3A_2915 = vector.load %arg1[%get3A_2912, %get3A_2913, %get3A_2914] : memref<1x2048x3xf32, #tpu.memory_space<vmem>>, vector<1x256x1xf32>
    %get3A_2916 = vector.shape_cast %get3A_2915 : vector<1x256x1xf32> to vector<256x1xf32>
    %get3A_2917 = arith.constant 0 : index
    %get3A_2918 = arith.constant 1024 : index
    %get3A_2919 = arith.constant 2 : index
    %get3A_2920 = vector.load %arg1[%get3A_2917, %get3A_2918, %get3A_2919] : memref<1x2048x3xf32, #tpu.memory_space<vmem>>, vector<1x256x1xf32>
    %get3A_2921 = vector.shape_cast %get3A_2920 : vector<1x256x1xf32> to vector<256x1xf32>
    %broadcast_in_dim3A_2922 = arith.constant 3.000000e+38 : f32
    %broadcast_in_dim3A_2923 = vector.broadcast %broadcast_in_dim3A_2922 : f32 to vector<256x128xf32>
    %get3A_2924 = arith.constant 0 : index
    %get3A_2925 = arith.constant 0 : index
    %get3A_2926 = arith.constant 0 : index
    %get3A_2927 = vector.load %arg2[%get3A_2924, %get3A_2925, %get3A_2926] : memref<1x3x2048xf32, #tpu.memory_space<vmem>>, vector<1x1x128xf32>
    %get3A_2928 = vector.shape_cast %get3A_2927 : vector<1x1x128xf32> to vector<1x128xf32>
    %get3A_2929 = arith.constant 0 : index
    %get3A_2930 = arith.constant 1 : index
    %get3A_2931 = arith.constant 0 : index
    %get3A_2932 = vector.load %arg2[%get3A_2929, %get3A_2930, %get3A_2931] : memref<1x3x2048xf32, #tpu.memory_space<vmem>>, vector<1x1x128xf32>
    %get3A_2933 = vector.shape_cast %get3A_2932 : vector<1x1x128xf32> to vector<1x128xf32>
    %get3A_2934 = arith.constant 0 : index
    %get3A_2935 = arith.constant 2 : index
    %get3A_2936 = arith.constant 0 : index
    %get3A_2937 = vector.load %arg2[%get3A_2934, %get3A_2935, %get3A_2936] : memref<1x3x2048xf32, #tpu.memory_space<vmem>>, vector<1x1x128xf32>
    %get3A_2938 = vector.shape_cast %get3A_2937 : vector<1x1x128xf32> to vector<1x128xf32>
    %sub3A_2939 = vector.broadcast %get3A_2911 : vector<256x1xf32> to vector<256x128xf32>
    %sub3A_2940 = vector.broadcast %get3A_2928 : vector<1x128xf32> to vector<256x128xf32>
    %sub3A_2941 = arith.subf %sub3A_2939, %sub3A_2940 : vector<256x128xf32>
    %sub3A_2942 = vector.broadcast %get3A_2916 : vector<256x1xf32> to vector<256x128xf32>
    %sub3A_2943 = vector.broadcast %get3A_2933 : vector<1x128xf32> to vector<256x128xf32>
    %sub3A_2944 = arith.subf %sub3A_2942, %sub3A_2943 : vector<256x128xf32>
    %sub3A_2945 = vector.broadcast %get3A_2921 : vector<256x1xf32> to vector<256x128xf32>
    %sub3A_2946 = vector.broadcast %get3A_2938 : vector<1x128xf32> to vector<256x128xf32>
    %sub3A_2947 = arith.subf %sub3A_2945, %sub3A_2946 : vector<256x128xf32>
    %mul3A_2948 = arith.mulf %sub3A_2941, %sub3A_2941 : vector<256x128xf32>
    %mul3A_2949 = arith.mulf %sub3A_2944, %sub3A_2944 : vector<256x128xf32>
    %add3A_2950 = arith.addf %mul3A_2948, %mul3A_2949 : vector<256x128xf32>
    %mul3A_2951 = arith.mulf %sub3A_2947, %sub3A_2947 : vector<256x128xf32>
    %add3A_2952 = arith.addf %add3A_2950, %mul3A_2951 : vector<256x128xf32>
    %bitcast_convert_type3A_2953 = tpu.bitcast %add3A_2952 : vector<256x128xf32> -> vector<256x128xi32>
    %and3A_2954 = arith.constant -2048 : i32
    %and3A_2955 = vector.broadcast %and3A_2954 : i32 to vector<256x128xi32>
    %and3A_2956 = arith.andi %bitcast_convert_type3A_2953, %and3A_2955 : vector<256x128xi32>
    %or3A_2957 = arith.ori %and3A_2956, %add3A_1 : vector<256x128xi32>
    %bitcast_convert_type3A_2958 = tpu.bitcast %or3A_2957 : vector<256x128xi32> -> vector<256x128xf32>
    %min3A_2959 = arith.minimumf %broadcast_in_dim3A_2923, %bitcast_convert_type3A_2958 : vector<256x128xf32>
    %or3A_2960 = arith.ori %and3A_2956, %add3A_81 : vector<256x128xi32>
    %bitcast_convert_type3A_2961 = tpu.bitcast %or3A_2960 : vector<256x128xi32> -> vector<256x128xf32>
    %reshape3A_2962 = vector.shape_cast %bitcast_convert_type3A_2961 : vector<256x128xf32> to vector<16x16x128xf32>
    %reduce_min3A_2963 = arith.constant dense<0x7F800000> : vector<16x128xf32>
    %reduce_min3A_2964 = vector.multi_reduction <minimumf>, %reshape3A_2962, %reduce_min3A_2963 [0] : vector<16x16x128xf32> to vector<16x128xf32>
    %min3A_2965 = arith.minimumf %min3A_2267, %reduce_min3A_2964 : vector<16x128xf32>
    %get3A_2966 = arith.constant 0 : index
    %get3A_2967 = arith.constant 0 : index
    %get3A_2968 = arith.constant 128 : index
    %get3A_2969 = vector.load %arg2[%get3A_2966, %get3A_2967, %get3A_2968] : memref<1x3x2048xf32, #tpu.memory_space<vmem>>, vector<1x1x128xf32>
    %get3A_2970 = vector.shape_cast %get3A_2969 : vector<1x1x128xf32> to vector<1x128xf32>
    %get3A_2971 = arith.constant 0 : index
    %get3A_2972 = arith.constant 1 : index
    %get3A_2973 = arith.constant 128 : index
    %get3A_2974 = vector.load %arg2[%get3A_2971, %get3A_2972, %get3A_2973] : memref<1x3x2048xf32, #tpu.memory_space<vmem>>, vector<1x1x128xf32>
    %get3A_2975 = vector.shape_cast %get3A_2974 : vector<1x1x128xf32> to vector<1x128xf32>
    %get3A_2976 = arith.constant 0 : index
    %get3A_2977 = arith.constant 2 : index
    %get3A_2978 = arith.constant 128 : index
    %get3A_2979 = vector.load %arg2[%get3A_2976, %get3A_2977, %get3A_2978] : memref<1x3x2048xf32, #tpu.memory_space<vmem>>, vector<1x1x128xf32>
    %get3A_2980 = vector.shape_cast %get3A_2979 : vector<1x1x128xf32> to vector<1x128xf32>
    %sub3A_2981 = vector.broadcast %get3A_2911 : vector<256x1xf32> to vector<256x128xf32>
    %sub3A_2982 = vector.broadcast %get3A_2970 : vector<1x128xf32> to vector<256x128xf32>
    %sub3A_2983 = arith.subf %sub3A_2981, %sub3A_2982 : vector<256x128xf32>
    %sub3A_2984 = vector.broadcast %get3A_2916 : vector<256x1xf32> to vector<256x128xf32>
    %sub3A_2985 = vector.broadcast %get3A_2975 : vector<1x128xf32> to vector<256x128xf32>
    %sub3A_2986 = arith.subf %sub3A_2984, %sub3A_2985 : vector<256x128xf32>
    %sub3A_2987 = vector.broadcast %get3A_2921 : vector<256x1xf32> to vector<256x128xf32>
    %sub3A_2988 = vector.broadcast %get3A_2980 : vector<1x128xf32> to vector<256x128xf32>
    %sub3A_2989 = arith.subf %sub3A_2987, %sub3A_2988 : vector<256x128xf32>
    %mul3A_2990 = arith.mulf %sub3A_2983, %sub3A_2983 : vector<256x128xf32>
    %mul3A_2991 = arith.mulf %sub3A_2986, %sub3A_2986 : vector<256x128xf32>
    %add3A_2992 = arith.addf %mul3A_2990, %mul3A_2991 : vector<256x128xf32>
    %mul3A_2993 = arith.mulf %sub3A_2989, %sub3A_2989 : vector<256x128xf32>
    %add3A_2994 = arith.addf %add3A_2992, %mul3A_2993 : vector<256x128xf32>
    %bitcast_convert_type3A_2995 = tpu.bitcast %add3A_2994 : vector<256x128xf32> -> vector<256x128xi32>
    %and3A_2996 = arith.constant -2048 : i32
    %and3A_2997 = vector.broadcast %and3A_2996 : i32 to vector<256x128xi32>
    %and3A_2998 = arith.andi %bitcast_convert_type3A_2995, %and3A_2997 : vector<256x128xi32>
    %or3A_2999 = arith.ori %and3A_2998, %add3A_5 : vector<256x128xi32>
    %bitcast_convert_type3A_3000 = tpu.bitcast %or3A_2999 : vector<256x128xi32> -> vector<256x128xf32>
    %min3A_3001 = arith.minimumf %min3A_2959, %bitcast_convert_type3A_3000 : vector<256x128xf32>
    %or3A_3002 = arith.ori %and3A_2998, %add3A_81 : vector<256x128xi32>
    %bitcast_convert_type3A_3003 = tpu.bitcast %or3A_3002 : vector<256x128xi32> -> vector<256x128xf32>
    %reshape3A_3004 = vector.shape_cast %bitcast_convert_type3A_3003 : vector<256x128xf32> to vector<16x16x128xf32>
    %reduce_min3A_3005 = arith.constant dense<0x7F800000> : vector<16x128xf32>
    %reduce_min3A_3006 = vector.multi_reduction <minimumf>, %reshape3A_3004, %reduce_min3A_3005 [0] : vector<16x16x128xf32> to vector<16x128xf32>
    %min3A_3007 = arith.minimumf %min3A_2309, %reduce_min3A_3006 : vector<16x128xf32>
    %get3A_3008 = arith.constant 0 : index
    %get3A_3009 = arith.constant 0 : index
    %get3A_3010 = arith.constant 256 : index
    %get3A_3011 = vector.load %arg2[%get3A_3008, %get3A_3009, %get3A_3010] : memref<1x3x2048xf32, #tpu.memory_space<vmem>>, vector<1x1x128xf32>
    %get3A_3012 = vector.shape_cast %get3A_3011 : vector<1x1x128xf32> to vector<1x128xf32>
    %get3A_3013 = arith.constant 0 : index
    %get3A_3014 = arith.constant 1 : index
    %get3A_3015 = arith.constant 256 : index
    %get3A_3016 = vector.load %arg2[%get3A_3013, %get3A_3014, %get3A_3015] : memref<1x3x2048xf32, #tpu.memory_space<vmem>>, vector<1x1x128xf32>
    %get3A_3017 = vector.shape_cast %get3A_3016 : vector<1x1x128xf32> to vector<1x128xf32>
    %get3A_3018 = arith.constant 0 : index
    %get3A_3019 = arith.constant 2 : index
    %get3A_3020 = arith.constant 256 : index
    %get3A_3021 = vector.load %arg2[%get3A_3018, %get3A_3019, %get3A_3020] : memref<1x3x2048xf32, #tpu.memory_space<vmem>>, vector<1x1x128xf32>
    %get3A_3022 = vector.shape_cast %get3A_3021 : vector<1x1x128xf32> to vector<1x128xf32>
    %sub3A_3023 = vector.broadcast %get3A_2911 : vector<256x1xf32> to vector<256x128xf32>
    %sub3A_3024 = vector.broadcast %get3A_3012 : vector<1x128xf32> to vector<256x128xf32>
    %sub3A_3025 = arith.subf %sub3A_3023, %sub3A_3024 : vector<256x128xf32>
    %sub3A_3026 = vector.broadcast %get3A_2916 : vector<256x1xf32> to vector<256x128xf32>
    %sub3A_3027 = vector.broadcast %get3A_3017 : vector<1x128xf32> to vector<256x128xf32>
    %sub3A_3028 = arith.subf %sub3A_3026, %sub3A_3027 : vector<256x128xf32>
    %sub3A_3029 = vector.broadcast %get3A_2921 : vector<256x1xf32> to vector<256x128xf32>
    %sub3A_3030 = vector.broadcast %get3A_3022 : vector<1x128xf32> to vector<256x128xf32>
    %sub3A_3031 = arith.subf %sub3A_3029, %sub3A_3030 : vector<256x128xf32>
    %mul3A_3032 = arith.mulf %sub3A_3025, %sub3A_3025 : vector<256x128xf32>
    %mul3A_3033 = arith.mulf %sub3A_3028, %sub3A_3028 : vector<256x128xf32>
    %add3A_3034 = arith.addf %mul3A_3032, %mul3A_3033 : vector<256x128xf32>
    %mul3A_3035 = arith.mulf %sub3A_3031, %sub3A_3031 : vector<256x128xf32>
    %add3A_3036 = arith.addf %add3A_3034, %mul3A_3035 : vector<256x128xf32>
    %bitcast_convert_type3A_3037 = tpu.bitcast %add3A_3036 : vector<256x128xf32> -> vector<256x128xi32>
    %and3A_3038 = arith.constant -2048 : i32
    %and3A_3039 = vector.broadcast %and3A_3038 : i32 to vector<256x128xi32>
    %and3A_3040 = arith.andi %bitcast_convert_type3A_3037, %and3A_3039 : vector<256x128xi32>
    %or3A_3041 = arith.ori %and3A_3040, %add3A_9 : vector<256x128xi32>
    %bitcast_convert_type3A_3042 = tpu.bitcast %or3A_3041 : vector<256x128xi32> -> vector<256x128xf32>
    %min3A_3043 = arith.minimumf %min3A_3001, %bitcast_convert_type3A_3042 : vector<256x128xf32>
    %or3A_3044 = arith.ori %and3A_3040, %add3A_81 : vector<256x128xi32>
    %bitcast_convert_type3A_3045 = tpu.bitcast %or3A_3044 : vector<256x128xi32> -> vector<256x128xf32>
    %reshape3A_3046 = vector.shape_cast %bitcast_convert_type3A_3045 : vector<256x128xf32> to vector<16x16x128xf32>
    %reduce_min3A_3047 = arith.constant dense<0x7F800000> : vector<16x128xf32>
    %reduce_min3A_3048 = vector.multi_reduction <minimumf>, %reshape3A_3046, %reduce_min3A_3047 [0] : vector<16x16x128xf32> to vector<16x128xf32>
    %min3A_3049 = arith.minimumf %min3A_2351, %reduce_min3A_3048 : vector<16x128xf32>
    %get3A_3050 = arith.constant 0 : index
    %get3A_3051 = arith.constant 0 : index
    %get3A_3052 = arith.constant 384 : index
    %get3A_3053 = vector.load %arg2[%get3A_3050, %get3A_3051, %get3A_3052] : memref<1x3x2048xf32, #tpu.memory_space<vmem>>, vector<1x1x128xf32>
    %get3A_3054 = vector.shape_cast %get3A_3053 : vector<1x1x128xf32> to vector<1x128xf32>
    %get3A_3055 = arith.constant 0 : index
    %get3A_3056 = arith.constant 1 : index
    %get3A_3057 = arith.constant 384 : index
    %get3A_3058 = vector.load %arg2[%get3A_3055, %get3A_3056, %get3A_3057] : memref<1x3x2048xf32, #tpu.memory_space<vmem>>, vector<1x1x128xf32>
    %get3A_3059 = vector.shape_cast %get3A_3058 : vector<1x1x128xf32> to vector<1x128xf32>
    %get3A_3060 = arith.constant 0 : index
    %get3A_3061 = arith.constant 2 : index
    %get3A_3062 = arith.constant 384 : index
    %get3A_3063 = vector.load %arg2[%get3A_3060, %get3A_3061, %get3A_3062] : memref<1x3x2048xf32, #tpu.memory_space<vmem>>, vector<1x1x128xf32>
    %get3A_3064 = vector.shape_cast %get3A_3063 : vector<1x1x128xf32> to vector<1x128xf32>
    %sub3A_3065 = vector.broadcast %get3A_2911 : vector<256x1xf32> to vector<256x128xf32>
    %sub3A_3066 = vector.broadcast %get3A_3054 : vector<1x128xf32> to vector<256x128xf32>
    %sub3A_3067 = arith.subf %sub3A_3065, %sub3A_3066 : vector<256x128xf32>
    %sub3A_3068 = vector.broadcast %get3A_2916 : vector<256x1xf32> to vector<256x128xf32>
    %sub3A_3069 = vector.broadcast %get3A_3059 : vector<1x128xf32> to vector<256x128xf32>
    %sub3A_3070 = arith.subf %sub3A_3068, %sub3A_3069 : vector<256x128xf32>
    %sub3A_3071 = vector.broadcast %get3A_2921 : vector<256x1xf32> to vector<256x128xf32>
    %sub3A_3072 = vector.broadcast %get3A_3064 : vector<1x128xf32> to vector<256x128xf32>
    %sub3A_3073 = arith.subf %sub3A_3071, %sub3A_3072 : vector<256x128xf32>
    %mul3A_3074 = arith.mulf %sub3A_3067, %sub3A_3067 : vector<256x128xf32>
    %mul3A_3075 = arith.mulf %sub3A_3070, %sub3A_3070 : vector<256x128xf32>
    %add3A_3076 = arith.addf %mul3A_3074, %mul3A_3075 : vector<256x128xf32>
    %mul3A_3077 = arith.mulf %sub3A_3073, %sub3A_3073 : vector<256x128xf32>
    %add3A_3078 = arith.addf %add3A_3076, %mul3A_3077 : vector<256x128xf32>
    %bitcast_convert_type3A_3079 = tpu.bitcast %add3A_3078 : vector<256x128xf32> -> vector<256x128xi32>
    %and3A_3080 = arith.constant -2048 : i32
    %and3A_3081 = vector.broadcast %and3A_3080 : i32 to vector<256x128xi32>
    %and3A_3082 = arith.andi %bitcast_convert_type3A_3079, %and3A_3081 : vector<256x128xi32>
    %or3A_3083 = arith.ori %and3A_3082, %add3A_13 : vector<256x128xi32>
    %bitcast_convert_type3A_3084 = tpu.bitcast %or3A_3083 : vector<256x128xi32> -> vector<256x128xf32>
    %min3A_3085 = arith.minimumf %min3A_3043, %bitcast_convert_type3A_3084 : vector<256x128xf32>
    %or3A_3086 = arith.ori %and3A_3082, %add3A_81 : vector<256x128xi32>
    %bitcast_convert_type3A_3087 = tpu.bitcast %or3A_3086 : vector<256x128xi32> -> vector<256x128xf32>
    %reshape3A_3088 = vector.shape_cast %bitcast_convert_type3A_3087 : vector<256x128xf32> to vector<16x16x128xf32>
    %reduce_min3A_3089 = arith.constant dense<0x7F800000> : vector<16x128xf32>
    %reduce_min3A_3090 = vector.multi_reduction <minimumf>, %reshape3A_3088, %reduce_min3A_3089 [0] : vector<16x16x128xf32> to vector<16x128xf32>
    %min3A_3091 = arith.minimumf %min3A_2393, %reduce_min3A_3090 : vector<16x128xf32>
    %get3A_3092 = arith.constant 0 : index
    %get3A_3093 = arith.constant 0 : index
    %get3A_3094 = arith.constant 512 : index
    %get3A_3095 = vector.load %arg2[%get3A_3092, %get3A_3093, %get3A_3094] : memref<1x3x2048xf32, #tpu.memory_space<vmem>>, vector<1x1x128xf32>
    %get3A_3096 = vector.shape_cast %get3A_3095 : vector<1x1x128xf32> to vector<1x128xf32>
    %get3A_3097 = arith.constant 0 : index
    %get3A_3098 = arith.constant 1 : index
    %get3A_3099 = arith.constant 512 : index
    %get3A_3100 = vector.load %arg2[%get3A_3097, %get3A_3098, %get3A_3099] : memref<1x3x2048xf32, #tpu.memory_space<vmem>>, vector<1x1x128xf32>
    %get3A_3101 = vector.shape_cast %get3A_3100 : vector<1x1x128xf32> to vector<1x128xf32>
    %get3A_3102 = arith.constant 0 : index
    %get3A_3103 = arith.constant 2 : index
    %get3A_3104 = arith.constant 512 : index
    %get3A_3105 = vector.load %arg2[%get3A_3102, %get3A_3103, %get3A_3104] : memref<1x3x2048xf32, #tpu.memory_space<vmem>>, vector<1x1x128xf32>
    %get3A_3106 = vector.shape_cast %get3A_3105 : vector<1x1x128xf32> to vector<1x128xf32>
    %sub3A_3107 = vector.broadcast %get3A_2911 : vector<256x1xf32> to vector<256x128xf32>
    %sub3A_3108 = vector.broadcast %get3A_3096 : vector<1x128xf32> to vector<256x128xf32>
    %sub3A_3109 = arith.subf %sub3A_3107, %sub3A_3108 : vector<256x128xf32>
    %sub3A_3110 = vector.broadcast %get3A_2916 : vector<256x1xf32> to vector<256x128xf32>
    %sub3A_3111 = vector.broadcast %get3A_3101 : vector<1x128xf32> to vector<256x128xf32>
    %sub3A_3112 = arith.subf %sub3A_3110, %sub3A_3111 : vector<256x128xf32>
    %sub3A_3113 = vector.broadcast %get3A_2921 : vector<256x1xf32> to vector<256x128xf32>
    %sub3A_3114 = vector.broadcast %get3A_3106 : vector<1x128xf32> to vector<256x128xf32>
    %sub3A_3115 = arith.subf %sub3A_3113, %sub3A_3114 : vector<256x128xf32>
    %mul3A_3116 = arith.mulf %sub3A_3109, %sub3A_3109 : vector<256x128xf32>
    %mul3A_3117 = arith.mulf %sub3A_3112, %sub3A_3112 : vector<256x128xf32>
    %add3A_3118 = arith.addf %mul3A_3116, %mul3A_3117 : vector<256x128xf32>
    %mul3A_3119 = arith.mulf %sub3A_3115, %sub3A_3115 : vector<256x128xf32>
    %add3A_3120 = arith.addf %add3A_3118, %mul3A_3119 : vector<256x128xf32>
    %bitcast_convert_type3A_3121 = tpu.bitcast %add3A_3120 : vector<256x128xf32> -> vector<256x128xi32>
    %and3A_3122 = arith.constant -2048 : i32
    %and3A_3123 = vector.broadcast %and3A_3122 : i32 to vector<256x128xi32>
    %and3A_3124 = arith.andi %bitcast_convert_type3A_3121, %and3A_3123 : vector<256x128xi32>
    %or3A_3125 = arith.ori %and3A_3124, %add3A_17 : vector<256x128xi32>
    %bitcast_convert_type3A_3126 = tpu.bitcast %or3A_3125 : vector<256x128xi32> -> vector<256x128xf32>
    %min3A_3127 = arith.minimumf %min3A_3085, %bitcast_convert_type3A_3126 : vector<256x128xf32>
    %or3A_3128 = arith.ori %and3A_3124, %add3A_81 : vector<256x128xi32>
    %bitcast_convert_type3A_3129 = tpu.bitcast %or3A_3128 : vector<256x128xi32> -> vector<256x128xf32>
    %reshape3A_3130 = vector.shape_cast %bitcast_convert_type3A_3129 : vector<256x128xf32> to vector<16x16x128xf32>
    %reduce_min3A_3131 = arith.constant dense<0x7F800000> : vector<16x128xf32>
    %reduce_min3A_3132 = vector.multi_reduction <minimumf>, %reshape3A_3130, %reduce_min3A_3131 [0] : vector<16x16x128xf32> to vector<16x128xf32>
    %min3A_3133 = arith.minimumf %min3A_2435, %reduce_min3A_3132 : vector<16x128xf32>
    %get3A_3134 = arith.constant 0 : index
    %get3A_3135 = arith.constant 0 : index
    %get3A_3136 = arith.constant 640 : index
    %get3A_3137 = vector.load %arg2[%get3A_3134, %get3A_3135, %get3A_3136] : memref<1x3x2048xf32, #tpu.memory_space<vmem>>, vector<1x1x128xf32>
    %get3A_3138 = vector.shape_cast %get3A_3137 : vector<1x1x128xf32> to vector<1x128xf32>
    %get3A_3139 = arith.constant 0 : index
    %get3A_3140 = arith.constant 1 : index
    %get3A_3141 = arith.constant 640 : index
    %get3A_3142 = vector.load %arg2[%get3A_3139, %get3A_3140, %get3A_3141] : memref<1x3x2048xf32, #tpu.memory_space<vmem>>, vector<1x1x128xf32>
    %get3A_3143 = vector.shape_cast %get3A_3142 : vector<1x1x128xf32> to vector<1x128xf32>
    %get3A_3144 = arith.constant 0 : index
    %get3A_3145 = arith.constant 2 : index
    %get3A_3146 = arith.constant 640 : index
    %get3A_3147 = vector.load %arg2[%get3A_3144, %get3A_3145, %get3A_3146] : memref<1x3x2048xf32, #tpu.memory_space<vmem>>, vector<1x1x128xf32>
    %get3A_3148 = vector.shape_cast %get3A_3147 : vector<1x1x128xf32> to vector<1x128xf32>
    %sub3A_3149 = vector.broadcast %get3A_2911 : vector<256x1xf32> to vector<256x128xf32>
    %sub3A_3150 = vector.broadcast %get3A_3138 : vector<1x128xf32> to vector<256x128xf32>
    %sub3A_3151 = arith.subf %sub3A_3149, %sub3A_3150 : vector<256x128xf32>
    %sub3A_3152 = vector.broadcast %get3A_2916 : vector<256x1xf32> to vector<256x128xf32>
    %sub3A_3153 = vector.broadcast %get3A_3143 : vector<1x128xf32> to vector<256x128xf32>
    %sub3A_3154 = arith.subf %sub3A_3152, %sub3A_3153 : vector<256x128xf32>
    %sub3A_3155 = vector.broadcast %get3A_2921 : vector<256x1xf32> to vector<256x128xf32>
    %sub3A_3156 = vector.broadcast %get3A_3148 : vector<1x128xf32> to vector<256x128xf32>
    %sub3A_3157 = arith.subf %sub3A_3155, %sub3A_3156 : vector<256x128xf32>
    %mul3A_3158 = arith.mulf %sub3A_3151, %sub3A_3151 : vector<256x128xf32>
    %mul3A_3159 = arith.mulf %sub3A_3154, %sub3A_3154 : vector<256x128xf32>
    %add3A_3160 = arith.addf %mul3A_3158, %mul3A_3159 : vector<256x128xf32>
    %mul3A_3161 = arith.mulf %sub3A_3157, %sub3A_3157 : vector<256x128xf32>
    %add3A_3162 = arith.addf %add3A_3160, %mul3A_3161 : vector<256x128xf32>
    %bitcast_convert_type3A_3163 = tpu.bitcast %add3A_3162 : vector<256x128xf32> -> vector<256x128xi32>
    %and3A_3164 = arith.constant -2048 : i32
    %and3A_3165 = vector.broadcast %and3A_3164 : i32 to vector<256x128xi32>
    %and3A_3166 = arith.andi %bitcast_convert_type3A_3163, %and3A_3165 : vector<256x128xi32>
    %or3A_3167 = arith.ori %and3A_3166, %add3A_21 : vector<256x128xi32>
    %bitcast_convert_type3A_3168 = tpu.bitcast %or3A_3167 : vector<256x128xi32> -> vector<256x128xf32>
    %min3A_3169 = arith.minimumf %min3A_3127, %bitcast_convert_type3A_3168 : vector<256x128xf32>
    %or3A_3170 = arith.ori %and3A_3166, %add3A_81 : vector<256x128xi32>
    %bitcast_convert_type3A_3171 = tpu.bitcast %or3A_3170 : vector<256x128xi32> -> vector<256x128xf32>
    %reshape3A_3172 = vector.shape_cast %bitcast_convert_type3A_3171 : vector<256x128xf32> to vector<16x16x128xf32>
    %reduce_min3A_3173 = arith.constant dense<0x7F800000> : vector<16x128xf32>
    %reduce_min3A_3174 = vector.multi_reduction <minimumf>, %reshape3A_3172, %reduce_min3A_3173 [0] : vector<16x16x128xf32> to vector<16x128xf32>
    %min3A_3175 = arith.minimumf %min3A_2477, %reduce_min3A_3174 : vector<16x128xf32>
    %get3A_3176 = arith.constant 0 : index
    %get3A_3177 = arith.constant 0 : index
    %get3A_3178 = arith.constant 768 : index
    %get3A_3179 = vector.load %arg2[%get3A_3176, %get3A_3177, %get3A_3178] : memref<1x3x2048xf32, #tpu.memory_space<vmem>>, vector<1x1x128xf32>
    %get3A_3180 = vector.shape_cast %get3A_3179 : vector<1x1x128xf32> to vector<1x128xf32>
    %get3A_3181 = arith.constant 0 : index
    %get3A_3182 = arith.constant 1 : index
    %get3A_3183 = arith.constant 768 : index
    %get3A_3184 = vector.load %arg2[%get3A_3181, %get3A_3182, %get3A_3183] : memref<1x3x2048xf32, #tpu.memory_space<vmem>>, vector<1x1x128xf32>
    %get3A_3185 = vector.shape_cast %get3A_3184 : vector<1x1x128xf32> to vector<1x128xf32>
    %get3A_3186 = arith.constant 0 : index
    %get3A_3187 = arith.constant 2 : index
    %get3A_3188 = arith.constant 768 : index
    %get3A_3189 = vector.load %arg2[%get3A_3186, %get3A_3187, %get3A_3188] : memref<1x3x2048xf32, #tpu.memory_space<vmem>>, vector<1x1x128xf32>
    %get3A_3190 = vector.shape_cast %get3A_3189 : vector<1x1x128xf32> to vector<1x128xf32>
    %sub3A_3191 = vector.broadcast %get3A_2911 : vector<256x1xf32> to vector<256x128xf32>
    %sub3A_3192 = vector.broadcast %get3A_3180 : vector<1x128xf32> to vector<256x128xf32>
    %sub3A_3193 = arith.subf %sub3A_3191, %sub3A_3192 : vector<256x128xf32>
    %sub3A_3194 = vector.broadcast %get3A_2916 : vector<256x1xf32> to vector<256x128xf32>
    %sub3A_3195 = vector.broadcast %get3A_3185 : vector<1x128xf32> to vector<256x128xf32>
    %sub3A_3196 = arith.subf %sub3A_3194, %sub3A_3195 : vector<256x128xf32>
    %sub3A_3197 = vector.broadcast %get3A_2921 : vector<256x1xf32> to vector<256x128xf32>
    %sub3A_3198 = vector.broadcast %get3A_3190 : vector<1x128xf32> to vector<256x128xf32>
    %sub3A_3199 = arith.subf %sub3A_3197, %sub3A_3198 : vector<256x128xf32>
    %mul3A_3200 = arith.mulf %sub3A_3193, %sub3A_3193 : vector<256x128xf32>
    %mul3A_3201 = arith.mulf %sub3A_3196, %sub3A_3196 : vector<256x128xf32>
    %add3A_3202 = arith.addf %mul3A_3200, %mul3A_3201 : vector<256x128xf32>
    %mul3A_3203 = arith.mulf %sub3A_3199, %sub3A_3199 : vector<256x128xf32>
    %add3A_3204 = arith.addf %add3A_3202, %mul3A_3203 : vector<256x128xf32>
    %bitcast_convert_type3A_3205 = tpu.bitcast %add3A_3204 : vector<256x128xf32> -> vector<256x128xi32>
    %and3A_3206 = arith.constant -2048 : i32
    %and3A_3207 = vector.broadcast %and3A_3206 : i32 to vector<256x128xi32>
    %and3A_3208 = arith.andi %bitcast_convert_type3A_3205, %and3A_3207 : vector<256x128xi32>
    %or3A_3209 = arith.ori %and3A_3208, %add3A_25 : vector<256x128xi32>
    %bitcast_convert_type3A_3210 = tpu.bitcast %or3A_3209 : vector<256x128xi32> -> vector<256x128xf32>
    %min3A_3211 = arith.minimumf %min3A_3169, %bitcast_convert_type3A_3210 : vector<256x128xf32>
    %or3A_3212 = arith.ori %and3A_3208, %add3A_81 : vector<256x128xi32>
    %bitcast_convert_type3A_3213 = tpu.bitcast %or3A_3212 : vector<256x128xi32> -> vector<256x128xf32>
    %reshape3A_3214 = vector.shape_cast %bitcast_convert_type3A_3213 : vector<256x128xf32> to vector<16x16x128xf32>
    %reduce_min3A_3215 = arith.constant dense<0x7F800000> : vector<16x128xf32>
    %reduce_min3A_3216 = vector.multi_reduction <minimumf>, %reshape3A_3214, %reduce_min3A_3215 [0] : vector<16x16x128xf32> to vector<16x128xf32>
    %min3A_3217 = arith.minimumf %min3A_2519, %reduce_min3A_3216 : vector<16x128xf32>
    %get3A_3218 = arith.constant 0 : index
    %get3A_3219 = arith.constant 0 : index
    %get3A_3220 = arith.constant 896 : index
    %get3A_3221 = vector.load %arg2[%get3A_3218, %get3A_3219, %get3A_3220] : memref<1x3x2048xf32, #tpu.memory_space<vmem>>, vector<1x1x128xf32>
    %get3A_3222 = vector.shape_cast %get3A_3221 : vector<1x1x128xf32> to vector<1x128xf32>
    %get3A_3223 = arith.constant 0 : index
    %get3A_3224 = arith.constant 1 : index
    %get3A_3225 = arith.constant 896 : index
    %get3A_3226 = vector.load %arg2[%get3A_3223, %get3A_3224, %get3A_3225] : memref<1x3x2048xf32, #tpu.memory_space<vmem>>, vector<1x1x128xf32>
    %get3A_3227 = vector.shape_cast %get3A_3226 : vector<1x1x128xf32> to vector<1x128xf32>
    %get3A_3228 = arith.constant 0 : index
    %get3A_3229 = arith.constant 2 : index
    %get3A_3230 = arith.constant 896 : index
    %get3A_3231 = vector.load %arg2[%get3A_3228, %get3A_3229, %get3A_3230] : memref<1x3x2048xf32, #tpu.memory_space<vmem>>, vector<1x1x128xf32>
    %get3A_3232 = vector.shape_cast %get3A_3231 : vector<1x1x128xf32> to vector<1x128xf32>
    %sub3A_3233 = vector.broadcast %get3A_2911 : vector<256x1xf32> to vector<256x128xf32>
    %sub3A_3234 = vector.broadcast %get3A_3222 : vector<1x128xf32> to vector<256x128xf32>
    %sub3A_3235 = arith.subf %sub3A_3233, %sub3A_3234 : vector<256x128xf32>
    %sub3A_3236 = vector.broadcast %get3A_2916 : vector<256x1xf32> to vector<256x128xf32>
    %sub3A_3237 = vector.broadcast %get3A_3227 : vector<1x128xf32> to vector<256x128xf32>
    %sub3A_3238 = arith.subf %sub3A_3236, %sub3A_3237 : vector<256x128xf32>
    %sub3A_3239 = vector.broadcast %get3A_2921 : vector<256x1xf32> to vector<256x128xf32>
    %sub3A_3240 = vector.broadcast %get3A_3232 : vector<1x128xf32> to vector<256x128xf32>
    %sub3A_3241 = arith.subf %sub3A_3239, %sub3A_3240 : vector<256x128xf32>
    %mul3A_3242 = arith.mulf %sub3A_3235, %sub3A_3235 : vector<256x128xf32>
    %mul3A_3243 = arith.mulf %sub3A_3238, %sub3A_3238 : vector<256x128xf32>
    %add3A_3244 = arith.addf %mul3A_3242, %mul3A_3243 : vector<256x128xf32>
    %mul3A_3245 = arith.mulf %sub3A_3241, %sub3A_3241 : vector<256x128xf32>
    %add3A_3246 = arith.addf %add3A_3244, %mul3A_3245 : vector<256x128xf32>
    %bitcast_convert_type3A_3247 = tpu.bitcast %add3A_3246 : vector<256x128xf32> -> vector<256x128xi32>
    %and3A_3248 = arith.constant -2048 : i32
    %and3A_3249 = vector.broadcast %and3A_3248 : i32 to vector<256x128xi32>
    %and3A_3250 = arith.andi %bitcast_convert_type3A_3247, %and3A_3249 : vector<256x128xi32>
    %or3A_3251 = arith.ori %and3A_3250, %add3A_29 : vector<256x128xi32>
    %bitcast_convert_type3A_3252 = tpu.bitcast %or3A_3251 : vector<256x128xi32> -> vector<256x128xf32>
    %min3A_3253 = arith.minimumf %min3A_3211, %bitcast_convert_type3A_3252 : vector<256x128xf32>
    %or3A_3254 = arith.ori %and3A_3250, %add3A_81 : vector<256x128xi32>
    %bitcast_convert_type3A_3255 = tpu.bitcast %or3A_3254 : vector<256x128xi32> -> vector<256x128xf32>
    %reshape3A_3256 = vector.shape_cast %bitcast_convert_type3A_3255 : vector<256x128xf32> to vector<16x16x128xf32>
    %reduce_min3A_3257 = arith.constant dense<0x7F800000> : vector<16x128xf32>
    %reduce_min3A_3258 = vector.multi_reduction <minimumf>, %reshape3A_3256, %reduce_min3A_3257 [0] : vector<16x16x128xf32> to vector<16x128xf32>
    %min3A_3259 = arith.minimumf %min3A_2561, %reduce_min3A_3258 : vector<16x128xf32>
    %get3A_3260 = arith.constant 0 : index
    %get3A_3261 = arith.constant 0 : index
    %get3A_3262 = arith.constant 1024 : index
    %get3A_3263 = vector.load %arg2[%get3A_3260, %get3A_3261, %get3A_3262] : memref<1x3x2048xf32, #tpu.memory_space<vmem>>, vector<1x1x128xf32>
    %get3A_3264 = vector.shape_cast %get3A_3263 : vector<1x1x128xf32> to vector<1x128xf32>
    %get3A_3265 = arith.constant 0 : index
    %get3A_3266 = arith.constant 1 : index
    %get3A_3267 = arith.constant 1024 : index
    %get3A_3268 = vector.load %arg2[%get3A_3265, %get3A_3266, %get3A_3267] : memref<1x3x2048xf32, #tpu.memory_space<vmem>>, vector<1x1x128xf32>
    %get3A_3269 = vector.shape_cast %get3A_3268 : vector<1x1x128xf32> to vector<1x128xf32>
    %get3A_3270 = arith.constant 0 : index
    %get3A_3271 = arith.constant 2 : index
    %get3A_3272 = arith.constant 1024 : index
    %get3A_3273 = vector.load %arg2[%get3A_3270, %get3A_3271, %get3A_3272] : memref<1x3x2048xf32, #tpu.memory_space<vmem>>, vector<1x1x128xf32>
    %get3A_3274 = vector.shape_cast %get3A_3273 : vector<1x1x128xf32> to vector<1x128xf32>
    %sub3A_3275 = vector.broadcast %get3A_2911 : vector<256x1xf32> to vector<256x128xf32>
    %sub3A_3276 = vector.broadcast %get3A_3264 : vector<1x128xf32> to vector<256x128xf32>
    %sub3A_3277 = arith.subf %sub3A_3275, %sub3A_3276 : vector<256x128xf32>
    %sub3A_3278 = vector.broadcast %get3A_2916 : vector<256x1xf32> to vector<256x128xf32>
    %sub3A_3279 = vector.broadcast %get3A_3269 : vector<1x128xf32> to vector<256x128xf32>
    %sub3A_3280 = arith.subf %sub3A_3278, %sub3A_3279 : vector<256x128xf32>
    %sub3A_3281 = vector.broadcast %get3A_2921 : vector<256x1xf32> to vector<256x128xf32>
    %sub3A_3282 = vector.broadcast %get3A_3274 : vector<1x128xf32> to vector<256x128xf32>
    %sub3A_3283 = arith.subf %sub3A_3281, %sub3A_3282 : vector<256x128xf32>
    %mul3A_3284 = arith.mulf %sub3A_3277, %sub3A_3277 : vector<256x128xf32>
    %mul3A_3285 = arith.mulf %sub3A_3280, %sub3A_3280 : vector<256x128xf32>
    %add3A_3286 = arith.addf %mul3A_3284, %mul3A_3285 : vector<256x128xf32>
    %mul3A_3287 = arith.mulf %sub3A_3283, %sub3A_3283 : vector<256x128xf32>
    %add3A_3288 = arith.addf %add3A_3286, %mul3A_3287 : vector<256x128xf32>
    %bitcast_convert_type3A_3289 = tpu.bitcast %add3A_3288 : vector<256x128xf32> -> vector<256x128xi32>
    %and3A_3290 = arith.constant -2048 : i32
    %and3A_3291 = vector.broadcast %and3A_3290 : i32 to vector<256x128xi32>
    %and3A_3292 = arith.andi %bitcast_convert_type3A_3289, %and3A_3291 : vector<256x128xi32>
    %or3A_3293 = arith.ori %and3A_3292, %add3A_33 : vector<256x128xi32>
    %bitcast_convert_type3A_3294 = tpu.bitcast %or3A_3293 : vector<256x128xi32> -> vector<256x128xf32>
    %min3A_3295 = arith.minimumf %min3A_3253, %bitcast_convert_type3A_3294 : vector<256x128xf32>
    %or3A_3296 = arith.ori %and3A_3292, %add3A_81 : vector<256x128xi32>
    %bitcast_convert_type3A_3297 = tpu.bitcast %or3A_3296 : vector<256x128xi32> -> vector<256x128xf32>
    %reshape3A_3298 = vector.shape_cast %bitcast_convert_type3A_3297 : vector<256x128xf32> to vector<16x16x128xf32>
    %reduce_min3A_3299 = arith.constant dense<0x7F800000> : vector<16x128xf32>
    %reduce_min3A_3300 = vector.multi_reduction <minimumf>, %reshape3A_3298, %reduce_min3A_3299 [0] : vector<16x16x128xf32> to vector<16x128xf32>
    %min3A_3301 = arith.minimumf %min3A_2603, %reduce_min3A_3300 : vector<16x128xf32>
    %get3A_3302 = arith.constant 0 : index
    %get3A_3303 = arith.constant 0 : index
    %get3A_3304 = arith.constant 1152 : index
    %get3A_3305 = vector.load %arg2[%get3A_3302, %get3A_3303, %get3A_3304] : memref<1x3x2048xf32, #tpu.memory_space<vmem>>, vector<1x1x128xf32>
    %get3A_3306 = vector.shape_cast %get3A_3305 : vector<1x1x128xf32> to vector<1x128xf32>
    %get3A_3307 = arith.constant 0 : index
    %get3A_3308 = arith.constant 1 : index
    %get3A_3309 = arith.constant 1152 : index
    %get3A_3310 = vector.load %arg2[%get3A_3307, %get3A_3308, %get3A_3309] : memref<1x3x2048xf32, #tpu.memory_space<vmem>>, vector<1x1x128xf32>
    %get3A_3311 = vector.shape_cast %get3A_3310 : vector<1x1x128xf32> to vector<1x128xf32>
    %get3A_3312 = arith.constant 0 : index
    %get3A_3313 = arith.constant 2 : index
    %get3A_3314 = arith.constant 1152 : index
    %get3A_3315 = vector.load %arg2[%get3A_3312, %get3A_3313, %get3A_3314] : memref<1x3x2048xf32, #tpu.memory_space<vmem>>, vector<1x1x128xf32>
    %get3A_3316 = vector.shape_cast %get3A_3315 : vector<1x1x128xf32> to vector<1x128xf32>
    %sub3A_3317 = vector.broadcast %get3A_2911 : vector<256x1xf32> to vector<256x128xf32>
    %sub3A_3318 = vector.broadcast %get3A_3306 : vector<1x128xf32> to vector<256x128xf32>
    %sub3A_3319 = arith.subf %sub3A_3317, %sub3A_3318 : vector<256x128xf32>
    %sub3A_3320 = vector.broadcast %get3A_2916 : vector<256x1xf32> to vector<256x128xf32>
    %sub3A_3321 = vector.broadcast %get3A_3311 : vector<1x128xf32> to vector<256x128xf32>
    %sub3A_3322 = arith.subf %sub3A_3320, %sub3A_3321 : vector<256x128xf32>
    %sub3A_3323 = vector.broadcast %get3A_2921 : vector<256x1xf32> to vector<256x128xf32>
    %sub3A_3324 = vector.broadcast %get3A_3316 : vector<1x128xf32> to vector<256x128xf32>
    %sub3A_3325 = arith.subf %sub3A_3323, %sub3A_3324 : vector<256x128xf32>
    %mul3A_3326 = arith.mulf %sub3A_3319, %sub3A_3319 : vector<256x128xf32>
    %mul3A_3327 = arith.mulf %sub3A_3322, %sub3A_3322 : vector<256x128xf32>
    %add3A_3328 = arith.addf %mul3A_3326, %mul3A_3327 : vector<256x128xf32>
    %mul3A_3329 = arith.mulf %sub3A_3325, %sub3A_3325 : vector<256x128xf32>
    %add3A_3330 = arith.addf %add3A_3328, %mul3A_3329 : vector<256x128xf32>
    %bitcast_convert_type3A_3331 = tpu.bitcast %add3A_3330 : vector<256x128xf32> -> vector<256x128xi32>
    %and3A_3332 = arith.constant -2048 : i32
    %and3A_3333 = vector.broadcast %and3A_3332 : i32 to vector<256x128xi32>
    %and3A_3334 = arith.andi %bitcast_convert_type3A_3331, %and3A_3333 : vector<256x128xi32>
    %or3A_3335 = arith.ori %and3A_3334, %add3A_37 : vector<256x128xi32>
    %bitcast_convert_type3A_3336 = tpu.bitcast %or3A_3335 : vector<256x128xi32> -> vector<256x128xf32>
    %min3A_3337 = arith.minimumf %min3A_3295, %bitcast_convert_type3A_3336 : vector<256x128xf32>
    %or3A_3338 = arith.ori %and3A_3334, %add3A_81 : vector<256x128xi32>
    %bitcast_convert_type3A_3339 = tpu.bitcast %or3A_3338 : vector<256x128xi32> -> vector<256x128xf32>
    %reshape3A_3340 = vector.shape_cast %bitcast_convert_type3A_3339 : vector<256x128xf32> to vector<16x16x128xf32>
    %reduce_min3A_3341 = arith.constant dense<0x7F800000> : vector<16x128xf32>
    %reduce_min3A_3342 = vector.multi_reduction <minimumf>, %reshape3A_3340, %reduce_min3A_3341 [0] : vector<16x16x128xf32> to vector<16x128xf32>
    %min3A_3343 = arith.minimumf %min3A_2645, %reduce_min3A_3342 : vector<16x128xf32>
    %get3A_3344 = arith.constant 0 : index
    %get3A_3345 = arith.constant 0 : index
    %get3A_3346 = arith.constant 1280 : index
    %get3A_3347 = vector.load %arg2[%get3A_3344, %get3A_3345, %get3A_3346] : memref<1x3x2048xf32, #tpu.memory_space<vmem>>, vector<1x1x128xf32>
    %get3A_3348 = vector.shape_cast %get3A_3347 : vector<1x1x128xf32> to vector<1x128xf32>
    %get3A_3349 = arith.constant 0 : index
    %get3A_3350 = arith.constant 1 : index
    %get3A_3351 = arith.constant 1280 : index
    %get3A_3352 = vector.load %arg2[%get3A_3349, %get3A_3350, %get3A_3351] : memref<1x3x2048xf32, #tpu.memory_space<vmem>>, vector<1x1x128xf32>
    %get3A_3353 = vector.shape_cast %get3A_3352 : vector<1x1x128xf32> to vector<1x128xf32>
    %get3A_3354 = arith.constant 0 : index
    %get3A_3355 = arith.constant 2 : index
    %get3A_3356 = arith.constant 1280 : index
    %get3A_3357 = vector.load %arg2[%get3A_3354, %get3A_3355, %get3A_3356] : memref<1x3x2048xf32, #tpu.memory_space<vmem>>, vector<1x1x128xf32>
    %get3A_3358 = vector.shape_cast %get3A_3357 : vector<1x1x128xf32> to vector<1x128xf32>
    %sub3A_3359 = vector.broadcast %get3A_2911 : vector<256x1xf32> to vector<256x128xf32>
    %sub3A_3360 = vector.broadcast %get3A_3348 : vector<1x128xf32> to vector<256x128xf32>
    %sub3A_3361 = arith.subf %sub3A_3359, %sub3A_3360 : vector<256x128xf32>
    %sub3A_3362 = vector.broadcast %get3A_2916 : vector<256x1xf32> to vector<256x128xf32>
    %sub3A_3363 = vector.broadcast %get3A_3353 : vector<1x128xf32> to vector<256x128xf32>
    %sub3A_3364 = arith.subf %sub3A_3362, %sub3A_3363 : vector<256x128xf32>
    %sub3A_3365 = vector.broadcast %get3A_2921 : vector<256x1xf32> to vector<256x128xf32>
    %sub3A_3366 = vector.broadcast %get3A_3358 : vector<1x128xf32> to vector<256x128xf32>
    %sub3A_3367 = arith.subf %sub3A_3365, %sub3A_3366 : vector<256x128xf32>
    %mul3A_3368 = arith.mulf %sub3A_3361, %sub3A_3361 : vector<256x128xf32>
    %mul3A_3369 = arith.mulf %sub3A_3364, %sub3A_3364 : vector<256x128xf32>
    %add3A_3370 = arith.addf %mul3A_3368, %mul3A_3369 : vector<256x128xf32>
    %mul3A_3371 = arith.mulf %sub3A_3367, %sub3A_3367 : vector<256x128xf32>
    %add3A_3372 = arith.addf %add3A_3370, %mul3A_3371 : vector<256x128xf32>
    %bitcast_convert_type3A_3373 = tpu.bitcast %add3A_3372 : vector<256x128xf32> -> vector<256x128xi32>
    %and3A_3374 = arith.constant -2048 : i32
    %and3A_3375 = vector.broadcast %and3A_3374 : i32 to vector<256x128xi32>
    %and3A_3376 = arith.andi %bitcast_convert_type3A_3373, %and3A_3375 : vector<256x128xi32>
    %or3A_3377 = arith.ori %and3A_3376, %add3A_41 : vector<256x128xi32>
    %bitcast_convert_type3A_3378 = tpu.bitcast %or3A_3377 : vector<256x128xi32> -> vector<256x128xf32>
    %min3A_3379 = arith.minimumf %min3A_3337, %bitcast_convert_type3A_3378 : vector<256x128xf32>
    %or3A_3380 = arith.ori %and3A_3376, %add3A_81 : vector<256x128xi32>
    %bitcast_convert_type3A_3381 = tpu.bitcast %or3A_3380 : vector<256x128xi32> -> vector<256x128xf32>
    %reshape3A_3382 = vector.shape_cast %bitcast_convert_type3A_3381 : vector<256x128xf32> to vector<16x16x128xf32>
    %reduce_min3A_3383 = arith.constant dense<0x7F800000> : vector<16x128xf32>
    %reduce_min3A_3384 = vector.multi_reduction <minimumf>, %reshape3A_3382, %reduce_min3A_3383 [0] : vector<16x16x128xf32> to vector<16x128xf32>
    %min3A_3385 = arith.minimumf %min3A_2687, %reduce_min3A_3384 : vector<16x128xf32>
    %get3A_3386 = arith.constant 0 : index
    %get3A_3387 = arith.constant 0 : index
    %get3A_3388 = arith.constant 1408 : index
    %get3A_3389 = vector.load %arg2[%get3A_3386, %get3A_3387, %get3A_3388] : memref<1x3x2048xf32, #tpu.memory_space<vmem>>, vector<1x1x128xf32>
    %get3A_3390 = vector.shape_cast %get3A_3389 : vector<1x1x128xf32> to vector<1x128xf32>
    %get3A_3391 = arith.constant 0 : index
    %get3A_3392 = arith.constant 1 : index
    %get3A_3393 = arith.constant 1408 : index
    %get3A_3394 = vector.load %arg2[%get3A_3391, %get3A_3392, %get3A_3393] : memref<1x3x2048xf32, #tpu.memory_space<vmem>>, vector<1x1x128xf32>
    %get3A_3395 = vector.shape_cast %get3A_3394 : vector<1x1x128xf32> to vector<1x128xf32>
    %get3A_3396 = arith.constant 0 : index
    %get3A_3397 = arith.constant 2 : index
    %get3A_3398 = arith.constant 1408 : index
    %get3A_3399 = vector.load %arg2[%get3A_3396, %get3A_3397, %get3A_3398] : memref<1x3x2048xf32, #tpu.memory_space<vmem>>, vector<1x1x128xf32>
    %get3A_3400 = vector.shape_cast %get3A_3399 : vector<1x1x128xf32> to vector<1x128xf32>
    %sub3A_3401 = vector.broadcast %get3A_2911 : vector<256x1xf32> to vector<256x128xf32>
    %sub3A_3402 = vector.broadcast %get3A_3390 : vector<1x128xf32> to vector<256x128xf32>
    %sub3A_3403 = arith.subf %sub3A_3401, %sub3A_3402 : vector<256x128xf32>
    %sub3A_3404 = vector.broadcast %get3A_2916 : vector<256x1xf32> to vector<256x128xf32>
    %sub3A_3405 = vector.broadcast %get3A_3395 : vector<1x128xf32> to vector<256x128xf32>
    %sub3A_3406 = arith.subf %sub3A_3404, %sub3A_3405 : vector<256x128xf32>
    %sub3A_3407 = vector.broadcast %get3A_2921 : vector<256x1xf32> to vector<256x128xf32>
    %sub3A_3408 = vector.broadcast %get3A_3400 : vector<1x128xf32> to vector<256x128xf32>
    %sub3A_3409 = arith.subf %sub3A_3407, %sub3A_3408 : vector<256x128xf32>
    %mul3A_3410 = arith.mulf %sub3A_3403, %sub3A_3403 : vector<256x128xf32>
    %mul3A_3411 = arith.mulf %sub3A_3406, %sub3A_3406 : vector<256x128xf32>
    %add3A_3412 = arith.addf %mul3A_3410, %mul3A_3411 : vector<256x128xf32>
    %mul3A_3413 = arith.mulf %sub3A_3409, %sub3A_3409 : vector<256x128xf32>
    %add3A_3414 = arith.addf %add3A_3412, %mul3A_3413 : vector<256x128xf32>
    %bitcast_convert_type3A_3415 = tpu.bitcast %add3A_3414 : vector<256x128xf32> -> vector<256x128xi32>
    %and3A_3416 = arith.constant -2048 : i32
    %and3A_3417 = vector.broadcast %and3A_3416 : i32 to vector<256x128xi32>
    %and3A_3418 = arith.andi %bitcast_convert_type3A_3415, %and3A_3417 : vector<256x128xi32>
    %or3A_3419 = arith.ori %and3A_3418, %add3A_45 : vector<256x128xi32>
    %bitcast_convert_type3A_3420 = tpu.bitcast %or3A_3419 : vector<256x128xi32> -> vector<256x128xf32>
    %min3A_3421 = arith.minimumf %min3A_3379, %bitcast_convert_type3A_3420 : vector<256x128xf32>
    %or3A_3422 = arith.ori %and3A_3418, %add3A_81 : vector<256x128xi32>
    %bitcast_convert_type3A_3423 = tpu.bitcast %or3A_3422 : vector<256x128xi32> -> vector<256x128xf32>
    %reshape3A_3424 = vector.shape_cast %bitcast_convert_type3A_3423 : vector<256x128xf32> to vector<16x16x128xf32>
    %reduce_min3A_3425 = arith.constant dense<0x7F800000> : vector<16x128xf32>
    %reduce_min3A_3426 = vector.multi_reduction <minimumf>, %reshape3A_3424, %reduce_min3A_3425 [0] : vector<16x16x128xf32> to vector<16x128xf32>
    %min3A_3427 = arith.minimumf %min3A_2729, %reduce_min3A_3426 : vector<16x128xf32>
    %get3A_3428 = arith.constant 0 : index
    %get3A_3429 = arith.constant 0 : index
    %get3A_3430 = arith.constant 1536 : index
    %get3A_3431 = vector.load %arg2[%get3A_3428, %get3A_3429, %get3A_3430] : memref<1x3x2048xf32, #tpu.memory_space<vmem>>, vector<1x1x128xf32>
    %get3A_3432 = vector.shape_cast %get3A_3431 : vector<1x1x128xf32> to vector<1x128xf32>
    %get3A_3433 = arith.constant 0 : index
    %get3A_3434 = arith.constant 1 : index
    %get3A_3435 = arith.constant 1536 : index
    %get3A_3436 = vector.load %arg2[%get3A_3433, %get3A_3434, %get3A_3435] : memref<1x3x2048xf32, #tpu.memory_space<vmem>>, vector<1x1x128xf32>
    %get3A_3437 = vector.shape_cast %get3A_3436 : vector<1x1x128xf32> to vector<1x128xf32>
    %get3A_3438 = arith.constant 0 : index
    %get3A_3439 = arith.constant 2 : index
    %get3A_3440 = arith.constant 1536 : index
    %get3A_3441 = vector.load %arg2[%get3A_3438, %get3A_3439, %get3A_3440] : memref<1x3x2048xf32, #tpu.memory_space<vmem>>, vector<1x1x128xf32>
    %get3A_3442 = vector.shape_cast %get3A_3441 : vector<1x1x128xf32> to vector<1x128xf32>
    %sub3A_3443 = vector.broadcast %get3A_2911 : vector<256x1xf32> to vector<256x128xf32>
    %sub3A_3444 = vector.broadcast %get3A_3432 : vector<1x128xf32> to vector<256x128xf32>
    %sub3A_3445 = arith.subf %sub3A_3443, %sub3A_3444 : vector<256x128xf32>
    %sub3A_3446 = vector.broadcast %get3A_2916 : vector<256x1xf32> to vector<256x128xf32>
    %sub3A_3447 = vector.broadcast %get3A_3437 : vector<1x128xf32> to vector<256x128xf32>
    %sub3A_3448 = arith.subf %sub3A_3446, %sub3A_3447 : vector<256x128xf32>
    %sub3A_3449 = vector.broadcast %get3A_2921 : vector<256x1xf32> to vector<256x128xf32>
    %sub3A_3450 = vector.broadcast %get3A_3442 : vector<1x128xf32> to vector<256x128xf32>
    %sub3A_3451 = arith.subf %sub3A_3449, %sub3A_3450 : vector<256x128xf32>
    %mul3A_3452 = arith.mulf %sub3A_3445, %sub3A_3445 : vector<256x128xf32>
    %mul3A_3453 = arith.mulf %sub3A_3448, %sub3A_3448 : vector<256x128xf32>
    %add3A_3454 = arith.addf %mul3A_3452, %mul3A_3453 : vector<256x128xf32>
    %mul3A_3455 = arith.mulf %sub3A_3451, %sub3A_3451 : vector<256x128xf32>
    %add3A_3456 = arith.addf %add3A_3454, %mul3A_3455 : vector<256x128xf32>
    %bitcast_convert_type3A_3457 = tpu.bitcast %add3A_3456 : vector<256x128xf32> -> vector<256x128xi32>
    %and3A_3458 = arith.constant -2048 : i32
    %and3A_3459 = vector.broadcast %and3A_3458 : i32 to vector<256x128xi32>
    %and3A_3460 = arith.andi %bitcast_convert_type3A_3457, %and3A_3459 : vector<256x128xi32>
    %or3A_3461 = arith.ori %and3A_3460, %add3A_49 : vector<256x128xi32>
    %bitcast_convert_type3A_3462 = tpu.bitcast %or3A_3461 : vector<256x128xi32> -> vector<256x128xf32>
    %min3A_3463 = arith.minimumf %min3A_3421, %bitcast_convert_type3A_3462 : vector<256x128xf32>
    %or3A_3464 = arith.ori %and3A_3460, %add3A_81 : vector<256x128xi32>
    %bitcast_convert_type3A_3465 = tpu.bitcast %or3A_3464 : vector<256x128xi32> -> vector<256x128xf32>
    %reshape3A_3466 = vector.shape_cast %bitcast_convert_type3A_3465 : vector<256x128xf32> to vector<16x16x128xf32>
    %reduce_min3A_3467 = arith.constant dense<0x7F800000> : vector<16x128xf32>
    %reduce_min3A_3468 = vector.multi_reduction <minimumf>, %reshape3A_3466, %reduce_min3A_3467 [0] : vector<16x16x128xf32> to vector<16x128xf32>
    %min3A_3469 = arith.minimumf %min3A_2771, %reduce_min3A_3468 : vector<16x128xf32>
    %get3A_3470 = arith.constant 0 : index
    %get3A_3471 = arith.constant 0 : index
    %get3A_3472 = arith.constant 1664 : index
    %get3A_3473 = vector.load %arg2[%get3A_3470, %get3A_3471, %get3A_3472] : memref<1x3x2048xf32, #tpu.memory_space<vmem>>, vector<1x1x128xf32>
    %get3A_3474 = vector.shape_cast %get3A_3473 : vector<1x1x128xf32> to vector<1x128xf32>
    %get3A_3475 = arith.constant 0 : index
    %get3A_3476 = arith.constant 1 : index
    %get3A_3477 = arith.constant 1664 : index
    %get3A_3478 = vector.load %arg2[%get3A_3475, %get3A_3476, %get3A_3477] : memref<1x3x2048xf32, #tpu.memory_space<vmem>>, vector<1x1x128xf32>
    %get3A_3479 = vector.shape_cast %get3A_3478 : vector<1x1x128xf32> to vector<1x128xf32>
    %get3A_3480 = arith.constant 0 : index
    %get3A_3481 = arith.constant 2 : index
    %get3A_3482 = arith.constant 1664 : index
    %get3A_3483 = vector.load %arg2[%get3A_3480, %get3A_3481, %get3A_3482] : memref<1x3x2048xf32, #tpu.memory_space<vmem>>, vector<1x1x128xf32>
    %get3A_3484 = vector.shape_cast %get3A_3483 : vector<1x1x128xf32> to vector<1x128xf32>
    %sub3A_3485 = vector.broadcast %get3A_2911 : vector<256x1xf32> to vector<256x128xf32>
    %sub3A_3486 = vector.broadcast %get3A_3474 : vector<1x128xf32> to vector<256x128xf32>
    %sub3A_3487 = arith.subf %sub3A_3485, %sub3A_3486 : vector<256x128xf32>
    %sub3A_3488 = vector.broadcast %get3A_2916 : vector<256x1xf32> to vector<256x128xf32>
    %sub3A_3489 = vector.broadcast %get3A_3479 : vector<1x128xf32> to vector<256x128xf32>
    %sub3A_3490 = arith.subf %sub3A_3488, %sub3A_3489 : vector<256x128xf32>
    %sub3A_3491 = vector.broadcast %get3A_2921 : vector<256x1xf32> to vector<256x128xf32>
    %sub3A_3492 = vector.broadcast %get3A_3484 : vector<1x128xf32> to vector<256x128xf32>
    %sub3A_3493 = arith.subf %sub3A_3491, %sub3A_3492 : vector<256x128xf32>
    %mul3A_3494 = arith.mulf %sub3A_3487, %sub3A_3487 : vector<256x128xf32>
    %mul3A_3495 = arith.mulf %sub3A_3490, %sub3A_3490 : vector<256x128xf32>
    %add3A_3496 = arith.addf %mul3A_3494, %mul3A_3495 : vector<256x128xf32>
    %mul3A_3497 = arith.mulf %sub3A_3493, %sub3A_3493 : vector<256x128xf32>
    %add3A_3498 = arith.addf %add3A_3496, %mul3A_3497 : vector<256x128xf32>
    %bitcast_convert_type3A_3499 = tpu.bitcast %add3A_3498 : vector<256x128xf32> -> vector<256x128xi32>
    %and3A_3500 = arith.constant -2048 : i32
    %and3A_3501 = vector.broadcast %and3A_3500 : i32 to vector<256x128xi32>
    %and3A_3502 = arith.andi %bitcast_convert_type3A_3499, %and3A_3501 : vector<256x128xi32>
    %or3A_3503 = arith.ori %and3A_3502, %add3A_53 : vector<256x128xi32>
    %bitcast_convert_type3A_3504 = tpu.bitcast %or3A_3503 : vector<256x128xi32> -> vector<256x128xf32>
    %min3A_3505 = arith.minimumf %min3A_3463, %bitcast_convert_type3A_3504 : vector<256x128xf32>
    %or3A_3506 = arith.ori %and3A_3502, %add3A_81 : vector<256x128xi32>
    %bitcast_convert_type3A_3507 = tpu.bitcast %or3A_3506 : vector<256x128xi32> -> vector<256x128xf32>
    %reshape3A_3508 = vector.shape_cast %bitcast_convert_type3A_3507 : vector<256x128xf32> to vector<16x16x128xf32>
    %reduce_min3A_3509 = arith.constant dense<0x7F800000> : vector<16x128xf32>
    %reduce_min3A_3510 = vector.multi_reduction <minimumf>, %reshape3A_3508, %reduce_min3A_3509 [0] : vector<16x16x128xf32> to vector<16x128xf32>
    %min3A_3511 = arith.minimumf %min3A_2813, %reduce_min3A_3510 : vector<16x128xf32>
    %get3A_3512 = arith.constant 0 : index
    %get3A_3513 = arith.constant 0 : index
    %get3A_3514 = arith.constant 1792 : index
    %get3A_3515 = vector.load %arg2[%get3A_3512, %get3A_3513, %get3A_3514] : memref<1x3x2048xf32, #tpu.memory_space<vmem>>, vector<1x1x128xf32>
    %get3A_3516 = vector.shape_cast %get3A_3515 : vector<1x1x128xf32> to vector<1x128xf32>
    %get3A_3517 = arith.constant 0 : index
    %get3A_3518 = arith.constant 1 : index
    %get3A_3519 = arith.constant 1792 : index
    %get3A_3520 = vector.load %arg2[%get3A_3517, %get3A_3518, %get3A_3519] : memref<1x3x2048xf32, #tpu.memory_space<vmem>>, vector<1x1x128xf32>
    %get3A_3521 = vector.shape_cast %get3A_3520 : vector<1x1x128xf32> to vector<1x128xf32>
    %get3A_3522 = arith.constant 0 : index
    %get3A_3523 = arith.constant 2 : index
    %get3A_3524 = arith.constant 1792 : index
    %get3A_3525 = vector.load %arg2[%get3A_3522, %get3A_3523, %get3A_3524] : memref<1x3x2048xf32, #tpu.memory_space<vmem>>, vector<1x1x128xf32>
    %get3A_3526 = vector.shape_cast %get3A_3525 : vector<1x1x128xf32> to vector<1x128xf32>
    %sub3A_3527 = vector.broadcast %get3A_2911 : vector<256x1xf32> to vector<256x128xf32>
    %sub3A_3528 = vector.broadcast %get3A_3516 : vector<1x128xf32> to vector<256x128xf32>
    %sub3A_3529 = arith.subf %sub3A_3527, %sub3A_3528 : vector<256x128xf32>
    %sub3A_3530 = vector.broadcast %get3A_2916 : vector<256x1xf32> to vector<256x128xf32>
    %sub3A_3531 = vector.broadcast %get3A_3521 : vector<1x128xf32> to vector<256x128xf32>
    %sub3A_3532 = arith.subf %sub3A_3530, %sub3A_3531 : vector<256x128xf32>
    %sub3A_3533 = vector.broadcast %get3A_2921 : vector<256x1xf32> to vector<256x128xf32>
    %sub3A_3534 = vector.broadcast %get3A_3526 : vector<1x128xf32> to vector<256x128xf32>
    %sub3A_3535 = arith.subf %sub3A_3533, %sub3A_3534 : vector<256x128xf32>
    %mul3A_3536 = arith.mulf %sub3A_3529, %sub3A_3529 : vector<256x128xf32>
    %mul3A_3537 = arith.mulf %sub3A_3532, %sub3A_3532 : vector<256x128xf32>
    %add3A_3538 = arith.addf %mul3A_3536, %mul3A_3537 : vector<256x128xf32>
    %mul3A_3539 = arith.mulf %sub3A_3535, %sub3A_3535 : vector<256x128xf32>
    %add3A_3540 = arith.addf %add3A_3538, %mul3A_3539 : vector<256x128xf32>
    %bitcast_convert_type3A_3541 = tpu.bitcast %add3A_3540 : vector<256x128xf32> -> vector<256x128xi32>
    %and3A_3542 = arith.constant -2048 : i32
    %and3A_3543 = vector.broadcast %and3A_3542 : i32 to vector<256x128xi32>
    %and3A_3544 = arith.andi %bitcast_convert_type3A_3541, %and3A_3543 : vector<256x128xi32>
    %or3A_3545 = arith.ori %and3A_3544, %add3A_57 : vector<256x128xi32>
    %bitcast_convert_type3A_3546 = tpu.bitcast %or3A_3545 : vector<256x128xi32> -> vector<256x128xf32>
    %min3A_3547 = arith.minimumf %min3A_3505, %bitcast_convert_type3A_3546 : vector<256x128xf32>
    %or3A_3548 = arith.ori %and3A_3544, %add3A_81 : vector<256x128xi32>
    %bitcast_convert_type3A_3549 = tpu.bitcast %or3A_3548 : vector<256x128xi32> -> vector<256x128xf32>
    %reshape3A_3550 = vector.shape_cast %bitcast_convert_type3A_3549 : vector<256x128xf32> to vector<16x16x128xf32>
    %reduce_min3A_3551 = arith.constant dense<0x7F800000> : vector<16x128xf32>
    %reduce_min3A_3552 = vector.multi_reduction <minimumf>, %reshape3A_3550, %reduce_min3A_3551 [0] : vector<16x16x128xf32> to vector<16x128xf32>
    %min3A_3553 = arith.minimumf %min3A_2855, %reduce_min3A_3552 : vector<16x128xf32>
    %get3A_3554 = arith.constant 0 : index
    %get3A_3555 = arith.constant 0 : index
    %get3A_3556 = arith.constant 1920 : index
    %get3A_3557 = vector.load %arg2[%get3A_3554, %get3A_3555, %get3A_3556] : memref<1x3x2048xf32, #tpu.memory_space<vmem>>, vector<1x1x128xf32>
    %get3A_3558 = vector.shape_cast %get3A_3557 : vector<1x1x128xf32> to vector<1x128xf32>
    %get3A_3559 = arith.constant 0 : index
    %get3A_3560 = arith.constant 1 : index
    %get3A_3561 = arith.constant 1920 : index
    %get3A_3562 = vector.load %arg2[%get3A_3559, %get3A_3560, %get3A_3561] : memref<1x3x2048xf32, #tpu.memory_space<vmem>>, vector<1x1x128xf32>
    %get3A_3563 = vector.shape_cast %get3A_3562 : vector<1x1x128xf32> to vector<1x128xf32>
    %get3A_3564 = arith.constant 0 : index
    %get3A_3565 = arith.constant 2 : index
    %get3A_3566 = arith.constant 1920 : index
    %get3A_3567 = vector.load %arg2[%get3A_3564, %get3A_3565, %get3A_3566] : memref<1x3x2048xf32, #tpu.memory_space<vmem>>, vector<1x1x128xf32>
    %get3A_3568 = vector.shape_cast %get3A_3567 : vector<1x1x128xf32> to vector<1x128xf32>
    %sub3A_3569 = vector.broadcast %get3A_2911 : vector<256x1xf32> to vector<256x128xf32>
    %sub3A_3570 = vector.broadcast %get3A_3558 : vector<1x128xf32> to vector<256x128xf32>
    %sub3A_3571 = arith.subf %sub3A_3569, %sub3A_3570 : vector<256x128xf32>
    %sub3A_3572 = vector.broadcast %get3A_2916 : vector<256x1xf32> to vector<256x128xf32>
    %sub3A_3573 = vector.broadcast %get3A_3563 : vector<1x128xf32> to vector<256x128xf32>
    %sub3A_3574 = arith.subf %sub3A_3572, %sub3A_3573 : vector<256x128xf32>
    %sub3A_3575 = vector.broadcast %get3A_2921 : vector<256x1xf32> to vector<256x128xf32>
    %sub3A_3576 = vector.broadcast %get3A_3568 : vector<1x128xf32> to vector<256x128xf32>
    %sub3A_3577 = arith.subf %sub3A_3575, %sub3A_3576 : vector<256x128xf32>
    %mul3A_3578 = arith.mulf %sub3A_3571, %sub3A_3571 : vector<256x128xf32>
    %mul3A_3579 = arith.mulf %sub3A_3574, %sub3A_3574 : vector<256x128xf32>
    %add3A_3580 = arith.addf %mul3A_3578, %mul3A_3579 : vector<256x128xf32>
    %mul3A_3581 = arith.mulf %sub3A_3577, %sub3A_3577 : vector<256x128xf32>
    %add3A_3582 = arith.addf %add3A_3580, %mul3A_3581 : vector<256x128xf32>
    %bitcast_convert_type3A_3583 = tpu.bitcast %add3A_3582 : vector<256x128xf32> -> vector<256x128xi32>
    %and3A_3584 = arith.constant -2048 : i32
    %and3A_3585 = vector.broadcast %and3A_3584 : i32 to vector<256x128xi32>
    %and3A_3586 = arith.andi %bitcast_convert_type3A_3583, %and3A_3585 : vector<256x128xi32>
    %or3A_3587 = arith.ori %and3A_3586, %add3A_61 : vector<256x128xi32>
    %bitcast_convert_type3A_3588 = tpu.bitcast %or3A_3587 : vector<256x128xi32> -> vector<256x128xf32>
    %min3A_3589 = arith.minimumf %min3A_3547, %bitcast_convert_type3A_3588 : vector<256x128xf32>
    %or3A_3590 = arith.ori %and3A_3586, %add3A_81 : vector<256x128xi32>
    %bitcast_convert_type3A_3591 = tpu.bitcast %or3A_3590 : vector<256x128xi32> -> vector<256x128xf32>
    %reshape3A_3592 = vector.shape_cast %bitcast_convert_type3A_3591 : vector<256x128xf32> to vector<16x16x128xf32>
    %reduce_min3A_3593 = arith.constant dense<0x7F800000> : vector<16x128xf32>
    %reduce_min3A_3594 = vector.multi_reduction <minimumf>, %reshape3A_3592, %reduce_min3A_3593 [0] : vector<16x16x128xf32> to vector<16x128xf32>
    %min3A_3595 = arith.minimumf %min3A_2897, %reduce_min3A_3594 : vector<16x128xf32>
    %reduce_min3A_3596 = arith.constant dense<0x7F800000> : vector<256xf32>
    %reduce_min3A_3597 = vector.multi_reduction <minimumf>, %min3A_3589, %reduce_min3A_3596 [1] : vector<256x128xf32> to vector<256xf32>
    %broadcast_in_dim3A_3598 = vector.shape_cast %reduce_min3A_3597 : vector<256xf32> to vector<256x1xf32>
    %swap3A_3599 = arith.constant 0 : index
    %swap3A_3600 = arith.constant 1024 : index
    %swap3A_3601 = arith.constant 0 : index
    %swap3A_3602 = vector.load %arg3[%swap3A_3599, %swap3A_3600, %swap3A_3601] : memref<1x2048x1xf32, #tpu.memory_space<vmem>>, vector<1x256x1xf32>
    %swap3A_3603 = vector.shape_cast %swap3A_3602 : vector<1x256x1xf32> to vector<256x1xf32>
    %swap3A_3604 = vector.shape_cast %broadcast_in_dim3A_3598 : vector<256x1xf32> to vector<1x256x1xf32>
    tpu.vector_store %arg3[%swap3A_3599, %swap3A_3600, %swap3A_3601], %swap3A_3604 {strides = array<i32>} : memref<1x2048x1xf32, #tpu.memory_space<vmem>>, vector<1x256x1xf32>,
    %get3A_3605 = arith.constant 0 : index
    %get3A_3606 = arith.constant 1280 : index
    %get3A_3607 = arith.constant 0 : index
    %get3A_3608 = vector.load %arg1[%get3A_3605, %get3A_3606, %get3A_3607] : memref<1x2048x3xf32, #tpu.memory_space<vmem>>, vector<1x256x1xf32>
    %get3A_3609 = vector.shape_cast %get3A_3608 : vector<1x256x1xf32> to vector<256x1xf32>
    %get3A_3610 = arith.constant 0 : index
    %get3A_3611 = arith.constant 1280 : index
    %get3A_3612 = arith.constant 1 : index
    %get3A_3613 = vector.load %arg1[%get3A_3610, %get3A_3611, %get3A_3612] : memref<1x2048x3xf32, #tpu.memory_space<vmem>>, vector<1x256x1xf32>
    %get3A_3614 = vector.shape_cast %get3A_3613 : vector<1x256x1xf32> to vector<256x1xf32>
    %get3A_3615 = arith.constant 0 : index
    %get3A_3616 = arith.constant 1280 : index
    %get3A_3617 = arith.constant 2 : index
    %get3A_3618 = vector.load %arg1[%get3A_3615, %get3A_3616, %get3A_3617] : memref<1x2048x3xf32, #tpu.memory_space<vmem>>, vector<1x256x1xf32>
    %get3A_3619 = vector.shape_cast %get3A_3618 : vector<1x256x1xf32> to vector<256x1xf32>
    %broadcast_in_dim3A_3620 = arith.constant 3.000000e+38 : f32
    %broadcast_in_dim3A_3621 = vector.broadcast %broadcast_in_dim3A_3620 : f32 to vector<256x128xf32>
    %get3A_3622 = arith.constant 0 : index
    %get3A_3623 = arith.constant 0 : index
    %get3A_3624 = arith.constant 0 : index
    %get3A_3625 = vector.load %arg2[%get3A_3622, %get3A_3623, %get3A_3624] : memref<1x3x2048xf32, #tpu.memory_space<vmem>>, vector<1x1x128xf32>
    %get3A_3626 = vector.shape_cast %get3A_3625 : vector<1x1x128xf32> to vector<1x128xf32>
    %get3A_3627 = arith.constant 0 : index
    %get3A_3628 = arith.constant 1 : index
    %get3A_3629 = arith.constant 0 : index
    %get3A_3630 = vector.load %arg2[%get3A_3627, %get3A_3628, %get3A_3629] : memref<1x3x2048xf32, #tpu.memory_space<vmem>>, vector<1x1x128xf32>
    %get3A_3631 = vector.shape_cast %get3A_3630 : vector<1x1x128xf32> to vector<1x128xf32>
    %get3A_3632 = arith.constant 0 : index
    %get3A_3633 = arith.constant 2 : index
    %get3A_3634 = arith.constant 0 : index
    %get3A_3635 = vector.load %arg2[%get3A_3632, %get3A_3633, %get3A_3634] : memref<1x3x2048xf32, #tpu.memory_space<vmem>>, vector<1x1x128xf32>
    %get3A_3636 = vector.shape_cast %get3A_3635 : vector<1x1x128xf32> to vector<1x128xf32>
    %sub3A_3637 = vector.broadcast %get3A_3609 : vector<256x1xf32> to vector<256x128xf32>
    %sub3A_3638 = vector.broadcast %get3A_3626 : vector<1x128xf32> to vector<256x128xf32>
    %sub3A_3639 = arith.subf %sub3A_3637, %sub3A_3638 : vector<256x128xf32>
    %sub3A_3640 = vector.broadcast %get3A_3614 : vector<256x1xf32> to vector<256x128xf32>
    %sub3A_3641 = vector.broadcast %get3A_3631 : vector<1x128xf32> to vector<256x128xf32>
    %sub3A_3642 = arith.subf %sub3A_3640, %sub3A_3641 : vector<256x128xf32>
    %sub3A_3643 = vector.broadcast %get3A_3619 : vector<256x1xf32> to vector<256x128xf32>
    %sub3A_3644 = vector.broadcast %get3A_3636 : vector<1x128xf32> to vector<256x128xf32>
    %sub3A_3645 = arith.subf %sub3A_3643, %sub3A_3644 : vector<256x128xf32>
    %mul3A_3646 = arith.mulf %sub3A_3639, %sub3A_3639 : vector<256x128xf32>
    %mul3A_3647 = arith.mulf %sub3A_3642, %sub3A_3642 : vector<256x128xf32>
    %add3A_3648 = arith.addf %mul3A_3646, %mul3A_3647 : vector<256x128xf32>
    %mul3A_3649 = arith.mulf %sub3A_3645, %sub3A_3645 : vector<256x128xf32>
    %add3A_3650 = arith.addf %add3A_3648, %mul3A_3649 : vector<256x128xf32>
    %bitcast_convert_type3A_3651 = tpu.bitcast %add3A_3650 : vector<256x128xf32> -> vector<256x128xi32>
    %and3A_3652 = arith.constant -2048 : i32
    %and3A_3653 = vector.broadcast %and3A_3652 : i32 to vector<256x128xi32>
    %and3A_3654 = arith.andi %bitcast_convert_type3A_3651, %and3A_3653 : vector<256x128xi32>
    %or3A_3655 = arith.ori %and3A_3654, %add3A_1 : vector<256x128xi32>
    %bitcast_convert_type3A_3656 = tpu.bitcast %or3A_3655 : vector<256x128xi32> -> vector<256x128xf32>
    %min3A_3657 = arith.minimumf %broadcast_in_dim3A_3621, %bitcast_convert_type3A_3656 : vector<256x128xf32>
    %or3A_3658 = arith.ori %and3A_3654, %add3A_85 : vector<256x128xi32>
    %bitcast_convert_type3A_3659 = tpu.bitcast %or3A_3658 : vector<256x128xi32> -> vector<256x128xf32>
    %reshape3A_3660 = vector.shape_cast %bitcast_convert_type3A_3659 : vector<256x128xf32> to vector<16x16x128xf32>
    %reduce_min3A_3661 = arith.constant dense<0x7F800000> : vector<16x128xf32>
    %reduce_min3A_3662 = vector.multi_reduction <minimumf>, %reshape3A_3660, %reduce_min3A_3661 [0] : vector<16x16x128xf32> to vector<16x128xf32>
    %min3A_3663 = arith.minimumf %min3A_2965, %reduce_min3A_3662 : vector<16x128xf32>
    %get3A_3664 = arith.constant 0 : index
    %get3A_3665 = arith.constant 0 : index
    %get3A_3666 = arith.constant 128 : index
    %get3A_3667 = vector.load %arg2[%get3A_3664, %get3A_3665, %get3A_3666] : memref<1x3x2048xf32, #tpu.memory_space<vmem>>, vector<1x1x128xf32>
    %get3A_3668 = vector.shape_cast %get3A_3667 : vector<1x1x128xf32> to vector<1x128xf32>
    %get3A_3669 = arith.constant 0 : index
    %get3A_3670 = arith.constant 1 : index
    %get3A_3671 = arith.constant 128 : index
    %get3A_3672 = vector.load %arg2[%get3A_3669, %get3A_3670, %get3A_3671] : memref<1x3x2048xf32, #tpu.memory_space<vmem>>, vector<1x1x128xf32>
    %get3A_3673 = vector.shape_cast %get3A_3672 : vector<1x1x128xf32> to vector<1x128xf32>
    %get3A_3674 = arith.constant 0 : index
    %get3A_3675 = arith.constant 2 : index
    %get3A_3676 = arith.constant 128 : index
    %get3A_3677 = vector.load %arg2[%get3A_3674, %get3A_3675, %get3A_3676] : memref<1x3x2048xf32, #tpu.memory_space<vmem>>, vector<1x1x128xf32>
    %get3A_3678 = vector.shape_cast %get3A_3677 : vector<1x1x128xf32> to vector<1x128xf32>
    %sub3A_3679 = vector.broadcast %get3A_3609 : vector<256x1xf32> to vector<256x128xf32>
    %sub3A_3680 = vector.broadcast %get3A_3668 : vector<1x128xf32> to vector<256x128xf32>
    %sub3A_3681 = arith.subf %sub3A_3679, %sub3A_3680 : vector<256x128xf32>
    %sub3A_3682 = vector.broadcast %get3A_3614 : vector<256x1xf32> to vector<256x128xf32>
    %sub3A_3683 = vector.broadcast %get3A_3673 : vector<1x128xf32> to vector<256x128xf32>
    %sub3A_3684 = arith.subf %sub3A_3682, %sub3A_3683 : vector<256x128xf32>
    %sub3A_3685 = vector.broadcast %get3A_3619 : vector<256x1xf32> to vector<256x128xf32>
    %sub3A_3686 = vector.broadcast %get3A_3678 : vector<1x128xf32> to vector<256x128xf32>
    %sub3A_3687 = arith.subf %sub3A_3685, %sub3A_3686 : vector<256x128xf32>
    %mul3A_3688 = arith.mulf %sub3A_3681, %sub3A_3681 : vector<256x128xf32>
    %mul3A_3689 = arith.mulf %sub3A_3684, %sub3A_3684 : vector<256x128xf32>
    %add3A_3690 = arith.addf %mul3A_3688, %mul3A_3689 : vector<256x128xf32>
    %mul3A_3691 = arith.mulf %sub3A_3687, %sub3A_3687 : vector<256x128xf32>
    %add3A_3692 = arith.addf %add3A_3690, %mul3A_3691 : vector<256x128xf32>
    %bitcast_convert_type3A_3693 = tpu.bitcast %add3A_3692 : vector<256x128xf32> -> vector<256x128xi32>
    %and3A_3694 = arith.constant -2048 : i32
    %and3A_3695 = vector.broadcast %and3A_3694 : i32 to vector<256x128xi32>
    %and3A_3696 = arith.andi %bitcast_convert_type3A_3693, %and3A_3695 : vector<256x128xi32>
    %or3A_3697 = arith.ori %and3A_3696, %add3A_5 : vector<256x128xi32>
    %bitcast_convert_type3A_3698 = tpu.bitcast %or3A_3697 : vector<256x128xi32> -> vector<256x128xf32>
    %min3A_3699 = arith.minimumf %min3A_3657, %bitcast_convert_type3A_3698 : vector<256x128xf32>
    %or3A_3700 = arith.ori %and3A_3696, %add3A_85 : vector<256x128xi32>
    %bitcast_convert_type3A_3701 = tpu.bitcast %or3A_3700 : vector<256x128xi32> -> vector<256x128xf32>
    %reshape3A_3702 = vector.shape_cast %bitcast_convert_type3A_3701 : vector<256x128xf32> to vector<16x16x128xf32>
    %reduce_min3A_3703 = arith.constant dense<0x7F800000> : vector<16x128xf32>
    %reduce_min3A_3704 = vector.multi_reduction <minimumf>, %reshape3A_3702, %reduce_min3A_3703 [0] : vector<16x16x128xf32> to vector<16x128xf32>
    %min3A_3705 = arith.minimumf %min3A_3007, %reduce_min3A_3704 : vector<16x128xf32>
    %get3A_3706 = arith.constant 0 : index
    %get3A_3707 = arith.constant 0 : index
    %get3A_3708 = arith.constant 256 : index
    %get3A_3709 = vector.load %arg2[%get3A_3706, %get3A_3707, %get3A_3708] : memref<1x3x2048xf32, #tpu.memory_space<vmem>>, vector<1x1x128xf32>
    %get3A_3710 = vector.shape_cast %get3A_3709 : vector<1x1x128xf32> to vector<1x128xf32>
    %get3A_3711 = arith.constant 0 : index
    %get3A_3712 = arith.constant 1 : index
    %get3A_3713 = arith.constant 256 : index
    %get3A_3714 = vector.load %arg2[%get3A_3711, %get3A_3712, %get3A_3713] : memref<1x3x2048xf32, #tpu.memory_space<vmem>>, vector<1x1x128xf32>
    %get3A_3715 = vector.shape_cast %get3A_3714 : vector<1x1x128xf32> to vector<1x128xf32>
    %get3A_3716 = arith.constant 0 : index
    %get3A_3717 = arith.constant 2 : index
    %get3A_3718 = arith.constant 256 : index
    %get3A_3719 = vector.load %arg2[%get3A_3716, %get3A_3717, %get3A_3718] : memref<1x3x2048xf32, #tpu.memory_space<vmem>>, vector<1x1x128xf32>
    %get3A_3720 = vector.shape_cast %get3A_3719 : vector<1x1x128xf32> to vector<1x128xf32>
    %sub3A_3721 = vector.broadcast %get3A_3609 : vector<256x1xf32> to vector<256x128xf32>
    %sub3A_3722 = vector.broadcast %get3A_3710 : vector<1x128xf32> to vector<256x128xf32>
    %sub3A_3723 = arith.subf %sub3A_3721, %sub3A_3722 : vector<256x128xf32>
    %sub3A_3724 = vector.broadcast %get3A_3614 : vector<256x1xf32> to vector<256x128xf32>
    %sub3A_3725 = vector.broadcast %get3A_3715 : vector<1x128xf32> to vector<256x128xf32>
    %sub3A_3726 = arith.subf %sub3A_3724, %sub3A_3725 : vector<256x128xf32>
    %sub3A_3727 = vector.broadcast %get3A_3619 : vector<256x1xf32> to vector<256x128xf32>
    %sub3A_3728 = vector.broadcast %get3A_3720 : vector<1x128xf32> to vector<256x128xf32>
    %sub3A_3729 = arith.subf %sub3A_3727, %sub3A_3728 : vector<256x128xf32>
    %mul3A_3730 = arith.mulf %sub3A_3723, %sub3A_3723 : vector<256x128xf32>
    %mul3A_3731 = arith.mulf %sub3A_3726, %sub3A_3726 : vector<256x128xf32>
    %add3A_3732 = arith.addf %mul3A_3730, %mul3A_3731 : vector<256x128xf32>
    %mul3A_3733 = arith.mulf %sub3A_3729, %sub3A_3729 : vector<256x128xf32>
    %add3A_3734 = arith.addf %add3A_3732, %mul3A_3733 : vector<256x128xf32>
    %bitcast_convert_type3A_3735 = tpu.bitcast %add3A_3734 : vector<256x128xf32> -> vector<256x128xi32>
    %and3A_3736 = arith.constant -2048 : i32
    %and3A_3737 = vector.broadcast %and3A_3736 : i32 to vector<256x128xi32>
    %and3A_3738 = arith.andi %bitcast_convert_type3A_3735, %and3A_3737 : vector<256x128xi32>
    %or3A_3739 = arith.ori %and3A_3738, %add3A_9 : vector<256x128xi32>
    %bitcast_convert_type3A_3740 = tpu.bitcast %or3A_3739 : vector<256x128xi32> -> vector<256x128xf32>
    %min3A_3741 = arith.minimumf %min3A_3699, %bitcast_convert_type3A_3740 : vector<256x128xf32>
    %or3A_3742 = arith.ori %and3A_3738, %add3A_85 : vector<256x128xi32>
    %bitcast_convert_type3A_3743 = tpu.bitcast %or3A_3742 : vector<256x128xi32> -> vector<256x128xf32>
    %reshape3A_3744 = vector.shape_cast %bitcast_convert_type3A_3743 : vector<256x128xf32> to vector<16x16x128xf32>
    %reduce_min3A_3745 = arith.constant dense<0x7F800000> : vector<16x128xf32>
    %reduce_min3A_3746 = vector.multi_reduction <minimumf>, %reshape3A_3744, %reduce_min3A_3745 [0] : vector<16x16x128xf32> to vector<16x128xf32>
    %min3A_3747 = arith.minimumf %min3A_3049, %reduce_min3A_3746 : vector<16x128xf32>
    %get3A_3748 = arith.constant 0 : index
    %get3A_3749 = arith.constant 0 : index
    %get3A_3750 = arith.constant 384 : index
    %get3A_3751 = vector.load %arg2[%get3A_3748, %get3A_3749, %get3A_3750] : memref<1x3x2048xf32, #tpu.memory_space<vmem>>, vector<1x1x128xf32>
    %get3A_3752 = vector.shape_cast %get3A_3751 : vector<1x1x128xf32> to vector<1x128xf32>
    %get3A_3753 = arith.constant 0 : index
    %get3A_3754 = arith.constant 1 : index
    %get3A_3755 = arith.constant 384 : index
    %get3A_3756 = vector.load %arg2[%get3A_3753, %get3A_3754, %get3A_3755] : memref<1x3x2048xf32, #tpu.memory_space<vmem>>, vector<1x1x128xf32>
    %get3A_3757 = vector.shape_cast %get3A_3756 : vector<1x1x128xf32> to vector<1x128xf32>
    %get3A_3758 = arith.constant 0 : index
    %get3A_3759 = arith.constant 2 : index
    %get3A_3760 = arith.constant 384 : index
    %get3A_3761 = vector.load %arg2[%get3A_3758, %get3A_3759, %get3A_3760] : memref<1x3x2048xf32, #tpu.memory_space<vmem>>, vector<1x1x128xf32>
    %get3A_3762 = vector.shape_cast %get3A_3761 : vector<1x1x128xf32> to vector<1x128xf32>
    %sub3A_3763 = vector.broadcast %get3A_3609 : vector<256x1xf32> to vector<256x128xf32>
    %sub3A_3764 = vector.broadcast %get3A_3752 : vector<1x128xf32> to vector<256x128xf32>
    %sub3A_3765 = arith.subf %sub3A_3763, %sub3A_3764 : vector<256x128xf32>
    %sub3A_3766 = vector.broadcast %get3A_3614 : vector<256x1xf32> to vector<256x128xf32>
    %sub3A_3767 = vector.broadcast %get3A_3757 : vector<1x128xf32> to vector<256x128xf32>
    %sub3A_3768 = arith.subf %sub3A_3766, %sub3A_3767 : vector<256x128xf32>
    %sub3A_3769 = vector.broadcast %get3A_3619 : vector<256x1xf32> to vector<256x128xf32>
    %sub3A_3770 = vector.broadcast %get3A_3762 : vector<1x128xf32> to vector<256x128xf32>
    %sub3A_3771 = arith.subf %sub3A_3769, %sub3A_3770 : vector<256x128xf32>
    %mul3A_3772 = arith.mulf %sub3A_3765, %sub3A_3765 : vector<256x128xf32>
    %mul3A_3773 = arith.mulf %sub3A_3768, %sub3A_3768 : vector<256x128xf32>
    %add3A_3774 = arith.addf %mul3A_3772, %mul3A_3773 : vector<256x128xf32>
    %mul3A_3775 = arith.mulf %sub3A_3771, %sub3A_3771 : vector<256x128xf32>
    %add3A_3776 = arith.addf %add3A_3774, %mul3A_3775 : vector<256x128xf32>
    %bitcast_convert_type3A_3777 = tpu.bitcast %add3A_3776 : vector<256x128xf32> -> vector<256x128xi32>
    %and3A_3778 = arith.constant -2048 : i32
    %and3A_3779 = vector.broadcast %and3A_3778 : i32 to vector<256x128xi32>
    %and3A_3780 = arith.andi %bitcast_convert_type3A_3777, %and3A_3779 : vector<256x128xi32>
    %or3A_3781 = arith.ori %and3A_3780, %add3A_13 : vector<256x128xi32>
    %bitcast_convert_type3A_3782 = tpu.bitcast %or3A_3781 : vector<256x128xi32> -> vector<256x128xf32>
    %min3A_3783 = arith.minimumf %min3A_3741, %bitcast_convert_type3A_3782 : vector<256x128xf32>
    %or3A_3784 = arith.ori %and3A_3780, %add3A_85 : vector<256x128xi32>
    %bitcast_convert_type3A_3785 = tpu.bitcast %or3A_3784 : vector<256x128xi32> -> vector<256x128xf32>
    %reshape3A_3786 = vector.shape_cast %bitcast_convert_type3A_3785 : vector<256x128xf32> to vector<16x16x128xf32>
    %reduce_min3A_3787 = arith.constant dense<0x7F800000> : vector<16x128xf32>
    %reduce_min3A_3788 = vector.multi_reduction <minimumf>, %reshape3A_3786, %reduce_min3A_3787 [0] : vector<16x16x128xf32> to vector<16x128xf32>
    %min3A_3789 = arith.minimumf %min3A_3091, %reduce_min3A_3788 : vector<16x128xf32>
    %get3A_3790 = arith.constant 0 : index
    %get3A_3791 = arith.constant 0 : index
    %get3A_3792 = arith.constant 512 : index
    %get3A_3793 = vector.load %arg2[%get3A_3790, %get3A_3791, %get3A_3792] : memref<1x3x2048xf32, #tpu.memory_space<vmem>>, vector<1x1x128xf32>
    %get3A_3794 = vector.shape_cast %get3A_3793 : vector<1x1x128xf32> to vector<1x128xf32>
    %get3A_3795 = arith.constant 0 : index
    %get3A_3796 = arith.constant 1 : index
    %get3A_3797 = arith.constant 512 : index
    %get3A_3798 = vector.load %arg2[%get3A_3795, %get3A_3796, %get3A_3797] : memref<1x3x2048xf32, #tpu.memory_space<vmem>>, vector<1x1x128xf32>
    %get3A_3799 = vector.shape_cast %get3A_3798 : vector<1x1x128xf32> to vector<1x128xf32>
    %get3A_3800 = arith.constant 0 : index
    %get3A_3801 = arith.constant 2 : index
    %get3A_3802 = arith.constant 512 : index
    %get3A_3803 = vector.load %arg2[%get3A_3800, %get3A_3801, %get3A_3802] : memref<1x3x2048xf32, #tpu.memory_space<vmem>>, vector<1x1x128xf32>
    %get3A_3804 = vector.shape_cast %get3A_3803 : vector<1x1x128xf32> to vector<1x128xf32>
    %sub3A_3805 = vector.broadcast %get3A_3609 : vector<256x1xf32> to vector<256x128xf32>
    %sub3A_3806 = vector.broadcast %get3A_3794 : vector<1x128xf32> to vector<256x128xf32>
    %sub3A_3807 = arith.subf %sub3A_3805, %sub3A_3806 : vector<256x128xf32>
    %sub3A_3808 = vector.broadcast %get3A_3614 : vector<256x1xf32> to vector<256x128xf32>
    %sub3A_3809 = vector.broadcast %get3A_3799 : vector<1x128xf32> to vector<256x128xf32>
    %sub3A_3810 = arith.subf %sub3A_3808, %sub3A_3809 : vector<256x128xf32>
    %sub3A_3811 = vector.broadcast %get3A_3619 : vector<256x1xf32> to vector<256x128xf32>
    %sub3A_3812 = vector.broadcast %get3A_3804 : vector<1x128xf32> to vector<256x128xf32>
    %sub3A_3813 = arith.subf %sub3A_3811, %sub3A_3812 : vector<256x128xf32>
    %mul3A_3814 = arith.mulf %sub3A_3807, %sub3A_3807 : vector<256x128xf32>
    %mul3A_3815 = arith.mulf %sub3A_3810, %sub3A_3810 : vector<256x128xf32>
    %add3A_3816 = arith.addf %mul3A_3814, %mul3A_3815 : vector<256x128xf32>
    %mul3A_3817 = arith.mulf %sub3A_3813, %sub3A_3813 : vector<256x128xf32>
    %add3A_3818 = arith.addf %add3A_3816, %mul3A_3817 : vector<256x128xf32>
    %bitcast_convert_type3A_3819 = tpu.bitcast %add3A_3818 : vector<256x128xf32> -> vector<256x128xi32>
    %and3A_3820 = arith.constant -2048 : i32
    %and3A_3821 = vector.broadcast %and3A_3820 : i32 to vector<256x128xi32>
    %and3A_3822 = arith.andi %bitcast_convert_type3A_3819, %and3A_3821 : vector<256x128xi32>
    %or3A_3823 = arith.ori %and3A_3822, %add3A_17 : vector<256x128xi32>
    %bitcast_convert_type3A_3824 = tpu.bitcast %or3A_3823 : vector<256x128xi32> -> vector<256x128xf32>
    %min3A_3825 = arith.minimumf %min3A_3783, %bitcast_convert_type3A_3824 : vector<256x128xf32>
    %or3A_3826 = arith.ori %and3A_3822, %add3A_85 : vector<256x128xi32>
    %bitcast_convert_type3A_3827 = tpu.bitcast %or3A_3826 : vector<256x128xi32> -> vector<256x128xf32>
    %reshape3A_3828 = vector.shape_cast %bitcast_convert_type3A_3827 : vector<256x128xf32> to vector<16x16x128xf32>
    %reduce_min3A_3829 = arith.constant dense<0x7F800000> : vector<16x128xf32>
    %reduce_min3A_3830 = vector.multi_reduction <minimumf>, %reshape3A_3828, %reduce_min3A_3829 [0] : vector<16x16x128xf32> to vector<16x128xf32>
    %min3A_3831 = arith.minimumf %min3A_3133, %reduce_min3A_3830 : vector<16x128xf32>
    %get3A_3832 = arith.constant 0 : index
    %get3A_3833 = arith.constant 0 : index
    %get3A_3834 = arith.constant 640 : index
    %get3A_3835 = vector.load %arg2[%get3A_3832, %get3A_3833, %get3A_3834] : memref<1x3x2048xf32, #tpu.memory_space<vmem>>, vector<1x1x128xf32>
    %get3A_3836 = vector.shape_cast %get3A_3835 : vector<1x1x128xf32> to vector<1x128xf32>
    %get3A_3837 = arith.constant 0 : index
    %get3A_3838 = arith.constant 1 : index
    %get3A_3839 = arith.constant 640 : index
    %get3A_3840 = vector.load %arg2[%get3A_3837, %get3A_3838, %get3A_3839] : memref<1x3x2048xf32, #tpu.memory_space<vmem>>, vector<1x1x128xf32>
    %get3A_3841 = vector.shape_cast %get3A_3840 : vector<1x1x128xf32> to vector<1x128xf32>
    %get3A_3842 = arith.constant 0 : index
    %get3A_3843 = arith.constant 2 : index
    %get3A_3844 = arith.constant 640 : index
    %get3A_3845 = vector.load %arg2[%get3A_3842, %get3A_3843, %get3A_3844] : memref<1x3x2048xf32, #tpu.memory_space<vmem>>, vector<1x1x128xf32>
    %get3A_3846 = vector.shape_cast %get3A_3845 : vector<1x1x128xf32> to vector<1x128xf32>
    %sub3A_3847 = vector.broadcast %get3A_3609 : vector<256x1xf32> to vector<256x128xf32>
    %sub3A_3848 = vector.broadcast %get3A_3836 : vector<1x128xf32> to vector<256x128xf32>
    %sub3A_3849 = arith.subf %sub3A_3847, %sub3A_3848 : vector<256x128xf32>
    %sub3A_3850 = vector.broadcast %get3A_3614 : vector<256x1xf32> to vector<256x128xf32>
    %sub3A_3851 = vector.broadcast %get3A_3841 : vector<1x128xf32> to vector<256x128xf32>
    %sub3A_3852 = arith.subf %sub3A_3850, %sub3A_3851 : vector<256x128xf32>
    %sub3A_3853 = vector.broadcast %get3A_3619 : vector<256x1xf32> to vector<256x128xf32>
    %sub3A_3854 = vector.broadcast %get3A_3846 : vector<1x128xf32> to vector<256x128xf32>
    %sub3A_3855 = arith.subf %sub3A_3853, %sub3A_3854 : vector<256x128xf32>
    %mul3A_3856 = arith.mulf %sub3A_3849, %sub3A_3849 : vector<256x128xf32>
    %mul3A_3857 = arith.mulf %sub3A_3852, %sub3A_3852 : vector<256x128xf32>
    %add3A_3858 = arith.addf %mul3A_3856, %mul3A_3857 : vector<256x128xf32>
    %mul3A_3859 = arith.mulf %sub3A_3855, %sub3A_3855 : vector<256x128xf32>
    %add3A_3860 = arith.addf %add3A_3858, %mul3A_3859 : vector<256x128xf32>
    %bitcast_convert_type3A_3861 = tpu.bitcast %add3A_3860 : vector<256x128xf32> -> vector<256x128xi32>
    %and3A_3862 = arith.constant -2048 : i32
    %and3A_3863 = vector.broadcast %and3A_3862 : i32 to vector<256x128xi32>
    %and3A_3864 = arith.andi %bitcast_convert_type3A_3861, %and3A_3863 : vector<256x128xi32>
    %or3A_3865 = arith.ori %and3A_3864, %add3A_21 : vector<256x128xi32>
    %bitcast_convert_type3A_3866 = tpu.bitcast %or3A_3865 : vector<256x128xi32> -> vector<256x128xf32>
    %min3A_3867 = arith.minimumf %min3A_3825, %bitcast_convert_type3A_3866 : vector<256x128xf32>
    %or3A_3868 = arith.ori %and3A_3864, %add3A_85 : vector<256x128xi32>
    %bitcast_convert_type3A_3869 = tpu.bitcast %or3A_3868 : vector<256x128xi32> -> vector<256x128xf32>
    %reshape3A_3870 = vector.shape_cast %bitcast_convert_type3A_3869 : vector<256x128xf32> to vector<16x16x128xf32>
    %reduce_min3A_3871 = arith.constant dense<0x7F800000> : vector<16x128xf32>
    %reduce_min3A_3872 = vector.multi_reduction <minimumf>, %reshape3A_3870, %reduce_min3A_3871 [0] : vector<16x16x128xf32> to vector<16x128xf32>
    %min3A_3873 = arith.minimumf %min3A_3175, %reduce_min3A_3872 : vector<16x128xf32>
    %get3A_3874 = arith.constant 0 : index
    %get3A_3875 = arith.constant 0 : index
    %get3A_3876 = arith.constant 768 : index
    %get3A_3877 = vector.load %arg2[%get3A_3874, %get3A_3875, %get3A_3876] : memref<1x3x2048xf32, #tpu.memory_space<vmem>>, vector<1x1x128xf32>
    %get3A_3878 = vector.shape_cast %get3A_3877 : vector<1x1x128xf32> to vector<1x128xf32>
    %get3A_3879 = arith.constant 0 : index
    %get3A_3880 = arith.constant 1 : index
    %get3A_3881 = arith.constant 768 : index
    %get3A_3882 = vector.load %arg2[%get3A_3879, %get3A_3880, %get3A_3881] : memref<1x3x2048xf32, #tpu.memory_space<vmem>>, vector<1x1x128xf32>
    %get3A_3883 = vector.shape_cast %get3A_3882 : vector<1x1x128xf32> to vector<1x128xf32>
    %get3A_3884 = arith.constant 0 : index
    %get3A_3885 = arith.constant 2 : index
    %get3A_3886 = arith.constant 768 : index
    %get3A_3887 = vector.load %arg2[%get3A_3884, %get3A_3885, %get3A_3886] : memref<1x3x2048xf32, #tpu.memory_space<vmem>>, vector<1x1x128xf32>
    %get3A_3888 = vector.shape_cast %get3A_3887 : vector<1x1x128xf32> to vector<1x128xf32>
    %sub3A_3889 = vector.broadcast %get3A_3609 : vector<256x1xf32> to vector<256x128xf32>
    %sub3A_3890 = vector.broadcast %get3A_3878 : vector<1x128xf32> to vector<256x128xf32>
    %sub3A_3891 = arith.subf %sub3A_3889, %sub3A_3890 : vector<256x128xf32>
    %sub3A_3892 = vector.broadcast %get3A_3614 : vector<256x1xf32> to vector<256x128xf32>
    %sub3A_3893 = vector.broadcast %get3A_3883 : vector<1x128xf32> to vector<256x128xf32>
    %sub3A_3894 = arith.subf %sub3A_3892, %sub3A_3893 : vector<256x128xf32>
    %sub3A_3895 = vector.broadcast %get3A_3619 : vector<256x1xf32> to vector<256x128xf32>
    %sub3A_3896 = vector.broadcast %get3A_3888 : vector<1x128xf32> to vector<256x128xf32>
    %sub3A_3897 = arith.subf %sub3A_3895, %sub3A_3896 : vector<256x128xf32>
    %mul3A_3898 = arith.mulf %sub3A_3891, %sub3A_3891 : vector<256x128xf32>
    %mul3A_3899 = arith.mulf %sub3A_3894, %sub3A_3894 : vector<256x128xf32>
    %add3A_3900 = arith.addf %mul3A_3898, %mul3A_3899 : vector<256x128xf32>
    %mul3A_3901 = arith.mulf %sub3A_3897, %sub3A_3897 : vector<256x128xf32>
    %add3A_3902 = arith.addf %add3A_3900, %mul3A_3901 : vector<256x128xf32>
    %bitcast_convert_type3A_3903 = tpu.bitcast %add3A_3902 : vector<256x128xf32> -> vector<256x128xi32>
    %and3A_3904 = arith.constant -2048 : i32
    %and3A_3905 = vector.broadcast %and3A_3904 : i32 to vector<256x128xi32>
    %and3A_3906 = arith.andi %bitcast_convert_type3A_3903, %and3A_3905 : vector<256x128xi32>
    %or3A_3907 = arith.ori %and3A_3906, %add3A_25 : vector<256x128xi32>
    %bitcast_convert_type3A_3908 = tpu.bitcast %or3A_3907 : vector<256x128xi32> -> vector<256x128xf32>
    %min3A_3909 = arith.minimumf %min3A_3867, %bitcast_convert_type3A_3908 : vector<256x128xf32>
    %or3A_3910 = arith.ori %and3A_3906, %add3A_85 : vector<256x128xi32>
    %bitcast_convert_type3A_3911 = tpu.bitcast %or3A_3910 : vector<256x128xi32> -> vector<256x128xf32>
    %reshape3A_3912 = vector.shape_cast %bitcast_convert_type3A_3911 : vector<256x128xf32> to vector<16x16x128xf32>
    %reduce_min3A_3913 = arith.constant dense<0x7F800000> : vector<16x128xf32>
    %reduce_min3A_3914 = vector.multi_reduction <minimumf>, %reshape3A_3912, %reduce_min3A_3913 [0] : vector<16x16x128xf32> to vector<16x128xf32>
    %min3A_3915 = arith.minimumf %min3A_3217, %reduce_min3A_3914 : vector<16x128xf32>
    %get3A_3916 = arith.constant 0 : index
    %get3A_3917 = arith.constant 0 : index
    %get3A_3918 = arith.constant 896 : index
    %get3A_3919 = vector.load %arg2[%get3A_3916, %get3A_3917, %get3A_3918] : memref<1x3x2048xf32, #tpu.memory_space<vmem>>, vector<1x1x128xf32>
    %get3A_3920 = vector.shape_cast %get3A_3919 : vector<1x1x128xf32> to vector<1x128xf32>
    %get3A_3921 = arith.constant 0 : index
    %get3A_3922 = arith.constant 1 : index
    %get3A_3923 = arith.constant 896 : index
    %get3A_3924 = vector.load %arg2[%get3A_3921, %get3A_3922, %get3A_3923] : memref<1x3x2048xf32, #tpu.memory_space<vmem>>, vector<1x1x128xf32>
    %get3A_3925 = vector.shape_cast %get3A_3924 : vector<1x1x128xf32> to vector<1x128xf32>
    %get3A_3926 = arith.constant 0 : index
    %get3A_3927 = arith.constant 2 : index
    %get3A_3928 = arith.constant 896 : index
    %get3A_3929 = vector.load %arg2[%get3A_3926, %get3A_3927, %get3A_3928] : memref<1x3x2048xf32, #tpu.memory_space<vmem>>, vector<1x1x128xf32>
    %get3A_3930 = vector.shape_cast %get3A_3929 : vector<1x1x128xf32> to vector<1x128xf32>
    %sub3A_3931 = vector.broadcast %get3A_3609 : vector<256x1xf32> to vector<256x128xf32>
    %sub3A_3932 = vector.broadcast %get3A_3920 : vector<1x128xf32> to vector<256x128xf32>
    %sub3A_3933 = arith.subf %sub3A_3931, %sub3A_3932 : vector<256x128xf32>
    %sub3A_3934 = vector.broadcast %get3A_3614 : vector<256x1xf32> to vector<256x128xf32>
    %sub3A_3935 = vector.broadcast %get3A_3925 : vector<1x128xf32> to vector<256x128xf32>
    %sub3A_3936 = arith.subf %sub3A_3934, %sub3A_3935 : vector<256x128xf32>
    %sub3A_3937 = vector.broadcast %get3A_3619 : vector<256x1xf32> to vector<256x128xf32>
    %sub3A_3938 = vector.broadcast %get3A_3930 : vector<1x128xf32> to vector<256x128xf32>
    %sub3A_3939 = arith.subf %sub3A_3937, %sub3A_3938 : vector<256x128xf32>
    %mul3A_3940 = arith.mulf %sub3A_3933, %sub3A_3933 : vector<256x128xf32>
    %mul3A_3941 = arith.mulf %sub3A_3936, %sub3A_3936 : vector<256x128xf32>
    %add3A_3942 = arith.addf %mul3A_3940, %mul3A_3941 : vector<256x128xf32>
    %mul3A_3943 = arith.mulf %sub3A_3939, %sub3A_3939 : vector<256x128xf32>
    %add3A_3944 = arith.addf %add3A_3942, %mul3A_3943 : vector<256x128xf32>
    %bitcast_convert_type3A_3945 = tpu.bitcast %add3A_3944 : vector<256x128xf32> -> vector<256x128xi32>
    %and3A_3946 = arith.constant -2048 : i32
    %and3A_3947 = vector.broadcast %and3A_3946 : i32 to vector<256x128xi32>
    %and3A_3948 = arith.andi %bitcast_convert_type3A_3945, %and3A_3947 : vector<256x128xi32>
    %or3A_3949 = arith.ori %and3A_3948, %add3A_29 : vector<256x128xi32>
    %bitcast_convert_type3A_3950 = tpu.bitcast %or3A_3949 : vector<256x128xi32> -> vector<256x128xf32>
    %min3A_3951 = arith.minimumf %min3A_3909, %bitcast_convert_type3A_3950 : vector<256x128xf32>
    %or3A_3952 = arith.ori %and3A_3948, %add3A_85 : vector<256x128xi32>
    %bitcast_convert_type3A_3953 = tpu.bitcast %or3A_3952 : vector<256x128xi32> -> vector<256x128xf32>
    %reshape3A_3954 = vector.shape_cast %bitcast_convert_type3A_3953 : vector<256x128xf32> to vector<16x16x128xf32>
    %reduce_min3A_3955 = arith.constant dense<0x7F800000> : vector<16x128xf32>
    %reduce_min3A_3956 = vector.multi_reduction <minimumf>, %reshape3A_3954, %reduce_min3A_3955 [0] : vector<16x16x128xf32> to vector<16x128xf32>
    %min3A_3957 = arith.minimumf %min3A_3259, %reduce_min3A_3956 : vector<16x128xf32>
    %get3A_3958 = arith.constant 0 : index
    %get3A_3959 = arith.constant 0 : index
    %get3A_3960 = arith.constant 1024 : index
    %get3A_3961 = vector.load %arg2[%get3A_3958, %get3A_3959, %get3A_3960] : memref<1x3x2048xf32, #tpu.memory_space<vmem>>, vector<1x1x128xf32>
    %get3A_3962 = vector.shape_cast %get3A_3961 : vector<1x1x128xf32> to vector<1x128xf32>
    %get3A_3963 = arith.constant 0 : index
    %get3A_3964 = arith.constant 1 : index
    %get3A_3965 = arith.constant 1024 : index
    %get3A_3966 = vector.load %arg2[%get3A_3963, %get3A_3964, %get3A_3965] : memref<1x3x2048xf32, #tpu.memory_space<vmem>>, vector<1x1x128xf32>
    %get3A_3967 = vector.shape_cast %get3A_3966 : vector<1x1x128xf32> to vector<1x128xf32>
    %get3A_3968 = arith.constant 0 : index
    %get3A_3969 = arith.constant 2 : index
    %get3A_3970 = arith.constant 1024 : index
    %get3A_3971 = vector.load %arg2[%get3A_3968, %get3A_3969, %get3A_3970] : memref<1x3x2048xf32, #tpu.memory_space<vmem>>, vector<1x1x128xf32>
    %get3A_3972 = vector.shape_cast %get3A_3971 : vector<1x1x128xf32> to vector<1x128xf32>
    %sub3A_3973 = vector.broadcast %get3A_3609 : vector<256x1xf32> to vector<256x128xf32>
    %sub3A_3974 = vector.broadcast %get3A_3962 : vector<1x128xf32> to vector<256x128xf32>
    %sub3A_3975 = arith.subf %sub3A_3973, %sub3A_3974 : vector<256x128xf32>
    %sub3A_3976 = vector.broadcast %get3A_3614 : vector<256x1xf32> to vector<256x128xf32>
    %sub3A_3977 = vector.broadcast %get3A_3967 : vector<1x128xf32> to vector<256x128xf32>
    %sub3A_3978 = arith.subf %sub3A_3976, %sub3A_3977 : vector<256x128xf32>
    %sub3A_3979 = vector.broadcast %get3A_3619 : vector<256x1xf32> to vector<256x128xf32>
    %sub3A_3980 = vector.broadcast %get3A_3972 : vector<1x128xf32> to vector<256x128xf32>
    %sub3A_3981 = arith.subf %sub3A_3979, %sub3A_3980 : vector<256x128xf32>
    %mul3A_3982 = arith.mulf %sub3A_3975, %sub3A_3975 : vector<256x128xf32>
    %mul3A_3983 = arith.mulf %sub3A_3978, %sub3A_3978 : vector<256x128xf32>
    %add3A_3984 = arith.addf %mul3A_3982, %mul3A_3983 : vector<256x128xf32>
    %mul3A_3985 = arith.mulf %sub3A_3981, %sub3A_3981 : vector<256x128xf32>
    %add3A_3986 = arith.addf %add3A_3984, %mul3A_3985 : vector<256x128xf32>
    %bitcast_convert_type3A_3987 = tpu.bitcast %add3A_3986 : vector<256x128xf32> -> vector<256x128xi32>
    %and3A_3988 = arith.constant -2048 : i32
    %and3A_3989 = vector.broadcast %and3A_3988 : i32 to vector<256x128xi32>
    %and3A_3990 = arith.andi %bitcast_convert_type3A_3987, %and3A_3989 : vector<256x128xi32>
    %or3A_3991 = arith.ori %and3A_3990, %add3A_33 : vector<256x128xi32>
    %bitcast_convert_type3A_3992 = tpu.bitcast %or3A_3991 : vector<256x128xi32> -> vector<256x128xf32>
    %min3A_3993 = arith.minimumf %min3A_3951, %bitcast_convert_type3A_3992 : vector<256x128xf32>
    %or3A_3994 = arith.ori %and3A_3990, %add3A_85 : vector<256x128xi32>
    %bitcast_convert_type3A_3995 = tpu.bitcast %or3A_3994 : vector<256x128xi32> -> vector<256x128xf32>
    %reshape3A_3996 = vector.shape_cast %bitcast_convert_type3A_3995 : vector<256x128xf32> to vector<16x16x128xf32>
    %reduce_min3A_3997 = arith.constant dense<0x7F800000> : vector<16x128xf32>
    %reduce_min3A_3998 = vector.multi_reduction <minimumf>, %reshape3A_3996, %reduce_min3A_3997 [0] : vector<16x16x128xf32> to vector<16x128xf32>
    %min3A_3999 = arith.minimumf %min3A_3301, %reduce_min3A_3998 : vector<16x128xf32>
    %get3A_4000 = arith.constant 0 : index
    %get3A_4001 = arith.constant 0 : index
    %get3A_4002 = arith.constant 1152 : index
    %get3A_4003 = vector.load %arg2[%get3A_4000, %get3A_4001, %get3A_4002] : memref<1x3x2048xf32, #tpu.memory_space<vmem>>, vector<1x1x128xf32>
    %get3A_4004 = vector.shape_cast %get3A_4003 : vector<1x1x128xf32> to vector<1x128xf32>
    %get3A_4005 = arith.constant 0 : index
    %get3A_4006 = arith.constant 1 : index
    %get3A_4007 = arith.constant 1152 : index
    %get3A_4008 = vector.load %arg2[%get3A_4005, %get3A_4006, %get3A_4007] : memref<1x3x2048xf32, #tpu.memory_space<vmem>>, vector<1x1x128xf32>
    %get3A_4009 = vector.shape_cast %get3A_4008 : vector<1x1x128xf32> to vector<1x128xf32>
    %get3A_4010 = arith.constant 0 : index
    %get3A_4011 = arith.constant 2 : index
    %get3A_4012 = arith.constant 1152 : index
    %get3A_4013 = vector.load %arg2[%get3A_4010, %get3A_4011, %get3A_4012] : memref<1x3x2048xf32, #tpu.memory_space<vmem>>, vector<1x1x128xf32>
    %get3A_4014 = vector.shape_cast %get3A_4013 : vector<1x1x128xf32> to vector<1x128xf32>
    %sub3A_4015 = vector.broadcast %get3A_3609 : vector<256x1xf32> to vector<256x128xf32>
    %sub3A_4016 = vector.broadcast %get3A_4004 : vector<1x128xf32> to vector<256x128xf32>
    %sub3A_4017 = arith.subf %sub3A_4015, %sub3A_4016 : vector<256x128xf32>
    %sub3A_4018 = vector.broadcast %get3A_3614 : vector<256x1xf32> to vector<256x128xf32>
    %sub3A_4019 = vector.broadcast %get3A_4009 : vector<1x128xf32> to vector<256x128xf32>
    %sub3A_4020 = arith.subf %sub3A_4018, %sub3A_4019 : vector<256x128xf32>
    %sub3A_4021 = vector.broadcast %get3A_3619 : vector<256x1xf32> to vector<256x128xf32>
    %sub3A_4022 = vector.broadcast %get3A_4014 : vector<1x128xf32> to vector<256x128xf32>
    %sub3A_4023 = arith.subf %sub3A_4021, %sub3A_4022 : vector<256x128xf32>
    %mul3A_4024 = arith.mulf %sub3A_4017, %sub3A_4017 : vector<256x128xf32>
    %mul3A_4025 = arith.mulf %sub3A_4020, %sub3A_4020 : vector<256x128xf32>
    %add3A_4026 = arith.addf %mul3A_4024, %mul3A_4025 : vector<256x128xf32>
    %mul3A_4027 = arith.mulf %sub3A_4023, %sub3A_4023 : vector<256x128xf32>
    %add3A_4028 = arith.addf %add3A_4026, %mul3A_4027 : vector<256x128xf32>
    %bitcast_convert_type3A_4029 = tpu.bitcast %add3A_4028 : vector<256x128xf32> -> vector<256x128xi32>
    %and3A_4030 = arith.constant -2048 : i32
    %and3A_4031 = vector.broadcast %and3A_4030 : i32 to vector<256x128xi32>
    %and3A_4032 = arith.andi %bitcast_convert_type3A_4029, %and3A_4031 : vector<256x128xi32>
    %or3A_4033 = arith.ori %and3A_4032, %add3A_37 : vector<256x128xi32>
    %bitcast_convert_type3A_4034 = tpu.bitcast %or3A_4033 : vector<256x128xi32> -> vector<256x128xf32>
    %min3A_4035 = arith.minimumf %min3A_3993, %bitcast_convert_type3A_4034 : vector<256x128xf32>
    %or3A_4036 = arith.ori %and3A_4032, %add3A_85 : vector<256x128xi32>
    %bitcast_convert_type3A_4037 = tpu.bitcast %or3A_4036 : vector<256x128xi32> -> vector<256x128xf32>
    %reshape3A_4038 = vector.shape_cast %bitcast_convert_type3A_4037 : vector<256x128xf32> to vector<16x16x128xf32>
    %reduce_min3A_4039 = arith.constant dense<0x7F800000> : vector<16x128xf32>
    %reduce_min3A_4040 = vector.multi_reduction <minimumf>, %reshape3A_4038, %reduce_min3A_4039 [0] : vector<16x16x128xf32> to vector<16x128xf32>
    %min3A_4041 = arith.minimumf %min3A_3343, %reduce_min3A_4040 : vector<16x128xf32>
    %get3A_4042 = arith.constant 0 : index
    %get3A_4043 = arith.constant 0 : index
    %get3A_4044 = arith.constant 1280 : index
    %get3A_4045 = vector.load %arg2[%get3A_4042, %get3A_4043, %get3A_4044] : memref<1x3x2048xf32, #tpu.memory_space<vmem>>, vector<1x1x128xf32>
    %get3A_4046 = vector.shape_cast %get3A_4045 : vector<1x1x128xf32> to vector<1x128xf32>
    %get3A_4047 = arith.constant 0 : index
    %get3A_4048 = arith.constant 1 : index
    %get3A_4049 = arith.constant 1280 : index
    %get3A_4050 = vector.load %arg2[%get3A_4047, %get3A_4048, %get3A_4049] : memref<1x3x2048xf32, #tpu.memory_space<vmem>>, vector<1x1x128xf32>
    %get3A_4051 = vector.shape_cast %get3A_4050 : vector<1x1x128xf32> to vector<1x128xf32>
    %get3A_4052 = arith.constant 0 : index
    %get3A_4053 = arith.constant 2 : index
    %get3A_4054 = arith.constant 1280 : index
    %get3A_4055 = vector.load %arg2[%get3A_4052, %get3A_4053, %get3A_4054] : memref<1x3x2048xf32, #tpu.memory_space<vmem>>, vector<1x1x128xf32>
    %get3A_4056 = vector.shape_cast %get3A_4055 : vector<1x1x128xf32> to vector<1x128xf32>
    %sub3A_4057 = vector.broadcast %get3A_3609 : vector<256x1xf32> to vector<256x128xf32>
    %sub3A_4058 = vector.broadcast %get3A_4046 : vector<1x128xf32> to vector<256x128xf32>
    %sub3A_4059 = arith.subf %sub3A_4057, %sub3A_4058 : vector<256x128xf32>
    %sub3A_4060 = vector.broadcast %get3A_3614 : vector<256x1xf32> to vector<256x128xf32>
    %sub3A_4061 = vector.broadcast %get3A_4051 : vector<1x128xf32> to vector<256x128xf32>
    %sub3A_4062 = arith.subf %sub3A_4060, %sub3A_4061 : vector<256x128xf32>
    %sub3A_4063 = vector.broadcast %get3A_3619 : vector<256x1xf32> to vector<256x128xf32>
    %sub3A_4064 = vector.broadcast %get3A_4056 : vector<1x128xf32> to vector<256x128xf32>
    %sub3A_4065 = arith.subf %sub3A_4063, %sub3A_4064 : vector<256x128xf32>
    %mul3A_4066 = arith.mulf %sub3A_4059, %sub3A_4059 : vector<256x128xf32>
    %mul3A_4067 = arith.mulf %sub3A_4062, %sub3A_4062 : vector<256x128xf32>
    %add3A_4068 = arith.addf %mul3A_4066, %mul3A_4067 : vector<256x128xf32>
    %mul3A_4069 = arith.mulf %sub3A_4065, %sub3A_4065 : vector<256x128xf32>
    %add3A_4070 = arith.addf %add3A_4068, %mul3A_4069 : vector<256x128xf32>
    %bitcast_convert_type3A_4071 = tpu.bitcast %add3A_4070 : vector<256x128xf32> -> vector<256x128xi32>
    %and3A_4072 = arith.constant -2048 : i32
    %and3A_4073 = vector.broadcast %and3A_4072 : i32 to vector<256x128xi32>
    %and3A_4074 = arith.andi %bitcast_convert_type3A_4071, %and3A_4073 : vector<256x128xi32>
    %or3A_4075 = arith.ori %and3A_4074, %add3A_41 : vector<256x128xi32>
    %bitcast_convert_type3A_4076 = tpu.bitcast %or3A_4075 : vector<256x128xi32> -> vector<256x128xf32>
    %min3A_4077 = arith.minimumf %min3A_4035, %bitcast_convert_type3A_4076 : vector<256x128xf32>
    %or3A_4078 = arith.ori %and3A_4074, %add3A_85 : vector<256x128xi32>
    %bitcast_convert_type3A_4079 = tpu.bitcast %or3A_4078 : vector<256x128xi32> -> vector<256x128xf32>
    %reshape3A_4080 = vector.shape_cast %bitcast_convert_type3A_4079 : vector<256x128xf32> to vector<16x16x128xf32>
    %reduce_min3A_4081 = arith.constant dense<0x7F800000> : vector<16x128xf32>
    %reduce_min3A_4082 = vector.multi_reduction <minimumf>, %reshape3A_4080, %reduce_min3A_4081 [0] : vector<16x16x128xf32> to vector<16x128xf32>
    %min3A_4083 = arith.minimumf %min3A_3385, %reduce_min3A_4082 : vector<16x128xf32>
    %get3A_4084 = arith.constant 0 : index
    %get3A_4085 = arith.constant 0 : index
    %get3A_4086 = arith.constant 1408 : index
    %get3A_4087 = vector.load %arg2[%get3A_4084, %get3A_4085, %get3A_4086] : memref<1x3x2048xf32, #tpu.memory_space<vmem>>, vector<1x1x128xf32>
    %get3A_4088 = vector.shape_cast %get3A_4087 : vector<1x1x128xf32> to vector<1x128xf32>
    %get3A_4089 = arith.constant 0 : index
    %get3A_4090 = arith.constant 1 : index
    %get3A_4091 = arith.constant 1408 : index
    %get3A_4092 = vector.load %arg2[%get3A_4089, %get3A_4090, %get3A_4091] : memref<1x3x2048xf32, #tpu.memory_space<vmem>>, vector<1x1x128xf32>
    %get3A_4093 = vector.shape_cast %get3A_4092 : vector<1x1x128xf32> to vector<1x128xf32>
    %get3A_4094 = arith.constant 0 : index
    %get3A_4095 = arith.constant 2 : index
    %get3A_4096 = arith.constant 1408 : index
    %get3A_4097 = vector.load %arg2[%get3A_4094, %get3A_4095, %get3A_4096] : memref<1x3x2048xf32, #tpu.memory_space<vmem>>, vector<1x1x128xf32>
    %get3A_4098 = vector.shape_cast %get3A_4097 : vector<1x1x128xf32> to vector<1x128xf32>
    %sub3A_4099 = vector.broadcast %get3A_3609 : vector<256x1xf32> to vector<256x128xf32>
    %sub3A_4100 = vector.broadcast %get3A_4088 : vector<1x128xf32> to vector<256x128xf32>
    %sub3A_4101 = arith.subf %sub3A_4099, %sub3A_4100 : vector<256x128xf32>
    %sub3A_4102 = vector.broadcast %get3A_3614 : vector<256x1xf32> to vector<256x128xf32>
    %sub3A_4103 = vector.broadcast %get3A_4093 : vector<1x128xf32> to vector<256x128xf32>
    %sub3A_4104 = arith.subf %sub3A_4102, %sub3A_4103 : vector<256x128xf32>
    %sub3A_4105 = vector.broadcast %get3A_3619 : vector<256x1xf32> to vector<256x128xf32>
    %sub3A_4106 = vector.broadcast %get3A_4098 : vector<1x128xf32> to vector<256x128xf32>
    %sub3A_4107 = arith.subf %sub3A_4105, %sub3A_4106 : vector<256x128xf32>
    %mul3A_4108 = arith.mulf %sub3A_4101, %sub3A_4101 : vector<256x128xf32>
    %mul3A_4109 = arith.mulf %sub3A_4104, %sub3A_4104 : vector<256x128xf32>
    %add3A_4110 = arith.addf %mul3A_4108, %mul3A_4109 : vector<256x128xf32>
    %mul3A_4111 = arith.mulf %sub3A_4107, %sub3A_4107 : vector<256x128xf32>
    %add3A_4112 = arith.addf %add3A_4110, %mul3A_4111 : vector<256x128xf32>
    %bitcast_convert_type3A_4113 = tpu.bitcast %add3A_4112 : vector<256x128xf32> -> vector<256x128xi32>
    %and3A_4114 = arith.constant -2048 : i32
    %and3A_4115 = vector.broadcast %and3A_4114 : i32 to vector<256x128xi32>
    %and3A_4116 = arith.andi %bitcast_convert_type3A_4113, %and3A_4115 : vector<256x128xi32>
    %or3A_4117 = arith.ori %and3A_4116, %add3A_45 : vector<256x128xi32>
    %bitcast_convert_type3A_4118 = tpu.bitcast %or3A_4117 : vector<256x128xi32> -> vector<256x128xf32>
    %min3A_4119 = arith.minimumf %min3A_4077, %bitcast_convert_type3A_4118 : vector<256x128xf32>
    %or3A_4120 = arith.ori %and3A_4116, %add3A_85 : vector<256x128xi32>
    %bitcast_convert_type3A_4121 = tpu.bitcast %or3A_4120 : vector<256x128xi32> -> vector<256x128xf32>
    %reshape3A_4122 = vector.shape_cast %bitcast_convert_type3A_4121 : vector<256x128xf32> to vector<16x16x128xf32>
    %reduce_min3A_4123 = arith.constant dense<0x7F800000> : vector<16x128xf32>
    %reduce_min3A_4124 = vector.multi_reduction <minimumf>, %reshape3A_4122, %reduce_min3A_4123 [0] : vector<16x16x128xf32> to vector<16x128xf32>
    %min3A_4125 = arith.minimumf %min3A_3427, %reduce_min3A_4124 : vector<16x128xf32>
    %get3A_4126 = arith.constant 0 : index
    %get3A_4127 = arith.constant 0 : index
    %get3A_4128 = arith.constant 1536 : index
    %get3A_4129 = vector.load %arg2[%get3A_4126, %get3A_4127, %get3A_4128] : memref<1x3x2048xf32, #tpu.memory_space<vmem>>, vector<1x1x128xf32>
    %get3A_4130 = vector.shape_cast %get3A_4129 : vector<1x1x128xf32> to vector<1x128xf32>
    %get3A_4131 = arith.constant 0 : index
    %get3A_4132 = arith.constant 1 : index
    %get3A_4133 = arith.constant 1536 : index
    %get3A_4134 = vector.load %arg2[%get3A_4131, %get3A_4132, %get3A_4133] : memref<1x3x2048xf32, #tpu.memory_space<vmem>>, vector<1x1x128xf32>
    %get3A_4135 = vector.shape_cast %get3A_4134 : vector<1x1x128xf32> to vector<1x128xf32>
    %get3A_4136 = arith.constant 0 : index
    %get3A_4137 = arith.constant 2 : index
    %get3A_4138 = arith.constant 1536 : index
    %get3A_4139 = vector.load %arg2[%get3A_4136, %get3A_4137, %get3A_4138] : memref<1x3x2048xf32, #tpu.memory_space<vmem>>, vector<1x1x128xf32>
    %get3A_4140 = vector.shape_cast %get3A_4139 : vector<1x1x128xf32> to vector<1x128xf32>
    %sub3A_4141 = vector.broadcast %get3A_3609 : vector<256x1xf32> to vector<256x128xf32>
    %sub3A_4142 = vector.broadcast %get3A_4130 : vector<1x128xf32> to vector<256x128xf32>
    %sub3A_4143 = arith.subf %sub3A_4141, %sub3A_4142 : vector<256x128xf32>
    %sub3A_4144 = vector.broadcast %get3A_3614 : vector<256x1xf32> to vector<256x128xf32>
    %sub3A_4145 = vector.broadcast %get3A_4135 : vector<1x128xf32> to vector<256x128xf32>
    %sub3A_4146 = arith.subf %sub3A_4144, %sub3A_4145 : vector<256x128xf32>
    %sub3A_4147 = vector.broadcast %get3A_3619 : vector<256x1xf32> to vector<256x128xf32>
    %sub3A_4148 = vector.broadcast %get3A_4140 : vector<1x128xf32> to vector<256x128xf32>
    %sub3A_4149 = arith.subf %sub3A_4147, %sub3A_4148 : vector<256x128xf32>
    %mul3A_4150 = arith.mulf %sub3A_4143, %sub3A_4143 : vector<256x128xf32>
    %mul3A_4151 = arith.mulf %sub3A_4146, %sub3A_4146 : vector<256x128xf32>
    %add3A_4152 = arith.addf %mul3A_4150, %mul3A_4151 : vector<256x128xf32>
    %mul3A_4153 = arith.mulf %sub3A_4149, %sub3A_4149 : vector<256x128xf32>
    %add3A_4154 = arith.addf %add3A_4152, %mul3A_4153 : vector<256x128xf32>
    %bitcast_convert_type3A_4155 = tpu.bitcast %add3A_4154 : vector<256x128xf32> -> vector<256x128xi32>
    %and3A_4156 = arith.constant -2048 : i32
    %and3A_4157 = vector.broadcast %and3A_4156 : i32 to vector<256x128xi32>
    %and3A_4158 = arith.andi %bitcast_convert_type3A_4155, %and3A_4157 : vector<256x128xi32>
    %or3A_4159 = arith.ori %and3A_4158, %add3A_49 : vector<256x128xi32>
    %bitcast_convert_type3A_4160 = tpu.bitcast %or3A_4159 : vector<256x128xi32> -> vector<256x128xf32>
    %min3A_4161 = arith.minimumf %min3A_4119, %bitcast_convert_type3A_4160 : vector<256x128xf32>
    %or3A_4162 = arith.ori %and3A_4158, %add3A_85 : vector<256x128xi32>
    %bitcast_convert_type3A_4163 = tpu.bitcast %or3A_4162 : vector<256x128xi32> -> vector<256x128xf32>
    %reshape3A_4164 = vector.shape_cast %bitcast_convert_type3A_4163 : vector<256x128xf32> to vector<16x16x128xf32>
    %reduce_min3A_4165 = arith.constant dense<0x7F800000> : vector<16x128xf32>
    %reduce_min3A_4166 = vector.multi_reduction <minimumf>, %reshape3A_4164, %reduce_min3A_4165 [0] : vector<16x16x128xf32> to vector<16x128xf32>
    %min3A_4167 = arith.minimumf %min3A_3469, %reduce_min3A_4166 : vector<16x128xf32>
    %get3A_4168 = arith.constant 0 : index
    %get3A_4169 = arith.constant 0 : index
    %get3A_4170 = arith.constant 1664 : index
    %get3A_4171 = vector.load %arg2[%get3A_4168, %get3A_4169, %get3A_4170] : memref<1x3x2048xf32, #tpu.memory_space<vmem>>, vector<1x1x128xf32>
    %get3A_4172 = vector.shape_cast %get3A_4171 : vector<1x1x128xf32> to vector<1x128xf32>
    %get3A_4173 = arith.constant 0 : index
    %get3A_4174 = arith.constant 1 : index
    %get3A_4175 = arith.constant 1664 : index
    %get3A_4176 = vector.load %arg2[%get3A_4173, %get3A_4174, %get3A_4175] : memref<1x3x2048xf32, #tpu.memory_space<vmem>>, vector<1x1x128xf32>
    %get3A_4177 = vector.shape_cast %get3A_4176 : vector<1x1x128xf32> to vector<1x128xf32>
    %get3A_4178 = arith.constant 0 : index
    %get3A_4179 = arith.constant 2 : index
    %get3A_4180 = arith.constant 1664 : index
    %get3A_4181 = vector.load %arg2[%get3A_4178, %get3A_4179, %get3A_4180] : memref<1x3x2048xf32, #tpu.memory_space<vmem>>, vector<1x1x128xf32>
    %get3A_4182 = vector.shape_cast %get3A_4181 : vector<1x1x128xf32> to vector<1x128xf32>
    %sub3A_4183 = vector.broadcast %get3A_3609 : vector<256x1xf32> to vector<256x128xf32>
    %sub3A_4184 = vector.broadcast %get3A_4172 : vector<1x128xf32> to vector<256x128xf32>
    %sub3A_4185 = arith.subf %sub3A_4183, %sub3A_4184 : vector<256x128xf32>
    %sub3A_4186 = vector.broadcast %get3A_3614 : vector<256x1xf32> to vector<256x128xf32>
    %sub3A_4187 = vector.broadcast %get3A_4177 : vector<1x128xf32> to vector<256x128xf32>
    %sub3A_4188 = arith.subf %sub3A_4186, %sub3A_4187 : vector<256x128xf32>
    %sub3A_4189 = vector.broadcast %get3A_3619 : vector<256x1xf32> to vector<256x128xf32>
    %sub3A_4190 = vector.broadcast %get3A_4182 : vector<1x128xf32> to vector<256x128xf32>
    %sub3A_4191 = arith.subf %sub3A_4189, %sub3A_4190 : vector<256x128xf32>
    %mul3A_4192 = arith.mulf %sub3A_4185, %sub3A_4185 : vector<256x128xf32>
    %mul3A_4193 = arith.mulf %sub3A_4188, %sub3A_4188 : vector<256x128xf32>
    %add3A_4194 = arith.addf %mul3A_4192, %mul3A_4193 : vector<256x128xf32>
    %mul3A_4195 = arith.mulf %sub3A_4191, %sub3A_4191 : vector<256x128xf32>
    %add3A_4196 = arith.addf %add3A_4194, %mul3A_4195 : vector<256x128xf32>
    %bitcast_convert_type3A_4197 = tpu.bitcast %add3A_4196 : vector<256x128xf32> -> vector<256x128xi32>
    %and3A_4198 = arith.constant -2048 : i32
    %and3A_4199 = vector.broadcast %and3A_4198 : i32 to vector<256x128xi32>
    %and3A_4200 = arith.andi %bitcast_convert_type3A_4197, %and3A_4199 : vector<256x128xi32>
    %or3A_4201 = arith.ori %and3A_4200, %add3A_53 : vector<256x128xi32>
    %bitcast_convert_type3A_4202 = tpu.bitcast %or3A_4201 : vector<256x128xi32> -> vector<256x128xf32>
    %min3A_4203 = arith.minimumf %min3A_4161, %bitcast_convert_type3A_4202 : vector<256x128xf32>
    %or3A_4204 = arith.ori %and3A_4200, %add3A_85 : vector<256x128xi32>
    %bitcast_convert_type3A_4205 = tpu.bitcast %or3A_4204 : vector<256x128xi32> -> vector<256x128xf32>
    %reshape3A_4206 = vector.shape_cast %bitcast_convert_type3A_4205 : vector<256x128xf32> to vector<16x16x128xf32>
    %reduce_min3A_4207 = arith.constant dense<0x7F800000> : vector<16x128xf32>
    %reduce_min3A_4208 = vector.multi_reduction <minimumf>, %reshape3A_4206, %reduce_min3A_4207 [0] : vector<16x16x128xf32> to vector<16x128xf32>
    %min3A_4209 = arith.minimumf %min3A_3511, %reduce_min3A_4208 : vector<16x128xf32>
    %get3A_4210 = arith.constant 0 : index
    %get3A_4211 = arith.constant 0 : index
    %get3A_4212 = arith.constant 1792 : index
    %get3A_4213 = vector.load %arg2[%get3A_4210, %get3A_4211, %get3A_4212] : memref<1x3x2048xf32, #tpu.memory_space<vmem>>, vector<1x1x128xf32>
    %get3A_4214 = vector.shape_cast %get3A_4213 : vector<1x1x128xf32> to vector<1x128xf32>
    %get3A_4215 = arith.constant 0 : index
    %get3A_4216 = arith.constant 1 : index
    %get3A_4217 = arith.constant 1792 : index
    %get3A_4218 = vector.load %arg2[%get3A_4215, %get3A_4216, %get3A_4217] : memref<1x3x2048xf32, #tpu.memory_space<vmem>>, vector<1x1x128xf32>
    %get3A_4219 = vector.shape_cast %get3A_4218 : vector<1x1x128xf32> to vector<1x128xf32>
    %get3A_4220 = arith.constant 0 : index
    %get3A_4221 = arith.constant 2 : index
    %get3A_4222 = arith.constant 1792 : index
    %get3A_4223 = vector.load %arg2[%get3A_4220, %get3A_4221, %get3A_4222] : memref<1x3x2048xf32, #tpu.memory_space<vmem>>, vector<1x1x128xf32>
    %get3A_4224 = vector.shape_cast %get3A_4223 : vector<1x1x128xf32> to vector<1x128xf32>
    %sub3A_4225 = vector.broadcast %get3A_3609 : vector<256x1xf32> to vector<256x128xf32>
    %sub3A_4226 = vector.broadcast %get3A_4214 : vector<1x128xf32> to vector<256x128xf32>
    %sub3A_4227 = arith.subf %sub3A_4225, %sub3A_4226 : vector<256x128xf32>
    %sub3A_4228 = vector.broadcast %get3A_3614 : vector<256x1xf32> to vector<256x128xf32>
    %sub3A_4229 = vector.broadcast %get3A_4219 : vector<1x128xf32> to vector<256x128xf32>
    %sub3A_4230 = arith.subf %sub3A_4228, %sub3A_4229 : vector<256x128xf32>
    %sub3A_4231 = vector.broadcast %get3A_3619 : vector<256x1xf32> to vector<256x128xf32>
    %sub3A_4232 = vector.broadcast %get3A_4224 : vector<1x128xf32> to vector<256x128xf32>
    %sub3A_4233 = arith.subf %sub3A_4231, %sub3A_4232 : vector<256x128xf32>
    %mul3A_4234 = arith.mulf %sub3A_4227, %sub3A_4227 : vector<256x128xf32>
    %mul3A_4235 = arith.mulf %sub3A_4230, %sub3A_4230 : vector<256x128xf32>
    %add3A_4236 = arith.addf %mul3A_4234, %mul3A_4235 : vector<256x128xf32>
    %mul3A_4237 = arith.mulf %sub3A_4233, %sub3A_4233 : vector<256x128xf32>
    %add3A_4238 = arith.addf %add3A_4236, %mul3A_4237 : vector<256x128xf32>
    %bitcast_convert_type3A_4239 = tpu.bitcast %add3A_4238 : vector<256x128xf32> -> vector<256x128xi32>
    %and3A_4240 = arith.constant -2048 : i32
    %and3A_4241 = vector.broadcast %and3A_4240 : i32 to vector<256x128xi32>
    %and3A_4242 = arith.andi %bitcast_convert_type3A_4239, %and3A_4241 : vector<256x128xi32>
    %or3A_4243 = arith.ori %and3A_4242, %add3A_57 : vector<256x128xi32>
    %bitcast_convert_type3A_4244 = tpu.bitcast %or3A_4243 : vector<256x128xi32> -> vector<256x128xf32>
    %min3A_4245 = arith.minimumf %min3A_4203, %bitcast_convert_type3A_4244 : vector<256x128xf32>
    %or3A_4246 = arith.ori %and3A_4242, %add3A_85 : vector<256x128xi32>
    %bitcast_convert_type3A_4247 = tpu.bitcast %or3A_4246 : vector<256x128xi32> -> vector<256x128xf32>
    %reshape3A_4248 = vector.shape_cast %bitcast_convert_type3A_4247 : vector<256x128xf32> to vector<16x16x128xf32>
    %reduce_min3A_4249 = arith.constant dense<0x7F800000> : vector<16x128xf32>
    %reduce_min3A_4250 = vector.multi_reduction <minimumf>, %reshape3A_4248, %reduce_min3A_4249 [0] : vector<16x16x128xf32> to vector<16x128xf32>
    %min3A_4251 = arith.minimumf %min3A_3553, %reduce_min3A_4250 : vector<16x128xf32>
    %get3A_4252 = arith.constant 0 : index
    %get3A_4253 = arith.constant 0 : index
    %get3A_4254 = arith.constant 1920 : index
    %get3A_4255 = vector.load %arg2[%get3A_4252, %get3A_4253, %get3A_4254] : memref<1x3x2048xf32, #tpu.memory_space<vmem>>, vector<1x1x128xf32>
    %get3A_4256 = vector.shape_cast %get3A_4255 : vector<1x1x128xf32> to vector<1x128xf32>
    %get3A_4257 = arith.constant 0 : index
    %get3A_4258 = arith.constant 1 : index
    %get3A_4259 = arith.constant 1920 : index
    %get3A_4260 = vector.load %arg2[%get3A_4257, %get3A_4258, %get3A_4259] : memref<1x3x2048xf32, #tpu.memory_space<vmem>>, vector<1x1x128xf32>
    %get3A_4261 = vector.shape_cast %get3A_4260 : vector<1x1x128xf32> to vector<1x128xf32>
    %get3A_4262 = arith.constant 0 : index
    %get3A_4263 = arith.constant 2 : index
    %get3A_4264 = arith.constant 1920 : index
    %get3A_4265 = vector.load %arg2[%get3A_4262, %get3A_4263, %get3A_4264] : memref<1x3x2048xf32, #tpu.memory_space<vmem>>, vector<1x1x128xf32>
    %get3A_4266 = vector.shape_cast %get3A_4265 : vector<1x1x128xf32> to vector<1x128xf32>
    %sub3A_4267 = vector.broadcast %get3A_3609 : vector<256x1xf32> to vector<256x128xf32>
    %sub3A_4268 = vector.broadcast %get3A_4256 : vector<1x128xf32> to vector<256x128xf32>
    %sub3A_4269 = arith.subf %sub3A_4267, %sub3A_4268 : vector<256x128xf32>
    %sub3A_4270 = vector.broadcast %get3A_3614 : vector<256x1xf32> to vector<256x128xf32>
    %sub3A_4271 = vector.broadcast %get3A_4261 : vector<1x128xf32> to vector<256x128xf32>
    %sub3A_4272 = arith.subf %sub3A_4270, %sub3A_4271 : vector<256x128xf32>
    %sub3A_4273 = vector.broadcast %get3A_3619 : vector<256x1xf32> to vector<256x128xf32>
    %sub3A_4274 = vector.broadcast %get3A_4266 : vector<1x128xf32> to vector<256x128xf32>
    %sub3A_4275 = arith.subf %sub3A_4273, %sub3A_4274 : vector<256x128xf32>
    %mul3A_4276 = arith.mulf %sub3A_4269, %sub3A_4269 : vector<256x128xf32>
    %mul3A_4277 = arith.mulf %sub3A_4272, %sub3A_4272 : vector<256x128xf32>
    %add3A_4278 = arith.addf %mul3A_4276, %mul3A_4277 : vector<256x128xf32>
    %mul3A_4279 = arith.mulf %sub3A_4275, %sub3A_4275 : vector<256x128xf32>
    %add3A_4280 = arith.addf %add3A_4278, %mul3A_4279 : vector<256x128xf32>
    %bitcast_convert_type3A_4281 = tpu.bitcast %add3A_4280 : vector<256x128xf32> -> vector<256x128xi32>
    %and3A_4282 = arith.constant -2048 : i32
    %and3A_4283 = vector.broadcast %and3A_4282 : i32 to vector<256x128xi32>
    %and3A_4284 = arith.andi %bitcast_convert_type3A_4281, %and3A_4283 : vector<256x128xi32>
    %or3A_4285 = arith.ori %and3A_4284, %add3A_61 : vector<256x128xi32>
    %bitcast_convert_type3A_4286 = tpu.bitcast %or3A_4285 : vector<256x128xi32> -> vector<256x128xf32>
    %min3A_4287 = arith.minimumf %min3A_4245, %bitcast_convert_type3A_4286 : vector<256x128xf32>
    %or3A_4288 = arith.ori %and3A_4284, %add3A_85 : vector<256x128xi32>
    %bitcast_convert_type3A_4289 = tpu.bitcast %or3A_4288 : vector<256x128xi32> -> vector<256x128xf32>
    %reshape3A_4290 = vector.shape_cast %bitcast_convert_type3A_4289 : vector<256x128xf32> to vector<16x16x128xf32>
    %reduce_min3A_4291 = arith.constant dense<0x7F800000> : vector<16x128xf32>
    %reduce_min3A_4292 = vector.multi_reduction <minimumf>, %reshape3A_4290, %reduce_min3A_4291 [0] : vector<16x16x128xf32> to vector<16x128xf32>
    %min3A_4293 = arith.minimumf %min3A_3595, %reduce_min3A_4292 : vector<16x128xf32>
    %reduce_min3A_4294 = arith.constant dense<0x7F800000> : vector<256xf32>
    %reduce_min3A_4295 = vector.multi_reduction <minimumf>, %min3A_4287, %reduce_min3A_4294 [1] : vector<256x128xf32> to vector<256xf32>
    %broadcast_in_dim3A_4296 = vector.shape_cast %reduce_min3A_4295 : vector<256xf32> to vector<256x1xf32>
    %swap3A_4297 = arith.constant 0 : index
    %swap3A_4298 = arith.constant 1280 : index
    %swap3A_4299 = arith.constant 0 : index
    %swap3A_4300 = vector.load %arg3[%swap3A_4297, %swap3A_4298, %swap3A_4299] : memref<1x2048x1xf32, #tpu.memory_space<vmem>>, vector<1x256x1xf32>
    %swap3A_4301 = vector.shape_cast %swap3A_4300 : vector<1x256x1xf32> to vector<256x1xf32>
    %swap3A_4302 = vector.shape_cast %broadcast_in_dim3A_4296 : vector<256x1xf32> to vector<1x256x1xf32>
    tpu.vector_store %arg3[%swap3A_4297, %swap3A_4298, %swap3A_4299], %swap3A_4302 {strides = array<i32>} : memref<1x2048x1xf32, #tpu.memory_space<vmem>>, vector<1x256x1xf32>,
    %get3A_4303 = arith.constant 0 : index
    %get3A_4304 = arith.constant 1536 : index
    %get3A_4305 = arith.constant 0 : index
    %get3A_4306 = vector.load %arg1[%get3A_4303, %get3A_4304, %get3A_4305] : memref<1x2048x3xf32, #tpu.memory_space<vmem>>, vector<1x256x1xf32>
    %get3A_4307 = vector.shape_cast %get3A_4306 : vector<1x256x1xf32> to vector<256x1xf32>
    %get3A_4308 = arith.constant 0 : index
    %get3A_4309 = arith.constant 1536 : index
    %get3A_4310 = arith.constant 1 : index
    %get3A_4311 = vector.load %arg1[%get3A_4308, %get3A_4309, %get3A_4310] : memref<1x2048x3xf32, #tpu.memory_space<vmem>>, vector<1x256x1xf32>
    %get3A_4312 = vector.shape_cast %get3A_4311 : vector<1x256x1xf32> to vector<256x1xf32>
    %get3A_4313 = arith.constant 0 : index
    %get3A_4314 = arith.constant 1536 : index
    %get3A_4315 = arith.constant 2 : index
    %get3A_4316 = vector.load %arg1[%get3A_4313, %get3A_4314, %get3A_4315] : memref<1x2048x3xf32, #tpu.memory_space<vmem>>, vector<1x256x1xf32>
    %get3A_4317 = vector.shape_cast %get3A_4316 : vector<1x256x1xf32> to vector<256x1xf32>
    %broadcast_in_dim3A_4318 = arith.constant 3.000000e+38 : f32
    %broadcast_in_dim3A_4319 = vector.broadcast %broadcast_in_dim3A_4318 : f32 to vector<256x128xf32>
    %get3A_4320 = arith.constant 0 : index
    %get3A_4321 = arith.constant 0 : index
    %get3A_4322 = arith.constant 0 : index
    %get3A_4323 = vector.load %arg2[%get3A_4320, %get3A_4321, %get3A_4322] : memref<1x3x2048xf32, #tpu.memory_space<vmem>>, vector<1x1x128xf32>
    %get3A_4324 = vector.shape_cast %get3A_4323 : vector<1x1x128xf32> to vector<1x128xf32>
    %get3A_4325 = arith.constant 0 : index
    %get3A_4326 = arith.constant 1 : index
    %get3A_4327 = arith.constant 0 : index
    %get3A_4328 = vector.load %arg2[%get3A_4325, %get3A_4326, %get3A_4327] : memref<1x3x2048xf32, #tpu.memory_space<vmem>>, vector<1x1x128xf32>
    %get3A_4329 = vector.shape_cast %get3A_4328 : vector<1x1x128xf32> to vector<1x128xf32>
    %get3A_4330 = arith.constant 0 : index
    %get3A_4331 = arith.constant 2 : index
    %get3A_4332 = arith.constant 0 : index
    %get3A_4333 = vector.load %arg2[%get3A_4330, %get3A_4331, %get3A_4332] : memref<1x3x2048xf32, #tpu.memory_space<vmem>>, vector<1x1x128xf32>
    %get3A_4334 = vector.shape_cast %get3A_4333 : vector<1x1x128xf32> to vector<1x128xf32>
    %sub3A_4335 = vector.broadcast %get3A_4307 : vector<256x1xf32> to vector<256x128xf32>
    %sub3A_4336 = vector.broadcast %get3A_4324 : vector<1x128xf32> to vector<256x128xf32>
    %sub3A_4337 = arith.subf %sub3A_4335, %sub3A_4336 : vector<256x128xf32>
    %sub3A_4338 = vector.broadcast %get3A_4312 : vector<256x1xf32> to vector<256x128xf32>
    %sub3A_4339 = vector.broadcast %get3A_4329 : vector<1x128xf32> to vector<256x128xf32>
    %sub3A_4340 = arith.subf %sub3A_4338, %sub3A_4339 : vector<256x128xf32>
    %sub3A_4341 = vector.broadcast %get3A_4317 : vector<256x1xf32> to vector<256x128xf32>
    %sub3A_4342 = vector.broadcast %get3A_4334 : vector<1x128xf32> to vector<256x128xf32>
    %sub3A_4343 = arith.subf %sub3A_4341, %sub3A_4342 : vector<256x128xf32>
    %mul3A_4344 = arith.mulf %sub3A_4337, %sub3A_4337 : vector<256x128xf32>
    %mul3A_4345 = arith.mulf %sub3A_4340, %sub3A_4340 : vector<256x128xf32>
    %add3A_4346 = arith.addf %mul3A_4344, %mul3A_4345 : vector<256x128xf32>
    %mul3A_4347 = arith.mulf %sub3A_4343, %sub3A_4343 : vector<256x128xf32>
    %add3A_4348 = arith.addf %add3A_4346, %mul3A_4347 : vector<256x128xf32>
    %bitcast_convert_type3A_4349 = tpu.bitcast %add3A_4348 : vector<256x128xf32> -> vector<256x128xi32>
    %and3A_4350 = arith.constant -2048 : i32
    %and3A_4351 = vector.broadcast %and3A_4350 : i32 to vector<256x128xi32>
    %and3A_4352 = arith.andi %bitcast_convert_type3A_4349, %and3A_4351 : vector<256x128xi32>
    %or3A_4353 = arith.ori %and3A_4352, %add3A_1 : vector<256x128xi32>
    %bitcast_convert_type3A_4354 = tpu.bitcast %or3A_4353 : vector<256x128xi32> -> vector<256x128xf32>
    %min3A_4355 = arith.minimumf %broadcast_in_dim3A_4319, %bitcast_convert_type3A_4354 : vector<256x128xf32>
    %or3A_4356 = arith.ori %and3A_4352, %add3A_89 : vector<256x128xi32>
    %bitcast_convert_type3A_4357 = tpu.bitcast %or3A_4356 : vector<256x128xi32> -> vector<256x128xf32>
    %reshape3A_4358 = vector.shape_cast %bitcast_convert_type3A_4357 : vector<256x128xf32> to vector<16x16x128xf32>
    %reduce_min3A_4359 = arith.constant dense<0x7F800000> : vector<16x128xf32>
    %reduce_min3A_4360 = vector.multi_reduction <minimumf>, %reshape3A_4358, %reduce_min3A_4359 [0] : vector<16x16x128xf32> to vector<16x128xf32>
    %min3A_4361 = arith.minimumf %min3A_3663, %reduce_min3A_4360 : vector<16x128xf32>
    %get3A_4362 = arith.constant 0 : index
    %get3A_4363 = arith.constant 0 : index
    %get3A_4364 = arith.constant 128 : index
    %get3A_4365 = vector.load %arg2[%get3A_4362, %get3A_4363, %get3A_4364] : memref<1x3x2048xf32, #tpu.memory_space<vmem>>, vector<1x1x128xf32>
    %get3A_4366 = vector.shape_cast %get3A_4365 : vector<1x1x128xf32> to vector<1x128xf32>
    %get3A_4367 = arith.constant 0 : index
    %get3A_4368 = arith.constant 1 : index
    %get3A_4369 = arith.constant 128 : index
    %get3A_4370 = vector.load %arg2[%get3A_4367, %get3A_4368, %get3A_4369] : memref<1x3x2048xf32, #tpu.memory_space<vmem>>, vector<1x1x128xf32>
    %get3A_4371 = vector.shape_cast %get3A_4370 : vector<1x1x128xf32> to vector<1x128xf32>
    %get3A_4372 = arith.constant 0 : index
    %get3A_4373 = arith.constant 2 : index
    %get3A_4374 = arith.constant 128 : index
    %get3A_4375 = vector.load %arg2[%get3A_4372, %get3A_4373, %get3A_4374] : memref<1x3x2048xf32, #tpu.memory_space<vmem>>, vector<1x1x128xf32>
    %get3A_4376 = vector.shape_cast %get3A_4375 : vector<1x1x128xf32> to vector<1x128xf32>
    %sub3A_4377 = vector.broadcast %get3A_4307 : vector<256x1xf32> to vector<256x128xf32>
    %sub3A_4378 = vector.broadcast %get3A_4366 : vector<1x128xf32> to vector<256x128xf32>
    %sub3A_4379 = arith.subf %sub3A_4377, %sub3A_4378 : vector<256x128xf32>
    %sub3A_4380 = vector.broadcast %get3A_4312 : vector<256x1xf32> to vector<256x128xf32>
    %sub3A_4381 = vector.broadcast %get3A_4371 : vector<1x128xf32> to vector<256x128xf32>
    %sub3A_4382 = arith.subf %sub3A_4380, %sub3A_4381 : vector<256x128xf32>
    %sub3A_4383 = vector.broadcast %get3A_4317 : vector<256x1xf32> to vector<256x128xf32>
    %sub3A_4384 = vector.broadcast %get3A_4376 : vector<1x128xf32> to vector<256x128xf32>
    %sub3A_4385 = arith.subf %sub3A_4383, %sub3A_4384 : vector<256x128xf32>
    %mul3A_4386 = arith.mulf %sub3A_4379, %sub3A_4379 : vector<256x128xf32>
    %mul3A_4387 = arith.mulf %sub3A_4382, %sub3A_4382 : vector<256x128xf32>
    %add3A_4388 = arith.addf %mul3A_4386, %mul3A_4387 : vector<256x128xf32>
    %mul3A_4389 = arith.mulf %sub3A_4385, %sub3A_4385 : vector<256x128xf32>
    %add3A_4390 = arith.addf %add3A_4388, %mul3A_4389 : vector<256x128xf32>
    %bitcast_convert_type3A_4391 = tpu.bitcast %add3A_4390 : vector<256x128xf32> -> vector<256x128xi32>
    %and3A_4392 = arith.constant -2048 : i32
    %and3A_4393 = vector.broadcast %and3A_4392 : i32 to vector<256x128xi32>
    %and3A_4394 = arith.andi %bitcast_convert_type3A_4391, %and3A_4393 : vector<256x128xi32>
    %or3A_4395 = arith.ori %and3A_4394, %add3A_5 : vector<256x128xi32>
    %bitcast_convert_type3A_4396 = tpu.bitcast %or3A_4395 : vector<256x128xi32> -> vector<256x128xf32>
    %min3A_4397 = arith.minimumf %min3A_4355, %bitcast_convert_type3A_4396 : vector<256x128xf32>
    %or3A_4398 = arith.ori %and3A_4394, %add3A_89 : vector<256x128xi32>
    %bitcast_convert_type3A_4399 = tpu.bitcast %or3A_4398 : vector<256x128xi32> -> vector<256x128xf32>
    %reshape3A_4400 = vector.shape_cast %bitcast_convert_type3A_4399 : vector<256x128xf32> to vector<16x16x128xf32>
    %reduce_min3A_4401 = arith.constant dense<0x7F800000> : vector<16x128xf32>
    %reduce_min3A_4402 = vector.multi_reduction <minimumf>, %reshape3A_4400, %reduce_min3A_4401 [0] : vector<16x16x128xf32> to vector<16x128xf32>
    %min3A_4403 = arith.minimumf %min3A_3705, %reduce_min3A_4402 : vector<16x128xf32>
    %get3A_4404 = arith.constant 0 : index
    %get3A_4405 = arith.constant 0 : index
    %get3A_4406 = arith.constant 256 : index
    %get3A_4407 = vector.load %arg2[%get3A_4404, %get3A_4405, %get3A_4406] : memref<1x3x2048xf32, #tpu.memory_space<vmem>>, vector<1x1x128xf32>
    %get3A_4408 = vector.shape_cast %get3A_4407 : vector<1x1x128xf32> to vector<1x128xf32>
    %get3A_4409 = arith.constant 0 : index
    %get3A_4410 = arith.constant 1 : index
    %get3A_4411 = arith.constant 256 : index
    %get3A_4412 = vector.load %arg2[%get3A_4409, %get3A_4410, %get3A_4411] : memref<1x3x2048xf32, #tpu.memory_space<vmem>>, vector<1x1x128xf32>
    %get3A_4413 = vector.shape_cast %get3A_4412 : vector<1x1x128xf32> to vector<1x128xf32>
    %get3A_4414 = arith.constant 0 : index
    %get3A_4415 = arith.constant 2 : index
    %get3A_4416 = arith.constant 256 : index
    %get3A_4417 = vector.load %arg2[%get3A_4414, %get3A_4415, %get3A_4416] : memref<1x3x2048xf32, #tpu.memory_space<vmem>>, vector<1x1x128xf32>
    %get3A_4418 = vector.shape_cast %get3A_4417 : vector<1x1x128xf32> to vector<1x128xf32>
    %sub3A_4419 = vector.broadcast %get3A_4307 : vector<256x1xf32> to vector<256x128xf32>
    %sub3A_4420 = vector.broadcast %get3A_4408 : vector<1x128xf32> to vector<256x128xf32>
    %sub3A_4421 = arith.subf %sub3A_4419, %sub3A_4420 : vector<256x128xf32>
    %sub3A_4422 = vector.broadcast %get3A_4312 : vector<256x1xf32> to vector<256x128xf32>
    %sub3A_4423 = vector.broadcast %get3A_4413 : vector<1x128xf32> to vector<256x128xf32>
    %sub3A_4424 = arith.subf %sub3A_4422, %sub3A_4423 : vector<256x128xf32>
    %sub3A_4425 = vector.broadcast %get3A_4317 : vector<256x1xf32> to vector<256x128xf32>
    %sub3A_4426 = vector.broadcast %get3A_4418 : vector<1x128xf32> to vector<256x128xf32>
    %sub3A_4427 = arith.subf %sub3A_4425, %sub3A_4426 : vector<256x128xf32>
    %mul3A_4428 = arith.mulf %sub3A_4421, %sub3A_4421 : vector<256x128xf32>
    %mul3A_4429 = arith.mulf %sub3A_4424, %sub3A_4424 : vector<256x128xf32>
    %add3A_4430 = arith.addf %mul3A_4428, %mul3A_4429 : vector<256x128xf32>
    %mul3A_4431 = arith.mulf %sub3A_4427, %sub3A_4427 : vector<256x128xf32>
    %add3A_4432 = arith.addf %add3A_4430, %mul3A_4431 : vector<256x128xf32>
    %bitcast_convert_type3A_4433 = tpu.bitcast %add3A_4432 : vector<256x128xf32> -> vector<256x128xi32>
    %and3A_4434 = arith.constant -2048 : i32
    %and3A_4435 = vector.broadcast %and3A_4434 : i32 to vector<256x128xi32>
    %and3A_4436 = arith.andi %bitcast_convert_type3A_4433, %and3A_4435 : vector<256x128xi32>
    %or3A_4437 = arith.ori %and3A_4436, %add3A_9 : vector<256x128xi32>
    %bitcast_convert_type3A_4438 = tpu.bitcast %or3A_4437 : vector<256x128xi32> -> vector<256x128xf32>
    %min3A_4439 = arith.minimumf %min3A_4397, %bitcast_convert_type3A_4438 : vector<256x128xf32>
    %or3A_4440 = arith.ori %and3A_4436, %add3A_89 : vector<256x128xi32>
    %bitcast_convert_type3A_4441 = tpu.bitcast %or3A_4440 : vector<256x128xi32> -> vector<256x128xf32>
    %reshape3A_4442 = vector.shape_cast %bitcast_convert_type3A_4441 : vector<256x128xf32> to vector<16x16x128xf32>
    %reduce_min3A_4443 = arith.constant dense<0x7F800000> : vector<16x128xf32>
    %reduce_min3A_4444 = vector.multi_reduction <minimumf>, %reshape3A_4442, %reduce_min3A_4443 [0] : vector<16x16x128xf32> to vector<16x128xf32>
    %min3A_4445 = arith.minimumf %min3A_3747, %reduce_min3A_4444 : vector<16x128xf32>
    %get3A_4446 = arith.constant 0 : index
    %get3A_4447 = arith.constant 0 : index
    %get3A_4448 = arith.constant 384 : index
    %get3A_4449 = vector.load %arg2[%get3A_4446, %get3A_4447, %get3A_4448] : memref<1x3x2048xf32, #tpu.memory_space<vmem>>, vector<1x1x128xf32>
    %get3A_4450 = vector.shape_cast %get3A_4449 : vector<1x1x128xf32> to vector<1x128xf32>
    %get3A_4451 = arith.constant 0 : index
    %get3A_4452 = arith.constant 1 : index
    %get3A_4453 = arith.constant 384 : index
    %get3A_4454 = vector.load %arg2[%get3A_4451, %get3A_4452, %get3A_4453] : memref<1x3x2048xf32, #tpu.memory_space<vmem>>, vector<1x1x128xf32>
    %get3A_4455 = vector.shape_cast %get3A_4454 : vector<1x1x128xf32> to vector<1x128xf32>
    %get3A_4456 = arith.constant 0 : index
    %get3A_4457 = arith.constant 2 : index
    %get3A_4458 = arith.constant 384 : index
    %get3A_4459 = vector.load %arg2[%get3A_4456, %get3A_4457, %get3A_4458] : memref<1x3x2048xf32, #tpu.memory_space<vmem>>, vector<1x1x128xf32>
    %get3A_4460 = vector.shape_cast %get3A_4459 : vector<1x1x128xf32> to vector<1x128xf32>
    %sub3A_4461 = vector.broadcast %get3A_4307 : vector<256x1xf32> to vector<256x128xf32>
    %sub3A_4462 = vector.broadcast %get3A_4450 : vector<1x128xf32> to vector<256x128xf32>
    %sub3A_4463 = arith.subf %sub3A_4461, %sub3A_4462 : vector<256x128xf32>
    %sub3A_4464 = vector.broadcast %get3A_4312 : vector<256x1xf32> to vector<256x128xf32>
    %sub3A_4465 = vector.broadcast %get3A_4455 : vector<1x128xf32> to vector<256x128xf32>
    %sub3A_4466 = arith.subf %sub3A_4464, %sub3A_4465 : vector<256x128xf32>
    %sub3A_4467 = vector.broadcast %get3A_4317 : vector<256x1xf32> to vector<256x128xf32>
    %sub3A_4468 = vector.broadcast %get3A_4460 : vector<1x128xf32> to vector<256x128xf32>
    %sub3A_4469 = arith.subf %sub3A_4467, %sub3A_4468 : vector<256x128xf32>
    %mul3A_4470 = arith.mulf %sub3A_4463, %sub3A_4463 : vector<256x128xf32>
    %mul3A_4471 = arith.mulf %sub3A_4466, %sub3A_4466 : vector<256x128xf32>
    %add3A_4472 = arith.addf %mul3A_4470, %mul3A_4471 : vector<256x128xf32>
    %mul3A_4473 = arith.mulf %sub3A_4469, %sub3A_4469 : vector<256x128xf32>
    %add3A_4474 = arith.addf %add3A_4472, %mul3A_4473 : vector<256x128xf32>
    %bitcast_convert_type3A_4475 = tpu.bitcast %add3A_4474 : vector<256x128xf32> -> vector<256x128xi32>
    %and3A_4476 = arith.constant -2048 : i32
    %and3A_4477 = vector.broadcast %and3A_4476 : i32 to vector<256x128xi32>
    %and3A_4478 = arith.andi %bitcast_convert_type3A_4475, %and3A_4477 : vector<256x128xi32>
    %or3A_4479 = arith.ori %and3A_4478, %add3A_13 : vector<256x128xi32>
    %bitcast_convert_type3A_4480 = tpu.bitcast %or3A_4479 : vector<256x128xi32> -> vector<256x128xf32>
    %min3A_4481 = arith.minimumf %min3A_4439, %bitcast_convert_type3A_4480 : vector<256x128xf32>
    %or3A_4482 = arith.ori %and3A_4478, %add3A_89 : vector<256x128xi32>
    %bitcast_convert_type3A_4483 = tpu.bitcast %or3A_4482 : vector<256x128xi32> -> vector<256x128xf32>
    %reshape3A_4484 = vector.shape_cast %bitcast_convert_type3A_4483 : vector<256x128xf32> to vector<16x16x128xf32>
    %reduce_min3A_4485 = arith.constant dense<0x7F800000> : vector<16x128xf32>
    %reduce_min3A_4486 = vector.multi_reduction <minimumf>, %reshape3A_4484, %reduce_min3A_4485 [0] : vector<16x16x128xf32> to vector<16x128xf32>
    %min3A_4487 = arith.minimumf %min3A_3789, %reduce_min3A_4486 : vector<16x128xf32>
    %get3A_4488 = arith.constant 0 : index
    %get3A_4489 = arith.constant 0 : index
    %get3A_4490 = arith.constant 512 : index
    %get3A_4491 = vector.load %arg2[%get3A_4488, %get3A_4489, %get3A_4490] : memref<1x3x2048xf32, #tpu.memory_space<vmem>>, vector<1x1x128xf32>
    %get3A_4492 = vector.shape_cast %get3A_4491 : vector<1x1x128xf32> to vector<1x128xf32>
    %get3A_4493 = arith.constant 0 : index
    %get3A_4494 = arith.constant 1 : index
    %get3A_4495 = arith.constant 512 : index
    %get3A_4496 = vector.load %arg2[%get3A_4493, %get3A_4494, %get3A_4495] : memref<1x3x2048xf32, #tpu.memory_space<vmem>>, vector<1x1x128xf32>
    %get3A_4497 = vector.shape_cast %get3A_4496 : vector<1x1x128xf32> to vector<1x128xf32>
    %get3A_4498 = arith.constant 0 : index
    %get3A_4499 = arith.constant 2 : index
    %get3A_4500 = arith.constant 512 : index
    %get3A_4501 = vector.load %arg2[%get3A_4498, %get3A_4499, %get3A_4500] : memref<1x3x2048xf32, #tpu.memory_space<vmem>>, vector<1x1x128xf32>
    %get3A_4502 = vector.shape_cast %get3A_4501 : vector<1x1x128xf32> to vector<1x128xf32>
    %sub3A_4503 = vector.broadcast %get3A_4307 : vector<256x1xf32> to vector<256x128xf32>
    %sub3A_4504 = vector.broadcast %get3A_4492 : vector<1x128xf32> to vector<256x128xf32>
    %sub3A_4505 = arith.subf %sub3A_4503, %sub3A_4504 : vector<256x128xf32>
    %sub3A_4506 = vector.broadcast %get3A_4312 : vector<256x1xf32> to vector<256x128xf32>
    %sub3A_4507 = vector.broadcast %get3A_4497 : vector<1x128xf32> to vector<256x128xf32>
    %sub3A_4508 = arith.subf %sub3A_4506, %sub3A_4507 : vector<256x128xf32>
    %sub3A_4509 = vector.broadcast %get3A_4317 : vector<256x1xf32> to vector<256x128xf32>
    %sub3A_4510 = vector.broadcast %get3A_4502 : vector<1x128xf32> to vector<256x128xf32>
    %sub3A_4511 = arith.subf %sub3A_4509, %sub3A_4510 : vector<256x128xf32>
    %mul3A_4512 = arith.mulf %sub3A_4505, %sub3A_4505 : vector<256x128xf32>
    %mul3A_4513 = arith.mulf %sub3A_4508, %sub3A_4508 : vector<256x128xf32>
    %add3A_4514 = arith.addf %mul3A_4512, %mul3A_4513 : vector<256x128xf32>
    %mul3A_4515 = arith.mulf %sub3A_4511, %sub3A_4511 : vector<256x128xf32>
    %add3A_4516 = arith.addf %add3A_4514, %mul3A_4515 : vector<256x128xf32>
    %bitcast_convert_type3A_4517 = tpu.bitcast %add3A_4516 : vector<256x128xf32> -> vector<256x128xi32>
    %and3A_4518 = arith.constant -2048 : i32
    %and3A_4519 = vector.broadcast %and3A_4518 : i32 to vector<256x128xi32>
    %and3A_4520 = arith.andi %bitcast_convert_type3A_4517, %and3A_4519 : vector<256x128xi32>
    %or3A_4521 = arith.ori %and3A_4520, %add3A_17 : vector<256x128xi32>
    %bitcast_convert_type3A_4522 = tpu.bitcast %or3A_4521 : vector<256x128xi32> -> vector<256x128xf32>
    %min3A_4523 = arith.minimumf %min3A_4481, %bitcast_convert_type3A_4522 : vector<256x128xf32>
    %or3A_4524 = arith.ori %and3A_4520, %add3A_89 : vector<256x128xi32>
    %bitcast_convert_type3A_4525 = tpu.bitcast %or3A_4524 : vector<256x128xi32> -> vector<256x128xf32>
    %reshape3A_4526 = vector.shape_cast %bitcast_convert_type3A_4525 : vector<256x128xf32> to vector<16x16x128xf32>
    %reduce_min3A_4527 = arith.constant dense<0x7F800000> : vector<16x128xf32>
    %reduce_min3A_4528 = vector.multi_reduction <minimumf>, %reshape3A_4526, %reduce_min3A_4527 [0] : vector<16x16x128xf32> to vector<16x128xf32>
    %min3A_4529 = arith.minimumf %min3A_3831, %reduce_min3A_4528 : vector<16x128xf32>
    %get3A_4530 = arith.constant 0 : index
    %get3A_4531 = arith.constant 0 : index
    %get3A_4532 = arith.constant 640 : index
    %get3A_4533 = vector.load %arg2[%get3A_4530, %get3A_4531, %get3A_4532] : memref<1x3x2048xf32, #tpu.memory_space<vmem>>, vector<1x1x128xf32>
    %get3A_4534 = vector.shape_cast %get3A_4533 : vector<1x1x128xf32> to vector<1x128xf32>
    %get3A_4535 = arith.constant 0 : index
    %get3A_4536 = arith.constant 1 : index
    %get3A_4537 = arith.constant 640 : index
    %get3A_4538 = vector.load %arg2[%get3A_4535, %get3A_4536, %get3A_4537] : memref<1x3x2048xf32, #tpu.memory_space<vmem>>, vector<1x1x128xf32>
    %get3A_4539 = vector.shape_cast %get3A_4538 : vector<1x1x128xf32> to vector<1x128xf32>
    %get3A_4540 = arith.constant 0 : index
    %get3A_4541 = arith.constant 2 : index
    %get3A_4542 = arith.constant 640 : index
    %get3A_4543 = vector.load %arg2[%get3A_4540, %get3A_4541, %get3A_4542] : memref<1x3x2048xf32, #tpu.memory_space<vmem>>, vector<1x1x128xf32>
    %get3A_4544 = vector.shape_cast %get3A_4543 : vector<1x1x128xf32> to vector<1x128xf32>
    %sub3A_4545 = vector.broadcast %get3A_4307 : vector<256x1xf32> to vector<256x128xf32>
    %sub3A_4546 = vector.broadcast %get3A_4534 : vector<1x128xf32> to vector<256x128xf32>
    %sub3A_4547 = arith.subf %sub3A_4545, %sub3A_4546 : vector<256x128xf32>
    %sub3A_4548 = vector.broadcast %get3A_4312 : vector<256x1xf32> to vector<256x128xf32>
    %sub3A_4549 = vector.broadcast %get3A_4539 : vector<1x128xf32> to vector<256x128xf32>
    %sub3A_4550 = arith.subf %sub3A_4548, %sub3A_4549 : vector<256x128xf32>
    %sub3A_4551 = vector.broadcast %get3A_4317 : vector<256x1xf32> to vector<256x128xf32>
    %sub3A_4552 = vector.broadcast %get3A_4544 : vector<1x128xf32> to vector<256x128xf32>
    %sub3A_4553 = arith.subf %sub3A_4551, %sub3A_4552 : vector<256x128xf32>
    %mul3A_4554 = arith.mulf %sub3A_4547, %sub3A_4547 : vector<256x128xf32>
    %mul3A_4555 = arith.mulf %sub3A_4550, %sub3A_4550 : vector<256x128xf32>
    %add3A_4556 = arith.addf %mul3A_4554, %mul3A_4555 : vector<256x128xf32>
    %mul3A_4557 = arith.mulf %sub3A_4553, %sub3A_4553 : vector<256x128xf32>
    %add3A_4558 = arith.addf %add3A_4556, %mul3A_4557 : vector<256x128xf32>
    %bitcast_convert_type3A_4559 = tpu.bitcast %add3A_4558 : vector<256x128xf32> -> vector<256x128xi32>
    %and3A_4560 = arith.constant -2048 : i32
    %and3A_4561 = vector.broadcast %and3A_4560 : i32 to vector<256x128xi32>
    %and3A_4562 = arith.andi %bitcast_convert_type3A_4559, %and3A_4561 : vector<256x128xi32>
    %or3A_4563 = arith.ori %and3A_4562, %add3A_21 : vector<256x128xi32>
    %bitcast_convert_type3A_4564 = tpu.bitcast %or3A_4563 : vector<256x128xi32> -> vector<256x128xf32>
    %min3A_4565 = arith.minimumf %min3A_4523, %bitcast_convert_type3A_4564 : vector<256x128xf32>
    %or3A_4566 = arith.ori %and3A_4562, %add3A_89 : vector<256x128xi32>
    %bitcast_convert_type3A_4567 = tpu.bitcast %or3A_4566 : vector<256x128xi32> -> vector<256x128xf32>
    %reshape3A_4568 = vector.shape_cast %bitcast_convert_type3A_4567 : vector<256x128xf32> to vector<16x16x128xf32>
    %reduce_min3A_4569 = arith.constant dense<0x7F800000> : vector<16x128xf32>
    %reduce_min3A_4570 = vector.multi_reduction <minimumf>, %reshape3A_4568, %reduce_min3A_4569 [0] : vector<16x16x128xf32> to vector<16x128xf32>
    %min3A_4571 = arith.minimumf %min3A_3873, %reduce_min3A_4570 : vector<16x128xf32>
    %get3A_4572 = arith.constant 0 : index
    %get3A_4573 = arith.constant 0 : index
    %get3A_4574 = arith.constant 768 : index
    %get3A_4575 = vector.load %arg2[%get3A_4572, %get3A_4573, %get3A_4574] : memref<1x3x2048xf32, #tpu.memory_space<vmem>>, vector<1x1x128xf32>
    %get3A_4576 = vector.shape_cast %get3A_4575 : vector<1x1x128xf32> to vector<1x128xf32>
    %get3A_4577 = arith.constant 0 : index
    %get3A_4578 = arith.constant 1 : index
    %get3A_4579 = arith.constant 768 : index
    %get3A_4580 = vector.load %arg2[%get3A_4577, %get3A_4578, %get3A_4579] : memref<1x3x2048xf32, #tpu.memory_space<vmem>>, vector<1x1x128xf32>
    %get3A_4581 = vector.shape_cast %get3A_4580 : vector<1x1x128xf32> to vector<1x128xf32>
    %get3A_4582 = arith.constant 0 : index
    %get3A_4583 = arith.constant 2 : index
    %get3A_4584 = arith.constant 768 : index
    %get3A_4585 = vector.load %arg2[%get3A_4582, %get3A_4583, %get3A_4584] : memref<1x3x2048xf32, #tpu.memory_space<vmem>>, vector<1x1x128xf32>
    %get3A_4586 = vector.shape_cast %get3A_4585 : vector<1x1x128xf32> to vector<1x128xf32>
    %sub3A_4587 = vector.broadcast %get3A_4307 : vector<256x1xf32> to vector<256x128xf32>
    %sub3A_4588 = vector.broadcast %get3A_4576 : vector<1x128xf32> to vector<256x128xf32>
    %sub3A_4589 = arith.subf %sub3A_4587, %sub3A_4588 : vector<256x128xf32>
    %sub3A_4590 = vector.broadcast %get3A_4312 : vector<256x1xf32> to vector<256x128xf32>
    %sub3A_4591 = vector.broadcast %get3A_4581 : vector<1x128xf32> to vector<256x128xf32>
    %sub3A_4592 = arith.subf %sub3A_4590, %sub3A_4591 : vector<256x128xf32>
    %sub3A_4593 = vector.broadcast %get3A_4317 : vector<256x1xf32> to vector<256x128xf32>
    %sub3A_4594 = vector.broadcast %get3A_4586 : vector<1x128xf32> to vector<256x128xf32>
    %sub3A_4595 = arith.subf %sub3A_4593, %sub3A_4594 : vector<256x128xf32>
    %mul3A_4596 = arith.mulf %sub3A_4589, %sub3A_4589 : vector<256x128xf32>
    %mul3A_4597 = arith.mulf %sub3A_4592, %sub3A_4592 : vector<256x128xf32>
    %add3A_4598 = arith.addf %mul3A_4596, %mul3A_4597 : vector<256x128xf32>
    %mul3A_4599 = arith.mulf %sub3A_4595, %sub3A_4595 : vector<256x128xf32>
    %add3A_4600 = arith.addf %add3A_4598, %mul3A_4599 : vector<256x128xf32>
    %bitcast_convert_type3A_4601 = tpu.bitcast %add3A_4600 : vector<256x128xf32> -> vector<256x128xi32>
    %and3A_4602 = arith.constant -2048 : i32
    %and3A_4603 = vector.broadcast %and3A_4602 : i32 to vector<256x128xi32>
    %and3A_4604 = arith.andi %bitcast_convert_type3A_4601, %and3A_4603 : vector<256x128xi32>
    %or3A_4605 = arith.ori %and3A_4604, %add3A_25 : vector<256x128xi32>
    %bitcast_convert_type3A_4606 = tpu.bitcast %or3A_4605 : vector<256x128xi32> -> vector<256x128xf32>
    %min3A_4607 = arith.minimumf %min3A_4565, %bitcast_convert_type3A_4606 : vector<256x128xf32>
    %or3A_4608 = arith.ori %and3A_4604, %add3A_89 : vector<256x128xi32>
    %bitcast_convert_type3A_4609 = tpu.bitcast %or3A_4608 : vector<256x128xi32> -> vector<256x128xf32>
    %reshape3A_4610 = vector.shape_cast %bitcast_convert_type3A_4609 : vector<256x128xf32> to vector<16x16x128xf32>
    %reduce_min3A_4611 = arith.constant dense<0x7F800000> : vector<16x128xf32>
    %reduce_min3A_4612 = vector.multi_reduction <minimumf>, %reshape3A_4610, %reduce_min3A_4611 [0] : vector<16x16x128xf32> to vector<16x128xf32>
    %min3A_4613 = arith.minimumf %min3A_3915, %reduce_min3A_4612 : vector<16x128xf32>
    %get3A_4614 = arith.constant 0 : index
    %get3A_4615 = arith.constant 0 : index
    %get3A_4616 = arith.constant 896 : index
    %get3A_4617 = vector.load %arg2[%get3A_4614, %get3A_4615, %get3A_4616] : memref<1x3x2048xf32, #tpu.memory_space<vmem>>, vector<1x1x128xf32>
    %get3A_4618 = vector.shape_cast %get3A_4617 : vector<1x1x128xf32> to vector<1x128xf32>
    %get3A_4619 = arith.constant 0 : index
    %get3A_4620 = arith.constant 1 : index
    %get3A_4621 = arith.constant 896 : index
    %get3A_4622 = vector.load %arg2[%get3A_4619, %get3A_4620, %get3A_4621] : memref<1x3x2048xf32, #tpu.memory_space<vmem>>, vector<1x1x128xf32>
    %get3A_4623 = vector.shape_cast %get3A_4622 : vector<1x1x128xf32> to vector<1x128xf32>
    %get3A_4624 = arith.constant 0 : index
    %get3A_4625 = arith.constant 2 : index
    %get3A_4626 = arith.constant 896 : index
    %get3A_4627 = vector.load %arg2[%get3A_4624, %get3A_4625, %get3A_4626] : memref<1x3x2048xf32, #tpu.memory_space<vmem>>, vector<1x1x128xf32>
    %get3A_4628 = vector.shape_cast %get3A_4627 : vector<1x1x128xf32> to vector<1x128xf32>
    %sub3A_4629 = vector.broadcast %get3A_4307 : vector<256x1xf32> to vector<256x128xf32>
    %sub3A_4630 = vector.broadcast %get3A_4618 : vector<1x128xf32> to vector<256x128xf32>
    %sub3A_4631 = arith.subf %sub3A_4629, %sub3A_4630 : vector<256x128xf32>
    %sub3A_4632 = vector.broadcast %get3A_4312 : vector<256x1xf32> to vector<256x128xf32>
    %sub3A_4633 = vector.broadcast %get3A_4623 : vector<1x128xf32> to vector<256x128xf32>
    %sub3A_4634 = arith.subf %sub3A_4632, %sub3A_4633 : vector<256x128xf32>
    %sub3A_4635 = vector.broadcast %get3A_4317 : vector<256x1xf32> to vector<256x128xf32>
    %sub3A_4636 = vector.broadcast %get3A_4628 : vector<1x128xf32> to vector<256x128xf32>
    %sub3A_4637 = arith.subf %sub3A_4635, %sub3A_4636 : vector<256x128xf32>
    %mul3A_4638 = arith.mulf %sub3A_4631, %sub3A_4631 : vector<256x128xf32>
    %mul3A_4639 = arith.mulf %sub3A_4634, %sub3A_4634 : vector<256x128xf32>
    %add3A_4640 = arith.addf %mul3A_4638, %mul3A_4639 : vector<256x128xf32>
    %mul3A_4641 = arith.mulf %sub3A_4637, %sub3A_4637 : vector<256x128xf32>
    %add3A_4642 = arith.addf %add3A_4640, %mul3A_4641 : vector<256x128xf32>
    %bitcast_convert_type3A_4643 = tpu.bitcast %add3A_4642 : vector<256x128xf32> -> vector<256x128xi32>
    %and3A_4644 = arith.constant -2048 : i32
    %and3A_4645 = vector.broadcast %and3A_4644 : i32 to vector<256x128xi32>
    %and3A_4646 = arith.andi %bitcast_convert_type3A_4643, %and3A_4645 : vector<256x128xi32>
    %or3A_4647 = arith.ori %and3A_4646, %add3A_29 : vector<256x128xi32>
    %bitcast_convert_type3A_4648 = tpu.bitcast %or3A_4647 : vector<256x128xi32> -> vector<256x128xf32>
    %min3A_4649 = arith.minimumf %min3A_4607, %bitcast_convert_type3A_4648 : vector<256x128xf32>
    %or3A_4650 = arith.ori %and3A_4646, %add3A_89 : vector<256x128xi32>
    %bitcast_convert_type3A_4651 = tpu.bitcast %or3A_4650 : vector<256x128xi32> -> vector<256x128xf32>
    %reshape3A_4652 = vector.shape_cast %bitcast_convert_type3A_4651 : vector<256x128xf32> to vector<16x16x128xf32>
    %reduce_min3A_4653 = arith.constant dense<0x7F800000> : vector<16x128xf32>
    %reduce_min3A_4654 = vector.multi_reduction <minimumf>, %reshape3A_4652, %reduce_min3A_4653 [0] : vector<16x16x128xf32> to vector<16x128xf32>
    %min3A_4655 = arith.minimumf %min3A_3957, %reduce_min3A_4654 : vector<16x128xf32>
    %get3A_4656 = arith.constant 0 : index
    %get3A_4657 = arith.constant 0 : index
    %get3A_4658 = arith.constant 1024 : index
    %get3A_4659 = vector.load %arg2[%get3A_4656, %get3A_4657, %get3A_4658] : memref<1x3x2048xf32, #tpu.memory_space<vmem>>, vector<1x1x128xf32>
    %get3A_4660 = vector.shape_cast %get3A_4659 : vector<1x1x128xf32> to vector<1x128xf32>
    %get3A_4661 = arith.constant 0 : index
    %get3A_4662 = arith.constant 1 : index
    %get3A_4663 = arith.constant 1024 : index
    %get3A_4664 = vector.load %arg2[%get3A_4661, %get3A_4662, %get3A_4663] : memref<1x3x2048xf32, #tpu.memory_space<vmem>>, vector<1x1x128xf32>
    %get3A_4665 = vector.shape_cast %get3A_4664 : vector<1x1x128xf32> to vector<1x128xf32>
    %get3A_4666 = arith.constant 0 : index
    %get3A_4667 = arith.constant 2 : index
    %get3A_4668 = arith.constant 1024 : index
    %get3A_4669 = vector.load %arg2[%get3A_4666, %get3A_4667, %get3A_4668] : memref<1x3x2048xf32, #tpu.memory_space<vmem>>, vector<1x1x128xf32>
    %get3A_4670 = vector.shape_cast %get3A_4669 : vector<1x1x128xf32> to vector<1x128xf32>
    %sub3A_4671 = vector.broadcast %get3A_4307 : vector<256x1xf32> to vector<256x128xf32>
    %sub3A_4672 = vector.broadcast %get3A_4660 : vector<1x128xf32> to vector<256x128xf32>
    %sub3A_4673 = arith.subf %sub3A_4671, %sub3A_4672 : vector<256x128xf32>
    %sub3A_4674 = vector.broadcast %get3A_4312 : vector<256x1xf32> to vector<256x128xf32>
    %sub3A_4675 = vector.broadcast %get3A_4665 : vector<1x128xf32> to vector<256x128xf32>
    %sub3A_4676 = arith.subf %sub3A_4674, %sub3A_4675 : vector<256x128xf32>
    %sub3A_4677 = vector.broadcast %get3A_4317 : vector<256x1xf32> to vector<256x128xf32>
    %sub3A_4678 = vector.broadcast %get3A_4670 : vector<1x128xf32> to vector<256x128xf32>
    %sub3A_4679 = arith.subf %sub3A_4677, %sub3A_4678 : vector<256x128xf32>
    %mul3A_4680 = arith.mulf %sub3A_4673, %sub3A_4673 : vector<256x128xf32>
    %mul3A_4681 = arith.mulf %sub3A_4676, %sub3A_4676 : vector<256x128xf32>
    %add3A_4682 = arith.addf %mul3A_4680, %mul3A_4681 : vector<256x128xf32>
    %mul3A_4683 = arith.mulf %sub3A_4679, %sub3A_4679 : vector<256x128xf32>
    %add3A_4684 = arith.addf %add3A_4682, %mul3A_4683 : vector<256x128xf32>
    %bitcast_convert_type3A_4685 = tpu.bitcast %add3A_4684 : vector<256x128xf32> -> vector<256x128xi32>
    %and3A_4686 = arith.constant -2048 : i32
    %and3A_4687 = vector.broadcast %and3A_4686 : i32 to vector<256x128xi32>
    %and3A_4688 = arith.andi %bitcast_convert_type3A_4685, %and3A_4687 : vector<256x128xi32>
    %or3A_4689 = arith.ori %and3A_4688, %add3A_33 : vector<256x128xi32>
    %bitcast_convert_type3A_4690 = tpu.bitcast %or3A_4689 : vector<256x128xi32> -> vector<256x128xf32>
    %min3A_4691 = arith.minimumf %min3A_4649, %bitcast_convert_type3A_4690 : vector<256x128xf32>
    %or3A_4692 = arith.ori %and3A_4688, %add3A_89 : vector<256x128xi32>
    %bitcast_convert_type3A_4693 = tpu.bitcast %or3A_4692 : vector<256x128xi32> -> vector<256x128xf32>
    %reshape3A_4694 = vector.shape_cast %bitcast_convert_type3A_4693 : vector<256x128xf32> to vector<16x16x128xf32>
    %reduce_min3A_4695 = arith.constant dense<0x7F800000> : vector<16x128xf32>
    %reduce_min3A_4696 = vector.multi_reduction <minimumf>, %reshape3A_4694, %reduce_min3A_4695 [0] : vector<16x16x128xf32> to vector<16x128xf32>
    %min3A_4697 = arith.minimumf %min3A_3999, %reduce_min3A_4696 : vector<16x128xf32>
    %get3A_4698 = arith.constant 0 : index
    %get3A_4699 = arith.constant 0 : index
    %get3A_4700 = arith.constant 1152 : index
    %get3A_4701 = vector.load %arg2[%get3A_4698, %get3A_4699, %get3A_4700] : memref<1x3x2048xf32, #tpu.memory_space<vmem>>, vector<1x1x128xf32>
    %get3A_4702 = vector.shape_cast %get3A_4701 : vector<1x1x128xf32> to vector<1x128xf32>
    %get3A_4703 = arith.constant 0 : index
    %get3A_4704 = arith.constant 1 : index
    %get3A_4705 = arith.constant 1152 : index
    %get3A_4706 = vector.load %arg2[%get3A_4703, %get3A_4704, %get3A_4705] : memref<1x3x2048xf32, #tpu.memory_space<vmem>>, vector<1x1x128xf32>
    %get3A_4707 = vector.shape_cast %get3A_4706 : vector<1x1x128xf32> to vector<1x128xf32>
    %get3A_4708 = arith.constant 0 : index
    %get3A_4709 = arith.constant 2 : index
    %get3A_4710 = arith.constant 1152 : index
    %get3A_4711 = vector.load %arg2[%get3A_4708, %get3A_4709, %get3A_4710] : memref<1x3x2048xf32, #tpu.memory_space<vmem>>, vector<1x1x128xf32>
    %get3A_4712 = vector.shape_cast %get3A_4711 : vector<1x1x128xf32> to vector<1x128xf32>
    %sub3A_4713 = vector.broadcast %get3A_4307 : vector<256x1xf32> to vector<256x128xf32>
    %sub3A_4714 = vector.broadcast %get3A_4702 : vector<1x128xf32> to vector<256x128xf32>
    %sub3A_4715 = arith.subf %sub3A_4713, %sub3A_4714 : vector<256x128xf32>
    %sub3A_4716 = vector.broadcast %get3A_4312 : vector<256x1xf32> to vector<256x128xf32>
    %sub3A_4717 = vector.broadcast %get3A_4707 : vector<1x128xf32> to vector<256x128xf32>
    %sub3A_4718 = arith.subf %sub3A_4716, %sub3A_4717 : vector<256x128xf32>
    %sub3A_4719 = vector.broadcast %get3A_4317 : vector<256x1xf32> to vector<256x128xf32>
    %sub3A_4720 = vector.broadcast %get3A_4712 : vector<1x128xf32> to vector<256x128xf32>
    %sub3A_4721 = arith.subf %sub3A_4719, %sub3A_4720 : vector<256x128xf32>
    %mul3A_4722 = arith.mulf %sub3A_4715, %sub3A_4715 : vector<256x128xf32>
    %mul3A_4723 = arith.mulf %sub3A_4718, %sub3A_4718 : vector<256x128xf32>
    %add3A_4724 = arith.addf %mul3A_4722, %mul3A_4723 : vector<256x128xf32>
    %mul3A_4725 = arith.mulf %sub3A_4721, %sub3A_4721 : vector<256x128xf32>
    %add3A_4726 = arith.addf %add3A_4724, %mul3A_4725 : vector<256x128xf32>
    %bitcast_convert_type3A_4727 = tpu.bitcast %add3A_4726 : vector<256x128xf32> -> vector<256x128xi32>
    %and3A_4728 = arith.constant -2048 : i32
    %and3A_4729 = vector.broadcast %and3A_4728 : i32 to vector<256x128xi32>
    %and3A_4730 = arith.andi %bitcast_convert_type3A_4727, %and3A_4729 : vector<256x128xi32>
    %or3A_4731 = arith.ori %and3A_4730, %add3A_37 : vector<256x128xi32>
    %bitcast_convert_type3A_4732 = tpu.bitcast %or3A_4731 : vector<256x128xi32> -> vector<256x128xf32>
    %min3A_4733 = arith.minimumf %min3A_4691, %bitcast_convert_type3A_4732 : vector<256x128xf32>
    %or3A_4734 = arith.ori %and3A_4730, %add3A_89 : vector<256x128xi32>
    %bitcast_convert_type3A_4735 = tpu.bitcast %or3A_4734 : vector<256x128xi32> -> vector<256x128xf32>
    %reshape3A_4736 = vector.shape_cast %bitcast_convert_type3A_4735 : vector<256x128xf32> to vector<16x16x128xf32>
    %reduce_min3A_4737 = arith.constant dense<0x7F800000> : vector<16x128xf32>
    %reduce_min3A_4738 = vector.multi_reduction <minimumf>, %reshape3A_4736, %reduce_min3A_4737 [0] : vector<16x16x128xf32> to vector<16x128xf32>
    %min3A_4739 = arith.minimumf %min3A_4041, %reduce_min3A_4738 : vector<16x128xf32>
    %get3A_4740 = arith.constant 0 : index
    %get3A_4741 = arith.constant 0 : index
    %get3A_4742 = arith.constant 1280 : index
    %get3A_4743 = vector.load %arg2[%get3A_4740, %get3A_4741, %get3A_4742] : memref<1x3x2048xf32, #tpu.memory_space<vmem>>, vector<1x1x128xf32>
    %get3A_4744 = vector.shape_cast %get3A_4743 : vector<1x1x128xf32> to vector<1x128xf32>
    %get3A_4745 = arith.constant 0 : index
    %get3A_4746 = arith.constant 1 : index
    %get3A_4747 = arith.constant 1280 : index
    %get3A_4748 = vector.load %arg2[%get3A_4745, %get3A_4746, %get3A_4747] : memref<1x3x2048xf32, #tpu.memory_space<vmem>>, vector<1x1x128xf32>
    %get3A_4749 = vector.shape_cast %get3A_4748 : vector<1x1x128xf32> to vector<1x128xf32>
    %get3A_4750 = arith.constant 0 : index
    %get3A_4751 = arith.constant 2 : index
    %get3A_4752 = arith.constant 1280 : index
    %get3A_4753 = vector.load %arg2[%get3A_4750, %get3A_4751, %get3A_4752] : memref<1x3x2048xf32, #tpu.memory_space<vmem>>, vector<1x1x128xf32>
    %get3A_4754 = vector.shape_cast %get3A_4753 : vector<1x1x128xf32> to vector<1x128xf32>
    %sub3A_4755 = vector.broadcast %get3A_4307 : vector<256x1xf32> to vector<256x128xf32>
    %sub3A_4756 = vector.broadcast %get3A_4744 : vector<1x128xf32> to vector<256x128xf32>
    %sub3A_4757 = arith.subf %sub3A_4755, %sub3A_4756 : vector<256x128xf32>
    %sub3A_4758 = vector.broadcast %get3A_4312 : vector<256x1xf32> to vector<256x128xf32>
    %sub3A_4759 = vector.broadcast %get3A_4749 : vector<1x128xf32> to vector<256x128xf32>
    %sub3A_4760 = arith.subf %sub3A_4758, %sub3A_4759 : vector<256x128xf32>
    %sub3A_4761 = vector.broadcast %get3A_4317 : vector<256x1xf32> to vector<256x128xf32>
    %sub3A_4762 = vector.broadcast %get3A_4754 : vector<1x128xf32> to vector<256x128xf32>
    %sub3A_4763 = arith.subf %sub3A_4761, %sub3A_4762 : vector<256x128xf32>
    %mul3A_4764 = arith.mulf %sub3A_4757, %sub3A_4757 : vector<256x128xf32>
    %mul3A_4765 = arith.mulf %sub3A_4760, %sub3A_4760 : vector<256x128xf32>
    %add3A_4766 = arith.addf %mul3A_4764, %mul3A_4765 : vector<256x128xf32>
    %mul3A_4767 = arith.mulf %sub3A_4763, %sub3A_4763 : vector<256x128xf32>
    %add3A_4768 = arith.addf %add3A_4766, %mul3A_4767 : vector<256x128xf32>
    %bitcast_convert_type3A_4769 = tpu.bitcast %add3A_4768 : vector<256x128xf32> -> vector<256x128xi32>
    %and3A_4770 = arith.constant -2048 : i32
    %and3A_4771 = vector.broadcast %and3A_4770 : i32 to vector<256x128xi32>
    %and3A_4772 = arith.andi %bitcast_convert_type3A_4769, %and3A_4771 : vector<256x128xi32>
    %or3A_4773 = arith.ori %and3A_4772, %add3A_41 : vector<256x128xi32>
    %bitcast_convert_type3A_4774 = tpu.bitcast %or3A_4773 : vector<256x128xi32> -> vector<256x128xf32>
    %min3A_4775 = arith.minimumf %min3A_4733, %bitcast_convert_type3A_4774 : vector<256x128xf32>
    %or3A_4776 = arith.ori %and3A_4772, %add3A_89 : vector<256x128xi32>
    %bitcast_convert_type3A_4777 = tpu.bitcast %or3A_4776 : vector<256x128xi32> -> vector<256x128xf32>
    %reshape3A_4778 = vector.shape_cast %bitcast_convert_type3A_4777 : vector<256x128xf32> to vector<16x16x128xf32>
    %reduce_min3A_4779 = arith.constant dense<0x7F800000> : vector<16x128xf32>
    %reduce_min3A_4780 = vector.multi_reduction <minimumf>, %reshape3A_4778, %reduce_min3A_4779 [0] : vector<16x16x128xf32> to vector<16x128xf32>
    %min3A_4781 = arith.minimumf %min3A_4083, %reduce_min3A_4780 : vector<16x128xf32>
    %get3A_4782 = arith.constant 0 : index
    %get3A_4783 = arith.constant 0 : index
    %get3A_4784 = arith.constant 1408 : index
    %get3A_4785 = vector.load %arg2[%get3A_4782, %get3A_4783, %get3A_4784] : memref<1x3x2048xf32, #tpu.memory_space<vmem>>, vector<1x1x128xf32>
    %get3A_4786 = vector.shape_cast %get3A_4785 : vector<1x1x128xf32> to vector<1x128xf32>
    %get3A_4787 = arith.constant 0 : index
    %get3A_4788 = arith.constant 1 : index
    %get3A_4789 = arith.constant 1408 : index
    %get3A_4790 = vector.load %arg2[%get3A_4787, %get3A_4788, %get3A_4789] : memref<1x3x2048xf32, #tpu.memory_space<vmem>>, vector<1x1x128xf32>
    %get3A_4791 = vector.shape_cast %get3A_4790 : vector<1x1x128xf32> to vector<1x128xf32>
    %get3A_4792 = arith.constant 0 : index
    %get3A_4793 = arith.constant 2 : index
    %get3A_4794 = arith.constant 1408 : index
    %get3A_4795 = vector.load %arg2[%get3A_4792, %get3A_4793, %get3A_4794] : memref<1x3x2048xf32, #tpu.memory_space<vmem>>, vector<1x1x128xf32>
    %get3A_4796 = vector.shape_cast %get3A_4795 : vector<1x1x128xf32> to vector<1x128xf32>
    %sub3A_4797 = vector.broadcast %get3A_4307 : vector<256x1xf32> to vector<256x128xf32>
    %sub3A_4798 = vector.broadcast %get3A_4786 : vector<1x128xf32> to vector<256x128xf32>
    %sub3A_4799 = arith.subf %sub3A_4797, %sub3A_4798 : vector<256x128xf32>
    %sub3A_4800 = vector.broadcast %get3A_4312 : vector<256x1xf32> to vector<256x128xf32>
    %sub3A_4801 = vector.broadcast %get3A_4791 : vector<1x128xf32> to vector<256x128xf32>
    %sub3A_4802 = arith.subf %sub3A_4800, %sub3A_4801 : vector<256x128xf32>
    %sub3A_4803 = vector.broadcast %get3A_4317 : vector<256x1xf32> to vector<256x128xf32>
    %sub3A_4804 = vector.broadcast %get3A_4796 : vector<1x128xf32> to vector<256x128xf32>
    %sub3A_4805 = arith.subf %sub3A_4803, %sub3A_4804 : vector<256x128xf32>
    %mul3A_4806 = arith.mulf %sub3A_4799, %sub3A_4799 : vector<256x128xf32>
    %mul3A_4807 = arith.mulf %sub3A_4802, %sub3A_4802 : vector<256x128xf32>
    %add3A_4808 = arith.addf %mul3A_4806, %mul3A_4807 : vector<256x128xf32>
    %mul3A_4809 = arith.mulf %sub3A_4805, %sub3A_4805 : vector<256x128xf32>
    %add3A_4810 = arith.addf %add3A_4808, %mul3A_4809 : vector<256x128xf32>
    %bitcast_convert_type3A_4811 = tpu.bitcast %add3A_4810 : vector<256x128xf32> -> vector<256x128xi32>
    %and3A_4812 = arith.constant -2048 : i32
    %and3A_4813 = vector.broadcast %and3A_4812 : i32 to vector<256x128xi32>
    %and3A_4814 = arith.andi %bitcast_convert_type3A_4811, %and3A_4813 : vector<256x128xi32>
    %or3A_4815 = arith.ori %and3A_4814, %add3A_45 : vector<256x128xi32>
    %bitcast_convert_type3A_4816 = tpu.bitcast %or3A_4815 : vector<256x128xi32> -> vector<256x128xf32>
    %min3A_4817 = arith.minimumf %min3A_4775, %bitcast_convert_type3A_4816 : vector<256x128xf32>
    %or3A_4818 = arith.ori %and3A_4814, %add3A_89 : vector<256x128xi32>
    %bitcast_convert_type3A_4819 = tpu.bitcast %or3A_4818 : vector<256x128xi32> -> vector<256x128xf32>
    %reshape3A_4820 = vector.shape_cast %bitcast_convert_type3A_4819 : vector<256x128xf32> to vector<16x16x128xf32>
    %reduce_min3A_4821 = arith.constant dense<0x7F800000> : vector<16x128xf32>
    %reduce_min3A_4822 = vector.multi_reduction <minimumf>, %reshape3A_4820, %reduce_min3A_4821 [0] : vector<16x16x128xf32> to vector<16x128xf32>
    %min3A_4823 = arith.minimumf %min3A_4125, %reduce_min3A_4822 : vector<16x128xf32>
    %get3A_4824 = arith.constant 0 : index
    %get3A_4825 = arith.constant 0 : index
    %get3A_4826 = arith.constant 1536 : index
    %get3A_4827 = vector.load %arg2[%get3A_4824, %get3A_4825, %get3A_4826] : memref<1x3x2048xf32, #tpu.memory_space<vmem>>, vector<1x1x128xf32>
    %get3A_4828 = vector.shape_cast %get3A_4827 : vector<1x1x128xf32> to vector<1x128xf32>
    %get3A_4829 = arith.constant 0 : index
    %get3A_4830 = arith.constant 1 : index
    %get3A_4831 = arith.constant 1536 : index
    %get3A_4832 = vector.load %arg2[%get3A_4829, %get3A_4830, %get3A_4831] : memref<1x3x2048xf32, #tpu.memory_space<vmem>>, vector<1x1x128xf32>
    %get3A_4833 = vector.shape_cast %get3A_4832 : vector<1x1x128xf32> to vector<1x128xf32>
    %get3A_4834 = arith.constant 0 : index
    %get3A_4835 = arith.constant 2 : index
    %get3A_4836 = arith.constant 1536 : index
    %get3A_4837 = vector.load %arg2[%get3A_4834, %get3A_4835, %get3A_4836] : memref<1x3x2048xf32, #tpu.memory_space<vmem>>, vector<1x1x128xf32>
    %get3A_4838 = vector.shape_cast %get3A_4837 : vector<1x1x128xf32> to vector<1x128xf32>
    %sub3A_4839 = vector.broadcast %get3A_4307 : vector<256x1xf32> to vector<256x128xf32>
    %sub3A_4840 = vector.broadcast %get3A_4828 : vector<1x128xf32> to vector<256x128xf32>
    %sub3A_4841 = arith.subf %sub3A_4839, %sub3A_4840 : vector<256x128xf32>
    %sub3A_4842 = vector.broadcast %get3A_4312 : vector<256x1xf32> to vector<256x128xf32>
    %sub3A_4843 = vector.broadcast %get3A_4833 : vector<1x128xf32> to vector<256x128xf32>
    %sub3A_4844 = arith.subf %sub3A_4842, %sub3A_4843 : vector<256x128xf32>
    %sub3A_4845 = vector.broadcast %get3A_4317 : vector<256x1xf32> to vector<256x128xf32>
    %sub3A_4846 = vector.broadcast %get3A_4838 : vector<1x128xf32> to vector<256x128xf32>
    %sub3A_4847 = arith.subf %sub3A_4845, %sub3A_4846 : vector<256x128xf32>
    %mul3A_4848 = arith.mulf %sub3A_4841, %sub3A_4841 : vector<256x128xf32>
    %mul3A_4849 = arith.mulf %sub3A_4844, %sub3A_4844 : vector<256x128xf32>
    %add3A_4850 = arith.addf %mul3A_4848, %mul3A_4849 : vector<256x128xf32>
    %mul3A_4851 = arith.mulf %sub3A_4847, %sub3A_4847 : vector<256x128xf32>
    %add3A_4852 = arith.addf %add3A_4850, %mul3A_4851 : vector<256x128xf32>
    %bitcast_convert_type3A_4853 = tpu.bitcast %add3A_4852 : vector<256x128xf32> -> vector<256x128xi32>
    %and3A_4854 = arith.constant -2048 : i32
    %and3A_4855 = vector.broadcast %and3A_4854 : i32 to vector<256x128xi32>
    %and3A_4856 = arith.andi %bitcast_convert_type3A_4853, %and3A_4855 : vector<256x128xi32>
    %or3A_4857 = arith.ori %and3A_4856, %add3A_49 : vector<256x128xi32>
    %bitcast_convert_type3A_4858 = tpu.bitcast %or3A_4857 : vector<256x128xi32> -> vector<256x128xf32>
    %min3A_4859 = arith.minimumf %min3A_4817, %bitcast_convert_type3A_4858 : vector<256x128xf32>
    %or3A_4860 = arith.ori %and3A_4856, %add3A_89 : vector<256x128xi32>
    %bitcast_convert_type3A_4861 = tpu.bitcast %or3A_4860 : vector<256x128xi32> -> vector<256x128xf32>
    %reshape3A_4862 = vector.shape_cast %bitcast_convert_type3A_4861 : vector<256x128xf32> to vector<16x16x128xf32>
    %reduce_min3A_4863 = arith.constant dense<0x7F800000> : vector<16x128xf32>
    %reduce_min3A_4864 = vector.multi_reduction <minimumf>, %reshape3A_4862, %reduce_min3A_4863 [0] : vector<16x16x128xf32> to vector<16x128xf32>
    %min3A_4865 = arith.minimumf %min3A_4167, %reduce_min3A_4864 : vector<16x128xf32>
    %get3A_4866 = arith.constant 0 : index
    %get3A_4867 = arith.constant 0 : index
    %get3A_4868 = arith.constant 1664 : index
    %get3A_4869 = vector.load %arg2[%get3A_4866, %get3A_4867, %get3A_4868] : memref<1x3x2048xf32, #tpu.memory_space<vmem>>, vector<1x1x128xf32>
    %get3A_4870 = vector.shape_cast %get3A_4869 : vector<1x1x128xf32> to vector<1x128xf32>
    %get3A_4871 = arith.constant 0 : index
    %get3A_4872 = arith.constant 1 : index
    %get3A_4873 = arith.constant 1664 : index
    %get3A_4874 = vector.load %arg2[%get3A_4871, %get3A_4872, %get3A_4873] : memref<1x3x2048xf32, #tpu.memory_space<vmem>>, vector<1x1x128xf32>
    %get3A_4875 = vector.shape_cast %get3A_4874 : vector<1x1x128xf32> to vector<1x128xf32>
    %get3A_4876 = arith.constant 0 : index
    %get3A_4877 = arith.constant 2 : index
    %get3A_4878 = arith.constant 1664 : index
    %get3A_4879 = vector.load %arg2[%get3A_4876, %get3A_4877, %get3A_4878] : memref<1x3x2048xf32, #tpu.memory_space<vmem>>, vector<1x1x128xf32>
    %get3A_4880 = vector.shape_cast %get3A_4879 : vector<1x1x128xf32> to vector<1x128xf32>
    %sub3A_4881 = vector.broadcast %get3A_4307 : vector<256x1xf32> to vector<256x128xf32>
    %sub3A_4882 = vector.broadcast %get3A_4870 : vector<1x128xf32> to vector<256x128xf32>
    %sub3A_4883 = arith.subf %sub3A_4881, %sub3A_4882 : vector<256x128xf32>
    %sub3A_4884 = vector.broadcast %get3A_4312 : vector<256x1xf32> to vector<256x128xf32>
    %sub3A_4885 = vector.broadcast %get3A_4875 : vector<1x128xf32> to vector<256x128xf32>
    %sub3A_4886 = arith.subf %sub3A_4884, %sub3A_4885 : vector<256x128xf32>
    %sub3A_4887 = vector.broadcast %get3A_4317 : vector<256x1xf32> to vector<256x128xf32>
    %sub3A_4888 = vector.broadcast %get3A_4880 : vector<1x128xf32> to vector<256x128xf32>
    %sub3A_4889 = arith.subf %sub3A_4887, %sub3A_4888 : vector<256x128xf32>
    %mul3A_4890 = arith.mulf %sub3A_4883, %sub3A_4883 : vector<256x128xf32>
    %mul3A_4891 = arith.mulf %sub3A_4886, %sub3A_4886 : vector<256x128xf32>
    %add3A_4892 = arith.addf %mul3A_4890, %mul3A_4891 : vector<256x128xf32>
    %mul3A_4893 = arith.mulf %sub3A_4889, %sub3A_4889 : vector<256x128xf32>
    %add3A_4894 = arith.addf %add3A_4892, %mul3A_4893 : vector<256x128xf32>
    %bitcast_convert_type3A_4895 = tpu.bitcast %add3A_4894 : vector<256x128xf32> -> vector<256x128xi32>
    %and3A_4896 = arith.constant -2048 : i32
    %and3A_4897 = vector.broadcast %and3A_4896 : i32 to vector<256x128xi32>
    %and3A_4898 = arith.andi %bitcast_convert_type3A_4895, %and3A_4897 : vector<256x128xi32>
    %or3A_4899 = arith.ori %and3A_4898, %add3A_53 : vector<256x128xi32>
    %bitcast_convert_type3A_4900 = tpu.bitcast %or3A_4899 : vector<256x128xi32> -> vector<256x128xf32>
    %min3A_4901 = arith.minimumf %min3A_4859, %bitcast_convert_type3A_4900 : vector<256x128xf32>
    %or3A_4902 = arith.ori %and3A_4898, %add3A_89 : vector<256x128xi32>
    %bitcast_convert_type3A_4903 = tpu.bitcast %or3A_4902 : vector<256x128xi32> -> vector<256x128xf32>
    %reshape3A_4904 = vector.shape_cast %bitcast_convert_type3A_4903 : vector<256x128xf32> to vector<16x16x128xf32>
    %reduce_min3A_4905 = arith.constant dense<0x7F800000> : vector<16x128xf32>
    %reduce_min3A_4906 = vector.multi_reduction <minimumf>, %reshape3A_4904, %reduce_min3A_4905 [0] : vector<16x16x128xf32> to vector<16x128xf32>
    %min3A_4907 = arith.minimumf %min3A_4209, %reduce_min3A_4906 : vector<16x128xf32>
    %get3A_4908 = arith.constant 0 : index
    %get3A_4909 = arith.constant 0 : index
    %get3A_4910 = arith.constant 1792 : index
    %get3A_4911 = vector.load %arg2[%get3A_4908, %get3A_4909, %get3A_4910] : memref<1x3x2048xf32, #tpu.memory_space<vmem>>, vector<1x1x128xf32>
    %get3A_4912 = vector.shape_cast %get3A_4911 : vector<1x1x128xf32> to vector<1x128xf32>
    %get3A_4913 = arith.constant 0 : index
    %get3A_4914 = arith.constant 1 : index
    %get3A_4915 = arith.constant 1792 : index
    %get3A_4916 = vector.load %arg2[%get3A_4913, %get3A_4914, %get3A_4915] : memref<1x3x2048xf32, #tpu.memory_space<vmem>>, vector<1x1x128xf32>
    %get3A_4917 = vector.shape_cast %get3A_4916 : vector<1x1x128xf32> to vector<1x128xf32>
    %get3A_4918 = arith.constant 0 : index
    %get3A_4919 = arith.constant 2 : index
    %get3A_4920 = arith.constant 1792 : index
    %get3A_4921 = vector.load %arg2[%get3A_4918, %get3A_4919, %get3A_4920] : memref<1x3x2048xf32, #tpu.memory_space<vmem>>, vector<1x1x128xf32>
    %get3A_4922 = vector.shape_cast %get3A_4921 : vector<1x1x128xf32> to vector<1x128xf32>
    %sub3A_4923 = vector.broadcast %get3A_4307 : vector<256x1xf32> to vector<256x128xf32>
    %sub3A_4924 = vector.broadcast %get3A_4912 : vector<1x128xf32> to vector<256x128xf32>
    %sub3A_4925 = arith.subf %sub3A_4923, %sub3A_4924 : vector<256x128xf32>
    %sub3A_4926 = vector.broadcast %get3A_4312 : vector<256x1xf32> to vector<256x128xf32>
    %sub3A_4927 = vector.broadcast %get3A_4917 : vector<1x128xf32> to vector<256x128xf32>
    %sub3A_4928 = arith.subf %sub3A_4926, %sub3A_4927 : vector<256x128xf32>
    %sub3A_4929 = vector.broadcast %get3A_4317 : vector<256x1xf32> to vector<256x128xf32>
    %sub3A_4930 = vector.broadcast %get3A_4922 : vector<1x128xf32> to vector<256x128xf32>
    %sub3A_4931 = arith.subf %sub3A_4929, %sub3A_4930 : vector<256x128xf32>
    %mul3A_4932 = arith.mulf %sub3A_4925, %sub3A_4925 : vector<256x128xf32>
    %mul3A_4933 = arith.mulf %sub3A_4928, %sub3A_4928 : vector<256x128xf32>
    %add3A_4934 = arith.addf %mul3A_4932, %mul3A_4933 : vector<256x128xf32>
    %mul3A_4935 = arith.mulf %sub3A_4931, %sub3A_4931 : vector<256x128xf32>
    %add3A_4936 = arith.addf %add3A_4934, %mul3A_4935 : vector<256x128xf32>
    %bitcast_convert_type3A_4937 = tpu.bitcast %add3A_4936 : vector<256x128xf32> -> vector<256x128xi32>
    %and3A_4938 = arith.constant -2048 : i32
    %and3A_4939 = vector.broadcast %and3A_4938 : i32 to vector<256x128xi32>
    %and3A_4940 = arith.andi %bitcast_convert_type3A_4937, %and3A_4939 : vector<256x128xi32>
    %or3A_4941 = arith.ori %and3A_4940, %add3A_57 : vector<256x128xi32>
    %bitcast_convert_type3A_4942 = tpu.bitcast %or3A_4941 : vector<256x128xi32> -> vector<256x128xf32>
    %min3A_4943 = arith.minimumf %min3A_4901, %bitcast_convert_type3A_4942 : vector<256x128xf32>
    %or3A_4944 = arith.ori %and3A_4940, %add3A_89 : vector<256x128xi32>
    %bitcast_convert_type3A_4945 = tpu.bitcast %or3A_4944 : vector<256x128xi32> -> vector<256x128xf32>
    %reshape3A_4946 = vector.shape_cast %bitcast_convert_type3A_4945 : vector<256x128xf32> to vector<16x16x128xf32>
    %reduce_min3A_4947 = arith.constant dense<0x7F800000> : vector<16x128xf32>
    %reduce_min3A_4948 = vector.multi_reduction <minimumf>, %reshape3A_4946, %reduce_min3A_4947 [0] : vector<16x16x128xf32> to vector<16x128xf32>
    %min3A_4949 = arith.minimumf %min3A_4251, %reduce_min3A_4948 : vector<16x128xf32>
    %get3A_4950 = arith.constant 0 : index
    %get3A_4951 = arith.constant 0 : index
    %get3A_4952 = arith.constant 1920 : index
    %get3A_4953 = vector.load %arg2[%get3A_4950, %get3A_4951, %get3A_4952] : memref<1x3x2048xf32, #tpu.memory_space<vmem>>, vector<1x1x128xf32>
    %get3A_4954 = vector.shape_cast %get3A_4953 : vector<1x1x128xf32> to vector<1x128xf32>
    %get3A_4955 = arith.constant 0 : index
    %get3A_4956 = arith.constant 1 : index
    %get3A_4957 = arith.constant 1920 : index
    %get3A_4958 = vector.load %arg2[%get3A_4955, %get3A_4956, %get3A_4957] : memref<1x3x2048xf32, #tpu.memory_space<vmem>>, vector<1x1x128xf32>
    %get3A_4959 = vector.shape_cast %get3A_4958 : vector<1x1x128xf32> to vector<1x128xf32>
    %get3A_4960 = arith.constant 0 : index
    %get3A_4961 = arith.constant 2 : index
    %get3A_4962 = arith.constant 1920 : index
    %get3A_4963 = vector.load %arg2[%get3A_4960, %get3A_4961, %get3A_4962] : memref<1x3x2048xf32, #tpu.memory_space<vmem>>, vector<1x1x128xf32>
    %get3A_4964 = vector.shape_cast %get3A_4963 : vector<1x1x128xf32> to vector<1x128xf32>
    %sub3A_4965 = vector.broadcast %get3A_4307 : vector<256x1xf32> to vector<256x128xf32>
    %sub3A_4966 = vector.broadcast %get3A_4954 : vector<1x128xf32> to vector<256x128xf32>
    %sub3A_4967 = arith.subf %sub3A_4965, %sub3A_4966 : vector<256x128xf32>
    %sub3A_4968 = vector.broadcast %get3A_4312 : vector<256x1xf32> to vector<256x128xf32>
    %sub3A_4969 = vector.broadcast %get3A_4959 : vector<1x128xf32> to vector<256x128xf32>
    %sub3A_4970 = arith.subf %sub3A_4968, %sub3A_4969 : vector<256x128xf32>
    %sub3A_4971 = vector.broadcast %get3A_4317 : vector<256x1xf32> to vector<256x128xf32>
    %sub3A_4972 = vector.broadcast %get3A_4964 : vector<1x128xf32> to vector<256x128xf32>
    %sub3A_4973 = arith.subf %sub3A_4971, %sub3A_4972 : vector<256x128xf32>
    %mul3A_4974 = arith.mulf %sub3A_4967, %sub3A_4967 : vector<256x128xf32>
    %mul3A_4975 = arith.mulf %sub3A_4970, %sub3A_4970 : vector<256x128xf32>
    %add3A_4976 = arith.addf %mul3A_4974, %mul3A_4975 : vector<256x128xf32>
    %mul3A_4977 = arith.mulf %sub3A_4973, %sub3A_4973 : vector<256x128xf32>
    %add3A_4978 = arith.addf %add3A_4976, %mul3A_4977 : vector<256x128xf32>
    %bitcast_convert_type3A_4979 = tpu.bitcast %add3A_4978 : vector<256x128xf32> -> vector<256x128xi32>
    %and3A_4980 = arith.constant -2048 : i32
    %and3A_4981 = vector.broadcast %and3A_4980 : i32 to vector<256x128xi32>
    %and3A_4982 = arith.andi %bitcast_convert_type3A_4979, %and3A_4981 : vector<256x128xi32>
    %or3A_4983 = arith.ori %and3A_4982, %add3A_61 : vector<256x128xi32>
    %bitcast_convert_type3A_4984 = tpu.bitcast %or3A_4983 : vector<256x128xi32> -> vector<256x128xf32>
    %min3A_4985 = arith.minimumf %min3A_4943, %bitcast_convert_type3A_4984 : vector<256x128xf32>
    %or3A_4986 = arith.ori %and3A_4982, %add3A_89 : vector<256x128xi32>
    %bitcast_convert_type3A_4987 = tpu.bitcast %or3A_4986 : vector<256x128xi32> -> vector<256x128xf32>
    %reshape3A_4988 = vector.shape_cast %bitcast_convert_type3A_4987 : vector<256x128xf32> to vector<16x16x128xf32>
    %reduce_min3A_4989 = arith.constant dense<0x7F800000> : vector<16x128xf32>
    %reduce_min3A_4990 = vector.multi_reduction <minimumf>, %reshape3A_4988, %reduce_min3A_4989 [0] : vector<16x16x128xf32> to vector<16x128xf32>
    %min3A_4991 = arith.minimumf %min3A_4293, %reduce_min3A_4990 : vector<16x128xf32>
    %reduce_min3A_4992 = arith.constant dense<0x7F800000> : vector<256xf32>
    %reduce_min3A_4993 = vector.multi_reduction <minimumf>, %min3A_4985, %reduce_min3A_4992 [1] : vector<256x128xf32> to vector<256xf32>
    %broadcast_in_dim3A_4994 = vector.shape_cast %reduce_min3A_4993 : vector<256xf32> to vector<256x1xf32>
    %swap3A_4995 = arith.constant 0 : index
    %swap3A_4996 = arith.constant 1536 : index
    %swap3A_4997 = arith.constant 0 : index
    %swap3A_4998 = vector.load %arg3[%swap3A_4995, %swap3A_4996, %swap3A_4997] : memref<1x2048x1xf32, #tpu.memory_space<vmem>>, vector<1x256x1xf32>
    %swap3A_4999 = vector.shape_cast %swap3A_4998 : vector<1x256x1xf32> to vector<256x1xf32>
    %swap3A_5000 = vector.shape_cast %broadcast_in_dim3A_4994 : vector<256x1xf32> to vector<1x256x1xf32>
    tpu.vector_store %arg3[%swap3A_4995, %swap3A_4996, %swap3A_4997], %swap3A_5000 {strides = array<i32>} : memref<1x2048x1xf32, #tpu.memory_space<vmem>>, vector<1x256x1xf32>,
    %get3A_5001 = arith.constant 0 : index
    %get3A_5002 = arith.constant 1792 : index
    %get3A_5003 = arith.constant 0 : index
    %get3A_5004 = vector.load %arg1[%get3A_5001, %get3A_5002, %get3A_5003] : memref<1x2048x3xf32, #tpu.memory_space<vmem>>, vector<1x256x1xf32>
    %get3A_5005 = vector.shape_cast %get3A_5004 : vector<1x256x1xf32> to vector<256x1xf32>
    %get3A_5006 = arith.constant 0 : index
    %get3A_5007 = arith.constant 1792 : index
    %get3A_5008 = arith.constant 1 : index
    %get3A_5009 = vector.load %arg1[%get3A_5006, %get3A_5007, %get3A_5008] : memref<1x2048x3xf32, #tpu.memory_space<vmem>>, vector<1x256x1xf32>
    %get3A_5010 = vector.shape_cast %get3A_5009 : vector<1x256x1xf32> to vector<256x1xf32>
    %get3A_5011 = arith.constant 0 : index
    %get3A_5012 = arith.constant 1792 : index
    %get3A_5013 = arith.constant 2 : index
    %get3A_5014 = vector.load %arg1[%get3A_5011, %get3A_5012, %get3A_5013] : memref<1x2048x3xf32, #tpu.memory_space<vmem>>, vector<1x256x1xf32>
    %get3A_5015 = vector.shape_cast %get3A_5014 : vector<1x256x1xf32> to vector<256x1xf32>
    %broadcast_in_dim3A_5016 = arith.constant 3.000000e+38 : f32
    %broadcast_in_dim3A_5017 = vector.broadcast %broadcast_in_dim3A_5016 : f32 to vector<256x128xf32>
    %get3A_5018 = arith.constant 0 : index
    %get3A_5019 = arith.constant 0 : index
    %get3A_5020 = arith.constant 0 : index
    %get3A_5021 = vector.load %arg2[%get3A_5018, %get3A_5019, %get3A_5020] : memref<1x3x2048xf32, #tpu.memory_space<vmem>>, vector<1x1x128xf32>
    %get3A_5022 = vector.shape_cast %get3A_5021 : vector<1x1x128xf32> to vector<1x128xf32>
    %get3A_5023 = arith.constant 0 : index
    %get3A_5024 = arith.constant 1 : index
    %get3A_5025 = arith.constant 0 : index
    %get3A_5026 = vector.load %arg2[%get3A_5023, %get3A_5024, %get3A_5025] : memref<1x3x2048xf32, #tpu.memory_space<vmem>>, vector<1x1x128xf32>
    %get3A_5027 = vector.shape_cast %get3A_5026 : vector<1x1x128xf32> to vector<1x128xf32>
    %get3A_5028 = arith.constant 0 : index
    %get3A_5029 = arith.constant 2 : index
    %get3A_5030 = arith.constant 0 : index
    %get3A_5031 = vector.load %arg2[%get3A_5028, %get3A_5029, %get3A_5030] : memref<1x3x2048xf32, #tpu.memory_space<vmem>>, vector<1x1x128xf32>
    %get3A_5032 = vector.shape_cast %get3A_5031 : vector<1x1x128xf32> to vector<1x128xf32>
    %sub3A_5033 = vector.broadcast %get3A_5005 : vector<256x1xf32> to vector<256x128xf32>
    %sub3A_5034 = vector.broadcast %get3A_5022 : vector<1x128xf32> to vector<256x128xf32>
    %sub3A_5035 = arith.subf %sub3A_5033, %sub3A_5034 : vector<256x128xf32>
    %sub3A_5036 = vector.broadcast %get3A_5010 : vector<256x1xf32> to vector<256x128xf32>
    %sub3A_5037 = vector.broadcast %get3A_5027 : vector<1x128xf32> to vector<256x128xf32>
    %sub3A_5038 = arith.subf %sub3A_5036, %sub3A_5037 : vector<256x128xf32>
    %sub3A_5039 = vector.broadcast %get3A_5015 : vector<256x1xf32> to vector<256x128xf32>
    %sub3A_5040 = vector.broadcast %get3A_5032 : vector<1x128xf32> to vector<256x128xf32>
    %sub3A_5041 = arith.subf %sub3A_5039, %sub3A_5040 : vector<256x128xf32>
    %mul3A_5042 = arith.mulf %sub3A_5035, %sub3A_5035 : vector<256x128xf32>
    %mul3A_5043 = arith.mulf %sub3A_5038, %sub3A_5038 : vector<256x128xf32>
    %add3A_5044 = arith.addf %mul3A_5042, %mul3A_5043 : vector<256x128xf32>
    %mul3A_5045 = arith.mulf %sub3A_5041, %sub3A_5041 : vector<256x128xf32>
    %add3A_5046 = arith.addf %add3A_5044, %mul3A_5045 : vector<256x128xf32>
    %bitcast_convert_type3A_5047 = tpu.bitcast %add3A_5046 : vector<256x128xf32> -> vector<256x128xi32>
    %and3A_5048 = arith.constant -2048 : i32
    %and3A_5049 = vector.broadcast %and3A_5048 : i32 to vector<256x128xi32>
    %and3A_5050 = arith.andi %bitcast_convert_type3A_5047, %and3A_5049 : vector<256x128xi32>
    %or3A_5051 = arith.ori %and3A_5050, %add3A_1 : vector<256x128xi32>
    %bitcast_convert_type3A_5052 = tpu.bitcast %or3A_5051 : vector<256x128xi32> -> vector<256x128xf32>
    %min3A_5053 = arith.minimumf %broadcast_in_dim3A_5017, %bitcast_convert_type3A_5052 : vector<256x128xf32>
    %or3A_5054 = arith.ori %and3A_5050, %add3A_93 : vector<256x128xi32>
    %bitcast_convert_type3A_5055 = tpu.bitcast %or3A_5054 : vector<256x128xi32> -> vector<256x128xf32>
    %reshape3A_5056 = vector.shape_cast %bitcast_convert_type3A_5055 : vector<256x128xf32> to vector<16x16x128xf32>
    %reduce_min3A_5057 = arith.constant dense<0x7F800000> : vector<16x128xf32>
    %reduce_min3A_5058 = vector.multi_reduction <minimumf>, %reshape3A_5056, %reduce_min3A_5057 [0] : vector<16x16x128xf32> to vector<16x128xf32>
    %min3A_5059 = arith.minimumf %min3A_4361, %reduce_min3A_5058 : vector<16x128xf32>
    %get3A_5060 = arith.constant 0 : index
    %get3A_5061 = arith.constant 0 : index
    %get3A_5062 = arith.constant 128 : index
    %get3A_5063 = vector.load %arg2[%get3A_5060, %get3A_5061, %get3A_5062] : memref<1x3x2048xf32, #tpu.memory_space<vmem>>, vector<1x1x128xf32>
    %get3A_5064 = vector.shape_cast %get3A_5063 : vector<1x1x128xf32> to vector<1x128xf32>
    %get3A_5065 = arith.constant 0 : index
    %get3A_5066 = arith.constant 1 : index
    %get3A_5067 = arith.constant 128 : index
    %get3A_5068 = vector.load %arg2[%get3A_5065, %get3A_5066, %get3A_5067] : memref<1x3x2048xf32, #tpu.memory_space<vmem>>, vector<1x1x128xf32>
    %get3A_5069 = vector.shape_cast %get3A_5068 : vector<1x1x128xf32> to vector<1x128xf32>
    %get3A_5070 = arith.constant 0 : index
    %get3A_5071 = arith.constant 2 : index
    %get3A_5072 = arith.constant 128 : index
    %get3A_5073 = vector.load %arg2[%get3A_5070, %get3A_5071, %get3A_5072] : memref<1x3x2048xf32, #tpu.memory_space<vmem>>, vector<1x1x128xf32>
    %get3A_5074 = vector.shape_cast %get3A_5073 : vector<1x1x128xf32> to vector<1x128xf32>
    %sub3A_5075 = vector.broadcast %get3A_5005 : vector<256x1xf32> to vector<256x128xf32>
    %sub3A_5076 = vector.broadcast %get3A_5064 : vector<1x128xf32> to vector<256x128xf32>
    %sub3A_5077 = arith.subf %sub3A_5075, %sub3A_5076 : vector<256x128xf32>
    %sub3A_5078 = vector.broadcast %get3A_5010 : vector<256x1xf32> to vector<256x128xf32>
    %sub3A_5079 = vector.broadcast %get3A_5069 : vector<1x128xf32> to vector<256x128xf32>
    %sub3A_5080 = arith.subf %sub3A_5078, %sub3A_5079 : vector<256x128xf32>
    %sub3A_5081 = vector.broadcast %get3A_5015 : vector<256x1xf32> to vector<256x128xf32>
    %sub3A_5082 = vector.broadcast %get3A_5074 : vector<1x128xf32> to vector<256x128xf32>
    %sub3A_5083 = arith.subf %sub3A_5081, %sub3A_5082 : vector<256x128xf32>
    %mul3A_5084 = arith.mulf %sub3A_5077, %sub3A_5077 : vector<256x128xf32>
    %mul3A_5085 = arith.mulf %sub3A_5080, %sub3A_5080 : vector<256x128xf32>
    %add3A_5086 = arith.addf %mul3A_5084, %mul3A_5085 : vector<256x128xf32>
    %mul3A_5087 = arith.mulf %sub3A_5083, %sub3A_5083 : vector<256x128xf32>
    %add3A_5088 = arith.addf %add3A_5086, %mul3A_5087 : vector<256x128xf32>
    %bitcast_convert_type3A_5089 = tpu.bitcast %add3A_5088 : vector<256x128xf32> -> vector<256x128xi32>
    %and3A_5090 = arith.constant -2048 : i32
    %and3A_5091 = vector.broadcast %and3A_5090 : i32 to vector<256x128xi32>
    %and3A_5092 = arith.andi %bitcast_convert_type3A_5089, %and3A_5091 : vector<256x128xi32>
    %or3A_5093 = arith.ori %and3A_5092, %add3A_5 : vector<256x128xi32>
    %bitcast_convert_type3A_5094 = tpu.bitcast %or3A_5093 : vector<256x128xi32> -> vector<256x128xf32>
    %min3A_5095 = arith.minimumf %min3A_5053, %bitcast_convert_type3A_5094 : vector<256x128xf32>
    %or3A_5096 = arith.ori %and3A_5092, %add3A_93 : vector<256x128xi32>
    %bitcast_convert_type3A_5097 = tpu.bitcast %or3A_5096 : vector<256x128xi32> -> vector<256x128xf32>
    %reshape3A_5098 = vector.shape_cast %bitcast_convert_type3A_5097 : vector<256x128xf32> to vector<16x16x128xf32>
    %reduce_min3A_5099 = arith.constant dense<0x7F800000> : vector<16x128xf32>
    %reduce_min3A_5100 = vector.multi_reduction <minimumf>, %reshape3A_5098, %reduce_min3A_5099 [0] : vector<16x16x128xf32> to vector<16x128xf32>
    %min3A_5101 = arith.minimumf %min3A_4403, %reduce_min3A_5100 : vector<16x128xf32>
    %get3A_5102 = arith.constant 0 : index
    %get3A_5103 = arith.constant 0 : index
    %get3A_5104 = arith.constant 256 : index
    %get3A_5105 = vector.load %arg2[%get3A_5102, %get3A_5103, %get3A_5104] : memref<1x3x2048xf32, #tpu.memory_space<vmem>>, vector<1x1x128xf32>
    %get3A_5106 = vector.shape_cast %get3A_5105 : vector<1x1x128xf32> to vector<1x128xf32>
    %get3A_5107 = arith.constant 0 : index
    %get3A_5108 = arith.constant 1 : index
    %get3A_5109 = arith.constant 256 : index
    %get3A_5110 = vector.load %arg2[%get3A_5107, %get3A_5108, %get3A_5109] : memref<1x3x2048xf32, #tpu.memory_space<vmem>>, vector<1x1x128xf32>
    %get3A_5111 = vector.shape_cast %get3A_5110 : vector<1x1x128xf32> to vector<1x128xf32>
    %get3A_5112 = arith.constant 0 : index
    %get3A_5113 = arith.constant 2 : index
    %get3A_5114 = arith.constant 256 : index
    %get3A_5115 = vector.load %arg2[%get3A_5112, %get3A_5113, %get3A_5114] : memref<1x3x2048xf32, #tpu.memory_space<vmem>>, vector<1x1x128xf32>
    %get3A_5116 = vector.shape_cast %get3A_5115 : vector<1x1x128xf32> to vector<1x128xf32>
    %sub3A_5117 = vector.broadcast %get3A_5005 : vector<256x1xf32> to vector<256x128xf32>
    %sub3A_5118 = vector.broadcast %get3A_5106 : vector<1x128xf32> to vector<256x128xf32>
    %sub3A_5119 = arith.subf %sub3A_5117, %sub3A_5118 : vector<256x128xf32>
    %sub3A_5120 = vector.broadcast %get3A_5010 : vector<256x1xf32> to vector<256x128xf32>
    %sub3A_5121 = vector.broadcast %get3A_5111 : vector<1x128xf32> to vector<256x128xf32>
    %sub3A_5122 = arith.subf %sub3A_5120, %sub3A_5121 : vector<256x128xf32>
    %sub3A_5123 = vector.broadcast %get3A_5015 : vector<256x1xf32> to vector<256x128xf32>
    %sub3A_5124 = vector.broadcast %get3A_5116 : vector<1x128xf32> to vector<256x128xf32>
    %sub3A_5125 = arith.subf %sub3A_5123, %sub3A_5124 : vector<256x128xf32>
    %mul3A_5126 = arith.mulf %sub3A_5119, %sub3A_5119 : vector<256x128xf32>
    %mul3A_5127 = arith.mulf %sub3A_5122, %sub3A_5122 : vector<256x128xf32>
    %add3A_5128 = arith.addf %mul3A_5126, %mul3A_5127 : vector<256x128xf32>
    %mul3A_5129 = arith.mulf %sub3A_5125, %sub3A_5125 : vector<256x128xf32>
    %add3A_5130 = arith.addf %add3A_5128, %mul3A_5129 : vector<256x128xf32>
    %bitcast_convert_type3A_5131 = tpu.bitcast %add3A_5130 : vector<256x128xf32> -> vector<256x128xi32>
    %and3A_5132 = arith.constant -2048 : i32
    %and3A_5133 = vector.broadcast %and3A_5132 : i32 to vector<256x128xi32>
    %and3A_5134 = arith.andi %bitcast_convert_type3A_5131, %and3A_5133 : vector<256x128xi32>
    %or3A_5135 = arith.ori %and3A_5134, %add3A_9 : vector<256x128xi32>
    %bitcast_convert_type3A_5136 = tpu.bitcast %or3A_5135 : vector<256x128xi32> -> vector<256x128xf32>
    %min3A_5137 = arith.minimumf %min3A_5095, %bitcast_convert_type3A_5136 : vector<256x128xf32>
    %or3A_5138 = arith.ori %and3A_5134, %add3A_93 : vector<256x128xi32>
    %bitcast_convert_type3A_5139 = tpu.bitcast %or3A_5138 : vector<256x128xi32> -> vector<256x128xf32>
    %reshape3A_5140 = vector.shape_cast %bitcast_convert_type3A_5139 : vector<256x128xf32> to vector<16x16x128xf32>
    %reduce_min3A_5141 = arith.constant dense<0x7F800000> : vector<16x128xf32>
    %reduce_min3A_5142 = vector.multi_reduction <minimumf>, %reshape3A_5140, %reduce_min3A_5141 [0] : vector<16x16x128xf32> to vector<16x128xf32>
    %min3A_5143 = arith.minimumf %min3A_4445, %reduce_min3A_5142 : vector<16x128xf32>
    %get3A_5144 = arith.constant 0 : index
    %get3A_5145 = arith.constant 0 : index
    %get3A_5146 = arith.constant 384 : index
    %get3A_5147 = vector.load %arg2[%get3A_5144, %get3A_5145, %get3A_5146] : memref<1x3x2048xf32, #tpu.memory_space<vmem>>, vector<1x1x128xf32>
    %get3A_5148 = vector.shape_cast %get3A_5147 : vector<1x1x128xf32> to vector<1x128xf32>
    %get3A_5149 = arith.constant 0 : index
    %get3A_5150 = arith.constant 1 : index
    %get3A_5151 = arith.constant 384 : index
    %get3A_5152 = vector.load %arg2[%get3A_5149, %get3A_5150, %get3A_5151] : memref<1x3x2048xf32, #tpu.memory_space<vmem>>, vector<1x1x128xf32>
    %get3A_5153 = vector.shape_cast %get3A_5152 : vector<1x1x128xf32> to vector<1x128xf32>
    %get3A_5154 = arith.constant 0 : index
    %get3A_5155 = arith.constant 2 : index
    %get3A_5156 = arith.constant 384 : index
    %get3A_5157 = vector.load %arg2[%get3A_5154, %get3A_5155, %get3A_5156] : memref<1x3x2048xf32, #tpu.memory_space<vmem>>, vector<1x1x128xf32>
    %get3A_5158 = vector.shape_cast %get3A_5157 : vector<1x1x128xf32> to vector<1x128xf32>
    %sub3A_5159 = vector.broadcast %get3A_5005 : vector<256x1xf32> to vector<256x128xf32>
    %sub3A_5160 = vector.broadcast %get3A_5148 : vector<1x128xf32> to vector<256x128xf32>
    %sub3A_5161 = arith.subf %sub3A_5159, %sub3A_5160 : vector<256x128xf32>
    %sub3A_5162 = vector.broadcast %get3A_5010 : vector<256x1xf32> to vector<256x128xf32>
    %sub3A_5163 = vector.broadcast %get3A_5153 : vector<1x128xf32> to vector<256x128xf32>
    %sub3A_5164 = arith.subf %sub3A_5162, %sub3A_5163 : vector<256x128xf32>
    %sub3A_5165 = vector.broadcast %get3A_5015 : vector<256x1xf32> to vector<256x128xf32>
    %sub3A_5166 = vector.broadcast %get3A_5158 : vector<1x128xf32> to vector<256x128xf32>
    %sub3A_5167 = arith.subf %sub3A_5165, %sub3A_5166 : vector<256x128xf32>
    %mul3A_5168 = arith.mulf %sub3A_5161, %sub3A_5161 : vector<256x128xf32>
    %mul3A_5169 = arith.mulf %sub3A_5164, %sub3A_5164 : vector<256x128xf32>
    %add3A_5170 = arith.addf %mul3A_5168, %mul3A_5169 : vector<256x128xf32>
    %mul3A_5171 = arith.mulf %sub3A_5167, %sub3A_5167 : vector<256x128xf32>
    %add3A_5172 = arith.addf %add3A_5170, %mul3A_5171 : vector<256x128xf32>
    %bitcast_convert_type3A_5173 = tpu.bitcast %add3A_5172 : vector<256x128xf32> -> vector<256x128xi32>
    %and3A_5174 = arith.constant -2048 : i32
    %and3A_5175 = vector.broadcast %and3A_5174 : i32 to vector<256x128xi32>
    %and3A_5176 = arith.andi %bitcast_convert_type3A_5173, %and3A_5175 : vector<256x128xi32>
    %or3A_5177 = arith.ori %and3A_5176, %add3A_13 : vector<256x128xi32>
    %bitcast_convert_type3A_5178 = tpu.bitcast %or3A_5177 : vector<256x128xi32> -> vector<256x128xf32>
    %min3A_5179 = arith.minimumf %min3A_5137, %bitcast_convert_type3A_5178 : vector<256x128xf32>
    %or3A_5180 = arith.ori %and3A_5176, %add3A_93 : vector<256x128xi32>
    %bitcast_convert_type3A_5181 = tpu.bitcast %or3A_5180 : vector<256x128xi32> -> vector<256x128xf32>
    %reshape3A_5182 = vector.shape_cast %bitcast_convert_type3A_5181 : vector<256x128xf32> to vector<16x16x128xf32>
    %reduce_min3A_5183 = arith.constant dense<0x7F800000> : vector<16x128xf32>
    %reduce_min3A_5184 = vector.multi_reduction <minimumf>, %reshape3A_5182, %reduce_min3A_5183 [0] : vector<16x16x128xf32> to vector<16x128xf32>
    %min3A_5185 = arith.minimumf %min3A_4487, %reduce_min3A_5184 : vector<16x128xf32>
    %get3A_5186 = arith.constant 0 : index
    %get3A_5187 = arith.constant 0 : index
    %get3A_5188 = arith.constant 512 : index
    %get3A_5189 = vector.load %arg2[%get3A_5186, %get3A_5187, %get3A_5188] : memref<1x3x2048xf32, #tpu.memory_space<vmem>>, vector<1x1x128xf32>
    %get3A_5190 = vector.shape_cast %get3A_5189 : vector<1x1x128xf32> to vector<1x128xf32>
    %get3A_5191 = arith.constant 0 : index
    %get3A_5192 = arith.constant 1 : index
    %get3A_5193 = arith.constant 512 : index
    %get3A_5194 = vector.load %arg2[%get3A_5191, %get3A_5192, %get3A_5193] : memref<1x3x2048xf32, #tpu.memory_space<vmem>>, vector<1x1x128xf32>
    %get3A_5195 = vector.shape_cast %get3A_5194 : vector<1x1x128xf32> to vector<1x128xf32>
    %get3A_5196 = arith.constant 0 : index
    %get3A_5197 = arith.constant 2 : index
    %get3A_5198 = arith.constant 512 : index
    %get3A_5199 = vector.load %arg2[%get3A_5196, %get3A_5197, %get3A_5198] : memref<1x3x2048xf32, #tpu.memory_space<vmem>>, vector<1x1x128xf32>
    %get3A_5200 = vector.shape_cast %get3A_5199 : vector<1x1x128xf32> to vector<1x128xf32>
    %sub3A_5201 = vector.broadcast %get3A_5005 : vector<256x1xf32> to vector<256x128xf32>
    %sub3A_5202 = vector.broadcast %get3A_5190 : vector<1x128xf32> to vector<256x128xf32>
    %sub3A_5203 = arith.subf %sub3A_5201, %sub3A_5202 : vector<256x128xf32>
    %sub3A_5204 = vector.broadcast %get3A_5010 : vector<256x1xf32> to vector<256x128xf32>
    %sub3A_5205 = vector.broadcast %get3A_5195 : vector<1x128xf32> to vector<256x128xf32>
    %sub3A_5206 = arith.subf %sub3A_5204, %sub3A_5205 : vector<256x128xf32>
    %sub3A_5207 = vector.broadcast %get3A_5015 : vector<256x1xf32> to vector<256x128xf32>
    %sub3A_5208 = vector.broadcast %get3A_5200 : vector<1x128xf32> to vector<256x128xf32>
    %sub3A_5209 = arith.subf %sub3A_5207, %sub3A_5208 : vector<256x128xf32>
    %mul3A_5210 = arith.mulf %sub3A_5203, %sub3A_5203 : vector<256x128xf32>
    %mul3A_5211 = arith.mulf %sub3A_5206, %sub3A_5206 : vector<256x128xf32>
    %add3A_5212 = arith.addf %mul3A_5210, %mul3A_5211 : vector<256x128xf32>
    %mul3A_5213 = arith.mulf %sub3A_5209, %sub3A_5209 : vector<256x128xf32>
    %add3A_5214 = arith.addf %add3A_5212, %mul3A_5213 : vector<256x128xf32>
    %bitcast_convert_type3A_5215 = tpu.bitcast %add3A_5214 : vector<256x128xf32> -> vector<256x128xi32>
    %and3A_5216 = arith.constant -2048 : i32
    %and3A_5217 = vector.broadcast %and3A_5216 : i32 to vector<256x128xi32>
    %and3A_5218 = arith.andi %bitcast_convert_type3A_5215, %and3A_5217 : vector<256x128xi32>
    %or3A_5219 = arith.ori %and3A_5218, %add3A_17 : vector<256x128xi32>
    %bitcast_convert_type3A_5220 = tpu.bitcast %or3A_5219 : vector<256x128xi32> -> vector<256x128xf32>
    %min3A_5221 = arith.minimumf %min3A_5179, %bitcast_convert_type3A_5220 : vector<256x128xf32>
    %or3A_5222 = arith.ori %and3A_5218, %add3A_93 : vector<256x128xi32>
    %bitcast_convert_type3A_5223 = tpu.bitcast %or3A_5222 : vector<256x128xi32> -> vector<256x128xf32>
    %reshape3A_5224 = vector.shape_cast %bitcast_convert_type3A_5223 : vector<256x128xf32> to vector<16x16x128xf32>
    %reduce_min3A_5225 = arith.constant dense<0x7F800000> : vector<16x128xf32>
    %reduce_min3A_5226 = vector.multi_reduction <minimumf>, %reshape3A_5224, %reduce_min3A_5225 [0] : vector<16x16x128xf32> to vector<16x128xf32>
    %min3A_5227 = arith.minimumf %min3A_4529, %reduce_min3A_5226 : vector<16x128xf32>
    %get3A_5228 = arith.constant 0 : index
    %get3A_5229 = arith.constant 0 : index
    %get3A_5230 = arith.constant 640 : index
    %get3A_5231 = vector.load %arg2[%get3A_5228, %get3A_5229, %get3A_5230] : memref<1x3x2048xf32, #tpu.memory_space<vmem>>, vector<1x1x128xf32>
    %get3A_5232 = vector.shape_cast %get3A_5231 : vector<1x1x128xf32> to vector<1x128xf32>
    %get3A_5233 = arith.constant 0 : index
    %get3A_5234 = arith.constant 1 : index
    %get3A_5235 = arith.constant 640 : index
    %get3A_5236 = vector.load %arg2[%get3A_5233, %get3A_5234, %get3A_5235] : memref<1x3x2048xf32, #tpu.memory_space<vmem>>, vector<1x1x128xf32>
    %get3A_5237 = vector.shape_cast %get3A_5236 : vector<1x1x128xf32> to vector<1x128xf32>
    %get3A_5238 = arith.constant 0 : index
    %get3A_5239 = arith.constant 2 : index
    %get3A_5240 = arith.constant 640 : index
    %get3A_5241 = vector.load %arg2[%get3A_5238, %get3A_5239, %get3A_5240] : memref<1x3x2048xf32, #tpu.memory_space<vmem>>, vector<1x1x128xf32>
    %get3A_5242 = vector.shape_cast %get3A_5241 : vector<1x1x128xf32> to vector<1x128xf32>
    %sub3A_5243 = vector.broadcast %get3A_5005 : vector<256x1xf32> to vector<256x128xf32>
    %sub3A_5244 = vector.broadcast %get3A_5232 : vector<1x128xf32> to vector<256x128xf32>
    %sub3A_5245 = arith.subf %sub3A_5243, %sub3A_5244 : vector<256x128xf32>
    %sub3A_5246 = vector.broadcast %get3A_5010 : vector<256x1xf32> to vector<256x128xf32>
    %sub3A_5247 = vector.broadcast %get3A_5237 : vector<1x128xf32> to vector<256x128xf32>
    %sub3A_5248 = arith.subf %sub3A_5246, %sub3A_5247 : vector<256x128xf32>
    %sub3A_5249 = vector.broadcast %get3A_5015 : vector<256x1xf32> to vector<256x128xf32>
    %sub3A_5250 = vector.broadcast %get3A_5242 : vector<1x128xf32> to vector<256x128xf32>
    %sub3A_5251 = arith.subf %sub3A_5249, %sub3A_5250 : vector<256x128xf32>
    %mul3A_5252 = arith.mulf %sub3A_5245, %sub3A_5245 : vector<256x128xf32>
    %mul3A_5253 = arith.mulf %sub3A_5248, %sub3A_5248 : vector<256x128xf32>
    %add3A_5254 = arith.addf %mul3A_5252, %mul3A_5253 : vector<256x128xf32>
    %mul3A_5255 = arith.mulf %sub3A_5251, %sub3A_5251 : vector<256x128xf32>
    %add3A_5256 = arith.addf %add3A_5254, %mul3A_5255 : vector<256x128xf32>
    %bitcast_convert_type3A_5257 = tpu.bitcast %add3A_5256 : vector<256x128xf32> -> vector<256x128xi32>
    %and3A_5258 = arith.constant -2048 : i32
    %and3A_5259 = vector.broadcast %and3A_5258 : i32 to vector<256x128xi32>
    %and3A_5260 = arith.andi %bitcast_convert_type3A_5257, %and3A_5259 : vector<256x128xi32>
    %or3A_5261 = arith.ori %and3A_5260, %add3A_21 : vector<256x128xi32>
    %bitcast_convert_type3A_5262 = tpu.bitcast %or3A_5261 : vector<256x128xi32> -> vector<256x128xf32>
    %min3A_5263 = arith.minimumf %min3A_5221, %bitcast_convert_type3A_5262 : vector<256x128xf32>
    %or3A_5264 = arith.ori %and3A_5260, %add3A_93 : vector<256x128xi32>
    %bitcast_convert_type3A_5265 = tpu.bitcast %or3A_5264 : vector<256x128xi32> -> vector<256x128xf32>
    %reshape3A_5266 = vector.shape_cast %bitcast_convert_type3A_5265 : vector<256x128xf32> to vector<16x16x128xf32>
    %reduce_min3A_5267 = arith.constant dense<0x7F800000> : vector<16x128xf32>
    %reduce_min3A_5268 = vector.multi_reduction <minimumf>, %reshape3A_5266, %reduce_min3A_5267 [0] : vector<16x16x128xf32> to vector<16x128xf32>
    %min3A_5269 = arith.minimumf %min3A_4571, %reduce_min3A_5268 : vector<16x128xf32>
    %get3A_5270 = arith.constant 0 : index
    %get3A_5271 = arith.constant 0 : index
    %get3A_5272 = arith.constant 768 : index
    %get3A_5273 = vector.load %arg2[%get3A_5270, %get3A_5271, %get3A_5272] : memref<1x3x2048xf32, #tpu.memory_space<vmem>>, vector<1x1x128xf32>
    %get3A_5274 = vector.shape_cast %get3A_5273 : vector<1x1x128xf32> to vector<1x128xf32>
    %get3A_5275 = arith.constant 0 : index
    %get3A_5276 = arith.constant 1 : index
    %get3A_5277 = arith.constant 768 : index
    %get3A_5278 = vector.load %arg2[%get3A_5275, %get3A_5276, %get3A_5277] : memref<1x3x2048xf32, #tpu.memory_space<vmem>>, vector<1x1x128xf32>
    %get3A_5279 = vector.shape_cast %get3A_5278 : vector<1x1x128xf32> to vector<1x128xf32>
    %get3A_5280 = arith.constant 0 : index
    %get3A_5281 = arith.constant 2 : index
    %get3A_5282 = arith.constant 768 : index
    %get3A_5283 = vector.load %arg2[%get3A_5280, %get3A_5281, %get3A_5282] : memref<1x3x2048xf32, #tpu.memory_space<vmem>>, vector<1x1x128xf32>
    %get3A_5284 = vector.shape_cast %get3A_5283 : vector<1x1x128xf32> to vector<1x128xf32>
    %sub3A_5285 = vector.broadcast %get3A_5005 : vector<256x1xf32> to vector<256x128xf32>
    %sub3A_5286 = vector.broadcast %get3A_5274 : vector<1x128xf32> to vector<256x128xf32>
    %sub3A_5287 = arith.subf %sub3A_5285, %sub3A_5286 : vector<256x128xf32>
    %sub3A_5288 = vector.broadcast %get3A_5010 : vector<256x1xf32> to vector<256x128xf32>
    %sub3A_5289 = vector.broadcast %get3A_5279 : vector<1x128xf32> to vector<256x128xf32>
    %sub3A_5290 = arith.subf %sub3A_5288, %sub3A_5289 : vector<256x128xf32>
    %sub3A_5291 = vector.broadcast %get3A_5015 : vector<256x1xf32> to vector<256x128xf32>
    %sub3A_5292 = vector.broadcast %get3A_5284 : vector<1x128xf32> to vector<256x128xf32>
    %sub3A_5293 = arith.subf %sub3A_5291, %sub3A_5292 : vector<256x128xf32>
    %mul3A_5294 = arith.mulf %sub3A_5287, %sub3A_5287 : vector<256x128xf32>
    %mul3A_5295 = arith.mulf %sub3A_5290, %sub3A_5290 : vector<256x128xf32>
    %add3A_5296 = arith.addf %mul3A_5294, %mul3A_5295 : vector<256x128xf32>
    %mul3A_5297 = arith.mulf %sub3A_5293, %sub3A_5293 : vector<256x128xf32>
    %add3A_5298 = arith.addf %add3A_5296, %mul3A_5297 : vector<256x128xf32>
    %bitcast_convert_type3A_5299 = tpu.bitcast %add3A_5298 : vector<256x128xf32> -> vector<256x128xi32>
    %and3A_5300 = arith.constant -2048 : i32
    %and3A_5301 = vector.broadcast %and3A_5300 : i32 to vector<256x128xi32>
    %and3A_5302 = arith.andi %bitcast_convert_type3A_5299, %and3A_5301 : vector<256x128xi32>
    %or3A_5303 = arith.ori %and3A_5302, %add3A_25 : vector<256x128xi32>
    %bitcast_convert_type3A_5304 = tpu.bitcast %or3A_5303 : vector<256x128xi32> -> vector<256x128xf32>
    %min3A_5305 = arith.minimumf %min3A_5263, %bitcast_convert_type3A_5304 : vector<256x128xf32>
    %or3A_5306 = arith.ori %and3A_5302, %add3A_93 : vector<256x128xi32>
    %bitcast_convert_type3A_5307 = tpu.bitcast %or3A_5306 : vector<256x128xi32> -> vector<256x128xf32>
    %reshape3A_5308 = vector.shape_cast %bitcast_convert_type3A_5307 : vector<256x128xf32> to vector<16x16x128xf32>
    %reduce_min3A_5309 = arith.constant dense<0x7F800000> : vector<16x128xf32>
    %reduce_min3A_5310 = vector.multi_reduction <minimumf>, %reshape3A_5308, %reduce_min3A_5309 [0] : vector<16x16x128xf32> to vector<16x128xf32>
    %min3A_5311 = arith.minimumf %min3A_4613, %reduce_min3A_5310 : vector<16x128xf32>
    %get3A_5312 = arith.constant 0 : index
    %get3A_5313 = arith.constant 0 : index
    %get3A_5314 = arith.constant 896 : index
    %get3A_5315 = vector.load %arg2[%get3A_5312, %get3A_5313, %get3A_5314] : memref<1x3x2048xf32, #tpu.memory_space<vmem>>, vector<1x1x128xf32>
    %get3A_5316 = vector.shape_cast %get3A_5315 : vector<1x1x128xf32> to vector<1x128xf32>
    %get3A_5317 = arith.constant 0 : index
    %get3A_5318 = arith.constant 1 : index
    %get3A_5319 = arith.constant 896 : index
    %get3A_5320 = vector.load %arg2[%get3A_5317, %get3A_5318, %get3A_5319] : memref<1x3x2048xf32, #tpu.memory_space<vmem>>, vector<1x1x128xf32>
    %get3A_5321 = vector.shape_cast %get3A_5320 : vector<1x1x128xf32> to vector<1x128xf32>
    %get3A_5322 = arith.constant 0 : index
    %get3A_5323 = arith.constant 2 : index
    %get3A_5324 = arith.constant 896 : index
    %get3A_5325 = vector.load %arg2[%get3A_5322, %get3A_5323, %get3A_5324] : memref<1x3x2048xf32, #tpu.memory_space<vmem>>, vector<1x1x128xf32>
    %get3A_5326 = vector.shape_cast %get3A_5325 : vector<1x1x128xf32> to vector<1x128xf32>
    %sub3A_5327 = vector.broadcast %get3A_5005 : vector<256x1xf32> to vector<256x128xf32>
    %sub3A_5328 = vector.broadcast %get3A_5316 : vector<1x128xf32> to vector<256x128xf32>
    %sub3A_5329 = arith.subf %sub3A_5327, %sub3A_5328 : vector<256x128xf32>
    %sub3A_5330 = vector.broadcast %get3A_5010 : vector<256x1xf32> to vector<256x128xf32>
    %sub3A_5331 = vector.broadcast %get3A_5321 : vector<1x128xf32> to vector<256x128xf32>
    %sub3A_5332 = arith.subf %sub3A_5330, %sub3A_5331 : vector<256x128xf32>
    %sub3A_5333 = vector.broadcast %get3A_5015 : vector<256x1xf32> to vector<256x128xf32>
    %sub3A_5334 = vector.broadcast %get3A_5326 : vector<1x128xf32> to vector<256x128xf32>
    %sub3A_5335 = arith.subf %sub3A_5333, %sub3A_5334 : vector<256x128xf32>
    %mul3A_5336 = arith.mulf %sub3A_5329, %sub3A_5329 : vector<256x128xf32>
    %mul3A_5337 = arith.mulf %sub3A_5332, %sub3A_5332 : vector<256x128xf32>
    %add3A_5338 = arith.addf %mul3A_5336, %mul3A_5337 : vector<256x128xf32>
    %mul3A_5339 = arith.mulf %sub3A_5335, %sub3A_5335 : vector<256x128xf32>
    %add3A_5340 = arith.addf %add3A_5338, %mul3A_5339 : vector<256x128xf32>
    %bitcast_convert_type3A_5341 = tpu.bitcast %add3A_5340 : vector<256x128xf32> -> vector<256x128xi32>
    %and3A_5342 = arith.constant -2048 : i32
    %and3A_5343 = vector.broadcast %and3A_5342 : i32 to vector<256x128xi32>
    %and3A_5344 = arith.andi %bitcast_convert_type3A_5341, %and3A_5343 : vector<256x128xi32>
    %or3A_5345 = arith.ori %and3A_5344, %add3A_29 : vector<256x128xi32>
    %bitcast_convert_type3A_5346 = tpu.bitcast %or3A_5345 : vector<256x128xi32> -> vector<256x128xf32>
    %min3A_5347 = arith.minimumf %min3A_5305, %bitcast_convert_type3A_5346 : vector<256x128xf32>
    %or3A_5348 = arith.ori %and3A_5344, %add3A_93 : vector<256x128xi32>
    %bitcast_convert_type3A_5349 = tpu.bitcast %or3A_5348 : vector<256x128xi32> -> vector<256x128xf32>
    %reshape3A_5350 = vector.shape_cast %bitcast_convert_type3A_5349 : vector<256x128xf32> to vector<16x16x128xf32>
    %reduce_min3A_5351 = arith.constant dense<0x7F800000> : vector<16x128xf32>
    %reduce_min3A_5352 = vector.multi_reduction <minimumf>, %reshape3A_5350, %reduce_min3A_5351 [0] : vector<16x16x128xf32> to vector<16x128xf32>
    %min3A_5353 = arith.minimumf %min3A_4655, %reduce_min3A_5352 : vector<16x128xf32>
    %get3A_5354 = arith.constant 0 : index
    %get3A_5355 = arith.constant 0 : index
    %get3A_5356 = arith.constant 1024 : index
    %get3A_5357 = vector.load %arg2[%get3A_5354, %get3A_5355, %get3A_5356] : memref<1x3x2048xf32, #tpu.memory_space<vmem>>, vector<1x1x128xf32>
    %get3A_5358 = vector.shape_cast %get3A_5357 : vector<1x1x128xf32> to vector<1x128xf32>
    %get3A_5359 = arith.constant 0 : index
    %get3A_5360 = arith.constant 1 : index
    %get3A_5361 = arith.constant 1024 : index
    %get3A_5362 = vector.load %arg2[%get3A_5359, %get3A_5360, %get3A_5361] : memref<1x3x2048xf32, #tpu.memory_space<vmem>>, vector<1x1x128xf32>
    %get3A_5363 = vector.shape_cast %get3A_5362 : vector<1x1x128xf32> to vector<1x128xf32>
    %get3A_5364 = arith.constant 0 : index
    %get3A_5365 = arith.constant 2 : index
    %get3A_5366 = arith.constant 1024 : index
    %get3A_5367 = vector.load %arg2[%get3A_5364, %get3A_5365, %get3A_5366] : memref<1x3x2048xf32, #tpu.memory_space<vmem>>, vector<1x1x128xf32>
    %get3A_5368 = vector.shape_cast %get3A_5367 : vector<1x1x128xf32> to vector<1x128xf32>
    %sub3A_5369 = vector.broadcast %get3A_5005 : vector<256x1xf32> to vector<256x128xf32>
    %sub3A_5370 = vector.broadcast %get3A_5358 : vector<1x128xf32> to vector<256x128xf32>
    %sub3A_5371 = arith.subf %sub3A_5369, %sub3A_5370 : vector<256x128xf32>
    %sub3A_5372 = vector.broadcast %get3A_5010 : vector<256x1xf32> to vector<256x128xf32>
    %sub3A_5373 = vector.broadcast %get3A_5363 : vector<1x128xf32> to vector<256x128xf32>
    %sub3A_5374 = arith.subf %sub3A_5372, %sub3A_5373 : vector<256x128xf32>
    %sub3A_5375 = vector.broadcast %get3A_5015 : vector<256x1xf32> to vector<256x128xf32>
    %sub3A_5376 = vector.broadcast %get3A_5368 : vector<1x128xf32> to vector<256x128xf32>
    %sub3A_5377 = arith.subf %sub3A_5375, %sub3A_5376 : vector<256x128xf32>
    %mul3A_5378 = arith.mulf %sub3A_5371, %sub3A_5371 : vector<256x128xf32>
    %mul3A_5379 = arith.mulf %sub3A_5374, %sub3A_5374 : vector<256x128xf32>
    %add3A_5380 = arith.addf %mul3A_5378, %mul3A_5379 : vector<256x128xf32>
    %mul3A_5381 = arith.mulf %sub3A_5377, %sub3A_5377 : vector<256x128xf32>
    %add3A_5382 = arith.addf %add3A_5380, %mul3A_5381 : vector<256x128xf32>
    %bitcast_convert_type3A_5383 = tpu.bitcast %add3A_5382 : vector<256x128xf32> -> vector<256x128xi32>
    %and3A_5384 = arith.constant -2048 : i32
    %and3A_5385 = vector.broadcast %and3A_5384 : i32 to vector<256x128xi32>
    %and3A_5386 = arith.andi %bitcast_convert_type3A_5383, %and3A_5385 : vector<256x128xi32>
    %or3A_5387 = arith.ori %and3A_5386, %add3A_33 : vector<256x128xi32>
    %bitcast_convert_type3A_5388 = tpu.bitcast %or3A_5387 : vector<256x128xi32> -> vector<256x128xf32>
    %min3A_5389 = arith.minimumf %min3A_5347, %bitcast_convert_type3A_5388 : vector<256x128xf32>
    %or3A_5390 = arith.ori %and3A_5386, %add3A_93 : vector<256x128xi32>
    %bitcast_convert_type3A_5391 = tpu.bitcast %or3A_5390 : vector<256x128xi32> -> vector<256x128xf32>
    %reshape3A_5392 = vector.shape_cast %bitcast_convert_type3A_5391 : vector<256x128xf32> to vector<16x16x128xf32>
    %reduce_min3A_5393 = arith.constant dense<0x7F800000> : vector<16x128xf32>
    %reduce_min3A_5394 = vector.multi_reduction <minimumf>, %reshape3A_5392, %reduce_min3A_5393 [0] : vector<16x16x128xf32> to vector<16x128xf32>
    %min3A_5395 = arith.minimumf %min3A_4697, %reduce_min3A_5394 : vector<16x128xf32>
    %get3A_5396 = arith.constant 0 : index
    %get3A_5397 = arith.constant 0 : index
    %get3A_5398 = arith.constant 1152 : index
    %get3A_5399 = vector.load %arg2[%get3A_5396, %get3A_5397, %get3A_5398] : memref<1x3x2048xf32, #tpu.memory_space<vmem>>, vector<1x1x128xf32>
    %get3A_5400 = vector.shape_cast %get3A_5399 : vector<1x1x128xf32> to vector<1x128xf32>
    %get3A_5401 = arith.constant 0 : index
    %get3A_5402 = arith.constant 1 : index
    %get3A_5403 = arith.constant 1152 : index
    %get3A_5404 = vector.load %arg2[%get3A_5401, %get3A_5402, %get3A_5403] : memref<1x3x2048xf32, #tpu.memory_space<vmem>>, vector<1x1x128xf32>
    %get3A_5405 = vector.shape_cast %get3A_5404 : vector<1x1x128xf32> to vector<1x128xf32>
    %get3A_5406 = arith.constant 0 : index
    %get3A_5407 = arith.constant 2 : index
    %get3A_5408 = arith.constant 1152 : index
    %get3A_5409 = vector.load %arg2[%get3A_5406, %get3A_5407, %get3A_5408] : memref<1x3x2048xf32, #tpu.memory_space<vmem>>, vector<1x1x128xf32>
    %get3A_5410 = vector.shape_cast %get3A_5409 : vector<1x1x128xf32> to vector<1x128xf32>
    %sub3A_5411 = vector.broadcast %get3A_5005 : vector<256x1xf32> to vector<256x128xf32>
    %sub3A_5412 = vector.broadcast %get3A_5400 : vector<1x128xf32> to vector<256x128xf32>
    %sub3A_5413 = arith.subf %sub3A_5411, %sub3A_5412 : vector<256x128xf32>
    %sub3A_5414 = vector.broadcast %get3A_5010 : vector<256x1xf32> to vector<256x128xf32>
    %sub3A_5415 = vector.broadcast %get3A_5405 : vector<1x128xf32> to vector<256x128xf32>
    %sub3A_5416 = arith.subf %sub3A_5414, %sub3A_5415 : vector<256x128xf32>
    %sub3A_5417 = vector.broadcast %get3A_5015 : vector<256x1xf32> to vector<256x128xf32>
    %sub3A_5418 = vector.broadcast %get3A_5410 : vector<1x128xf32> to vector<256x128xf32>
    %sub3A_5419 = arith.subf %sub3A_5417, %sub3A_5418 : vector<256x128xf32>
    %mul3A_5420 = arith.mulf %sub3A_5413, %sub3A_5413 : vector<256x128xf32>
    %mul3A_5421 = arith.mulf %sub3A_5416, %sub3A_5416 : vector<256x128xf32>
    %add3A_5422 = arith.addf %mul3A_5420, %mul3A_5421 : vector<256x128xf32>
    %mul3A_5423 = arith.mulf %sub3A_5419, %sub3A_5419 : vector<256x128xf32>
    %add3A_5424 = arith.addf %add3A_5422, %mul3A_5423 : vector<256x128xf32>
    %bitcast_convert_type3A_5425 = tpu.bitcast %add3A_5424 : vector<256x128xf32> -> vector<256x128xi32>
    %and3A_5426 = arith.constant -2048 : i32
    %and3A_5427 = vector.broadcast %and3A_5426 : i32 to vector<256x128xi32>
    %and3A_5428 = arith.andi %bitcast_convert_type3A_5425, %and3A_5427 : vector<256x128xi32>
    %or3A_5429 = arith.ori %and3A_5428, %add3A_37 : vector<256x128xi32>
    %bitcast_convert_type3A_5430 = tpu.bitcast %or3A_5429 : vector<256x128xi32> -> vector<256x128xf32>
    %min3A_5431 = arith.minimumf %min3A_5389, %bitcast_convert_type3A_5430 : vector<256x128xf32>
    %or3A_5432 = arith.ori %and3A_5428, %add3A_93 : vector<256x128xi32>
    %bitcast_convert_type3A_5433 = tpu.bitcast %or3A_5432 : vector<256x128xi32> -> vector<256x128xf32>
    %reshape3A_5434 = vector.shape_cast %bitcast_convert_type3A_5433 : vector<256x128xf32> to vector<16x16x128xf32>
    %reduce_min3A_5435 = arith.constant dense<0x7F800000> : vector<16x128xf32>
    %reduce_min3A_5436 = vector.multi_reduction <minimumf>, %reshape3A_5434, %reduce_min3A_5435 [0] : vector<16x16x128xf32> to vector<16x128xf32>
    %min3A_5437 = arith.minimumf %min3A_4739, %reduce_min3A_5436 : vector<16x128xf32>
    %get3A_5438 = arith.constant 0 : index
    %get3A_5439 = arith.constant 0 : index
    %get3A_5440 = arith.constant 1280 : index
    %get3A_5441 = vector.load %arg2[%get3A_5438, %get3A_5439, %get3A_5440] : memref<1x3x2048xf32, #tpu.memory_space<vmem>>, vector<1x1x128xf32>
    %get3A_5442 = vector.shape_cast %get3A_5441 : vector<1x1x128xf32> to vector<1x128xf32>
    %get3A_5443 = arith.constant 0 : index
    %get3A_5444 = arith.constant 1 : index
    %get3A_5445 = arith.constant 1280 : index
    %get3A_5446 = vector.load %arg2[%get3A_5443, %get3A_5444, %get3A_5445] : memref<1x3x2048xf32, #tpu.memory_space<vmem>>, vector<1x1x128xf32>
    %get3A_5447 = vector.shape_cast %get3A_5446 : vector<1x1x128xf32> to vector<1x128xf32>
    %get3A_5448 = arith.constant 0 : index
    %get3A_5449 = arith.constant 2 : index
    %get3A_5450 = arith.constant 1280 : index
    %get3A_5451 = vector.load %arg2[%get3A_5448, %get3A_5449, %get3A_5450] : memref<1x3x2048xf32, #tpu.memory_space<vmem>>, vector<1x1x128xf32>
    %get3A_5452 = vector.shape_cast %get3A_5451 : vector<1x1x128xf32> to vector<1x128xf32>
    %sub3A_5453 = vector.broadcast %get3A_5005 : vector<256x1xf32> to vector<256x128xf32>
    %sub3A_5454 = vector.broadcast %get3A_5442 : vector<1x128xf32> to vector<256x128xf32>
    %sub3A_5455 = arith.subf %sub3A_5453, %sub3A_5454 : vector<256x128xf32>
    %sub3A_5456 = vector.broadcast %get3A_5010 : vector<256x1xf32> to vector<256x128xf32>
    %sub3A_5457 = vector.broadcast %get3A_5447 : vector<1x128xf32> to vector<256x128xf32>
    %sub3A_5458 = arith.subf %sub3A_5456, %sub3A_5457 : vector<256x128xf32>
    %sub3A_5459 = vector.broadcast %get3A_5015 : vector<256x1xf32> to vector<256x128xf32>
    %sub3A_5460 = vector.broadcast %get3A_5452 : vector<1x128xf32> to vector<256x128xf32>
    %sub3A_5461 = arith.subf %sub3A_5459, %sub3A_5460 : vector<256x128xf32>
    %mul3A_5462 = arith.mulf %sub3A_5455, %sub3A_5455 : vector<256x128xf32>
    %mul3A_5463 = arith.mulf %sub3A_5458, %sub3A_5458 : vector<256x128xf32>
    %add3A_5464 = arith.addf %mul3A_5462, %mul3A_5463 : vector<256x128xf32>
    %mul3A_5465 = arith.mulf %sub3A_5461, %sub3A_5461 : vector<256x128xf32>
    %add3A_5466 = arith.addf %add3A_5464, %mul3A_5465 : vector<256x128xf32>
    %bitcast_convert_type3A_5467 = tpu.bitcast %add3A_5466 : vector<256x128xf32> -> vector<256x128xi32>
    %and3A_5468 = arith.constant -2048 : i32
    %and3A_5469 = vector.broadcast %and3A_5468 : i32 to vector<256x128xi32>
    %and3A_5470 = arith.andi %bitcast_convert_type3A_5467, %and3A_5469 : vector<256x128xi32>
    %or3A_5471 = arith.ori %and3A_5470, %add3A_41 : vector<256x128xi32>
    %bitcast_convert_type3A_5472 = tpu.bitcast %or3A_5471 : vector<256x128xi32> -> vector<256x128xf32>
    %min3A_5473 = arith.minimumf %min3A_5431, %bitcast_convert_type3A_5472 : vector<256x128xf32>
    %or3A_5474 = arith.ori %and3A_5470, %add3A_93 : vector<256x128xi32>
    %bitcast_convert_type3A_5475 = tpu.bitcast %or3A_5474 : vector<256x128xi32> -> vector<256x128xf32>
    %reshape3A_5476 = vector.shape_cast %bitcast_convert_type3A_5475 : vector<256x128xf32> to vector<16x16x128xf32>
    %reduce_min3A_5477 = arith.constant dense<0x7F800000> : vector<16x128xf32>
    %reduce_min3A_5478 = vector.multi_reduction <minimumf>, %reshape3A_5476, %reduce_min3A_5477 [0] : vector<16x16x128xf32> to vector<16x128xf32>
    %min3A_5479 = arith.minimumf %min3A_4781, %reduce_min3A_5478 : vector<16x128xf32>
    %get3A_5480 = arith.constant 0 : index
    %get3A_5481 = arith.constant 0 : index
    %get3A_5482 = arith.constant 1408 : index
    %get3A_5483 = vector.load %arg2[%get3A_5480, %get3A_5481, %get3A_5482] : memref<1x3x2048xf32, #tpu.memory_space<vmem>>, vector<1x1x128xf32>
    %get3A_5484 = vector.shape_cast %get3A_5483 : vector<1x1x128xf32> to vector<1x128xf32>
    %get3A_5485 = arith.constant 0 : index
    %get3A_5486 = arith.constant 1 : index
    %get3A_5487 = arith.constant 1408 : index
    %get3A_5488 = vector.load %arg2[%get3A_5485, %get3A_5486, %get3A_5487] : memref<1x3x2048xf32, #tpu.memory_space<vmem>>, vector<1x1x128xf32>
    %get3A_5489 = vector.shape_cast %get3A_5488 : vector<1x1x128xf32> to vector<1x128xf32>
    %get3A_5490 = arith.constant 0 : index
    %get3A_5491 = arith.constant 2 : index
    %get3A_5492 = arith.constant 1408 : index
    %get3A_5493 = vector.load %arg2[%get3A_5490, %get3A_5491, %get3A_5492] : memref<1x3x2048xf32, #tpu.memory_space<vmem>>, vector<1x1x128xf32>
    %get3A_5494 = vector.shape_cast %get3A_5493 : vector<1x1x128xf32> to vector<1x128xf32>
    %sub3A_5495 = vector.broadcast %get3A_5005 : vector<256x1xf32> to vector<256x128xf32>
    %sub3A_5496 = vector.broadcast %get3A_5484 : vector<1x128xf32> to vector<256x128xf32>
    %sub3A_5497 = arith.subf %sub3A_5495, %sub3A_5496 : vector<256x128xf32>
    %sub3A_5498 = vector.broadcast %get3A_5010 : vector<256x1xf32> to vector<256x128xf32>
    %sub3A_5499 = vector.broadcast %get3A_5489 : vector<1x128xf32> to vector<256x128xf32>
    %sub3A_5500 = arith.subf %sub3A_5498, %sub3A_5499 : vector<256x128xf32>
    %sub3A_5501 = vector.broadcast %get3A_5015 : vector<256x1xf32> to vector<256x128xf32>
    %sub3A_5502 = vector.broadcast %get3A_5494 : vector<1x128xf32> to vector<256x128xf32>
    %sub3A_5503 = arith.subf %sub3A_5501, %sub3A_5502 : vector<256x128xf32>
    %mul3A_5504 = arith.mulf %sub3A_5497, %sub3A_5497 : vector<256x128xf32>
    %mul3A_5505 = arith.mulf %sub3A_5500, %sub3A_5500 : vector<256x128xf32>
    %add3A_5506 = arith.addf %mul3A_5504, %mul3A_5505 : vector<256x128xf32>
    %mul3A_5507 = arith.mulf %sub3A_5503, %sub3A_5503 : vector<256x128xf32>
    %add3A_5508 = arith.addf %add3A_5506, %mul3A_5507 : vector<256x128xf32>
    %bitcast_convert_type3A_5509 = tpu.bitcast %add3A_5508 : vector<256x128xf32> -> vector<256x128xi32>
    %and3A_5510 = arith.constant -2048 : i32
    %and3A_5511 = vector.broadcast %and3A_5510 : i32 to vector<256x128xi32>
    %and3A_5512 = arith.andi %bitcast_convert_type3A_5509, %and3A_5511 : vector<256x128xi32>
    %or3A_5513 = arith.ori %and3A_5512, %add3A_45 : vector<256x128xi32>
    %bitcast_convert_type3A_5514 = tpu.bitcast %or3A_5513 : vector<256x128xi32> -> vector<256x128xf32>
    %min3A_5515 = arith.minimumf %min3A_5473, %bitcast_convert_type3A_5514 : vector<256x128xf32>
    %or3A_5516 = arith.ori %and3A_5512, %add3A_93 : vector<256x128xi32>
    %bitcast_convert_type3A_5517 = tpu.bitcast %or3A_5516 : vector<256x128xi32> -> vector<256x128xf32>
    %reshape3A_5518 = vector.shape_cast %bitcast_convert_type3A_5517 : vector<256x128xf32> to vector<16x16x128xf32>
    %reduce_min3A_5519 = arith.constant dense<0x7F800000> : vector<16x128xf32>
    %reduce_min3A_5520 = vector.multi_reduction <minimumf>, %reshape3A_5518, %reduce_min3A_5519 [0] : vector<16x16x128xf32> to vector<16x128xf32>
    %min3A_5521 = arith.minimumf %min3A_4823, %reduce_min3A_5520 : vector<16x128xf32>
    %get3A_5522 = arith.constant 0 : index
    %get3A_5523 = arith.constant 0 : index
    %get3A_5524 = arith.constant 1536 : index
    %get3A_5525 = vector.load %arg2[%get3A_5522, %get3A_5523, %get3A_5524] : memref<1x3x2048xf32, #tpu.memory_space<vmem>>, vector<1x1x128xf32>
    %get3A_5526 = vector.shape_cast %get3A_5525 : vector<1x1x128xf32> to vector<1x128xf32>
    %get3A_5527 = arith.constant 0 : index
    %get3A_5528 = arith.constant 1 : index
    %get3A_5529 = arith.constant 1536 : index
    %get3A_5530 = vector.load %arg2[%get3A_5527, %get3A_5528, %get3A_5529] : memref<1x3x2048xf32, #tpu.memory_space<vmem>>, vector<1x1x128xf32>
    %get3A_5531 = vector.shape_cast %get3A_5530 : vector<1x1x128xf32> to vector<1x128xf32>
    %get3A_5532 = arith.constant 0 : index
    %get3A_5533 = arith.constant 2 : index
    %get3A_5534 = arith.constant 1536 : index
    %get3A_5535 = vector.load %arg2[%get3A_5532, %get3A_5533, %get3A_5534] : memref<1x3x2048xf32, #tpu.memory_space<vmem>>, vector<1x1x128xf32>
    %get3A_5536 = vector.shape_cast %get3A_5535 : vector<1x1x128xf32> to vector<1x128xf32>
    %sub3A_5537 = vector.broadcast %get3A_5005 : vector<256x1xf32> to vector<256x128xf32>
    %sub3A_5538 = vector.broadcast %get3A_5526 : vector<1x128xf32> to vector<256x128xf32>
    %sub3A_5539 = arith.subf %sub3A_5537, %sub3A_5538 : vector<256x128xf32>
    %sub3A_5540 = vector.broadcast %get3A_5010 : vector<256x1xf32> to vector<256x128xf32>
    %sub3A_5541 = vector.broadcast %get3A_5531 : vector<1x128xf32> to vector<256x128xf32>
    %sub3A_5542 = arith.subf %sub3A_5540, %sub3A_5541 : vector<256x128xf32>
    %sub3A_5543 = vector.broadcast %get3A_5015 : vector<256x1xf32> to vector<256x128xf32>
    %sub3A_5544 = vector.broadcast %get3A_5536 : vector<1x128xf32> to vector<256x128xf32>
    %sub3A_5545 = arith.subf %sub3A_5543, %sub3A_5544 : vector<256x128xf32>
    %mul3A_5546 = arith.mulf %sub3A_5539, %sub3A_5539 : vector<256x128xf32>
    %mul3A_5547 = arith.mulf %sub3A_5542, %sub3A_5542 : vector<256x128xf32>
    %add3A_5548 = arith.addf %mul3A_5546, %mul3A_5547 : vector<256x128xf32>
    %mul3A_5549 = arith.mulf %sub3A_5545, %sub3A_5545 : vector<256x128xf32>
    %add3A_5550 = arith.addf %add3A_5548, %mul3A_5549 : vector<256x128xf32>
    %bitcast_convert_type3A_5551 = tpu.bitcast %add3A_5550 : vector<256x128xf32> -> vector<256x128xi32>
    %and3A_5552 = arith.constant -2048 : i32
    %and3A_5553 = vector.broadcast %and3A_5552 : i32 to vector<256x128xi32>
    %and3A_5554 = arith.andi %bitcast_convert_type3A_5551, %and3A_5553 : vector<256x128xi32>
    %or3A_5555 = arith.ori %and3A_5554, %add3A_49 : vector<256x128xi32>
    %bitcast_convert_type3A_5556 = tpu.bitcast %or3A_5555 : vector<256x128xi32> -> vector<256x128xf32>
    %min3A_5557 = arith.minimumf %min3A_5515, %bitcast_convert_type3A_5556 : vector<256x128xf32>
    %or3A_5558 = arith.ori %and3A_5554, %add3A_93 : vector<256x128xi32>
    %bitcast_convert_type3A_5559 = tpu.bitcast %or3A_5558 : vector<256x128xi32> -> vector<256x128xf32>
    %reshape3A_5560 = vector.shape_cast %bitcast_convert_type3A_5559 : vector<256x128xf32> to vector<16x16x128xf32>
    %reduce_min3A_5561 = arith.constant dense<0x7F800000> : vector<16x128xf32>
    %reduce_min3A_5562 = vector.multi_reduction <minimumf>, %reshape3A_5560, %reduce_min3A_5561 [0] : vector<16x16x128xf32> to vector<16x128xf32>
    %min3A_5563 = arith.minimumf %min3A_4865, %reduce_min3A_5562 : vector<16x128xf32>
    %get3A_5564 = arith.constant 0 : index
    %get3A_5565 = arith.constant 0 : index
    %get3A_5566 = arith.constant 1664 : index
    %get3A_5567 = vector.load %arg2[%get3A_5564, %get3A_5565, %get3A_5566] : memref<1x3x2048xf32, #tpu.memory_space<vmem>>, vector<1x1x128xf32>
    %get3A_5568 = vector.shape_cast %get3A_5567 : vector<1x1x128xf32> to vector<1x128xf32>
    %get3A_5569 = arith.constant 0 : index
    %get3A_5570 = arith.constant 1 : index
    %get3A_5571 = arith.constant 1664 : index
    %get3A_5572 = vector.load %arg2[%get3A_5569, %get3A_5570, %get3A_5571] : memref<1x3x2048xf32, #tpu.memory_space<vmem>>, vector<1x1x128xf32>
    %get3A_5573 = vector.shape_cast %get3A_5572 : vector<1x1x128xf32> to vector<1x128xf32>
    %get3A_5574 = arith.constant 0 : index
    %get3A_5575 = arith.constant 2 : index
    %get3A_5576 = arith.constant 1664 : index
    %get3A_5577 = vector.load %arg2[%get3A_5574, %get3A_5575, %get3A_5576] : memref<1x3x2048xf32, #tpu.memory_space<vmem>>, vector<1x1x128xf32>
    %get3A_5578 = vector.shape_cast %get3A_5577 : vector<1x1x128xf32> to vector<1x128xf32>
    %sub3A_5579 = vector.broadcast %get3A_5005 : vector<256x1xf32> to vector<256x128xf32>
    %sub3A_5580 = vector.broadcast %get3A_5568 : vector<1x128xf32> to vector<256x128xf32>
    %sub3A_5581 = arith.subf %sub3A_5579, %sub3A_5580 : vector<256x128xf32>
    %sub3A_5582 = vector.broadcast %get3A_5010 : vector<256x1xf32> to vector<256x128xf32>
    %sub3A_5583 = vector.broadcast %get3A_5573 : vector<1x128xf32> to vector<256x128xf32>
    %sub3A_5584 = arith.subf %sub3A_5582, %sub3A_5583 : vector<256x128xf32>
    %sub3A_5585 = vector.broadcast %get3A_5015 : vector<256x1xf32> to vector<256x128xf32>
    %sub3A_5586 = vector.broadcast %get3A_5578 : vector<1x128xf32> to vector<256x128xf32>
    %sub3A_5587 = arith.subf %sub3A_5585, %sub3A_5586 : vector<256x128xf32>
    %mul3A_5588 = arith.mulf %sub3A_5581, %sub3A_5581 : vector<256x128xf32>
    %mul3A_5589 = arith.mulf %sub3A_5584, %sub3A_5584 : vector<256x128xf32>
    %add3A_5590 = arith.addf %mul3A_5588, %mul3A_5589 : vector<256x128xf32>
    %mul3A_5591 = arith.mulf %sub3A_5587, %sub3A_5587 : vector<256x128xf32>
    %add3A_5592 = arith.addf %add3A_5590, %mul3A_5591 : vector<256x128xf32>
    %bitcast_convert_type3A_5593 = tpu.bitcast %add3A_5592 : vector<256x128xf32> -> vector<256x128xi32>
    %and3A_5594 = arith.constant -2048 : i32
    %and3A_5595 = vector.broadcast %and3A_5594 : i32 to vector<256x128xi32>
    %and3A_5596 = arith.andi %bitcast_convert_type3A_5593, %and3A_5595 : vector<256x128xi32>
    %or3A_5597 = arith.ori %and3A_5596, %add3A_53 : vector<256x128xi32>
    %bitcast_convert_type3A_5598 = tpu.bitcast %or3A_5597 : vector<256x128xi32> -> vector<256x128xf32>
    %min3A_5599 = arith.minimumf %min3A_5557, %bitcast_convert_type3A_5598 : vector<256x128xf32>
    %or3A_5600 = arith.ori %and3A_5596, %add3A_93 : vector<256x128xi32>
    %bitcast_convert_type3A_5601 = tpu.bitcast %or3A_5600 : vector<256x128xi32> -> vector<256x128xf32>
    %reshape3A_5602 = vector.shape_cast %bitcast_convert_type3A_5601 : vector<256x128xf32> to vector<16x16x128xf32>
    %reduce_min3A_5603 = arith.constant dense<0x7F800000> : vector<16x128xf32>
    %reduce_min3A_5604 = vector.multi_reduction <minimumf>, %reshape3A_5602, %reduce_min3A_5603 [0] : vector<16x16x128xf32> to vector<16x128xf32>
    %min3A_5605 = arith.minimumf %min3A_4907, %reduce_min3A_5604 : vector<16x128xf32>
    %get3A_5606 = arith.constant 0 : index
    %get3A_5607 = arith.constant 0 : index
    %get3A_5608 = arith.constant 1792 : index
    %get3A_5609 = vector.load %arg2[%get3A_5606, %get3A_5607, %get3A_5608] : memref<1x3x2048xf32, #tpu.memory_space<vmem>>, vector<1x1x128xf32>
    %get3A_5610 = vector.shape_cast %get3A_5609 : vector<1x1x128xf32> to vector<1x128xf32>
    %get3A_5611 = arith.constant 0 : index
    %get3A_5612 = arith.constant 1 : index
    %get3A_5613 = arith.constant 1792 : index
    %get3A_5614 = vector.load %arg2[%get3A_5611, %get3A_5612, %get3A_5613] : memref<1x3x2048xf32, #tpu.memory_space<vmem>>, vector<1x1x128xf32>
    %get3A_5615 = vector.shape_cast %get3A_5614 : vector<1x1x128xf32> to vector<1x128xf32>
    %get3A_5616 = arith.constant 0 : index
    %get3A_5617 = arith.constant 2 : index
    %get3A_5618 = arith.constant 1792 : index
    %get3A_5619 = vector.load %arg2[%get3A_5616, %get3A_5617, %get3A_5618] : memref<1x3x2048xf32, #tpu.memory_space<vmem>>, vector<1x1x128xf32>
    %get3A_5620 = vector.shape_cast %get3A_5619 : vector<1x1x128xf32> to vector<1x128xf32>
    %sub3A_5621 = vector.broadcast %get3A_5005 : vector<256x1xf32> to vector<256x128xf32>
    %sub3A_5622 = vector.broadcast %get3A_5610 : vector<1x128xf32> to vector<256x128xf32>
    %sub3A_5623 = arith.subf %sub3A_5621, %sub3A_5622 : vector<256x128xf32>
    %sub3A_5624 = vector.broadcast %get3A_5010 : vector<256x1xf32> to vector<256x128xf32>
    %sub3A_5625 = vector.broadcast %get3A_5615 : vector<1x128xf32> to vector<256x128xf32>
    %sub3A_5626 = arith.subf %sub3A_5624, %sub3A_5625 : vector<256x128xf32>
    %sub3A_5627 = vector.broadcast %get3A_5015 : vector<256x1xf32> to vector<256x128xf32>
    %sub3A_5628 = vector.broadcast %get3A_5620 : vector<1x128xf32> to vector<256x128xf32>
    %sub3A_5629 = arith.subf %sub3A_5627, %sub3A_5628 : vector<256x128xf32>
    %mul3A_5630 = arith.mulf %sub3A_5623, %sub3A_5623 : vector<256x128xf32>
    %mul3A_5631 = arith.mulf %sub3A_5626, %sub3A_5626 : vector<256x128xf32>
    %add3A_5632 = arith.addf %mul3A_5630, %mul3A_5631 : vector<256x128xf32>
    %mul3A_5633 = arith.mulf %sub3A_5629, %sub3A_5629 : vector<256x128xf32>
    %add3A_5634 = arith.addf %add3A_5632, %mul3A_5633 : vector<256x128xf32>
    %bitcast_convert_type3A_5635 = tpu.bitcast %add3A_5634 : vector<256x128xf32> -> vector<256x128xi32>
    %and3A_5636 = arith.constant -2048 : i32
    %and3A_5637 = vector.broadcast %and3A_5636 : i32 to vector<256x128xi32>
    %and3A_5638 = arith.andi %bitcast_convert_type3A_5635, %and3A_5637 : vector<256x128xi32>
    %or3A_5639 = arith.ori %and3A_5638, %add3A_57 : vector<256x128xi32>
    %bitcast_convert_type3A_5640 = tpu.bitcast %or3A_5639 : vector<256x128xi32> -> vector<256x128xf32>
    %min3A_5641 = arith.minimumf %min3A_5599, %bitcast_convert_type3A_5640 : vector<256x128xf32>
    %or3A_5642 = arith.ori %and3A_5638, %add3A_93 : vector<256x128xi32>
    %bitcast_convert_type3A_5643 = tpu.bitcast %or3A_5642 : vector<256x128xi32> -> vector<256x128xf32>
    %reshape3A_5644 = vector.shape_cast %bitcast_convert_type3A_5643 : vector<256x128xf32> to vector<16x16x128xf32>
    %reduce_min3A_5645 = arith.constant dense<0x7F800000> : vector<16x128xf32>
    %reduce_min3A_5646 = vector.multi_reduction <minimumf>, %reshape3A_5644, %reduce_min3A_5645 [0] : vector<16x16x128xf32> to vector<16x128xf32>
    %min3A_5647 = arith.minimumf %min3A_4949, %reduce_min3A_5646 : vector<16x128xf32>
    %get3A_5648 = arith.constant 0 : index
    %get3A_5649 = arith.constant 0 : index
    %get3A_5650 = arith.constant 1920 : index
    %get3A_5651 = vector.load %arg2[%get3A_5648, %get3A_5649, %get3A_5650] : memref<1x3x2048xf32, #tpu.memory_space<vmem>>, vector<1x1x128xf32>
    %get3A_5652 = vector.shape_cast %get3A_5651 : vector<1x1x128xf32> to vector<1x128xf32>
    %get3A_5653 = arith.constant 0 : index
    %get3A_5654 = arith.constant 1 : index
    %get3A_5655 = arith.constant 1920 : index
    %get3A_5656 = vector.load %arg2[%get3A_5653, %get3A_5654, %get3A_5655] : memref<1x3x2048xf32, #tpu.memory_space<vmem>>, vector<1x1x128xf32>
    %get3A_5657 = vector.shape_cast %get3A_5656 : vector<1x1x128xf32> to vector<1x128xf32>
    %get3A_5658 = arith.constant 0 : index
    %get3A_5659 = arith.constant 2 : index
    %get3A_5660 = arith.constant 1920 : index
    %get3A_5661 = vector.load %arg2[%get3A_5658, %get3A_5659, %get3A_5660] : memref<1x3x2048xf32, #tpu.memory_space<vmem>>, vector<1x1x128xf32>
    %get3A_5662 = vector.shape_cast %get3A_5661 : vector<1x1x128xf32> to vector<1x128xf32>
    %sub3A_5663 = vector.broadcast %get3A_5005 : vector<256x1xf32> to vector<256x128xf32>
    %sub3A_5664 = vector.broadcast %get3A_5652 : vector<1x128xf32> to vector<256x128xf32>
    %sub3A_5665 = arith.subf %sub3A_5663, %sub3A_5664 : vector<256x128xf32>
    %sub3A_5666 = vector.broadcast %get3A_5010 : vector<256x1xf32> to vector<256x128xf32>
    %sub3A_5667 = vector.broadcast %get3A_5657 : vector<1x128xf32> to vector<256x128xf32>
    %sub3A_5668 = arith.subf %sub3A_5666, %sub3A_5667 : vector<256x128xf32>
    %sub3A_5669 = vector.broadcast %get3A_5015 : vector<256x1xf32> to vector<256x128xf32>
    %sub3A_5670 = vector.broadcast %get3A_5662 : vector<1x128xf32> to vector<256x128xf32>
    %sub3A_5671 = arith.subf %sub3A_5669, %sub3A_5670 : vector<256x128xf32>
    %mul3A_5672 = arith.mulf %sub3A_5665, %sub3A_5665 : vector<256x128xf32>
    %mul3A_5673 = arith.mulf %sub3A_5668, %sub3A_5668 : vector<256x128xf32>
    %add3A_5674 = arith.addf %mul3A_5672, %mul3A_5673 : vector<256x128xf32>
    %mul3A_5675 = arith.mulf %sub3A_5671, %sub3A_5671 : vector<256x128xf32>
    %add3A_5676 = arith.addf %add3A_5674, %mul3A_5675 : vector<256x128xf32>
    %bitcast_convert_type3A_5677 = tpu.bitcast %add3A_5676 : vector<256x128xf32> -> vector<256x128xi32>
    %and3A_5678 = arith.constant -2048 : i32
    %and3A_5679 = vector.broadcast %and3A_5678 : i32 to vector<256x128xi32>
    %and3A_5680 = arith.andi %bitcast_convert_type3A_5677, %and3A_5679 : vector<256x128xi32>
    %or3A_5681 = arith.ori %and3A_5680, %add3A_61 : vector<256x128xi32>
    %bitcast_convert_type3A_5682 = tpu.bitcast %or3A_5681 : vector<256x128xi32> -> vector<256x128xf32>
    %min3A_5683 = arith.minimumf %min3A_5641, %bitcast_convert_type3A_5682 : vector<256x128xf32>
    %or3A_5684 = arith.ori %and3A_5680, %add3A_93 : vector<256x128xi32>
    %bitcast_convert_type3A_5685 = tpu.bitcast %or3A_5684 : vector<256x128xi32> -> vector<256x128xf32>
    %reshape3A_5686 = vector.shape_cast %bitcast_convert_type3A_5685 : vector<256x128xf32> to vector<16x16x128xf32>
    %reduce_min3A_5687 = arith.constant dense<0x7F800000> : vector<16x128xf32>
    %reduce_min3A_5688 = vector.multi_reduction <minimumf>, %reshape3A_5686, %reduce_min3A_5687 [0] : vector<16x16x128xf32> to vector<16x128xf32>
    %min3A_5689 = arith.minimumf %min3A_4991, %reduce_min3A_5688 : vector<16x128xf32>
    %reduce_min3A_5690 = arith.constant dense<0x7F800000> : vector<256xf32>
    %reduce_min3A_5691 = vector.multi_reduction <minimumf>, %min3A_5683, %reduce_min3A_5690 [1] : vector<256x128xf32> to vector<256xf32>
    %broadcast_in_dim3A_5692 = vector.shape_cast %reduce_min3A_5691 : vector<256xf32> to vector<256x1xf32>
    %swap3A_5693 = arith.constant 0 : index
    %swap3A_5694 = arith.constant 1792 : index
    %swap3A_5695 = arith.constant 0 : index
    %swap3A_5696 = vector.load %arg3[%swap3A_5693, %swap3A_5694, %swap3A_5695] : memref<1x2048x1xf32, #tpu.memory_space<vmem>>, vector<1x256x1xf32>
    %swap3A_5697 = vector.shape_cast %swap3A_5696 : vector<1x256x1xf32> to vector<256x1xf32>
    %swap3A_5698 = vector.shape_cast %broadcast_in_dim3A_5692 : vector<256x1xf32> to vector<1x256x1xf32>
    tpu.vector_store %arg3[%swap3A_5693, %swap3A_5694, %swap3A_5695], %swap3A_5698 {strides = array<i32>} : memref<1x2048x1xf32, #tpu.memory_space<vmem>>, vector<1x256x1xf32>,
    %reduce_min3A_5699 = arith.constant dense<0x7F800000> : vector<128xf32>
    %reduce_min3A_5700 = vector.multi_reduction <minimumf>, %min3A_5059, %reduce_min3A_5699 [0] : vector<16x128xf32> to vector<128xf32>
    %broadcast_in_dim3A_5701 = vector.shape_cast %reduce_min3A_5700 : vector<128xf32> to vector<1x128xf32>
    %reduce_min3A_5702 = arith.constant dense<0x7F800000> : vector<128xf32>
    %reduce_min3A_5703 = vector.multi_reduction <minimumf>, %min3A_5101, %reduce_min3A_5702 [0] : vector<16x128xf32> to vector<128xf32>
    %broadcast_in_dim3A_5704 = vector.shape_cast %reduce_min3A_5703 : vector<128xf32> to vector<1x128xf32>
    %reduce_min3A_5705 = arith.constant dense<0x7F800000> : vector<128xf32>
    %reduce_min3A_5706 = vector.multi_reduction <minimumf>, %min3A_5143, %reduce_min3A_5705 [0] : vector<16x128xf32> to vector<128xf32>
    %broadcast_in_dim3A_5707 = vector.shape_cast %reduce_min3A_5706 : vector<128xf32> to vector<1x128xf32>
    %reduce_min3A_5708 = arith.constant dense<0x7F800000> : vector<128xf32>
    %reduce_min3A_5709 = vector.multi_reduction <minimumf>, %min3A_5185, %reduce_min3A_5708 [0] : vector<16x128xf32> to vector<128xf32>
    %broadcast_in_dim3A_5710 = vector.shape_cast %reduce_min3A_5709 : vector<128xf32> to vector<1x128xf32>
    %reduce_min3A_5711 = arith.constant dense<0x7F800000> : vector<128xf32>
    %reduce_min3A_5712 = vector.multi_reduction <minimumf>, %min3A_5227, %reduce_min3A_5711 [0] : vector<16x128xf32> to vector<128xf32>
    %broadcast_in_dim3A_5713 = vector.shape_cast %reduce_min3A_5712 : vector<128xf32> to vector<1x128xf32>
    %reduce_min3A_5714 = arith.constant dense<0x7F800000> : vector<128xf32>
    %reduce_min3A_5715 = vector.multi_reduction <minimumf>, %min3A_5269, %reduce_min3A_5714 [0] : vector<16x128xf32> to vector<128xf32>
    %broadcast_in_dim3A_5716 = vector.shape_cast %reduce_min3A_5715 : vector<128xf32> to vector<1x128xf32>
    %reduce_min3A_5717 = arith.constant dense<0x7F800000> : vector<128xf32>
    %reduce_min3A_5718 = vector.multi_reduction <minimumf>, %min3A_5311, %reduce_min3A_5717 [0] : vector<16x128xf32> to vector<128xf32>
    %broadcast_in_dim3A_5719 = vector.shape_cast %reduce_min3A_5718 : vector<128xf32> to vector<1x128xf32>
    %reduce_min3A_5720 = arith.constant dense<0x7F800000> : vector<128xf32>
    %reduce_min3A_5721 = vector.multi_reduction <minimumf>, %min3A_5353, %reduce_min3A_5720 [0] : vector<16x128xf32> to vector<128xf32>
    %broadcast_in_dim3A_5722 = vector.shape_cast %reduce_min3A_5721 : vector<128xf32> to vector<1x128xf32>
    %reduce_min3A_5723 = arith.constant dense<0x7F800000> : vector<128xf32>
    %reduce_min3A_5724 = vector.multi_reduction <minimumf>, %min3A_5395, %reduce_min3A_5723 [0] : vector<16x128xf32> to vector<128xf32>
    %broadcast_in_dim3A_5725 = vector.shape_cast %reduce_min3A_5724 : vector<128xf32> to vector<1x128xf32>
    %reduce_min3A_5726 = arith.constant dense<0x7F800000> : vector<128xf32>
    %reduce_min3A_5727 = vector.multi_reduction <minimumf>, %min3A_5437, %reduce_min3A_5726 [0] : vector<16x128xf32> to vector<128xf32>
    %broadcast_in_dim3A_5728 = vector.shape_cast %reduce_min3A_5727 : vector<128xf32> to vector<1x128xf32>
    %reduce_min3A_5729 = arith.constant dense<0x7F800000> : vector<128xf32>
    %reduce_min3A_5730 = vector.multi_reduction <minimumf>, %min3A_5479, %reduce_min3A_5729 [0] : vector<16x128xf32> to vector<128xf32>
    %broadcast_in_dim3A_5731 = vector.shape_cast %reduce_min3A_5730 : vector<128xf32> to vector<1x128xf32>
    %reduce_min3A_5732 = arith.constant dense<0x7F800000> : vector<128xf32>
    %reduce_min3A_5733 = vector.multi_reduction <minimumf>, %min3A_5521, %reduce_min3A_5732 [0] : vector<16x128xf32> to vector<128xf32>
    %broadcast_in_dim3A_5734 = vector.shape_cast %reduce_min3A_5733 : vector<128xf32> to vector<1x128xf32>
    %reduce_min3A_5735 = arith.constant dense<0x7F800000> : vector<128xf32>
    %reduce_min3A_5736 = vector.multi_reduction <minimumf>, %min3A_5563, %reduce_min3A_5735 [0] : vector<16x128xf32> to vector<128xf32>
    %broadcast_in_dim3A_5737 = vector.shape_cast %reduce_min3A_5736 : vector<128xf32> to vector<1x128xf32>
    %reduce_min3A_5738 = arith.constant dense<0x7F800000> : vector<128xf32>
    %reduce_min3A_5739 = vector.multi_reduction <minimumf>, %min3A_5605, %reduce_min3A_5738 [0] : vector<16x128xf32> to vector<128xf32>
    %broadcast_in_dim3A_5740 = vector.shape_cast %reduce_min3A_5739 : vector<128xf32> to vector<1x128xf32>
    %reduce_min3A_5741 = arith.constant dense<0x7F800000> : vector<128xf32>
    %reduce_min3A_5742 = vector.multi_reduction <minimumf>, %min3A_5647, %reduce_min3A_5741 [0] : vector<16x128xf32> to vector<128xf32>
    %broadcast_in_dim3A_5743 = vector.shape_cast %reduce_min3A_5742 : vector<128xf32> to vector<1x128xf32>
    %reduce_min3A_5744 = arith.constant dense<0x7F800000> : vector<128xf32>
    %reduce_min3A_5745 = vector.multi_reduction <minimumf>, %min3A_5689, %reduce_min3A_5744 [0] : vector<16x128xf32> to vector<128xf32>
    %broadcast_in_dim3A_5746 = vector.shape_cast %reduce_min3A_5745 : vector<128xf32> to vector<1x128xf32>
    %concatenate3A = tpu.concatenate %broadcast_in_dim3A_5701, %broadcast_in_dim3A_5704, %broadcast_in_dim3A_5707, %broadcast_in_dim3A_5710, %broadcast_in_dim3A_5713, %broadcast_in_dim3A_5716, %broadcast_in_dim3A_5719, %broadcast_in_dim3A_5722, %broadcast_in_dim3A_5725, %broadcast_in_dim3A_5728, %broadcast_in_dim3A_5731, %broadcast_in_dim3A_5734, %broadcast_in_dim3A_5737, %broadcast_in_dim3A_5740, %broadcast_in_dim3A_5743, %broadcast_in_dim3A_5746 in 1 : vector<1x128xf32>, vector<1x128xf32>, vector<1x128xf32>, vector<1x128xf32>, vector<1x128xf32>, vector<1x128xf32>, vector<1x128xf32>, vector<1x128xf32>, vector<1x128xf32>, vector<1x128xf32>, vector<1x128xf32>, vector<1x128xf32>, vector<1x128xf32>, vector<1x128xf32>, vector<1x128xf32>, vector<1x128xf32> -> vector<1x2048xf32>
    %swap3A_5747 = arith.constant 0 : index
    %swap3A_5748 = arith.constant 0 : index
    %swap3A_5749 = arith.constant 0 : index
    %swap3A_5750 = vector.load %arg4[%swap3A_5747, %swap3A_5748, %swap3A_5749] : memref<1x1x2048xf32, #tpu.memory_space<vmem>>, vector<1x1x2048xf32>
    %swap3A_5751 = vector.shape_cast %swap3A_5750 : vector<1x1x2048xf32> to vector<1x2048xf32>
    %swap3A_5752 = vector.shape_cast %concatenate3A : vector<1x2048xf32> to vector<1x1x2048xf32>
    tpu.vector_store %arg4[%swap3A_5747, %swap3A_5748, %swap3A_5749], %swap3A_5752 {strides = array<i32>} : memref<1x1x2048xf32, #tpu.memory_space<vmem>>, vector<1x1x2048xf32>,
    return
  }
  func.func @transform_0(%arg0: i32) -> (i32, i32, i32) {
    %c0_i32 = arith.constant 0 : i32
    %c0_i32_0 = arith.constant 0 : i32
    %c0_i32_1 = arith.constant 0 : i32
    return %arg0, %c0_i32, %c0_i32_0 : i32, i32, i32
  }
  func.func @transform_1(%arg0: i32) -> (i32, i32, i32) {
    %c0_i32 = arith.constant 0 : i32
    %c0_i32_0 = arith.constant 0 : i32
    %c0_i32_1 = arith.constant 0 : i32
    return %arg0, %c0_i32, %c0_i32_0 : i32, i32, i32
  }
  func.func @transform_2(%arg0: i32) -> (i32, i32, i32) {
    %c0_i32 = arith.constant 0 : i32
    %c0_i32_0 = arith.constant 0 : i32
    %c0_i32_1 = arith.constant 0 : i32
    return %arg0, %c0_i32, %c0_i32_0 : i32, i32, i32
  }
  func.func @transform_3(%arg0: i32) -> (i32, i32, i32) {
    %c0_i32 = arith.constant 0 : i32
    %c0_i32_0 = arith.constant 0 : i32
    %c0_i32_1 = arith.constant 0 : i32
    return %arg0, %c0_i32, %c0_i32_0 : i32, i32, i32
  }
}

</mosaic_0001>

<sc_bundles>
// kernel: kernel.4.cloned.1.call-start
scs
__scs_entry_jumppad:
0x0: {  	(pc) =	sbr.rel $0x88, $3  }
0x1: {  	(tag) =	ssettag $0x0;
	lr =	simm.s32 $0x1  }
0x2: {  	[smem:$0x3F9F] =	sst lr;
	_ =	strace $0xD0000000  }
0x3: {  	_ = 	snop  }
0x4: {  	_ = 	snop  }
0x5: {  	_ = 	snop  }
0x6: {  	_ = 	snop  }
0x7: {  	_ = 	snop  }
__scs_overlays_trampoline_lowered:
0x8: {  	[smem:$0x3FAE] =	sst s0  }
0x9: {  	[smem:$0x3FAF] =	sst s1  }
0xa: {  	[smem:$0x3FB0] =	sst s2  }
0xb: {  	[smem:$0x3FB1] =	sst s3  }
0xc: {  	[smem:$0x3FB2] =	sst s4  }
0xd: {  	[smem:$0x3FB3] =	sst s5  }
0xe: {  	[smem:$0x3FB4] =	sst s6  }
0xf: {  	[smem:$0x3FB5] =	sst s7  }
0x10: {  	[smem:$0x3FB6] =	sst s8  }
0x11: {  	[smem:$0x3FB7] =	sst s9;
	s0 =	simm.s32 @!p0 $0x0  }
0x12: {  	s1 =	sld [smem:$0x3F9D];
	s0 =	simm.s32 @p0 $0x1  }
0x13: {  	[smem:$0x3FB8] =	sst s0;
	s0 =	simm.s32 @!p1 $0x0  }
0x14: {  	s2 =	sld [smem:$0x3F9C];
	s0 =	simm.s32 @p1 $0x1  }
0x15: {  	[smem:$0x3FB9] =	sst s0;
	s0 =	simm.s32 @!p2 $0x0  }
0x16: {  	s3 =	sld [smem:$0x3FDB];
	s0 =	simm.s32 @p2 $0x1  }
0x17: {  	s4 =	simm.s32 $0x1BF5;
	[smem:$0x3FBB] =	sst s0  }
0x18: {  	s0 =	sld [smem:$0x3F9E];
	_ =	swait.ge [sflag:s4], $0x0  }
0x19: {  	s7 =	sld [smem:$0x3F9F]  }
0x1a: {  	s8 =	sadd.s32 $0xFFFFE003, lr  }
0x1b: {  	s9 =	sadd.s32 $0xFFFFFEF7, lr;
	s5 =	simm.s32 $0xFFFFFFFF;
	p2 =	slt.u32 s8, $0xFFFFF086  }
0x1c: {  	p1 =	slt.u32 s9, $0xF7A;
	s5 =	simm.s32 @!p2 $0x0  }
0x1d: {  	s5 =	simm.s32 @p1 $0x1;
	p0 =	seq.s32 s7, s2  }
0x1e: {  	s7 =	smul.u32 @!p0 $0xF7A, s2;
	p2 =	seq.s32 @!p0 s5, $0x0  }
0x1f: {  	s9 =	smul.u32 $0xF7A, s1;
	s8 =	simm.s32 @!p0 $0x1BF5;
	p2 =	por !p2, p0  }
0x20: {  	[sflag:s8] =	ssyncset.s32 @!p0 $0xFFFFF086;
	s6 =	sadd.s32 @!p0 s3, s7;
	s7 =	simm.s32 @!p0 $0x108  }
0x21: {  	s3 =	sadd.s32 s3, s9;
	s6 =	sadd.s32 @!p0 $0x88, s6;
	s7 =	simm.s32 @p2 $0x1082  }
0x22: {  	[simem:s7], [sflag:s8] =	dma.local @!p0 [hbm:s6], $0xF7A  }
0x23: {  	s9 =	sor.u32 $0xD0000000, s2;
	s6 =	simm.s32 $0x108;
	_ =	swait.ge @!p0 [sflag:s8], $0x0  }
0x24: {  	s3 =	sadd.s32 $0x88, s3;
	s6 =	simm.s32 @!p1 $0x1082;
	[sflag:s4] =	ssyncset.s32 $0xFFFFF086  }
0x25: {  	[simem:s6], [sflag:s4] =	dma.local [hbm:s3], $0xF7A  }
0x26: {  	[smem:$0x3F9F] =	sst s1;
	(tag) =	ssettag s2;
	_ =	strace s9  }
0x27: {  	s1 =	sld [smem:$0x3FAF]  }
0x28: {  	s2 =	sld [smem:$0x3FB0]  }
0x29: {  	s4 =	sld [smem:$0x3FB2]  }
0x2a: {  	p0 =	seq.s32 s5, $0x0;
	s5 =	sld [smem:$0x3FB3]  }
0x2b: {  	s6 =	sld [smem:$0x3FB4]  }
0x2c: {  	s7 =	sld [smem:$0x3FB5]  }
0x2d: {  	s3 =	simm.s32 $0x108;
	s8 =	sld [smem:$0x3FB6]  }
0x2e: {  	s3 =	simm.s32 @!p0 $0x1082;
	s9 =	sld [smem:$0x3FB7]  }
0x2f: {  	lr =	sadd.s32 s0, s3;
	s0 =	sld [smem:$0x3FAE]  }
0x30: {  	s3 =	sld [smem:$0x3FB1]  }
0x31: {  	[smem:$0x3FBA] =	sst s10  }
0x32: {  	s10 =	sld [smem:$0x3FB8];
	_ =	sdelay $0x3  }
0x33: {  	p0 =	seq.s32 s10, $0x1;
	s10 =	sld [smem:$0x3FBA];
	_ =	sdelay $0x3  }
0x34: {  	[smem:$0x3FBA] =	sst s10  }
0x35: {  	s10 =	sld [smem:$0x3FB9];
	_ =	sdelay $0x3  }
0x36: {  	p1 =	seq.s32 s10, $0x1;
	s10 =	sld [smem:$0x3FBA];
	_ =	sdelay $0x3  }
0x37: {  	[smem:$0x3FBA] =	sst s10  }
0x38: {  	s10 =	sld [smem:$0x3FBB]  }
0x39: {  	_ = 	snop;
	(pc) =	sbr.ind lr, $3  }
0x3a: {  	_ = 	snop  }
0x3b: {  	_ = 	snop  }
0x3c: {  	p2 =	seq.s32 s10, $0x1;
	s10 =	sld [smem:$0x3FBA]  }
0x3d: {  	_ =	shalt  }
0x3e: {  	_ =	shalt  }
0x3f: {  	_ =	shalt  }
0x40: {  	_ =	shalt  }
0x41: {  	_ =	shalt  }
0x42: {  	_ =	shalt  }
0x43: {  	_ =	shalt  }
0x44: {  	_ =	shalt  }
0x45: {  	_ =	shalt  }
0x46: {  	_ =	shalt  }
0x47: {  	_ =	shalt  }
0x48: {  	_ =	shalt  }
0x49: {  	_ =	shalt  }
0x4a: {  	_ =	shalt  }
0x4b: {  	_ =	shalt  }
0x4c: {  	_ =	shalt  }
0x4d: {  	_ =	shalt  }
0x4e: {  	_ =	shalt  }
0x4f: {  	_ =	shalt  }
0x50: {  	_ =	shalt  }
0x51: {  	_ =	shalt  }
0x52: {  	_ =	shalt  }
0x53: {  	_ =	shalt  }
0x54: {  	_ =	shalt  }
0x55: {  	_ =	shalt  }
0x56: {  	_ =	shalt  }
0x57: {  	_ =	shalt  }
0x58: {  	_ =	shalt  }
0x59: {  	_ =	shalt  }
0x5a: {  	_ =	shalt  }
0x5b: {  	_ =	shalt  }
0x5c: {  	_ =	shalt  }
0x5d: {  	_ =	shalt  }
0x5e: {  	_ =	shalt  }
0x5f: {  	_ =	shalt  }
0x60: {  	_ =	shalt  }
0x61: {  	_ =	shalt  }
0x62: {  	_ =	shalt  }
0x63: {  	_ =	shalt  }
0x64: {  	_ =	shalt  }
0x65: {  	_ =	shalt  }
0x66: {  	_ =	shalt  }
0x67: {  	_ =	shalt  }
0x68: {  	_ =	shalt  }
0x69: {  	_ =	shalt  }
0x6a: {  	_ =	shalt  }
0x6b: {  	_ =	shalt  }
0x6c: {  	_ =	shalt  }
0x6d: {  	_ =	shalt  }
0x6e: {  	_ =	shalt  }
0x6f: {  	_ =	shalt  }
0x70: {  	_ =	shalt  }
0x71: {  	_ =	shalt  }
0x72: {  	_ =	shalt  }
0x73: {  	_ =	shalt  }
0x74: {  	_ =	shalt  }
0x75: {  	_ =	shalt  }
0x76: {  	_ =	shalt  }
0x77: {  	_ =	shalt  }
0x78: {  	_ =	shalt  }
0x79: {  	_ =	shalt  }
0x7a: {  	_ =	shalt  }
0x7b: {  	_ =	shalt  }
0x7c: {  	_ =	shalt  }
0x7d: {  	_ =	shalt  }
0x7e: {  	_ =	shalt  }
0x7f: {  	_ =	shalt  }
0x80: {  	_ =	shalt  }
0x81: {  	_ =	shalt  }
0x82: {  	_ =	shalt  }
0x83: {  	_ =	shalt  }
0x84: {  	_ =	shalt  }
0x85: {  	_ =	shalt  }
0x86: {  	_ =	shalt  }
0x87: {  	_ =	shalt  }
.Lfunc_end0:
.L_simem_size_0:
called_computation_lowered:
.L_overlay_start_0:
0x88: {  	s2 =	sld [smem:$0x3FD9]  }
0x89: {  	s3 =	sld [smem:$0x3FFE];
	_ =	sdelay $0x1  }
0x8a: {  	s1 =	srdreg.scid  }
0x8b: {  	s0 =	sand.u32 $0x1, s1  }
0x8c: {  	s16 =	sshll.u32 s0, $0xA;
	s2 =	sadd.s32 s3, s2  }
0x8d: {  	s2 =	sadd.s32 s2, s16  }
0x8e: {  	[smem:$0x3FC6] =	sst s2  }
0x8f: {  	_ = 	snop  }
0x90: {  	(tm) =	ssettm $0x1  }
0x91: {  	s17 =	sld [smem:$0x3FFB];
	_ =	sdelay $0x3  }
0x92: {  	_ =	strace s17  }
0x93: {  	s2 =	sld [smem:$0x3FFC];
	_ =	sdelay $0x3  }
0x94: {  	_ =	strace s2  }
0x95: {  	s2 =	sld [smem:$0x3FFD];
	_ =	sdelay $0x3  }
0x96: {  	_ =	strace s2  }
0x97: {  	_ =	strace $0x8FFFFFFF  }
0x98: {  	s18 =	sld [smem:$0x3FDB];
	_ =	sdelay $0x1  }
0x99: {  	s19 =	simm.s32 $_scs_section_size  }
0x9a: {  	s4 =	simm.s32 $_size__tile_overlayer_lowered;
	s5 =	simm.s32 $_tile_overlayer_lowered  }
0x9b: {  	s22 =	simm.s32 $0x1BFF;
	s21 =	sshll.u32 s5, $0x1;
	s2 =	sadd.s32 s19, s18  }
0x9c: {  	s6 =	simm.s32 $0x0;
	s20 =	sshll.u32 s4, $0x1;
	s4 =	sadd.s32 s21, s2  }
0x9d: {  	[timem:s6], [sflag:s22] =	dma.local [hbm:s4], s20  }
0x9e: {  	_ =	swait.ge [sflag:s22], s20  }
0x9f: {  	s3 =	ssub.s32 $0x0, s20;
	[sflag:s22] =	ssyncset.done $0x0  }
0xa0: {  	[sflag:s22] =	ssyncadd.s32 s3;
	_ =	sdelay $0x1  }
0xa1: {  	s23 =	simm.s32 $0x1B8B  }
0xa2: {  	_ =	swait.ge [sflag:s23], $0x1  }
0xa3: {  	[sflag:s23] =	ssyncset.done $0x0  }
0xa4: {  	s25 =	simm.s32 $0x1B8E;
	s24 =	sld [smem:$0x3FFE];
	[sflag:s23] =	ssyncadd.s32 $0xFFFFFFFF  }
0xa5: {  	s26 =	simm.s32 $execute0_lowered;
	[smem:$0x3FD2] =	sst s25  }
0xa6: {  	s4 =	sshll.u32 s26, $0x1;
	_ =	strace $0x80000046;
	[dreg:$0x1] =	wrdreg $0xFFFFFFFF  }
0xa7: {  	s28 =	simm.s32 $_size_execute0_lowered;
	s2 =	sadd.s32 s2, s4;
	[dreg:$0x0] =	wrdreg $0x0  }
0xa8: {  	s4 =	sshll.u32 s28, $0x1;
	[dreg:$0x2] =	wrdreg s2  }
0xa9: {  	[dreg:$0x3] =	wrdreg s4  }
0xaa: {  	[dreg:$0x4] =	wrdreg $0xC0  }
0xab: {  	_ =	task [dreg:s6], $0x5FFFF  }
0xac: {  	[dreg:$0x1] =	wrdreg $0xFFFFFFFF  }
0xad: {  	[dreg:$0x0] =	wrdreg $0x60  }
0xae: {  	[dreg:$0x2] =	wrdreg s24  }
0xaf: {  	[dreg:$0x3] =	wrdreg $0x30800  }
0xb0: {  	[dreg:$0x4] =	wrdreg $0x34800  }
0xb1: {  	[dreg:$0x5] =	wrdreg $0x9  }
0xb2: {  	_ =	task.clear_ibuf [dreg:s6], $0x6FFFF;
	_ =	strace $0x90000046  }
0xb3: {  	s29 =	simm.s32 $0x9;
	_ =	strace $0x80000048  }
0xb4: {  	_ =	swait.ge [sflag:s29], $0x1  }
0xb5: {  	[sflag:s29] =	ssyncadd.s32 $0xFFFFFFFF  }
0xb6: {  	_ =	strace $0x90000048  }
0xb7: {  	_ =	sfence  }
0xb8: {  	s30 =	sld [smem:$0x0];
	_ =	sdelay $0x2  }
0xb9: {  	s31 =	sshll.u32 s1, $0xD;
	s1 =	sshrl.u32 s1, $0x2  }
0xba: {  	s3 =	sand.u32 $0x4000, s31;
	s1 =	sadd.s32 s1, s30  }
0xbb: {  	s0 =	sor.u32 s3, s0;
	s1 =	sshll.u32 s1, $0x11  }
0xbc: {  	s0 =	sor.u32 s1, s0  }
0xbd: {  	s0 =	sadd.s32 $0x8F2B, s0  }
0xbe: {  	[sflag:s0] =	ssyncadd.remote.s32 $0x1  }
0xbf: {  	_ =	sfence.sel $0xFFFF  }
0xc0: {  	[dreg:$0x0] =	wrdreg $0xFFFFFFFF;
	(pc) =	sbr.abs _section_cstart, $3  }
0xc1: {  	[dreg:$0x1] =	wrdreg $0xFFFFFFFF  }
0xc2: {  	_ =	task.clear_ibuf [dreg:s6], $0x2FFFF;
	_ =	strace $0x9FFFFFFF  }
0xc3: {  	(tm) =	ssettm $0x7FFFFFFF  }
tec
execute0_lowered:
.L_overlay_start_1:
0x0: {  	(tag) =	ssettag $0x1  }
0x1: {  	s1 =	stileid.u32  }
0x2: {  	p0 =	sgt.u32 s1, $0x7  }
.Ltmp0:
0x3: {  	s9 =	rddreg [dreg:$0x0];
	(pc) =	sbr.rel @p0 .LBB2_9-.Ltmp0, $4  }
0x4: {  	s2 =	rddreg [dreg:$0x1]  }
0x5: {  	s3 =	rddreg [dreg:$0x2];
	s4 =	simm.s32 $0x0  }
0x6: {  	[smem:$0x7FF] =	sst s4  }
0x7: {  	s0 =	rddreg [dreg:$0x3];
	_ =	strace $0x80000047  }
0x8: {  	s8 =	sadd.s32 $0x800, s9;
	s10 =	sshll.u32 s1, $0x4;
	s5 =	srdreg.scid  }
0x9: {  	s17 =	sshll.u32 s1, $0xB;
	s14 =	ssub.s32 $0x8, s1;
	s15 =	simm.s32 $0x1000  }
0xa: {  	s16 =	simm.s32 $0x2000;
	s18 =	simm.s32 $0x3000;
	s19 =	simm.s32 $0x0  }
0xb: {  	s7 =	sadd.s32 s10, s9;
	s11 =	sand.u32 $0x1, s5;
	s5 =	sadd.s32 s17, s2  }
0xc: {  	s6 =	sadd.s32 s17, s3;
	v0 =	vmov s17;
	s17 =	simm.s32 $0x2800;
	s12 =	sshll.u32 s11, $0x7  }
0xd: {  	s13 =	sshll.u32 s11, $0x3;
	s11 =	ssub.s32 $0x2, s11;
	s7 =	sadd.s32 s12, s7  }
0xe: {  	p0 =	slt.u32 s13, s14;
	s31 =	sshrl.u32 s11, $0x1;
	s12 =	simm.s32 $0x1  }
0xf: {  	s13 =	simm.s32 $0x1800;
	s14 =	simm.s32 $0x800;
	s11 =	ssub.s32 s11, s31  }
0x10: {  	s7 =	sadd.s32 $0x1000, s7;
	s9 =	smov.u32 @p0 s8;
	s8 =	smax.u32 s11, $0x1  }
0x11: {  	v1 =	vimm.f32 $0.0e+00;
	v2 =	vimm.f32 $1.000000000e+00;
	s9 =	sadd.s32 s9, s10;
	s10 =	simm.s32 $0x80;
	s11 =	simm.s32 $0x400  }
.LBB2_2:
0x12: {  	s20 =	simm.s32 $0x0  }
0x13: {  	[tilespmem:s20], [sflag:$0x1] =	stream.strided.gather [hbm4b:s9+s10], $0x800, s11, s10, $0x38;
	[tilespmem:$0x3880] =	vst v63  }
0x14: {  	_ =	swait.ge [sflag:s12], $0x800  }
0x15: {  	[sflag:s12] =	ssyncset.done $0x0  }
0x16: {  	s21 =	simm.s32 $0x0;
	s20 =	simm.s32 $0x40;
	[sflag:s12] =	ssyncadd.s32 $0xFFFFF800  }
.LBB2_3:
0x17: {  	p0 =	sne.s32 s20, $0x1FC0;
	[tilespmem:s21+$0x1800] =	vst v1;
	s21 =	smov.u32 s20;
	s20 =	sadd.s32 $0x40, s20  }
.Ltmp1:
0x18: {  	(pc) =	sbr.rel @p0 .LBB2_3-.Ltmp1, $2  }
0x19: {  	_ =	sdelay $0x2  }
0x1a: {  	s21 =	sshra.s32 s21, $0x2  }
0x1b: {  	[tilespmem:s21+$0x1800] =	vst v1  }
0x1c: {  	[spmem:s5] =	stream.linear.scatter [tilespmem:s13], [sflag:$0x1], $0x800, $0x38;
	[tilespmem:$0x3880] =	vst v63  }
0x1d: {  	_ =	swait.ge [sflag:s12], $0x800  }
0x1e: {  	[sflag:s12] =	ssyncset.done $0x0  }
0x1f: {  	[sflag:s12] =	ssyncadd.s32 $0xFFFFF800  }
0x20: {  	[spmem:s6] =	stream.linear.scatter [tilespmem:s13], [sflag:$0x1], $0x800, $0x38;
	[tilespmem:$0x3880] =	vst v63  }
0x21: {  	_ =	swait.ge [sflag:s12], $0x800  }
0x22: {  	[sflag:s12] =	ssyncset.done $0x0  }
0x23: {  	s20 =	simm.s32 $0x0;
	[sflag:s12] =	ssyncadd.s32 $0xFFFFF800  }
0x24: {  	v3 =	vld [tilespmem:s20+$0x0];
	_ =	sdelay $0x4  }
0x25: {  	s21 =	simm.s32 $0x10;
	[tilespmem:s20+$0x1800] =	vst v2;
	v5 =	vand.u32 $0xFFFFF800, v3  }
0x26: {  	v4 =	vld [tilespmem:s21+$0x0];
	v5 =	vsub.f32 $0.0e+00, v5;
	_ =	sdelay $0x1  }
0x27: {  	v5 =	vmul.f32 $1.000000000e+03, v5  }
0x28: {  	v3 =	vand.u32 $0x7FF, v3  }
0x29: {  	[tilespmem:s21+$0x1800] =	vst v2;
	v3 =	vor.u32 v0, v3;
	v5 =	vmul.f32 $1.442695020e+00, v5  }
0x2a: {  	s22 =	simm.s32 $0x20;
	v6 =	vand.u32 $0xFFFFF800, v4;
	[tilespmem:s20+$0x1000] =	vst v3  }
0x2b: {  	v6 =	vsub.f32 $0.0e+00, v6;
	v3 =	vld [tilespmem:s22+$0x0];
	(erf) = vpow2.f32 v5;
	_ =	sdelay $0x1  }
0x2c: {  	v4 =	vand.u32 $0x7FF, v4;
	v6 =	vmul.f32 $1.000000000e+03, v6  }
0x2d: {  	v4 =	vor.u32 v0, v4;
	[tilespmem:s22+$0x1800] =	vst v2  }
0x2e: {  	s23 =	simm.s32 $0xC0;
	[tilespmem:s21+$0x1000] =	vst v4;
	v4 =	vmul.f32 $1.442695020e+00, v6  }
.LBB2_5:
0x2f: {  	s24 =	sshra.s32 s23, $0x2;
	p0 =	sne.s32 s23, $0x1FC0;
	s23 =	sadd.s32 $0x40, s23;
	v5 =	vand.u32 $0x7FF, v3;
	v6 =	vand.u32 $0xFFFFF800, v3  }
.Ltmp2:
0x30: {  	[tilespmem:s24+$0x1800] =	vst v2;
	v3 =	vld [tilespmem:s24+$0x0];
	v5 =	vor.u32 v0, v5;
	v6 =	vsub.f32 $0.0e+00, v6;
	(erf) = vpow2.f32 v4;
	(pc) =	sbr.rel @p0 .LBB2_5-.Ltmp2, $4  }
0x31: {  	[tilespmem:s22+$0x1000] =	vst v5  }
0x32: {  	v4 =	vmul.f32 $1.000000000e+03, v6  }
0x33: {  	v5 =	vpop (erf)  }
0x34: {  	v4 =	vmul.f32 $1.442695020e+00, v4;
	[tilespmem:s20+$0x800] =	vst v5;
	s20 =	smov.u32 s21;
	s21 =	smov.u32 s22;
	s22 =	smov.u32 s24  }
0x35: {  	v5 =	vand.u32 $0xFFFFF800, v3  }
0x36: {  	v5 =	vsub.f32 $0.0e+00, v5;
	_ =	sdelay $0x1  }
0x37: {  	v5 =	vmul.f32 $1.000000000e+03, v5;
	_ =	sdelay $0x1  }
0x38: {  	v5 =	vmul.f32 $1.442695020e+00, v5  }
0x39: {  	(erf) = vpow2.f32 v4  }
0x3a: {  	(erf) = vpow2.f32 v5;
	_ =	sdelay $0x3  }
0x3b: {  	v3 =	vand.u32 $0x7FF, v3  }
0x3c: {  	v3 =	vor.u32 v0, v3;
	_ =	sdelay $0x1  }
0x3d: {  	[tilespmem:s22+$0x1000] =	vst v3;
	v4 =	vpop (erf)  }
0x3e: {  	[tilespmem:s20+$0x800] =	vst v4;
	v3 =	vpop (erf)  }
0x3f: {  	[tilespmem:s21+$0x800] =	vst v3;
	v3 =	vpop (erf)  }
0x40: {  	[tilespmem:s22+$0x800] =	vst v3  }
0x41: {  	[spmem:s2] =	stream.indirect.scatter.add.f32 [tilespmem:s13], [sflag:$0x1], $0x1, s15, s14, $0xb8;
	[tilespmem:$0x3880] =	vst v63  }
0x42: {  	_ =	swait.ge [sflag:s12], $0x800  }
0x43: {  	[sflag:s12] =	ssyncset.done $0x0  }
0x44: {  	[sflag:s12] =	ssyncadd.s32 $0xFFFFF800  }
0x45: {  	[spmem:s3] =	stream.indirect.scatter.add.f32 [tilespmem:s14], [sflag:$0x1], $0x1, s15, s14, $0xb8;
	[tilespmem:$0x3880] =	vst v63  }
0x46: {  	_ =	swait.ge [sflag:s12], $0x800  }
0x47: {  	[sflag:s12] =	ssyncset.done $0x0  }
0x48: {  	[sflag:s12] =	ssyncadd.s32 $0xFFFFF800  }
0x49: {  	[tilespmem:s16], [sflag:$0x1] =	stream.linear.gather [spmem:s5], $0x800, $0x38;
	[tilespmem:$0x3880] =	vst v63  }
0x4a: {  	_ =	swait.ge [sflag:s12], $0x800  }
0x4b: {  	[sflag:s12] =	ssyncset.done $0x0  }
0x4c: {  	[sflag:s12] =	ssyncadd.s32 $0xFFFFF800  }
0x4d: {  	[tilespmem:s17], [sflag:$0x1] =	stream.linear.gather [spmem:s6], $0x800, $0x38;
	[tilespmem:$0x3880] =	vst v63  }
0x4e: {  	_ =	swait.ge [sflag:s12], $0x800  }
0x4f: {  	[sflag:s12] =	ssyncset.done $0x0  }
0x50: {  	v3 =	vimm.f32 $0.0e+00;
	[sflag:s12] =	ssyncadd.s32 $0xFFFFF800  }
0x51: {  	s20 =	simm.s32 $0x40;
	s21 =	simm.s32 $0x0;
	[tilespmem:$0x3000] =	vst v3  }
.LBB2_7:
0x52: {  	p0 =	sne.s32 s20, $0x1FC0;
	v4 =	vld [tilespmem:s21+$0x2000];
	_ =	sdelay $0x4  }
0x53: {  	v4 =	vadd.f32 $9.999999970e-07, v4;
	_ =	sdelay $0x1  }
0x54: {  	(erf) = vrcp.f32 v4;
	_ =	sdelay $0x4  }
0x55: {  	v4 =	vld [tilespmem:s21+$0x2800];
	_ =	sdelay $0x3  }
0x56: {  	v5 =	vpop (erf)  }
.Ltmp3:
0x57: {  	v4 =	vmul.f32 v5, v4;
	(pc) =	sbr.rel @p0 .LBB2_7-.Ltmp3, $3  }
0x58: {  	_ = 	snop  }
0x59: {  	v3 =	vadd.f32 v4, v3;
	_ =	sdelay $0x1  }
0x5a: {  	s21 =	sshra.s32 s20, $0x2;
	s20 =	sadd.s32 $0x40, s20;
	[tilespmem:$0x3000] =	vst v3  }
0x5b: {  	v4 =	vld [tilespmem:s21+$0x2000];
	_ =	sdelay $0x4  }
0x5c: {  	v4 =	vadd.f32 $9.999999970e-07, v4;
	_ =	sdelay $0x1  }
0x5d: {  	(erf) = vrcp.f32 v4;
	_ =	sdelay $0x4  }
0x5e: {  	v63 =	vld [tilespmem:s21+$0x2800];
	_ =	sdelay $0x3  }
0x5f: {  	v5 =	vpop (erf)  }
0x60: {  	v4 =	vmul.f32 v5, v63;
	_ =	sdelay $0x1  }
0x61: {  	s19 =	sadd.s32 $0x1, s19;
	v3 =	vadd.f32 v4, v3  }
0x62: {  	p0 =	sne.s32 s19, s8  }
.Ltmp4:
0x63: {  	[tilespmem:$0x3000] =	vst v3;
	(pc) =	sbr.rel @p0 .LBB2_2-.Ltmp4, $4  }
0x64: {  	[hbm4b:s7+s4] =	stream.linear.scatter [tilespmem:s18], [sflag:$0x1], $0x80, $0x38;
	[tilespmem:$0x3880] =	vst v63  }
0x65: {  	_ =	swait.ge [sflag:s12], $0x80  }
0x66: {  	[sflag:s12] =	ssyncset.done $0x0  }
0x67: {  	[sflag:s12] =	ssyncadd.s32 $0xFFFFFF80  }
.LBB2_9:
0x68: {  	_ =	sfence.sel $0x180000  }
0x69: {  	[bflag:$0x0] =	sbarrier.arrive $0xFFFF  }
0x6a: {  	p0 =	sne.s32 s1, $0x0;
	_ =	strace $0x90000047  }
0x6b: {  	s0 =	sadd.s32 @!p0 $0x100000, s0;
	[bflag:$0x2] =	sbarrier.arrive $0xFFFF  }
0x6c: {  	[sflag:s0] =	ssyncadd.tile.s32 @!p0 $0x1;
	_ =	shalt  }
.Lfunc_end2:
_tile_overlayer_lowered:
.L_overlay_start_2:
0x6d: {  	(tag) =	ssettag $0x2  }
0x6e: {  	s0 =	rddreg [dreg:$0x0];
	s2 =	stileid.u32  }
0x6f: {  	s1 =	rddreg [dreg:$0x1];
	p0 =	sne.s32 s2, $0x0  }
0x70: {  	s3 =	rddreg [dreg:$0x2];
	[bflag:$0x3] =	sbarrier.arrive $0xFFFF;
	s2 =	simm.s32 @!p0 $0x1C01  }
0x71: {  	[timem:s3], [sflag:s2] =	dma.local @!p0 [hbm:s0], s1  }
0x72: {  	s0 =	simm.s32 @!p0 $0x1  }
0x73: {  	_ =	swait.ge @!p0 [sflag:s0], s1  }
0x74: {  	s1 =	ssub.s32 @!p0 $0x0, s1;
	[sflag:s0] =	ssyncset.done @!p0 $0x0  }
0x75: {  	[sflag:s0] =	ssyncadd.s32 @!p0 s1  }
0x76: {  	[bflag:$0x3] =	sbarrier.arrive $0xFFFF  }
0x77: {  	_ =	shalt  }

</sc_bundles>
